<compile_context>
chip_gen: v7x
topology: tpu7x:2x2x1
jax: 0.10.2.dev20260603
libtpu: 0.0.44.dev20260713+nightly
codegen_flags: <defaults>
</compile_context>

<pallas_src>
import functools

import jax
import jax.numpy as jnp
from jax import lax
from jax.experimental import pallas as pl
from jax.experimental.pallas import tpu as pltpu
from jax.experimental.pallas import tpu_sc as plsc

NUM_NODES = 100000
FEAT_DIM = 128
EMB_DIM = 64
BATCH = 16384
OUT_DIM = FEAT_DIM + EMB_DIM

NC = 2
NS = 16
NW = NC * NS
BPW = BATCH // NW
NCHUNK = 4
C = BPW // NCHUNK
L = 16
G = C // L

_mesh = plsc.VectorSubcoreMesh(core_axis_name="c", subcore_axis_name="s")


@functools.partial(
    pl.kernel,
    mesh=_mesh,
    out_type=jax.ShapeDtypeStruct((OUT_DIM, BATCH), jnp.float32),
    scratch_types=[
        pltpu.VMEM((BPW,), jnp.int32),
        pltpu.VMEM((2, C, FEAT_DIM), jnp.float32),
        pltpu.VMEM((2, C, FEAT_DIM), jnp.float32),
        pltpu.VMEM((2, FEAT_DIM, C), jnp.float32),
        pltpu.VMEM((2, EMB_DIM, C), jnp.float32),
        pltpu.SemaphoreType.DMA,
        pltpu.SemaphoreType.DMA,
        pltpu.SemaphoreType.DMA,
    ],
    compiler_params=pltpu.CompilerParams(needs_layout_passes=False),
)
def _encoder(idx_hbm, feat_hbm, embp_hbm, out_hbm, idx_v, fbuf, ebuf,
             tf, te, gsem0, gsem1, wsem):
    wid = lax.axis_index("s") * NC + lax.axis_index("c")
    base = wid * BPW
    pltpu.sync_copy(idx_hbm.at[pl.ds(base, BPW)], idx_v)

    gsems = (gsem0, gsem1)

    def start_gathers(j):
        s = j % 2
        ix = idx_v.at[pl.ds(j * C, C)]
        cf = pltpu.async_copy(feat_hbm.at[ix], fbuf.at[s], gsems[s])
        ce = pltpu.async_copy(embp_hbm.at[ix], ebuf.at[s], gsems[s])
        return cf, ce

    pending = start_gathers(0)
    writes = []
    lane = lax.iota(jnp.int32, L)
    for j in range(NCHUNK):
        s = j % 2
        cf, ce = pending
        cf.wait()
        ce.wait()
        if j + 1 < NCHUNK:
            pending = start_gathers(j + 1)

        rvecs = [lane + (g * L) for g in range(G)]

        def tr_feat(f, carry, s=s):
            cvec = (lane + f) & (FEAT_DIM - 1)
            for g in range(G):
                v = plsc.load_gather(fbuf.at[s], [rvecs[g], cvec])
                plsc.store_scatter(tf.at[s], [cvec, rvecs[g]], v)
            return carry

        lax.fori_loop(0, FEAT_DIM, tr_feat, 0, unroll=2)

        def tr_emb(f, carry, s=s):
            cvec = (lane + f) & (EMB_DIM - 1)
            for g in range(G):
                v = plsc.load_gather(ebuf.at[s], [rvecs[g], cvec])
                plsc.store_scatter(te.at[s], [cvec, rvecs[g]], v)
            return carry

        lax.fori_loop(0, EMB_DIM, tr_emb, 0, unroll=2)

        if j >= 2:
            for w in writes[j - 2]:
                w.wait()
        col = base + j * C
        wf = pltpu.async_copy(
            tf.at[s], out_hbm.at[pl.ds(0, FEAT_DIM), pl.ds(col, C)], wsem)
        we = pltpu.async_copy(
            te.at[s], out_hbm.at[pl.ds(FEAT_DIM, EMB_DIM), pl.ds(col, C)],
            wsem)
        writes.append((wf, we))

    for pair in writes[-2:]:
        for w in pair:
            w.wait()


def kernel(indices, features, emb_table):
    idx = indices.astype(jnp.int32)
    emb_p = jnp.concatenate([emb_table, emb_table], axis=1)
    out_t = _encoder(idx, features, emb_p)
    return out_t.T

# --- scband reference (transcript-rebuilt; emitter-appended) ---
"""Pipeline reference for scband-encoder-72937134621099 (READ-ONLY COPY).

The authoritative reference and input builder live on the scoring server;
editing this copy changes nothing except your own understanding.
"""

import jax, jax.numpy as jnp
import numpy as np

NUM_NODES = 100000
FEAT_DIM = 128
EMB_DIM = 64
BATCH = 16384

def setup_inputs(seed: int = 0) -> dict:
    key = jax.random.key(seed)
    k1, k2, k3 = jax.random.split(key, 3)
    indices = jax.random.randint(k1, (BATCH,), 0, NUM_NODES, dtype=jnp.int64 if jax.config.jax_enable_x64 else jnp.int32)
    features = jax.random.normal(k2, (NUM_NODES, FEAT_DIM), dtype=jnp.float32)
    # nn.Embedding default init: N(0, 1)
    emb_table = jax.random.normal(k3, (NUM_NODES, EMB_DIM), dtype=jnp.float32)
    return {"indices": indices, "features": features, "emb_table": emb_table}

def reference(indices, features, emb_table):
    # feat = self.features[indices]
    feat = jnp.take(features, indices, axis=0)
    # emb = self.embedding(indices)
    emb = jnp.take(emb_table, indices, axis=0)
    # torch.cat([feat, emb], dim=1)
    return jnp.concatenate([feat, emb], axis=1)

if __name__ == "__main__":
    import jax
    _d = setup_inputs()
    print(jax.jit(kernel)(*tuple(_d.values())))

</pallas_src>

<mosaic_0001>
#map = affine_map<(d0, d1) -> (0)>
#map1 = affine_map<(d0, d1) -> (0, 0)>
module attributes {stable_mosaic.version = 14 : i64} {
  func.func @_encoder(%arg0: i32, %arg1: i32, %arg2: memref<16384xi32, #tpu.memory_space<hbm>>, %arg3: memref<100000x128xf32, #tpu.memory_space<hbm>>, %arg4: memref<100000x128xf32, #tpu.memory_space<hbm>>, %arg5: memref<192x16384xf32, #tpu.memory_space<hbm>>, %arg6: memref<512xi32, #tpu.memory_space<vmem>>, %arg7: memref<2x128x128xf32, #tpu.memory_space<vmem>>, %arg8: memref<2x128x128xf32, #tpu.memory_space<vmem>>, %arg9: memref<2x128x128xf32, #tpu.memory_space<vmem>>, %arg10: memref<2x64x128xf32, #tpu.memory_space<vmem>>, %arg11: memref<!tpu.dma_semaphore, #tpu.memory_space<semaphore_mem>>, %arg12: memref<!tpu.dma_semaphore, #tpu.memory_space<semaphore_mem>>, %arg13: memref<!tpu.dma_semaphore, #tpu.memory_space<semaphore_mem>>) attributes {dimension_semantics = [#tpu.dimension_semantics<core_parallel>, #tpu.dimension_semantics<subcore_parallel>], iteration_bounds = array<i64: 2, 16>, scalar_prefetch = 0 : i64, scratch_operands = 8 : i64, tpu.core_type = #tpu.core_type<sc_vector_subcore>, window_params = [{transform_indices = #map}, {transform_indices = #map1}, {transform_indices = #map1}, {transform_indices = #map1}]} {
    %mul3A = arith.constant 2 : i32
    %mul3A_0 = arith.muli %arg1, %mul3A : i32
    %add3A = arith.addi %mul3A_0, %arg0 : i32
    %mul3A_1 = arith.constant 512 : i32
    %mul3A_2 = arith.muli %add3A, %mul3A_1 : i32
    "tpu.region"() ({
      %run_scoped3A = tpu.sem_alloc : memref<!tpu.dma_semaphore, #tpu.memory_space<semaphore_mem>>
      %dma_start3A_520 = tpu.memref_slice %arg2[%mul3A_2] : memref<16384xi32, #tpu.memory_space<hbm>> -> memref<512xi32, #tpu.memory_space<hbm>>
      %dma_start3A_521 = tpu.memref_slice %arg2[%mul3A_2] : memref<16384xi32, #tpu.memory_space<hbm>> -> memref<512xi32, #tpu.memory_space<hbm>>
      tpu.enqueue_dma source(%dma_start3A_521 : memref<512xi32, #tpu.memory_space<hbm>>) target(%arg6 : memref<512xi32, #tpu.memory_space<vmem>>) target_semaphore(%run_scoped3A : memref<!tpu.dma_semaphore, #tpu.memory_space<semaphore_mem>>)
      %dma_wait3A_522 = tpu.memref_slice %arg2[%mul3A_2] : memref<16384xi32, #tpu.memory_space<hbm>> -> memref<512xi32, #tpu.memory_space<hbm>>
      %dma_wait3A_523 = tpu.memref_slice %arg2[%mul3A_2] : memref<16384xi32, #tpu.memory_space<hbm>> -> memref<512xi32, #tpu.memory_space<hbm>>
      tpu.wait_dma2 semaphore(%run_scoped3A : memref<!tpu.dma_semaphore, #tpu.memory_space<semaphore_mem>>) src(%dma_wait3A_523 : memref<512xi32, #tpu.memory_space<hbm>>) dst(%arg6 : memref<512xi32, #tpu.memory_space<vmem>>)
      tpu.yield
    }) : () -> ()
    %dma_start3A = arith.constant 0 : i32
    %dma_start3A_3 = arith.constant 0 : i32
    %dma_start3A_4 = arith.constant 0 : i32
    %dma_start3A_5 = tpu.memref_slice %arg7[%dma_start3A, %dma_start3A_3, %dma_start3A_4] : memref<2x128x128xf32, #tpu.memory_space<vmem>> -> memref<1x128x128xf32, #tpu.memory_space<vmem>>
    %dma_start3A_6 = tpu.memref_squeeze %dma_start3A_5 : memref<1x128x128xf32, #tpu.memory_space<vmem>> -> memref<128x128xf32, #tpu.memory_space<vmem>>
    %dma_start3A_7 = arith.constant 0 : i32
    %dma_start3A_8 = tpu.memref_slice %arg6[%dma_start3A_7] : memref<512xi32, #tpu.memory_space<vmem>> -> memref<128xi32, #tpu.memory_space<vmem>>
    %dma_start3A_9 = arith.constant 0 : i32
    %dma_start3A_10 = arith.constant 0 : i32
    %dma_start3A_11 = tpu.memref_slice %arg3[%dma_start3A_9, %dma_start3A_10] : memref<100000x128xf32, #tpu.memory_space<hbm>> -> memref<100000x128xf32, #tpu.memory_space<hbm>>
    tpu.enqueue_indirect_dma source(%dma_start3A_11 : memref<100000x128xf32, #tpu.memory_space<hbm>>) target(%dma_start3A_6 : memref<128x128xf32, #tpu.memory_space<vmem>>) offsets(%dma_start3A_8 : memref<128xi32, #tpu.memory_space<vmem>>) semaphore(%arg11 : memref<!tpu.dma_semaphore, #tpu.memory_space<semaphore_mem>>)
    %dma_start3A_12 = arith.constant 0 : i32
    %dma_start3A_13 = arith.constant 0 : i32
    %dma_start3A_14 = arith.constant 0 : i32
    %dma_start3A_15 = tpu.memref_slice %arg8[%dma_start3A_12, %dma_start3A_13, %dma_start3A_14] : memref<2x128x128xf32, #tpu.memory_space<vmem>> -> memref<1x128x128xf32, #tpu.memory_space<vmem>>
    %dma_start3A_16 = tpu.memref_squeeze %dma_start3A_15 : memref<1x128x128xf32, #tpu.memory_space<vmem>> -> memref<128x128xf32, #tpu.memory_space<vmem>>
    %dma_start3A_17 = arith.constant 0 : i32
    %dma_start3A_18 = tpu.memref_slice %arg6[%dma_start3A_17] : memref<512xi32, #tpu.memory_space<vmem>> -> memref<128xi32, #tpu.memory_space<vmem>>
    %dma_start3A_19 = arith.constant 0 : i32
    %dma_start3A_20 = arith.constant 0 : i32
    %dma_start3A_21 = tpu.memref_slice %arg4[%dma_start3A_19, %dma_start3A_20] : memref<100000x128xf32, #tpu.memory_space<hbm>> -> memref<100000x128xf32, #tpu.memory_space<hbm>>
    tpu.enqueue_indirect_dma source(%dma_start3A_21 : memref<100000x128xf32, #tpu.memory_space<hbm>>) target(%dma_start3A_16 : memref<128x128xf32, #tpu.memory_space<vmem>>) offsets(%dma_start3A_18 : memref<128xi32, #tpu.memory_space<vmem>>) semaphore(%arg11 : memref<!tpu.dma_semaphore, #tpu.memory_space<semaphore_mem>>)
    %iota3A = tpu.iota {dimensions = array<i32: 0>} : vector<16xi32>
    %dma_wait3A = arith.constant 0 : i32
    %dma_wait3A_22 = arith.constant 0 : i32
    %dma_wait3A_23 = arith.constant 0 : i32
    %dma_wait3A_24 = tpu.memref_slice %arg7[%dma_wait3A, %dma_wait3A_22, %dma_wait3A_23] : memref<2x128x128xf32, #tpu.memory_space<vmem>> -> memref<1x128x128xf32, #tpu.memory_space<vmem>>
    %dma_wait3A_25 = tpu.memref_squeeze %dma_wait3A_24 : memref<1x128x128xf32, #tpu.memory_space<vmem>> -> memref<128x128xf32, #tpu.memory_space<vmem>>
    %dma_wait3A_26 = arith.constant 0 : i32
    %dma_wait3A_27 = tpu.memref_slice %arg6[%dma_wait3A_26] : memref<512xi32, #tpu.memory_space<vmem>> -> memref<128xi32, #tpu.memory_space<vmem>>
    %dma_wait3A_28 = arith.constant 0 : i32
    %dma_wait3A_29 = arith.constant 0 : i32
    %dma_wait3A_30 = tpu.memref_slice %arg3[%dma_wait3A_28, %dma_wait3A_29] : memref<100000x128xf32, #tpu.memory_space<hbm>> -> memref<100000x128xf32, #tpu.memory_space<hbm>>
    tpu.wait_indirect_dma semaphore(%arg11 : memref<!tpu.dma_semaphore, #tpu.memory_space<semaphore_mem>>) src(%dma_wait3A_30 : memref<100000x128xf32, #tpu.memory_space<hbm>>) dst(%dma_wait3A_25 : memref<128x128xf32, #tpu.memory_space<vmem>>)
    %dma_wait3A_31 = arith.constant 0 : i32
    %dma_wait3A_32 = arith.constant 0 : i32
    %dma_wait3A_33 = arith.constant 0 : i32
    %dma_wait3A_34 = tpu.memref_slice %arg8[%dma_wait3A_31, %dma_wait3A_32, %dma_wait3A_33] : memref<2x128x128xf32, #tpu.memory_space<vmem>> -> memref<1x128x128xf32, #tpu.memory_space<vmem>>
    %dma_wait3A_35 = tpu.memref_squeeze %dma_wait3A_34 : memref<1x128x128xf32, #tpu.memory_space<vmem>> -> memref<128x128xf32, #tpu.memory_space<vmem>>
    %dma_wait3A_36 = arith.constant 0 : i32
    %dma_wait3A_37 = tpu.memref_slice %arg6[%dma_wait3A_36] : memref<512xi32, #tpu.memory_space<vmem>> -> memref<128xi32, #tpu.memory_space<vmem>>
    %dma_wait3A_38 = arith.constant 0 : i32
    %dma_wait3A_39 = arith.constant 0 : i32
    %dma_wait3A_40 = tpu.memref_slice %arg4[%dma_wait3A_38, %dma_wait3A_39] : memref<100000x128xf32, #tpu.memory_space<hbm>> -> memref<100000x128xf32, #tpu.memory_space<hbm>>
    tpu.wait_indirect_dma semaphore(%arg11 : memref<!tpu.dma_semaphore, #tpu.memory_space<semaphore_mem>>) src(%dma_wait3A_40 : memref<100000x128xf32, #tpu.memory_space<hbm>>) dst(%dma_wait3A_35 : memref<128x128xf32, #tpu.memory_space<vmem>>)
    %dma_start3A_41 = arith.constant 1 : i32
    %dma_start3A_42 = arith.constant 0 : i32
    %dma_start3A_43 = arith.constant 0 : i32
    %dma_start3A_44 = tpu.memref_slice %arg7[%dma_start3A_41, %dma_start3A_42, %dma_start3A_43] : memref<2x128x128xf32, #tpu.memory_space<vmem>> -> memref<1x128x128xf32, #tpu.memory_space<vmem>>
    %dma_start3A_45 = tpu.memref_squeeze %dma_start3A_44 : memref<1x128x128xf32, #tpu.memory_space<vmem>> -> memref<128x128xf32, #tpu.memory_space<vmem>>
    %dma_start3A_46 = arith.constant 128 : i32
    %dma_start3A_47 = tpu.memref_slice %arg6[%dma_start3A_46] : memref<512xi32, #tpu.memory_space<vmem>> -> memref<128xi32, #tpu.memory_space<vmem>>
    %dma_start3A_48 = arith.constant 0 : i32
    %dma_start3A_49 = arith.constant 0 : i32
    %dma_start3A_50 = tpu.memref_slice %arg3[%dma_start3A_48, %dma_start3A_49] : memref<100000x128xf32, #tpu.memory_space<hbm>> -> memref<100000x128xf32, #tpu.memory_space<hbm>>
    tpu.enqueue_indirect_dma source(%dma_start3A_50 : memref<100000x128xf32, #tpu.memory_space<hbm>>) target(%dma_start3A_45 : memref<128x128xf32, #tpu.memory_space<vmem>>) offsets(%dma_start3A_47 : memref<128xi32, #tpu.memory_space<vmem>>) semaphore(%arg12 : memref<!tpu.dma_semaphore, #tpu.memory_space<semaphore_mem>>)
    %dma_start3A_51 = arith.constant 1 : i32
    %dma_start3A_52 = arith.constant 0 : i32
    %dma_start3A_53 = arith.constant 0 : i32
    %dma_start3A_54 = tpu.memref_slice %arg8[%dma_start3A_51, %dma_start3A_52, %dma_start3A_53] : memref<2x128x128xf32, #tpu.memory_space<vmem>> -> memref<1x128x128xf32, #tpu.memory_space<vmem>>
    %dma_start3A_55 = tpu.memref_squeeze %dma_start3A_54 : memref<1x128x128xf32, #tpu.memory_space<vmem>> -> memref<128x128xf32, #tpu.memory_space<vmem>>
    %dma_start3A_56 = arith.constant 128 : i32
    %dma_start3A_57 = tpu.memref_slice %arg6[%dma_start3A_56] : memref<512xi32, #tpu.memory_space<vmem>> -> memref<128xi32, #tpu.memory_space<vmem>>
    %dma_start3A_58 = arith.constant 0 : i32
    %dma_start3A_59 = arith.constant 0 : i32
    %dma_start3A_60 = tpu.memref_slice %arg4[%dma_start3A_58, %dma_start3A_59] : memref<100000x128xf32, #tpu.memory_space<hbm>> -> memref<100000x128xf32, #tpu.memory_space<hbm>>
    tpu.enqueue_indirect_dma source(%dma_start3A_60 : memref<100000x128xf32, #tpu.memory_space<hbm>>) target(%dma_start3A_55 : memref<128x128xf32, #tpu.memory_space<vmem>>) offsets(%dma_start3A_57 : memref<128xi32, #tpu.memory_space<vmem>>) semaphore(%arg12 : memref<!tpu.dma_semaphore, #tpu.memory_space<semaphore_mem>>)
    %add3A_61 = arith.constant 0 : i32
    %add3A_62 = vector.broadcast %add3A_61 : i32 to vector<16xi32>
    %add3A_63 = arith.addi %iota3A, %add3A_62 : vector<16xi32>
    %add3A_64 = arith.constant 16 : i32
    %add3A_65 = vector.broadcast %add3A_64 : i32 to vector<16xi32>
    %add3A_66 = arith.addi %iota3A, %add3A_65 : vector<16xi32>
    %add3A_67 = arith.constant 32 : i32
    %add3A_68 = vector.broadcast %add3A_67 : i32 to vector<16xi32>
    %add3A_69 = arith.addi %iota3A, %add3A_68 : vector<16xi32>
    %add3A_70 = arith.constant 48 : i32
    %add3A_71 = vector.broadcast %add3A_70 : i32 to vector<16xi32>
    %add3A_72 = arith.addi %iota3A, %add3A_71 : vector<16xi32>
    %add3A_73 = arith.constant 64 : i32
    %add3A_74 = vector.broadcast %add3A_73 : i32 to vector<16xi32>
    %add3A_75 = arith.addi %iota3A, %add3A_74 : vector<16xi32>
    %add3A_76 = arith.constant 80 : i32
    %add3A_77 = vector.broadcast %add3A_76 : i32 to vector<16xi32>
    %add3A_78 = arith.addi %iota3A, %add3A_77 : vector<16xi32>
    %add3A_79 = arith.constant 96 : i32
    %add3A_80 = vector.broadcast %add3A_79 : i32 to vector<16xi32>
    %add3A_81 = arith.addi %iota3A, %add3A_80 : vector<16xi32>
    %add3A_82 = arith.constant 112 : i32
    %add3A_83 = vector.broadcast %add3A_82 : i32 to vector<16xi32>
    %add3A_84 = arith.addi %iota3A, %add3A_83 : vector<16xi32>
    %scan3A = arith.constant 0 : i32
    %scan3A_85 = arith.constant 0 : i32
    %scan3A_86 = arith.constant 128 : i32
    %scan3A_87 = arith.addi %scan3A_85, %scan3A_86 : i32
    %scan3A_88 = arith.constant 2 : i32
    scf.for %scan3A_520 = %scan3A_85 to %scan3A_87 step %scan3A_88  : i32 {
      %add3A_521 = vector.broadcast %scan3A_520 : i32 to vector<16xi32>
      %add3A_522 = arith.addi %iota3A, %add3A_521 : vector<16xi32>
      %and3A = arith.constant 127 : i32
      %and3A_523 = vector.broadcast %and3A : i32 to vector<16xi32>
      %and3A_524 = arith.andi %add3A_522, %and3A_523 : vector<16xi32>
      %gather3A = arith.constant 0 : i32
      %gather3A_525 = arith.constant 0 : i32
      %gather3A_526 = arith.constant 0 : i32
      %gather3A_527 = tpu.memref_slice %arg7[%gather3A, %gather3A_525, %gather3A_526] : memref<2x128x128xf32, #tpu.memory_space<vmem>> -> memref<1x128x128xf32, #tpu.memory_space<vmem>>
      %gather3A_528 = tpu.memref_squeeze %gather3A_527 : memref<1x128x128xf32, #tpu.memory_space<vmem>> -> memref<128x128xf32, #tpu.memory_space<vmem>>
      %gather3A_529 = tpu.vector_load_idx %gather3A_528[%add3A_63, %and3A_524] : memref<128x128xf32, #tpu.memory_space<vmem>>[vector<16xi32>, vector<16xi32>], vector<16xf32>,
      %scatter3A = arith.constant 0 : i32
      %scatter3A_530 = arith.constant 0 : i32
      %scatter3A_531 = arith.constant 0 : i32
      %scatter3A_532 = tpu.memref_slice %arg9[%scatter3A, %scatter3A_530, %scatter3A_531] : memref<2x128x128xf32, #tpu.memory_space<vmem>> -> memref<1x128x128xf32, #tpu.memory_space<vmem>>
      %scatter3A_533 = tpu.memref_squeeze %scatter3A_532 : memref<1x128x128xf32, #tpu.memory_space<vmem>> -> memref<128x128xf32, #tpu.memory_space<vmem>>
      tpu.vector_store_idx %scatter3A_533[%and3A_524, %add3A_63], %gather3A_529 : memref<128x128xf32, #tpu.memory_space<vmem>>[vector<16xi32>, vector<16xi32>], vector<16xf32>,
      %gather3A_534 = arith.constant 0 : i32
      %gather3A_535 = arith.constant 0 : i32
      %gather3A_536 = arith.constant 0 : i32
      %gather3A_537 = tpu.memref_slice %arg7[%gather3A_534, %gather3A_535, %gather3A_536] : memref<2x128x128xf32, #tpu.memory_space<vmem>> -> memref<1x128x128xf32, #tpu.memory_space<vmem>>
      %gather3A_538 = tpu.memref_squeeze %gather3A_537 : memref<1x128x128xf32, #tpu.memory_space<vmem>> -> memref<128x128xf32, #tpu.memory_space<vmem>>
      %gather3A_539 = tpu.vector_load_idx %gather3A_538[%add3A_66, %and3A_524] : memref<128x128xf32, #tpu.memory_space<vmem>>[vector<16xi32>, vector<16xi32>], vector<16xf32>,
      %scatter3A_540 = arith.constant 0 : i32
      %scatter3A_541 = arith.constant 0 : i32
      %scatter3A_542 = arith.constant 0 : i32
      %scatter3A_543 = tpu.memref_slice %arg9[%scatter3A_540, %scatter3A_541, %scatter3A_542] : memref<2x128x128xf32, #tpu.memory_space<vmem>> -> memref<1x128x128xf32, #tpu.memory_space<vmem>>
      %scatter3A_544 = tpu.memref_squeeze %scatter3A_543 : memref<1x128x128xf32, #tpu.memory_space<vmem>> -> memref<128x128xf32, #tpu.memory_space<vmem>>
      tpu.vector_store_idx %scatter3A_544[%and3A_524, %add3A_66], %gather3A_539 : memref<128x128xf32, #tpu.memory_space<vmem>>[vector<16xi32>, vector<16xi32>], vector<16xf32>,
      %gather3A_545 = arith.constant 0 : i32
      %gather3A_546 = arith.constant 0 : i32
      %gather3A_547 = arith.constant 0 : i32
      %gather3A_548 = tpu.memref_slice %arg7[%gather3A_545, %gather3A_546, %gather3A_547] : memref<2x128x128xf32, #tpu.memory_space<vmem>> -> memref<1x128x128xf32, #tpu.memory_space<vmem>>
      %gather3A_549 = tpu.memref_squeeze %gather3A_548 : memref<1x128x128xf32, #tpu.memory_space<vmem>> -> memref<128x128xf32, #tpu.memory_space<vmem>>
      %gather3A_550 = tpu.vector_load_idx %gather3A_549[%add3A_69, %and3A_524] : memref<128x128xf32, #tpu.memory_space<vmem>>[vector<16xi32>, vector<16xi32>], vector<16xf32>,
      %scatter3A_551 = arith.constant 0 : i32
      %scatter3A_552 = arith.constant 0 : i32
      %scatter3A_553 = arith.constant 0 : i32
      %scatter3A_554 = tpu.memref_slice %arg9[%scatter3A_551, %scatter3A_552, %scatter3A_553] : memref<2x128x128xf32, #tpu.memory_space<vmem>> -> memref<1x128x128xf32, #tpu.memory_space<vmem>>
      %scatter3A_555 = tpu.memref_squeeze %scatter3A_554 : memref<1x128x128xf32, #tpu.memory_space<vmem>> -> memref<128x128xf32, #tpu.memory_space<vmem>>
      tpu.vector_store_idx %scatter3A_555[%and3A_524, %add3A_69], %gather3A_550 : memref<128x128xf32, #tpu.memory_space<vmem>>[vector<16xi32>, vector<16xi32>], vector<16xf32>,
      %gather3A_556 = arith.constant 0 : i32
      %gather3A_557 = arith.constant 0 : i32
      %gather3A_558 = arith.constant 0 : i32
      %gather3A_559 = tpu.memref_slice %arg7[%gather3A_556, %gather3A_557, %gather3A_558] : memref<2x128x128xf32, #tpu.memory_space<vmem>> -> memref<1x128x128xf32, #tpu.memory_space<vmem>>
      %gather3A_560 = tpu.memref_squeeze %gather3A_559 : memref<1x128x128xf32, #tpu.memory_space<vmem>> -> memref<128x128xf32, #tpu.memory_space<vmem>>
      %gather3A_561 = tpu.vector_load_idx %gather3A_560[%add3A_72, %and3A_524] : memref<128x128xf32, #tpu.memory_space<vmem>>[vector<16xi32>, vector<16xi32>], vector<16xf32>,
      %scatter3A_562 = arith.constant 0 : i32
      %scatter3A_563 = arith.constant 0 : i32
      %scatter3A_564 = arith.constant 0 : i32
      %scatter3A_565 = tpu.memref_slice %arg9[%scatter3A_562, %scatter3A_563, %scatter3A_564] : memref<2x128x128xf32, #tpu.memory_space<vmem>> -> memref<1x128x128xf32, #tpu.memory_space<vmem>>
      %scatter3A_566 = tpu.memref_squeeze %scatter3A_565 : memref<1x128x128xf32, #tpu.memory_space<vmem>> -> memref<128x128xf32, #tpu.memory_space<vmem>>
      tpu.vector_store_idx %scatter3A_566[%and3A_524, %add3A_72], %gather3A_561 : memref<128x128xf32, #tpu.memory_space<vmem>>[vector<16xi32>, vector<16xi32>], vector<16xf32>,
      %gather3A_567 = arith.constant 0 : i32
      %gather3A_568 = arith.constant 0 : i32
      %gather3A_569 = arith.constant 0 : i32
      %gather3A_570 = tpu.memref_slice %arg7[%gather3A_567, %gather3A_568, %gather3A_569] : memref<2x128x128xf32, #tpu.memory_space<vmem>> -> memref<1x128x128xf32, #tpu.memory_space<vmem>>
      %gather3A_571 = tpu.memref_squeeze %gather3A_570 : memref<1x128x128xf32, #tpu.memory_space<vmem>> -> memref<128x128xf32, #tpu.memory_space<vmem>>
      %gather3A_572 = tpu.vector_load_idx %gather3A_571[%add3A_75, %and3A_524] : memref<128x128xf32, #tpu.memory_space<vmem>>[vector<16xi32>, vector<16xi32>], vector<16xf32>,
      %scatter3A_573 = arith.constant 0 : i32
      %scatter3A_574 = arith.constant 0 : i32
      %scatter3A_575 = arith.constant 0 : i32
      %scatter3A_576 = tpu.memref_slice %arg9[%scatter3A_573, %scatter3A_574, %scatter3A_575] : memref<2x128x128xf32, #tpu.memory_space<vmem>> -> memref<1x128x128xf32, #tpu.memory_space<vmem>>
      %scatter3A_577 = tpu.memref_squeeze %scatter3A_576 : memref<1x128x128xf32, #tpu.memory_space<vmem>> -> memref<128x128xf32, #tpu.memory_space<vmem>>
      tpu.vector_store_idx %scatter3A_577[%and3A_524, %add3A_75], %gather3A_572 : memref<128x128xf32, #tpu.memory_space<vmem>>[vector<16xi32>, vector<16xi32>], vector<16xf32>,
      %gather3A_578 = arith.constant 0 : i32
      %gather3A_579 = arith.constant 0 : i32
      %gather3A_580 = arith.constant 0 : i32
      %gather3A_581 = tpu.memref_slice %arg7[%gather3A_578, %gather3A_579, %gather3A_580] : memref<2x128x128xf32, #tpu.memory_space<vmem>> -> memref<1x128x128xf32, #tpu.memory_space<vmem>>
      %gather3A_582 = tpu.memref_squeeze %gather3A_581 : memref<1x128x128xf32, #tpu.memory_space<vmem>> -> memref<128x128xf32, #tpu.memory_space<vmem>>
      %gather3A_583 = tpu.vector_load_idx %gather3A_582[%add3A_78, %and3A_524] : memref<128x128xf32, #tpu.memory_space<vmem>>[vector<16xi32>, vector<16xi32>], vector<16xf32>,
      %scatter3A_584 = arith.constant 0 : i32
      %scatter3A_585 = arith.constant 0 : i32
      %scatter3A_586 = arith.constant 0 : i32
      %scatter3A_587 = tpu.memref_slice %arg9[%scatter3A_584, %scatter3A_585, %scatter3A_586] : memref<2x128x128xf32, #tpu.memory_space<vmem>> -> memref<1x128x128xf32, #tpu.memory_space<vmem>>
      %scatter3A_588 = tpu.memref_squeeze %scatter3A_587 : memref<1x128x128xf32, #tpu.memory_space<vmem>> -> memref<128x128xf32, #tpu.memory_space<vmem>>
      tpu.vector_store_idx %scatter3A_588[%and3A_524, %add3A_78], %gather3A_583 : memref<128x128xf32, #tpu.memory_space<vmem>>[vector<16xi32>, vector<16xi32>], vector<16xf32>,
      %gather3A_589 = arith.constant 0 : i32
      %gather3A_590 = arith.constant 0 : i32
      %gather3A_591 = arith.constant 0 : i32
      %gather3A_592 = tpu.memref_slice %arg7[%gather3A_589, %gather3A_590, %gather3A_591] : memref<2x128x128xf32, #tpu.memory_space<vmem>> -> memref<1x128x128xf32, #tpu.memory_space<vmem>>
      %gather3A_593 = tpu.memref_squeeze %gather3A_592 : memref<1x128x128xf32, #tpu.memory_space<vmem>> -> memref<128x128xf32, #tpu.memory_space<vmem>>
      %gather3A_594 = tpu.vector_load_idx %gather3A_593[%add3A_81, %and3A_524] : memref<128x128xf32, #tpu.memory_space<vmem>>[vector<16xi32>, vector<16xi32>], vector<16xf32>,
      %scatter3A_595 = arith.constant 0 : i32
      %scatter3A_596 = arith.constant 0 : i32
      %scatter3A_597 = arith.constant 0 : i32
      %scatter3A_598 = tpu.memref_slice %arg9[%scatter3A_595, %scatter3A_596, %scatter3A_597] : memref<2x128x128xf32, #tpu.memory_space<vmem>> -> memref<1x128x128xf32, #tpu.memory_space<vmem>>
      %scatter3A_599 = tpu.memref_squeeze %scatter3A_598 : memref<1x128x128xf32, #tpu.memory_space<vmem>> -> memref<128x128xf32, #tpu.memory_space<vmem>>
      tpu.vector_store_idx %scatter3A_599[%and3A_524, %add3A_81], %gather3A_594 : memref<128x128xf32, #tpu.memory_space<vmem>>[vector<16xi32>, vector<16xi32>], vector<16xf32>,
      %gather3A_600 = arith.constant 0 : i32
      %gather3A_601 = arith.constant 0 : i32
      %gather3A_602 = arith.constant 0 : i32
      %gather3A_603 = tpu.memref_slice %arg7[%gather3A_600, %gather3A_601, %gather3A_602] : memref<2x128x128xf32, #tpu.memory_space<vmem>> -> memref<1x128x128xf32, #tpu.memory_space<vmem>>
      %gather3A_604 = tpu.memref_squeeze %gather3A_603 : memref<1x128x128xf32, #tpu.memory_space<vmem>> -> memref<128x128xf32, #tpu.memory_space<vmem>>
      %gather3A_605 = tpu.vector_load_idx %gather3A_604[%add3A_84, %and3A_524] : memref<128x128xf32, #tpu.memory_space<vmem>>[vector<16xi32>, vector<16xi32>], vector<16xf32>,
      %scatter3A_606 = arith.constant 0 : i32
      %scatter3A_607 = arith.constant 0 : i32
      %scatter3A_608 = arith.constant 0 : i32
      %scatter3A_609 = tpu.memref_slice %arg9[%scatter3A_606, %scatter3A_607, %scatter3A_608] : memref<2x128x128xf32, #tpu.memory_space<vmem>> -> memref<1x128x128xf32, #tpu.memory_space<vmem>>
      %scatter3A_610 = tpu.memref_squeeze %scatter3A_609 : memref<1x128x128xf32, #tpu.memory_space<vmem>> -> memref<128x128xf32, #tpu.memory_space<vmem>>
      tpu.vector_store_idx %scatter3A_610[%and3A_524, %add3A_84], %gather3A_605 : memref<128x128xf32, #tpu.memory_space<vmem>>[vector<16xi32>, vector<16xi32>], vector<16xf32>,
      %scan3A_611 = arith.constant 1 : i32
      %scan3A_612 = arith.addi %scan3A_520, %scan3A_611 : i32
      %add3A_613 = vector.broadcast %scan3A_612 : i32 to vector<16xi32>
      %add3A_614 = arith.addi %iota3A, %add3A_613 : vector<16xi32>
      %and3A_615 = arith.constant 127 : i32
      %and3A_616 = vector.broadcast %and3A_615 : i32 to vector<16xi32>
      %and3A_617 = arith.andi %add3A_614, %and3A_616 : vector<16xi32>
      %gather3A_618 = arith.constant 0 : i32
      %gather3A_619 = arith.constant 0 : i32
      %gather3A_620 = arith.constant 0 : i32
      %gather3A_621 = tpu.memref_slice %arg7[%gather3A_618, %gather3A_619, %gather3A_620] : memref<2x128x128xf32, #tpu.memory_space<vmem>> -> memref<1x128x128xf32, #tpu.memory_space<vmem>>
      %gather3A_622 = tpu.memref_squeeze %gather3A_621 : memref<1x128x128xf32, #tpu.memory_space<vmem>> -> memref<128x128xf32, #tpu.memory_space<vmem>>
      %gather3A_623 = tpu.vector_load_idx %gather3A_622[%add3A_63, %and3A_617] : memref<128x128xf32, #tpu.memory_space<vmem>>[vector<16xi32>, vector<16xi32>], vector<16xf32>,
      %scatter3A_624 = arith.constant 0 : i32
      %scatter3A_625 = arith.constant 0 : i32
      %scatter3A_626 = arith.constant 0 : i32
      %scatter3A_627 = tpu.memref_slice %arg9[%scatter3A_624, %scatter3A_625, %scatter3A_626] : memref<2x128x128xf32, #tpu.memory_space<vmem>> -> memref<1x128x128xf32, #tpu.memory_space<vmem>>
      %scatter3A_628 = tpu.memref_squeeze %scatter3A_627 : memref<1x128x128xf32, #tpu.memory_space<vmem>> -> memref<128x128xf32, #tpu.memory_space<vmem>>
      tpu.vector_store_idx %scatter3A_628[%and3A_617, %add3A_63], %gather3A_623 : memref<128x128xf32, #tpu.memory_space<vmem>>[vector<16xi32>, vector<16xi32>], vector<16xf32>,
      %gather3A_629 = arith.constant 0 : i32
      %gather3A_630 = arith.constant 0 : i32
      %gather3A_631 = arith.constant 0 : i32
      %gather3A_632 = tpu.memref_slice %arg7[%gather3A_629, %gather3A_630, %gather3A_631] : memref<2x128x128xf32, #tpu.memory_space<vmem>> -> memref<1x128x128xf32, #tpu.memory_space<vmem>>
      %gather3A_633 = tpu.memref_squeeze %gather3A_632 : memref<1x128x128xf32, #tpu.memory_space<vmem>> -> memref<128x128xf32, #tpu.memory_space<vmem>>
      %gather3A_634 = tpu.vector_load_idx %gather3A_633[%add3A_66, %and3A_617] : memref<128x128xf32, #tpu.memory_space<vmem>>[vector<16xi32>, vector<16xi32>], vector<16xf32>,
      %scatter3A_635 = arith.constant 0 : i32
      %scatter3A_636 = arith.constant 0 : i32
      %scatter3A_637 = arith.constant 0 : i32
      %scatter3A_638 = tpu.memref_slice %arg9[%scatter3A_635, %scatter3A_636, %scatter3A_637] : memref<2x128x128xf32, #tpu.memory_space<vmem>> -> memref<1x128x128xf32, #tpu.memory_space<vmem>>
      %scatter3A_639 = tpu.memref_squeeze %scatter3A_638 : memref<1x128x128xf32, #tpu.memory_space<vmem>> -> memref<128x128xf32, #tpu.memory_space<vmem>>
      tpu.vector_store_idx %scatter3A_639[%and3A_617, %add3A_66], %gather3A_634 : memref<128x128xf32, #tpu.memory_space<vmem>>[vector<16xi32>, vector<16xi32>], vector<16xf32>,
      %gather3A_640 = arith.constant 0 : i32
      %gather3A_641 = arith.constant 0 : i32
      %gather3A_642 = arith.constant 0 : i32
      %gather3A_643 = tpu.memref_slice %arg7[%gather3A_640, %gather3A_641, %gather3A_642] : memref<2x128x128xf32, #tpu.memory_space<vmem>> -> memref<1x128x128xf32, #tpu.memory_space<vmem>>
      %gather3A_644 = tpu.memref_squeeze %gather3A_643 : memref<1x128x128xf32, #tpu.memory_space<vmem>> -> memref<128x128xf32, #tpu.memory_space<vmem>>
      %gather3A_645 = tpu.vector_load_idx %gather3A_644[%add3A_69, %and3A_617] : memref<128x128xf32, #tpu.memory_space<vmem>>[vector<16xi32>, vector<16xi32>], vector<16xf32>,
      %scatter3A_646 = arith.constant 0 : i32
      %scatter3A_647 = arith.constant 0 : i32
      %scatter3A_648 = arith.constant 0 : i32
      %scatter3A_649 = tpu.memref_slice %arg9[%scatter3A_646, %scatter3A_647, %scatter3A_648] : memref<2x128x128xf32, #tpu.memory_space<vmem>> -> memref<1x128x128xf32, #tpu.memory_space<vmem>>
      %scatter3A_650 = tpu.memref_squeeze %scatter3A_649 : memref<1x128x128xf32, #tpu.memory_space<vmem>> -> memref<128x128xf32, #tpu.memory_space<vmem>>
      tpu.vector_store_idx %scatter3A_650[%and3A_617, %add3A_69], %gather3A_645 : memref<128x128xf32, #tpu.memory_space<vmem>>[vector<16xi32>, vector<16xi32>], vector<16xf32>,
      %gather3A_651 = arith.constant 0 : i32
      %gather3A_652 = arith.constant 0 : i32
      %gather3A_653 = arith.constant 0 : i32
      %gather3A_654 = tpu.memref_slice %arg7[%gather3A_651, %gather3A_652, %gather3A_653] : memref<2x128x128xf32, #tpu.memory_space<vmem>> -> memref<1x128x128xf32, #tpu.memory_space<vmem>>
      %gather3A_655 = tpu.memref_squeeze %gather3A_654 : memref<1x128x128xf32, #tpu.memory_space<vmem>> -> memref<128x128xf32, #tpu.memory_space<vmem>>
      %gather3A_656 = tpu.vector_load_idx %gather3A_655[%add3A_72, %and3A_617] : memref<128x128xf32, #tpu.memory_space<vmem>>[vector<16xi32>, vector<16xi32>], vector<16xf32>,
      %scatter3A_657 = arith.constant 0 : i32
      %scatter3A_658 = arith.constant 0 : i32
      %scatter3A_659 = arith.constant 0 : i32
      %scatter3A_660 = tpu.memref_slice %arg9[%scatter3A_657, %scatter3A_658, %scatter3A_659] : memref<2x128x128xf32, #tpu.memory_space<vmem>> -> memref<1x128x128xf32, #tpu.memory_space<vmem>>
      %scatter3A_661 = tpu.memref_squeeze %scatter3A_660 : memref<1x128x128xf32, #tpu.memory_space<vmem>> -> memref<128x128xf32, #tpu.memory_space<vmem>>
      tpu.vector_store_idx %scatter3A_661[%and3A_617, %add3A_72], %gather3A_656 : memref<128x128xf32, #tpu.memory_space<vmem>>[vector<16xi32>, vector<16xi32>], vector<16xf32>,
      %gather3A_662 = arith.constant 0 : i32
      %gather3A_663 = arith.constant 0 : i32
      %gather3A_664 = arith.constant 0 : i32
      %gather3A_665 = tpu.memref_slice %arg7[%gather3A_662, %gather3A_663, %gather3A_664] : memref<2x128x128xf32, #tpu.memory_space<vmem>> -> memref<1x128x128xf32, #tpu.memory_space<vmem>>
      %gather3A_666 = tpu.memref_squeeze %gather3A_665 : memref<1x128x128xf32, #tpu.memory_space<vmem>> -> memref<128x128xf32, #tpu.memory_space<vmem>>
      %gather3A_667 = tpu.vector_load_idx %gather3A_666[%add3A_75, %and3A_617] : memref<128x128xf32, #tpu.memory_space<vmem>>[vector<16xi32>, vector<16xi32>], vector<16xf32>,
      %scatter3A_668 = arith.constant 0 : i32
      %scatter3A_669 = arith.constant 0 : i32
      %scatter3A_670 = arith.constant 0 : i32
      %scatter3A_671 = tpu.memref_slice %arg9[%scatter3A_668, %scatter3A_669, %scatter3A_670] : memref<2x128x128xf32, #tpu.memory_space<vmem>> -> memref<1x128x128xf32, #tpu.memory_space<vmem>>
      %scatter3A_672 = tpu.memref_squeeze %scatter3A_671 : memref<1x128x128xf32, #tpu.memory_space<vmem>> -> memref<128x128xf32, #tpu.memory_space<vmem>>
      tpu.vector_store_idx %scatter3A_672[%and3A_617, %add3A_75], %gather3A_667 : memref<128x128xf32, #tpu.memory_space<vmem>>[vector<16xi32>, vector<16xi32>], vector<16xf32>,
      %gather3A_673 = arith.constant 0 : i32
      %gather3A_674 = arith.constant 0 : i32
      %gather3A_675 = arith.constant 0 : i32
      %gather3A_676 = tpu.memref_slice %arg7[%gather3A_673, %gather3A_674, %gather3A_675] : memref<2x128x128xf32, #tpu.memory_space<vmem>> -> memref<1x128x128xf32, #tpu.memory_space<vmem>>
      %gather3A_677 = tpu.memref_squeeze %gather3A_676 : memref<1x128x128xf32, #tpu.memory_space<vmem>> -> memref<128x128xf32, #tpu.memory_space<vmem>>
      %gather3A_678 = tpu.vector_load_idx %gather3A_677[%add3A_78, %and3A_617] : memref<128x128xf32, #tpu.memory_space<vmem>>[vector<16xi32>, vector<16xi32>], vector<16xf32>,
      %scatter3A_679 = arith.constant 0 : i32
      %scatter3A_680 = arith.constant 0 : i32
      %scatter3A_681 = arith.constant 0 : i32
      %scatter3A_682 = tpu.memref_slice %arg9[%scatter3A_679, %scatter3A_680, %scatter3A_681] : memref<2x128x128xf32, #tpu.memory_space<vmem>> -> memref<1x128x128xf32, #tpu.memory_space<vmem>>
      %scatter3A_683 = tpu.memref_squeeze %scatter3A_682 : memref<1x128x128xf32, #tpu.memory_space<vmem>> -> memref<128x128xf32, #tpu.memory_space<vmem>>
      tpu.vector_store_idx %scatter3A_683[%and3A_617, %add3A_78], %gather3A_678 : memref<128x128xf32, #tpu.memory_space<vmem>>[vector<16xi32>, vector<16xi32>], vector<16xf32>,
      %gather3A_684 = arith.constant 0 : i32
      %gather3A_685 = arith.constant 0 : i32
      %gather3A_686 = arith.constant 0 : i32
      %gather3A_687 = tpu.memref_slice %arg7[%gather3A_684, %gather3A_685, %gather3A_686] : memref<2x128x128xf32, #tpu.memory_space<vmem>> -> memref<1x128x128xf32, #tpu.memory_space<vmem>>
      %gather3A_688 = tpu.memref_squeeze %gather3A_687 : memref<1x128x128xf32, #tpu.memory_space<vmem>> -> memref<128x128xf32, #tpu.memory_space<vmem>>
      %gather3A_689 = tpu.vector_load_idx %gather3A_688[%add3A_81, %and3A_617] : memref<128x128xf32, #tpu.memory_space<vmem>>[vector<16xi32>, vector<16xi32>], vector<16xf32>,
      %scatter3A_690 = arith.constant 0 : i32
      %scatter3A_691 = arith.constant 0 : i32
      %scatter3A_692 = arith.constant 0 : i32
      %scatter3A_693 = tpu.memref_slice %arg9[%scatter3A_690, %scatter3A_691, %scatter3A_692] : memref<2x128x128xf32, #tpu.memory_space<vmem>> -> memref<1x128x128xf32, #tpu.memory_space<vmem>>
      %scatter3A_694 = tpu.memref_squeeze %scatter3A_693 : memref<1x128x128xf32, #tpu.memory_space<vmem>> -> memref<128x128xf32, #tpu.memory_space<vmem>>
      tpu.vector_store_idx %scatter3A_694[%and3A_617, %add3A_81], %gather3A_689 : memref<128x128xf32, #tpu.memory_space<vmem>>[vector<16xi32>, vector<16xi32>], vector<16xf32>,
      %gather3A_695 = arith.constant 0 : i32
      %gather3A_696 = arith.constant 0 : i32
      %gather3A_697 = arith.constant 0 : i32
      %gather3A_698 = tpu.memref_slice %arg7[%gather3A_695, %gather3A_696, %gather3A_697] : memref<2x128x128xf32, #tpu.memory_space<vmem>> -> memref<1x128x128xf32, #tpu.memory_space<vmem>>
      %gather3A_699 = tpu.memref_squeeze %gather3A_698 : memref<1x128x128xf32, #tpu.memory_space<vmem>> -> memref<128x128xf32, #tpu.memory_space<vmem>>
      %gather3A_700 = tpu.vector_load_idx %gather3A_699[%add3A_84, %and3A_617] : memref<128x128xf32, #tpu.memory_space<vmem>>[vector<16xi32>, vector<16xi32>], vector<16xf32>,
      %scatter3A_701 = arith.constant 0 : i32
      %scatter3A_702 = arith.constant 0 : i32
      %scatter3A_703 = arith.constant 0 : i32
      %scatter3A_704 = tpu.memref_slice %arg9[%scatter3A_701, %scatter3A_702, %scatter3A_703] : memref<2x128x128xf32, #tpu.memory_space<vmem>> -> memref<1x128x128xf32, #tpu.memory_space<vmem>>
      %scatter3A_705 = tpu.memref_squeeze %scatter3A_704 : memref<1x128x128xf32, #tpu.memory_space<vmem>> -> memref<128x128xf32, #tpu.memory_space<vmem>>
      tpu.vector_store_idx %scatter3A_705[%and3A_617, %add3A_84], %gather3A_700 : memref<128x128xf32, #tpu.memory_space<vmem>>[vector<16xi32>, vector<16xi32>], vector<16xf32>,
    }
    %scan3A_89 = arith.constant 128 : i32
    %scan3A_90 = arith.constant 0 : i32
    %scan3A_91 = arith.constant 0 : i32
    %scan3A_92 = arith.constant 64 : i32
    %scan3A_93 = arith.addi %scan3A_91, %scan3A_92 : i32
    %scan3A_94 = arith.constant 2 : i32
    scf.for %scan3A_520 = %scan3A_91 to %scan3A_93 step %scan3A_94  : i32 {
      %add3A_521 = vector.broadcast %scan3A_520 : i32 to vector<16xi32>
      %add3A_522 = arith.addi %iota3A, %add3A_521 : vector<16xi32>
      %and3A = arith.constant 63 : i32
      %and3A_523 = vector.broadcast %and3A : i32 to vector<16xi32>
      %and3A_524 = arith.andi %add3A_522, %and3A_523 : vector<16xi32>
      %gather3A = arith.constant 0 : i32
      %gather3A_525 = arith.constant 0 : i32
      %gather3A_526 = arith.constant 0 : i32
      %gather3A_527 = tpu.memref_slice %arg8[%gather3A, %gather3A_525, %gather3A_526] : memref<2x128x128xf32, #tpu.memory_space<vmem>> -> memref<1x128x128xf32, #tpu.memory_space<vmem>>
      %gather3A_528 = tpu.memref_squeeze %gather3A_527 : memref<1x128x128xf32, #tpu.memory_space<vmem>> -> memref<128x128xf32, #tpu.memory_space<vmem>>
      %gather3A_529 = tpu.vector_load_idx %gather3A_528[%add3A_63, %and3A_524] : memref<128x128xf32, #tpu.memory_space<vmem>>[vector<16xi32>, vector<16xi32>], vector<16xf32>,
      %scatter3A = arith.constant 0 : i32
      %scatter3A_530 = arith.constant 0 : i32
      %scatter3A_531 = arith.constant 0 : i32
      %scatter3A_532 = tpu.memref_slice %arg10[%scatter3A, %scatter3A_530, %scatter3A_531] : memref<2x64x128xf32, #tpu.memory_space<vmem>> -> memref<1x64x128xf32, #tpu.memory_space<vmem>>
      %scatter3A_533 = tpu.memref_squeeze %scatter3A_532 : memref<1x64x128xf32, #tpu.memory_space<vmem>> -> memref<64x128xf32, #tpu.memory_space<vmem>>
      tpu.vector_store_idx %scatter3A_533[%and3A_524, %add3A_63], %gather3A_529 : memref<64x128xf32, #tpu.memory_space<vmem>>[vector<16xi32>, vector<16xi32>], vector<16xf32>,
      %gather3A_534 = arith.constant 0 : i32
      %gather3A_535 = arith.constant 0 : i32
      %gather3A_536 = arith.constant 0 : i32
      %gather3A_537 = tpu.memref_slice %arg8[%gather3A_534, %gather3A_535, %gather3A_536] : memref<2x128x128xf32, #tpu.memory_space<vmem>> -> memref<1x128x128xf32, #tpu.memory_space<vmem>>
      %gather3A_538 = tpu.memref_squeeze %gather3A_537 : memref<1x128x128xf32, #tpu.memory_space<vmem>> -> memref<128x128xf32, #tpu.memory_space<vmem>>
      %gather3A_539 = tpu.vector_load_idx %gather3A_538[%add3A_66, %and3A_524] : memref<128x128xf32, #tpu.memory_space<vmem>>[vector<16xi32>, vector<16xi32>], vector<16xf32>,
      %scatter3A_540 = arith.constant 0 : i32
      %scatter3A_541 = arith.constant 0 : i32
      %scatter3A_542 = arith.constant 0 : i32
      %scatter3A_543 = tpu.memref_slice %arg10[%scatter3A_540, %scatter3A_541, %scatter3A_542] : memref<2x64x128xf32, #tpu.memory_space<vmem>> -> memref<1x64x128xf32, #tpu.memory_space<vmem>>
      %scatter3A_544 = tpu.memref_squeeze %scatter3A_543 : memref<1x64x128xf32, #tpu.memory_space<vmem>> -> memref<64x128xf32, #tpu.memory_space<vmem>>
      tpu.vector_store_idx %scatter3A_544[%and3A_524, %add3A_66], %gather3A_539 : memref<64x128xf32, #tpu.memory_space<vmem>>[vector<16xi32>, vector<16xi32>], vector<16xf32>,
      %gather3A_545 = arith.constant 0 : i32
      %gather3A_546 = arith.constant 0 : i32
      %gather3A_547 = arith.constant 0 : i32
      %gather3A_548 = tpu.memref_slice %arg8[%gather3A_545, %gather3A_546, %gather3A_547] : memref<2x128x128xf32, #tpu.memory_space<vmem>> -> memref<1x128x128xf32, #tpu.memory_space<vmem>>
      %gather3A_549 = tpu.memref_squeeze %gather3A_548 : memref<1x128x128xf32, #tpu.memory_space<vmem>> -> memref<128x128xf32, #tpu.memory_space<vmem>>
      %gather3A_550 = tpu.vector_load_idx %gather3A_549[%add3A_69, %and3A_524] : memref<128x128xf32, #tpu.memory_space<vmem>>[vector<16xi32>, vector<16xi32>], vector<16xf32>,
      %scatter3A_551 = arith.constant 0 : i32
      %scatter3A_552 = arith.constant 0 : i32
      %scatter3A_553 = arith.constant 0 : i32
      %scatter3A_554 = tpu.memref_slice %arg10[%scatter3A_551, %scatter3A_552, %scatter3A_553] : memref<2x64x128xf32, #tpu.memory_space<vmem>> -> memref<1x64x128xf32, #tpu.memory_space<vmem>>
      %scatter3A_555 = tpu.memref_squeeze %scatter3A_554 : memref<1x64x128xf32, #tpu.memory_space<vmem>> -> memref<64x128xf32, #tpu.memory_space<vmem>>
      tpu.vector_store_idx %scatter3A_555[%and3A_524, %add3A_69], %gather3A_550 : memref<64x128xf32, #tpu.memory_space<vmem>>[vector<16xi32>, vector<16xi32>], vector<16xf32>,
      %gather3A_556 = arith.constant 0 : i32
      %gather3A_557 = arith.constant 0 : i32
      %gather3A_558 = arith.constant 0 : i32
      %gather3A_559 = tpu.memref_slice %arg8[%gather3A_556, %gather3A_557, %gather3A_558] : memref<2x128x128xf32, #tpu.memory_space<vmem>> -> memref<1x128x128xf32, #tpu.memory_space<vmem>>
      %gather3A_560 = tpu.memref_squeeze %gather3A_559 : memref<1x128x128xf32, #tpu.memory_space<vmem>> -> memref<128x128xf32, #tpu.memory_space<vmem>>
      %gather3A_561 = tpu.vector_load_idx %gather3A_560[%add3A_72, %and3A_524] : memref<128x128xf32, #tpu.memory_space<vmem>>[vector<16xi32>, vector<16xi32>], vector<16xf32>,
      %scatter3A_562 = arith.constant 0 : i32
      %scatter3A_563 = arith.constant 0 : i32
      %scatter3A_564 = arith.constant 0 : i32
      %scatter3A_565 = tpu.memref_slice %arg10[%scatter3A_562, %scatter3A_563, %scatter3A_564] : memref<2x64x128xf32, #tpu.memory_space<vmem>> -> memref<1x64x128xf32, #tpu.memory_space<vmem>>
      %scatter3A_566 = tpu.memref_squeeze %scatter3A_565 : memref<1x64x128xf32, #tpu.memory_space<vmem>> -> memref<64x128xf32, #tpu.memory_space<vmem>>
      tpu.vector_store_idx %scatter3A_566[%and3A_524, %add3A_72], %gather3A_561 : memref<64x128xf32, #tpu.memory_space<vmem>>[vector<16xi32>, vector<16xi32>], vector<16xf32>,
      %gather3A_567 = arith.constant 0 : i32
      %gather3A_568 = arith.constant 0 : i32
      %gather3A_569 = arith.constant 0 : i32
      %gather3A_570 = tpu.memref_slice %arg8[%gather3A_567, %gather3A_568, %gather3A_569] : memref<2x128x128xf32, #tpu.memory_space<vmem>> -> memref<1x128x128xf32, #tpu.memory_space<vmem>>
      %gather3A_571 = tpu.memref_squeeze %gather3A_570 : memref<1x128x128xf32, #tpu.memory_space<vmem>> -> memref<128x128xf32, #tpu.memory_space<vmem>>
      %gather3A_572 = tpu.vector_load_idx %gather3A_571[%add3A_75, %and3A_524] : memref<128x128xf32, #tpu.memory_space<vmem>>[vector<16xi32>, vector<16xi32>], vector<16xf32>,
      %scatter3A_573 = arith.constant 0 : i32
      %scatter3A_574 = arith.constant 0 : i32
      %scatter3A_575 = arith.constant 0 : i32
      %scatter3A_576 = tpu.memref_slice %arg10[%scatter3A_573, %scatter3A_574, %scatter3A_575] : memref<2x64x128xf32, #tpu.memory_space<vmem>> -> memref<1x64x128xf32, #tpu.memory_space<vmem>>
      %scatter3A_577 = tpu.memref_squeeze %scatter3A_576 : memref<1x64x128xf32, #tpu.memory_space<vmem>> -> memref<64x128xf32, #tpu.memory_space<vmem>>
      tpu.vector_store_idx %scatter3A_577[%and3A_524, %add3A_75], %gather3A_572 : memref<64x128xf32, #tpu.memory_space<vmem>>[vector<16xi32>, vector<16xi32>], vector<16xf32>,
      %gather3A_578 = arith.constant 0 : i32
      %gather3A_579 = arith.constant 0 : i32
      %gather3A_580 = arith.constant 0 : i32
      %gather3A_581 = tpu.memref_slice %arg8[%gather3A_578, %gather3A_579, %gather3A_580] : memref<2x128x128xf32, #tpu.memory_space<vmem>> -> memref<1x128x128xf32, #tpu.memory_space<vmem>>
      %gather3A_582 = tpu.memref_squeeze %gather3A_581 : memref<1x128x128xf32, #tpu.memory_space<vmem>> -> memref<128x128xf32, #tpu.memory_space<vmem>>
      %gather3A_583 = tpu.vector_load_idx %gather3A_582[%add3A_78, %and3A_524] : memref<128x128xf32, #tpu.memory_space<vmem>>[vector<16xi32>, vector<16xi32>], vector<16xf32>,
      %scatter3A_584 = arith.constant 0 : i32
      %scatter3A_585 = arith.constant 0 : i32
      %scatter3A_586 = arith.constant 0 : i32
      %scatter3A_587 = tpu.memref_slice %arg10[%scatter3A_584, %scatter3A_585, %scatter3A_586] : memref<2x64x128xf32, #tpu.memory_space<vmem>> -> memref<1x64x128xf32, #tpu.memory_space<vmem>>
      %scatter3A_588 = tpu.memref_squeeze %scatter3A_587 : memref<1x64x128xf32, #tpu.memory_space<vmem>> -> memref<64x128xf32, #tpu.memory_space<vmem>>
      tpu.vector_store_idx %scatter3A_588[%and3A_524, %add3A_78], %gather3A_583 : memref<64x128xf32, #tpu.memory_space<vmem>>[vector<16xi32>, vector<16xi32>], vector<16xf32>,
      %gather3A_589 = arith.constant 0 : i32
      %gather3A_590 = arith.constant 0 : i32
      %gather3A_591 = arith.constant 0 : i32
      %gather3A_592 = tpu.memref_slice %arg8[%gather3A_589, %gather3A_590, %gather3A_591] : memref<2x128x128xf32, #tpu.memory_space<vmem>> -> memref<1x128x128xf32, #tpu.memory_space<vmem>>
      %gather3A_593 = tpu.memref_squeeze %gather3A_592 : memref<1x128x128xf32, #tpu.memory_space<vmem>> -> memref<128x128xf32, #tpu.memory_space<vmem>>
      %gather3A_594 = tpu.vector_load_idx %gather3A_593[%add3A_81, %and3A_524] : memref<128x128xf32, #tpu.memory_space<vmem>>[vector<16xi32>, vector<16xi32>], vector<16xf32>,
      %scatter3A_595 = arith.constant 0 : i32
      %scatter3A_596 = arith.constant 0 : i32
      %scatter3A_597 = arith.constant 0 : i32
      %scatter3A_598 = tpu.memref_slice %arg10[%scatter3A_595, %scatter3A_596, %scatter3A_597] : memref<2x64x128xf32, #tpu.memory_space<vmem>> -> memref<1x64x128xf32, #tpu.memory_space<vmem>>
      %scatter3A_599 = tpu.memref_squeeze %scatter3A_598 : memref<1x64x128xf32, #tpu.memory_space<vmem>> -> memref<64x128xf32, #tpu.memory_space<vmem>>
      tpu.vector_store_idx %scatter3A_599[%and3A_524, %add3A_81], %gather3A_594 : memref<64x128xf32, #tpu.memory_space<vmem>>[vector<16xi32>, vector<16xi32>], vector<16xf32>,
      %gather3A_600 = arith.constant 0 : i32
      %gather3A_601 = arith.constant 0 : i32
      %gather3A_602 = arith.constant 0 : i32
      %gather3A_603 = tpu.memref_slice %arg8[%gather3A_600, %gather3A_601, %gather3A_602] : memref<2x128x128xf32, #tpu.memory_space<vmem>> -> memref<1x128x128xf32, #tpu.memory_space<vmem>>
      %gather3A_604 = tpu.memref_squeeze %gather3A_603 : memref<1x128x128xf32, #tpu.memory_space<vmem>> -> memref<128x128xf32, #tpu.memory_space<vmem>>
      %gather3A_605 = tpu.vector_load_idx %gather3A_604[%add3A_84, %and3A_524] : memref<128x128xf32, #tpu.memory_space<vmem>>[vector<16xi32>, vector<16xi32>], vector<16xf32>,
      %scatter3A_606 = arith.constant 0 : i32
      %scatter3A_607 = arith.constant 0 : i32
      %scatter3A_608 = arith.constant 0 : i32
      %scatter3A_609 = tpu.memref_slice %arg10[%scatter3A_606, %scatter3A_607, %scatter3A_608] : memref<2x64x128xf32, #tpu.memory_space<vmem>> -> memref<1x64x128xf32, #tpu.memory_space<vmem>>
      %scatter3A_610 = tpu.memref_squeeze %scatter3A_609 : memref<1x64x128xf32, #tpu.memory_space<vmem>> -> memref<64x128xf32, #tpu.memory_space<vmem>>
      tpu.vector_store_idx %scatter3A_610[%and3A_524, %add3A_84], %gather3A_605 : memref<64x128xf32, #tpu.memory_space<vmem>>[vector<16xi32>, vector<16xi32>], vector<16xf32>,
      %scan3A_611 = arith.constant 1 : i32
      %scan3A_612 = arith.addi %scan3A_520, %scan3A_611 : i32
      %add3A_613 = vector.broadcast %scan3A_612 : i32 to vector<16xi32>
      %add3A_614 = arith.addi %iota3A, %add3A_613 : vector<16xi32>
      %and3A_615 = arith.constant 63 : i32
      %and3A_616 = vector.broadcast %and3A_615 : i32 to vector<16xi32>
      %and3A_617 = arith.andi %add3A_614, %and3A_616 : vector<16xi32>
      %gather3A_618 = arith.constant 0 : i32
      %gather3A_619 = arith.constant 0 : i32
      %gather3A_620 = arith.constant 0 : i32
      %gather3A_621 = tpu.memref_slice %arg8[%gather3A_618, %gather3A_619, %gather3A_620] : memref<2x128x128xf32, #tpu.memory_space<vmem>> -> memref<1x128x128xf32, #tpu.memory_space<vmem>>
      %gather3A_622 = tpu.memref_squeeze %gather3A_621 : memref<1x128x128xf32, #tpu.memory_space<vmem>> -> memref<128x128xf32, #tpu.memory_space<vmem>>
      %gather3A_623 = tpu.vector_load_idx %gather3A_622[%add3A_63, %and3A_617] : memref<128x128xf32, #tpu.memory_space<vmem>>[vector<16xi32>, vector<16xi32>], vector<16xf32>,
      %scatter3A_624 = arith.constant 0 : i32
      %scatter3A_625 = arith.constant 0 : i32
      %scatter3A_626 = arith.constant 0 : i32
      %scatter3A_627 = tpu.memref_slice %arg10[%scatter3A_624, %scatter3A_625, %scatter3A_626] : memref<2x64x128xf32, #tpu.memory_space<vmem>> -> memref<1x64x128xf32, #tpu.memory_space<vmem>>
      %scatter3A_628 = tpu.memref_squeeze %scatter3A_627 : memref<1x64x128xf32, #tpu.memory_space<vmem>> -> memref<64x128xf32, #tpu.memory_space<vmem>>
      tpu.vector_store_idx %scatter3A_628[%and3A_617, %add3A_63], %gather3A_623 : memref<64x128xf32, #tpu.memory_space<vmem>>[vector<16xi32>, vector<16xi32>], vector<16xf32>,
      %gather3A_629 = arith.constant 0 : i32
      %gather3A_630 = arith.constant 0 : i32
      %gather3A_631 = arith.constant 0 : i32
      %gather3A_632 = tpu.memref_slice %arg8[%gather3A_629, %gather3A_630, %gather3A_631] : memref<2x128x128xf32, #tpu.memory_space<vmem>> -> memref<1x128x128xf32, #tpu.memory_space<vmem>>
      %gather3A_633 = tpu.memref_squeeze %gather3A_632 : memref<1x128x128xf32, #tpu.memory_space<vmem>> -> memref<128x128xf32, #tpu.memory_space<vmem>>
      %gather3A_634 = tpu.vector_load_idx %gather3A_633[%add3A_66, %and3A_617] : memref<128x128xf32, #tpu.memory_space<vmem>>[vector<16xi32>, vector<16xi32>], vector<16xf32>,
      %scatter3A_635 = arith.constant 0 : i32
      %scatter3A_636 = arith.constant 0 : i32
      %scatter3A_637 = arith.constant 0 : i32
      %scatter3A_638 = tpu.memref_slice %arg10[%scatter3A_635, %scatter3A_636, %scatter3A_637] : memref<2x64x128xf32, #tpu.memory_space<vmem>> -> memref<1x64x128xf32, #tpu.memory_space<vmem>>
      %scatter3A_639 = tpu.memref_squeeze %scatter3A_638 : memref<1x64x128xf32, #tpu.memory_space<vmem>> -> memref<64x128xf32, #tpu.memory_space<vmem>>
      tpu.vector_store_idx %scatter3A_639[%and3A_617, %add3A_66], %gather3A_634 : memref<64x128xf32, #tpu.memory_space<vmem>>[vector<16xi32>, vector<16xi32>], vector<16xf32>,
      %gather3A_640 = arith.constant 0 : i32
      %gather3A_641 = arith.constant 0 : i32
      %gather3A_642 = arith.constant 0 : i32
      %gather3A_643 = tpu.memref_slice %arg8[%gather3A_640, %gather3A_641, %gather3A_642] : memref<2x128x128xf32, #tpu.memory_space<vmem>> -> memref<1x128x128xf32, #tpu.memory_space<vmem>>
      %gather3A_644 = tpu.memref_squeeze %gather3A_643 : memref<1x128x128xf32, #tpu.memory_space<vmem>> -> memref<128x128xf32, #tpu.memory_space<vmem>>
      %gather3A_645 = tpu.vector_load_idx %gather3A_644[%add3A_69, %and3A_617] : memref<128x128xf32, #tpu.memory_space<vmem>>[vector<16xi32>, vector<16xi32>], vector<16xf32>,
      %scatter3A_646 = arith.constant 0 : i32
      %scatter3A_647 = arith.constant 0 : i32
      %scatter3A_648 = arith.constant 0 : i32
      %scatter3A_649 = tpu.memref_slice %arg10[%scatter3A_646, %scatter3A_647, %scatter3A_648] : memref<2x64x128xf32, #tpu.memory_space<vmem>> -> memref<1x64x128xf32, #tpu.memory_space<vmem>>
      %scatter3A_650 = tpu.memref_squeeze %scatter3A_649 : memref<1x64x128xf32, #tpu.memory_space<vmem>> -> memref<64x128xf32, #tpu.memory_space<vmem>>
      tpu.vector_store_idx %scatter3A_650[%and3A_617, %add3A_69], %gather3A_645 : memref<64x128xf32, #tpu.memory_space<vmem>>[vector<16xi32>, vector<16xi32>], vector<16xf32>,
      %gather3A_651 = arith.constant 0 : i32
      %gather3A_652 = arith.constant 0 : i32
      %gather3A_653 = arith.constant 0 : i32
      %gather3A_654 = tpu.memref_slice %arg8[%gather3A_651, %gather3A_652, %gather3A_653] : memref<2x128x128xf32, #tpu.memory_space<vmem>> -> memref<1x128x128xf32, #tpu.memory_space<vmem>>
      %gather3A_655 = tpu.memref_squeeze %gather3A_654 : memref<1x128x128xf32, #tpu.memory_space<vmem>> -> memref<128x128xf32, #tpu.memory_space<vmem>>
      %gather3A_656 = tpu.vector_load_idx %gather3A_655[%add3A_72, %and3A_617] : memref<128x128xf32, #tpu.memory_space<vmem>>[vector<16xi32>, vector<16xi32>], vector<16xf32>,
      %scatter3A_657 = arith.constant 0 : i32
      %scatter3A_658 = arith.constant 0 : i32
      %scatter3A_659 = arith.constant 0 : i32
      %scatter3A_660 = tpu.memref_slice %arg10[%scatter3A_657, %scatter3A_658, %scatter3A_659] : memref<2x64x128xf32, #tpu.memory_space<vmem>> -> memref<1x64x128xf32, #tpu.memory_space<vmem>>
      %scatter3A_661 = tpu.memref_squeeze %scatter3A_660 : memref<1x64x128xf32, #tpu.memory_space<vmem>> -> memref<64x128xf32, #tpu.memory_space<vmem>>
      tpu.vector_store_idx %scatter3A_661[%and3A_617, %add3A_72], %gather3A_656 : memref<64x128xf32, #tpu.memory_space<vmem>>[vector<16xi32>, vector<16xi32>], vector<16xf32>,
      %gather3A_662 = arith.constant 0 : i32
      %gather3A_663 = arith.constant 0 : i32
      %gather3A_664 = arith.constant 0 : i32
      %gather3A_665 = tpu.memref_slice %arg8[%gather3A_662, %gather3A_663, %gather3A_664] : memref<2x128x128xf32, #tpu.memory_space<vmem>> -> memref<1x128x128xf32, #tpu.memory_space<vmem>>
      %gather3A_666 = tpu.memref_squeeze %gather3A_665 : memref<1x128x128xf32, #tpu.memory_space<vmem>> -> memref<128x128xf32, #tpu.memory_space<vmem>>
      %gather3A_667 = tpu.vector_load_idx %gather3A_666[%add3A_75, %and3A_617] : memref<128x128xf32, #tpu.memory_space<vmem>>[vector<16xi32>, vector<16xi32>], vector<16xf32>,
      %scatter3A_668 = arith.constant 0 : i32
      %scatter3A_669 = arith.constant 0 : i32
      %scatter3A_670 = arith.constant 0 : i32
      %scatter3A_671 = tpu.memref_slice %arg10[%scatter3A_668, %scatter3A_669, %scatter3A_670] : memref<2x64x128xf32, #tpu.memory_space<vmem>> -> memref<1x64x128xf32, #tpu.memory_space<vmem>>
      %scatter3A_672 = tpu.memref_squeeze %scatter3A_671 : memref<1x64x128xf32, #tpu.memory_space<vmem>> -> memref<64x128xf32, #tpu.memory_space<vmem>>
      tpu.vector_store_idx %scatter3A_672[%and3A_617, %add3A_75], %gather3A_667 : memref<64x128xf32, #tpu.memory_space<vmem>>[vector<16xi32>, vector<16xi32>], vector<16xf32>,
      %gather3A_673 = arith.constant 0 : i32
      %gather3A_674 = arith.constant 0 : i32
      %gather3A_675 = arith.constant 0 : i32
      %gather3A_676 = tpu.memref_slice %arg8[%gather3A_673, %gather3A_674, %gather3A_675] : memref<2x128x128xf32, #tpu.memory_space<vmem>> -> memref<1x128x128xf32, #tpu.memory_space<vmem>>
      %gather3A_677 = tpu.memref_squeeze %gather3A_676 : memref<1x128x128xf32, #tpu.memory_space<vmem>> -> memref<128x128xf32, #tpu.memory_space<vmem>>
      %gather3A_678 = tpu.vector_load_idx %gather3A_677[%add3A_78, %and3A_617] : memref<128x128xf32, #tpu.memory_space<vmem>>[vector<16xi32>, vector<16xi32>], vector<16xf32>,
      %scatter3A_679 = arith.constant 0 : i32
      %scatter3A_680 = arith.constant 0 : i32
      %scatter3A_681 = arith.constant 0 : i32
      %scatter3A_682 = tpu.memref_slice %arg10[%scatter3A_679, %scatter3A_680, %scatter3A_681] : memref<2x64x128xf32, #tpu.memory_space<vmem>> -> memref<1x64x128xf32, #tpu.memory_space<vmem>>
      %scatter3A_683 = tpu.memref_squeeze %scatter3A_682 : memref<1x64x128xf32, #tpu.memory_space<vmem>> -> memref<64x128xf32, #tpu.memory_space<vmem>>
      tpu.vector_store_idx %scatter3A_683[%and3A_617, %add3A_78], %gather3A_678 : memref<64x128xf32, #tpu.memory_space<vmem>>[vector<16xi32>, vector<16xi32>], vector<16xf32>,
      %gather3A_684 = arith.constant 0 : i32
      %gather3A_685 = arith.constant 0 : i32
      %gather3A_686 = arith.constant 0 : i32
      %gather3A_687 = tpu.memref_slice %arg8[%gather3A_684, %gather3A_685, %gather3A_686] : memref<2x128x128xf32, #tpu.memory_space<vmem>> -> memref<1x128x128xf32, #tpu.memory_space<vmem>>
      %gather3A_688 = tpu.memref_squeeze %gather3A_687 : memref<1x128x128xf32, #tpu.memory_space<vmem>> -> memref<128x128xf32, #tpu.memory_space<vmem>>
      %gather3A_689 = tpu.vector_load_idx %gather3A_688[%add3A_81, %and3A_617] : memref<128x128xf32, #tpu.memory_space<vmem>>[vector<16xi32>, vector<16xi32>], vector<16xf32>,
      %scatter3A_690 = arith.constant 0 : i32
      %scatter3A_691 = arith.constant 0 : i32
      %scatter3A_692 = arith.constant 0 : i32
      %scatter3A_693 = tpu.memref_slice %arg10[%scatter3A_690, %scatter3A_691, %scatter3A_692] : memref<2x64x128xf32, #tpu.memory_space<vmem>> -> memref<1x64x128xf32, #tpu.memory_space<vmem>>
      %scatter3A_694 = tpu.memref_squeeze %scatter3A_693 : memref<1x64x128xf32, #tpu.memory_space<vmem>> -> memref<64x128xf32, #tpu.memory_space<vmem>>
      tpu.vector_store_idx %scatter3A_694[%and3A_617, %add3A_81], %gather3A_689 : memref<64x128xf32, #tpu.memory_space<vmem>>[vector<16xi32>, vector<16xi32>], vector<16xf32>,
      %gather3A_695 = arith.constant 0 : i32
      %gather3A_696 = arith.constant 0 : i32
      %gather3A_697 = arith.constant 0 : i32
      %gather3A_698 = tpu.memref_slice %arg8[%gather3A_695, %gather3A_696, %gather3A_697] : memref<2x128x128xf32, #tpu.memory_space<vmem>> -> memref<1x128x128xf32, #tpu.memory_space<vmem>>
      %gather3A_699 = tpu.memref_squeeze %gather3A_698 : memref<1x128x128xf32, #tpu.memory_space<vmem>> -> memref<128x128xf32, #tpu.memory_space<vmem>>
      %gather3A_700 = tpu.vector_load_idx %gather3A_699[%add3A_84, %and3A_617] : memref<128x128xf32, #tpu.memory_space<vmem>>[vector<16xi32>, vector<16xi32>], vector<16xf32>,
      %scatter3A_701 = arith.constant 0 : i32
      %scatter3A_702 = arith.constant 0 : i32
      %scatter3A_703 = arith.constant 0 : i32
      %scatter3A_704 = tpu.memref_slice %arg10[%scatter3A_701, %scatter3A_702, %scatter3A_703] : memref<2x64x128xf32, #tpu.memory_space<vmem>> -> memref<1x64x128xf32, #tpu.memory_space<vmem>>
      %scatter3A_705 = tpu.memref_squeeze %scatter3A_704 : memref<1x64x128xf32, #tpu.memory_space<vmem>> -> memref<64x128xf32, #tpu.memory_space<vmem>>
      tpu.vector_store_idx %scatter3A_705[%and3A_617, %add3A_84], %gather3A_700 : memref<64x128xf32, #tpu.memory_space<vmem>>[vector<16xi32>, vector<16xi32>], vector<16xf32>,
    }
    %scan3A_95 = arith.constant 64 : i32
    %add3A_96 = arith.constant 0 : i32
    %add3A_97 = arith.addi %mul3A_2, %add3A_96 : i32
    %dma_start3A_98 = arith.constant 0 : i32
    %dma_start3A_99 = arith.constant 0 : i32
    %dma_start3A_100 = arith.constant 0 : i32
    %dma_start3A_101 = tpu.memref_slice %arg9[%dma_start3A_98, %dma_start3A_99, %dma_start3A_100] : memref<2x128x128xf32, #tpu.memory_space<vmem>> -> memref<1x128x128xf32, #tpu.memory_space<vmem>>
    %dma_start3A_102 = tpu.memref_squeeze %dma_start3A_101 : memref<1x128x128xf32, #tpu.memory_space<vmem>> -> memref<128x128xf32, #tpu.memory_space<vmem>>
    %dma_start3A_103 = arith.constant 0 : i32
    %dma_start3A_104 = tpu.memref_slice %arg5[%dma_start3A_103, %add3A_97] : memref<192x16384xf32, #tpu.memory_space<hbm>> -> memref<128x128xf32, #tpu.memory_space<hbm>>
    %dma_start3A_105 = arith.constant 0 : i32
    %dma_start3A_106 = tpu.memref_slice %arg5[%dma_start3A_105, %add3A_97] : memref<192x16384xf32, #tpu.memory_space<hbm>> -> memref<128x128xf32, #tpu.memory_space<hbm>>
    %dma_start3A_107 = arith.constant 0 : i32
    %dma_start3A_108 = arith.constant 0 : i32
    %dma_start3A_109 = tpu.memref_slice %arg9[%dma_start3A_98, %dma_start3A_107, %dma_start3A_108] : memref<2x128x128xf32, #tpu.memory_space<vmem>> -> memref<1x128x128xf32, #tpu.memory_space<vmem>>
    %dma_start3A_110 = tpu.memref_squeeze %dma_start3A_109 : memref<1x128x128xf32, #tpu.memory_space<vmem>> -> memref<128x128xf32, #tpu.memory_space<vmem>>
    tpu.enqueue_dma source(%dma_start3A_110 : memref<128x128xf32, #tpu.memory_space<vmem>>) target(%dma_start3A_106 : memref<128x128xf32, #tpu.memory_space<hbm>>) target_semaphore(%arg13 : memref<!tpu.dma_semaphore, #tpu.memory_space<semaphore_mem>>)
    %dma_start3A_111 = arith.constant 0 : i32
    %dma_start3A_112 = arith.constant 0 : i32
    %dma_start3A_113 = arith.constant 0 : i32
    %dma_start3A_114 = tpu.memref_slice %arg10[%dma_start3A_111, %dma_start3A_112, %dma_start3A_113] : memref<2x64x128xf32, #tpu.memory_space<vmem>> -> memref<1x64x128xf32, #tpu.memory_space<vmem>>
    %dma_start3A_115 = tpu.memref_squeeze %dma_start3A_114 : memref<1x64x128xf32, #tpu.memory_space<vmem>> -> memref<64x128xf32, #tpu.memory_space<vmem>>
    %dma_start3A_116 = arith.constant 128 : i32
    %dma_start3A_117 = tpu.memref_slice %arg5[%dma_start3A_116, %add3A_97] : memref<192x16384xf32, #tpu.memory_space<hbm>> -> memref<64x128xf32, #tpu.memory_space<hbm>>
    %dma_start3A_118 = arith.constant 128 : i32
    %dma_start3A_119 = tpu.memref_slice %arg5[%dma_start3A_118, %add3A_97] : memref<192x16384xf32, #tpu.memory_space<hbm>> -> memref<64x128xf32, #tpu.memory_space<hbm>>
    %dma_start3A_120 = arith.constant 0 : i32
    %dma_start3A_121 = arith.constant 0 : i32
    %dma_start3A_122 = tpu.memref_slice %arg10[%dma_start3A_111, %dma_start3A_120, %dma_start3A_121] : memref<2x64x128xf32, #tpu.memory_space<vmem>> -> memref<1x64x128xf32, #tpu.memory_space<vmem>>
    %dma_start3A_123 = tpu.memref_squeeze %dma_start3A_122 : memref<1x64x128xf32, #tpu.memory_space<vmem>> -> memref<64x128xf32, #tpu.memory_space<vmem>>
    tpu.enqueue_dma source(%dma_start3A_123 : memref<64x128xf32, #tpu.memory_space<vmem>>) target(%dma_start3A_119 : memref<64x128xf32, #tpu.memory_space<hbm>>) target_semaphore(%arg13 : memref<!tpu.dma_semaphore, #tpu.memory_space<semaphore_mem>>)
    %dma_wait3A_124 = arith.constant 1 : i32
    %dma_wait3A_125 = arith.constant 0 : i32
    %dma_wait3A_126 = arith.constant 0 : i32
    %dma_wait3A_127 = tpu.memref_slice %arg7[%dma_wait3A_124, %dma_wait3A_125, %dma_wait3A_126] : memref<2x128x128xf32, #tpu.memory_space<vmem>> -> memref<1x128x128xf32, #tpu.memory_space<vmem>>
    %dma_wait3A_128 = tpu.memref_squeeze %dma_wait3A_127 : memref<1x128x128xf32, #tpu.memory_space<vmem>> -> memref<128x128xf32, #tpu.memory_space<vmem>>
    %dma_wait3A_129 = arith.constant 128 : i32
    %dma_wait3A_130 = tpu.memref_slice %arg6[%dma_wait3A_129] : memref<512xi32, #tpu.memory_space<vmem>> -> memref<128xi32, #tpu.memory_space<vmem>>
    %dma_wait3A_131 = arith.constant 0 : i32
    %dma_wait3A_132 = arith.constant 0 : i32
    %dma_wait3A_133 = tpu.memref_slice %arg3[%dma_wait3A_131, %dma_wait3A_132] : memref<100000x128xf32, #tpu.memory_space<hbm>> -> memref<100000x128xf32, #tpu.memory_space<hbm>>
    tpu.wait_indirect_dma semaphore(%arg12 : memref<!tpu.dma_semaphore, #tpu.memory_space<semaphore_mem>>) src(%dma_wait3A_133 : memref<100000x128xf32, #tpu.memory_space<hbm>>) dst(%dma_wait3A_128 : memref<128x128xf32, #tpu.memory_space<vmem>>)
    %dma_wait3A_134 = arith.constant 1 : i32
    %dma_wait3A_135 = arith.constant 0 : i32
    %dma_wait3A_136 = arith.constant 0 : i32
    %dma_wait3A_137 = tpu.memref_slice %arg8[%dma_wait3A_134, %dma_wait3A_135, %dma_wait3A_136] : memref<2x128x128xf32, #tpu.memory_space<vmem>> -> memref<1x128x128xf32, #tpu.memory_space<vmem>>
    %dma_wait3A_138 = tpu.memref_squeeze %dma_wait3A_137 : memref<1x128x128xf32, #tpu.memory_space<vmem>> -> memref<128x128xf32, #tpu.memory_space<vmem>>
    %dma_wait3A_139 = arith.constant 128 : i32
    %dma_wait3A_140 = tpu.memref_slice %arg6[%dma_wait3A_139] : memref<512xi32, #tpu.memory_space<vmem>> -> memref<128xi32, #tpu.memory_space<vmem>>
    %dma_wait3A_141 = arith.constant 0 : i32
    %dma_wait3A_142 = arith.constant 0 : i32
    %dma_wait3A_143 = tpu.memref_slice %arg4[%dma_wait3A_141, %dma_wait3A_142] : memref<100000x128xf32, #tpu.memory_space<hbm>> -> memref<100000x128xf32, #tpu.memory_space<hbm>>
    tpu.wait_indirect_dma semaphore(%arg12 : memref<!tpu.dma_semaphore, #tpu.memory_space<semaphore_mem>>) src(%dma_wait3A_143 : memref<100000x128xf32, #tpu.memory_space<hbm>>) dst(%dma_wait3A_138 : memref<128x128xf32, #tpu.memory_space<vmem>>)
    %dma_start3A_144 = arith.constant 0 : i32
    %dma_start3A_145 = arith.constant 0 : i32
    %dma_start3A_146 = arith.constant 0 : i32
    %dma_start3A_147 = tpu.memref_slice %arg7[%dma_start3A_144, %dma_start3A_145, %dma_start3A_146] : memref<2x128x128xf32, #tpu.memory_space<vmem>> -> memref<1x128x128xf32, #tpu.memory_space<vmem>>
    %dma_start3A_148 = tpu.memref_squeeze %dma_start3A_147 : memref<1x128x128xf32, #tpu.memory_space<vmem>> -> memref<128x128xf32, #tpu.memory_space<vmem>>
    %dma_start3A_149 = arith.constant 256 : i32
    %dma_start3A_150 = tpu.memref_slice %arg6[%dma_start3A_149] : memref<512xi32, #tpu.memory_space<vmem>> -> memref<128xi32, #tpu.memory_space<vmem>>
    %dma_start3A_151 = arith.constant 0 : i32
    %dma_start3A_152 = arith.constant 0 : i32
    %dma_start3A_153 = tpu.memref_slice %arg3[%dma_start3A_151, %dma_start3A_152] : memref<100000x128xf32, #tpu.memory_space<hbm>> -> memref<100000x128xf32, #tpu.memory_space<hbm>>
    tpu.enqueue_indirect_dma source(%dma_start3A_153 : memref<100000x128xf32, #tpu.memory_space<hbm>>) target(%dma_start3A_148 : memref<128x128xf32, #tpu.memory_space<vmem>>) offsets(%dma_start3A_150 : memref<128xi32, #tpu.memory_space<vmem>>) semaphore(%arg11 : memref<!tpu.dma_semaphore, #tpu.memory_space<semaphore_mem>>)
    %dma_start3A_154 = arith.constant 0 : i32
    %dma_start3A_155 = arith.constant 0 : i32
    %dma_start3A_156 = arith.constant 0 : i32
    %dma_start3A_157 = tpu.memref_slice %arg8[%dma_start3A_154, %dma_start3A_155, %dma_start3A_156] : memref<2x128x128xf32, #tpu.memory_space<vmem>> -> memref<1x128x128xf32, #tpu.memory_space<vmem>>
    %dma_start3A_158 = tpu.memref_squeeze %dma_start3A_157 : memref<1x128x128xf32, #tpu.memory_space<vmem>> -> memref<128x128xf32, #tpu.memory_space<vmem>>
    %dma_start3A_159 = arith.constant 256 : i32
    %dma_start3A_160 = tpu.memref_slice %arg6[%dma_start3A_159] : memref<512xi32, #tpu.memory_space<vmem>> -> memref<128xi32, #tpu.memory_space<vmem>>
    %dma_start3A_161 = arith.constant 0 : i32
    %dma_start3A_162 = arith.constant 0 : i32
    %dma_start3A_163 = tpu.memref_slice %arg4[%dma_start3A_161, %dma_start3A_162] : memref<100000x128xf32, #tpu.memory_space<hbm>> -> memref<100000x128xf32, #tpu.memory_space<hbm>>
    tpu.enqueue_indirect_dma source(%dma_start3A_163 : memref<100000x128xf32, #tpu.memory_space<hbm>>) target(%dma_start3A_158 : memref<128x128xf32, #tpu.memory_space<vmem>>) offsets(%dma_start3A_160 : memref<128xi32, #tpu.memory_space<vmem>>) semaphore(%arg11 : memref<!tpu.dma_semaphore, #tpu.memory_space<semaphore_mem>>)
    %add3A_164 = arith.constant 0 : i32
    %add3A_165 = vector.broadcast %add3A_164 : i32 to vector<16xi32>
    %add3A_166 = arith.addi %iota3A, %add3A_165 : vector<16xi32>
    %add3A_167 = arith.constant 16 : i32
    %add3A_168 = vector.broadcast %add3A_167 : i32 to vector<16xi32>
    %add3A_169 = arith.addi %iota3A, %add3A_168 : vector<16xi32>
    %add3A_170 = arith.constant 32 : i32
    %add3A_171 = vector.broadcast %add3A_170 : i32 to vector<16xi32>
    %add3A_172 = arith.addi %iota3A, %add3A_171 : vector<16xi32>
    %add3A_173 = arith.constant 48 : i32
    %add3A_174 = vector.broadcast %add3A_173 : i32 to vector<16xi32>
    %add3A_175 = arith.addi %iota3A, %add3A_174 : vector<16xi32>
    %add3A_176 = arith.constant 64 : i32
    %add3A_177 = vector.broadcast %add3A_176 : i32 to vector<16xi32>
    %add3A_178 = arith.addi %iota3A, %add3A_177 : vector<16xi32>
    %add3A_179 = arith.constant 80 : i32
    %add3A_180 = vector.broadcast %add3A_179 : i32 to vector<16xi32>
    %add3A_181 = arith.addi %iota3A, %add3A_180 : vector<16xi32>
    %add3A_182 = arith.constant 96 : i32
    %add3A_183 = vector.broadcast %add3A_182 : i32 to vector<16xi32>
    %add3A_184 = arith.addi %iota3A, %add3A_183 : vector<16xi32>
    %add3A_185 = arith.constant 112 : i32
    %add3A_186 = vector.broadcast %add3A_185 : i32 to vector<16xi32>
    %add3A_187 = arith.addi %iota3A, %add3A_186 : vector<16xi32>
    %scan3A_188 = arith.constant 0 : i32
    %scan3A_189 = arith.constant 0 : i32
    %scan3A_190 = arith.constant 128 : i32
    %scan3A_191 = arith.addi %scan3A_189, %scan3A_190 : i32
    %scan3A_192 = arith.constant 2 : i32
    scf.for %scan3A_520 = %scan3A_189 to %scan3A_191 step %scan3A_192  : i32 {
      %add3A_521 = vector.broadcast %scan3A_520 : i32 to vector<16xi32>
      %add3A_522 = arith.addi %iota3A, %add3A_521 : vector<16xi32>
      %and3A = arith.constant 127 : i32
      %and3A_523 = vector.broadcast %and3A : i32 to vector<16xi32>
      %and3A_524 = arith.andi %add3A_522, %and3A_523 : vector<16xi32>
      %gather3A = arith.constant 1 : i32
      %gather3A_525 = arith.constant 0 : i32
      %gather3A_526 = arith.constant 0 : i32
      %gather3A_527 = tpu.memref_slice %arg7[%gather3A, %gather3A_525, %gather3A_526] : memref<2x128x128xf32, #tpu.memory_space<vmem>> -> memref<1x128x128xf32, #tpu.memory_space<vmem>>
      %gather3A_528 = tpu.memref_squeeze %gather3A_527 : memref<1x128x128xf32, #tpu.memory_space<vmem>> -> memref<128x128xf32, #tpu.memory_space<vmem>>
      %gather3A_529 = tpu.vector_load_idx %gather3A_528[%add3A_166, %and3A_524] : memref<128x128xf32, #tpu.memory_space<vmem>>[vector<16xi32>, vector<16xi32>], vector<16xf32>,
      %scatter3A = arith.constant 1 : i32
      %scatter3A_530 = arith.constant 0 : i32
      %scatter3A_531 = arith.constant 0 : i32
      %scatter3A_532 = tpu.memref_slice %arg9[%scatter3A, %scatter3A_530, %scatter3A_531] : memref<2x128x128xf32, #tpu.memory_space<vmem>> -> memref<1x128x128xf32, #tpu.memory_space<vmem>>
      %scatter3A_533 = tpu.memref_squeeze %scatter3A_532 : memref<1x128x128xf32, #tpu.memory_space<vmem>> -> memref<128x128xf32, #tpu.memory_space<vmem>>
      tpu.vector_store_idx %scatter3A_533[%and3A_524, %add3A_166], %gather3A_529 : memref<128x128xf32, #tpu.memory_space<vmem>>[vector<16xi32>, vector<16xi32>], vector<16xf32>,
      %gather3A_534 = arith.constant 1 : i32
      %gather3A_535 = arith.constant 0 : i32
      %gather3A_536 = arith.constant 0 : i32
      %gather3A_537 = tpu.memref_slice %arg7[%gather3A_534, %gather3A_535, %gather3A_536] : memref<2x128x128xf32, #tpu.memory_space<vmem>> -> memref<1x128x128xf32, #tpu.memory_space<vmem>>
      %gather3A_538 = tpu.memref_squeeze %gather3A_537 : memref<1x128x128xf32, #tpu.memory_space<vmem>> -> memref<128x128xf32, #tpu.memory_space<vmem>>
      %gather3A_539 = tpu.vector_load_idx %gather3A_538[%add3A_169, %and3A_524] : memref<128x128xf32, #tpu.memory_space<vmem>>[vector<16xi32>, vector<16xi32>], vector<16xf32>,
      %scatter3A_540 = arith.constant 1 : i32
      %scatter3A_541 = arith.constant 0 : i32
      %scatter3A_542 = arith.constant 0 : i32
      %scatter3A_543 = tpu.memref_slice %arg9[%scatter3A_540, %scatter3A_541, %scatter3A_542] : memref<2x128x128xf32, #tpu.memory_space<vmem>> -> memref<1x128x128xf32, #tpu.memory_space<vmem>>
      %scatter3A_544 = tpu.memref_squeeze %scatter3A_543 : memref<1x128x128xf32, #tpu.memory_space<vmem>> -> memref<128x128xf32, #tpu.memory_space<vmem>>
      tpu.vector_store_idx %scatter3A_544[%and3A_524, %add3A_169], %gather3A_539 : memref<128x128xf32, #tpu.memory_space<vmem>>[vector<16xi32>, vector<16xi32>], vector<16xf32>,
      %gather3A_545 = arith.constant 1 : i32
      %gather3A_546 = arith.constant 0 : i32
      %gather3A_547 = arith.constant 0 : i32
      %gather3A_548 = tpu.memref_slice %arg7[%gather3A_545, %gather3A_546, %gather3A_547] : memref<2x128x128xf32, #tpu.memory_space<vmem>> -> memref<1x128x128xf32, #tpu.memory_space<vmem>>
      %gather3A_549 = tpu.memref_squeeze %gather3A_548 : memref<1x128x128xf32, #tpu.memory_space<vmem>> -> memref<128x128xf32, #tpu.memory_space<vmem>>
      %gather3A_550 = tpu.vector_load_idx %gather3A_549[%add3A_172, %and3A_524] : memref<128x128xf32, #tpu.memory_space<vmem>>[vector<16xi32>, vector<16xi32>], vector<16xf32>,
      %scatter3A_551 = arith.constant 1 : i32
      %scatter3A_552 = arith.constant 0 : i32
      %scatter3A_553 = arith.constant 0 : i32
      %scatter3A_554 = tpu.memref_slice %arg9[%scatter3A_551, %scatter3A_552, %scatter3A_553] : memref<2x128x128xf32, #tpu.memory_space<vmem>> -> memref<1x128x128xf32, #tpu.memory_space<vmem>>
      %scatter3A_555 = tpu.memref_squeeze %scatter3A_554 : memref<1x128x128xf32, #tpu.memory_space<vmem>> -> memref<128x128xf32, #tpu.memory_space<vmem>>
      tpu.vector_store_idx %scatter3A_555[%and3A_524, %add3A_172], %gather3A_550 : memref<128x128xf32, #tpu.memory_space<vmem>>[vector<16xi32>, vector<16xi32>], vector<16xf32>,
      %gather3A_556 = arith.constant 1 : i32
      %gather3A_557 = arith.constant 0 : i32
      %gather3A_558 = arith.constant 0 : i32
      %gather3A_559 = tpu.memref_slice %arg7[%gather3A_556, %gather3A_557, %gather3A_558] : memref<2x128x128xf32, #tpu.memory_space<vmem>> -> memref<1x128x128xf32, #tpu.memory_space<vmem>>
      %gather3A_560 = tpu.memref_squeeze %gather3A_559 : memref<1x128x128xf32, #tpu.memory_space<vmem>> -> memref<128x128xf32, #tpu.memory_space<vmem>>
      %gather3A_561 = tpu.vector_load_idx %gather3A_560[%add3A_175, %and3A_524] : memref<128x128xf32, #tpu.memory_space<vmem>>[vector<16xi32>, vector<16xi32>], vector<16xf32>,
      %scatter3A_562 = arith.constant 1 : i32
      %scatter3A_563 = arith.constant 0 : i32
      %scatter3A_564 = arith.constant 0 : i32
      %scatter3A_565 = tpu.memref_slice %arg9[%scatter3A_562, %scatter3A_563, %scatter3A_564] : memref<2x128x128xf32, #tpu.memory_space<vmem>> -> memref<1x128x128xf32, #tpu.memory_space<vmem>>
      %scatter3A_566 = tpu.memref_squeeze %scatter3A_565 : memref<1x128x128xf32, #tpu.memory_space<vmem>> -> memref<128x128xf32, #tpu.memory_space<vmem>>
      tpu.vector_store_idx %scatter3A_566[%and3A_524, %add3A_175], %gather3A_561 : memref<128x128xf32, #tpu.memory_space<vmem>>[vector<16xi32>, vector<16xi32>], vector<16xf32>,
      %gather3A_567 = arith.constant 1 : i32
      %gather3A_568 = arith.constant 0 : i32
      %gather3A_569 = arith.constant 0 : i32
      %gather3A_570 = tpu.memref_slice %arg7[%gather3A_567, %gather3A_568, %gather3A_569] : memref<2x128x128xf32, #tpu.memory_space<vmem>> -> memref<1x128x128xf32, #tpu.memory_space<vmem>>
      %gather3A_571 = tpu.memref_squeeze %gather3A_570 : memref<1x128x128xf32, #tpu.memory_space<vmem>> -> memref<128x128xf32, #tpu.memory_space<vmem>>
      %gather3A_572 = tpu.vector_load_idx %gather3A_571[%add3A_178, %and3A_524] : memref<128x128xf32, #tpu.memory_space<vmem>>[vector<16xi32>, vector<16xi32>], vector<16xf32>,
      %scatter3A_573 = arith.constant 1 : i32
      %scatter3A_574 = arith.constant 0 : i32
      %scatter3A_575 = arith.constant 0 : i32
      %scatter3A_576 = tpu.memref_slice %arg9[%scatter3A_573, %scatter3A_574, %scatter3A_575] : memref<2x128x128xf32, #tpu.memory_space<vmem>> -> memref<1x128x128xf32, #tpu.memory_space<vmem>>
      %scatter3A_577 = tpu.memref_squeeze %scatter3A_576 : memref<1x128x128xf32, #tpu.memory_space<vmem>> -> memref<128x128xf32, #tpu.memory_space<vmem>>
      tpu.vector_store_idx %scatter3A_577[%and3A_524, %add3A_178], %gather3A_572 : memref<128x128xf32, #tpu.memory_space<vmem>>[vector<16xi32>, vector<16xi32>], vector<16xf32>,
      %gather3A_578 = arith.constant 1 : i32
      %gather3A_579 = arith.constant 0 : i32
      %gather3A_580 = arith.constant 0 : i32
      %gather3A_581 = tpu.memref_slice %arg7[%gather3A_578, %gather3A_579, %gather3A_580] : memref<2x128x128xf32, #tpu.memory_space<vmem>> -> memref<1x128x128xf32, #tpu.memory_space<vmem>>
      %gather3A_582 = tpu.memref_squeeze %gather3A_581 : memref<1x128x128xf32, #tpu.memory_space<vmem>> -> memref<128x128xf32, #tpu.memory_space<vmem>>
      %gather3A_583 = tpu.vector_load_idx %gather3A_582[%add3A_181, %and3A_524] : memref<128x128xf32, #tpu.memory_space<vmem>>[vector<16xi32>, vector<16xi32>], vector<16xf32>,
      %scatter3A_584 = arith.constant 1 : i32
      %scatter3A_585 = arith.constant 0 : i32
      %scatter3A_586 = arith.constant 0 : i32
      %scatter3A_587 = tpu.memref_slice %arg9[%scatter3A_584, %scatter3A_585, %scatter3A_586] : memref<2x128x128xf32, #tpu.memory_space<vmem>> -> memref<1x128x128xf32, #tpu.memory_space<vmem>>
      %scatter3A_588 = tpu.memref_squeeze %scatter3A_587 : memref<1x128x128xf32, #tpu.memory_space<vmem>> -> memref<128x128xf32, #tpu.memory_space<vmem>>
      tpu.vector_store_idx %scatter3A_588[%and3A_524, %add3A_181], %gather3A_583 : memref<128x128xf32, #tpu.memory_space<vmem>>[vector<16xi32>, vector<16xi32>], vector<16xf32>,
      %gather3A_589 = arith.constant 1 : i32
      %gather3A_590 = arith.constant 0 : i32
      %gather3A_591 = arith.constant 0 : i32
      %gather3A_592 = tpu.memref_slice %arg7[%gather3A_589, %gather3A_590, %gather3A_591] : memref<2x128x128xf32, #tpu.memory_space<vmem>> -> memref<1x128x128xf32, #tpu.memory_space<vmem>>
      %gather3A_593 = tpu.memref_squeeze %gather3A_592 : memref<1x128x128xf32, #tpu.memory_space<vmem>> -> memref<128x128xf32, #tpu.memory_space<vmem>>
      %gather3A_594 = tpu.vector_load_idx %gather3A_593[%add3A_184, %and3A_524] : memref<128x128xf32, #tpu.memory_space<vmem>>[vector<16xi32>, vector<16xi32>], vector<16xf32>,
      %scatter3A_595 = arith.constant 1 : i32
      %scatter3A_596 = arith.constant 0 : i32
      %scatter3A_597 = arith.constant 0 : i32
      %scatter3A_598 = tpu.memref_slice %arg9[%scatter3A_595, %scatter3A_596, %scatter3A_597] : memref<2x128x128xf32, #tpu.memory_space<vmem>> -> memref<1x128x128xf32, #tpu.memory_space<vmem>>
      %scatter3A_599 = tpu.memref_squeeze %scatter3A_598 : memref<1x128x128xf32, #tpu.memory_space<vmem>> -> memref<128x128xf32, #tpu.memory_space<vmem>>
      tpu.vector_store_idx %scatter3A_599[%and3A_524, %add3A_184], %gather3A_594 : memref<128x128xf32, #tpu.memory_space<vmem>>[vector<16xi32>, vector<16xi32>], vector<16xf32>,
      %gather3A_600 = arith.constant 1 : i32
      %gather3A_601 = arith.constant 0 : i32
      %gather3A_602 = arith.constant 0 : i32
      %gather3A_603 = tpu.memref_slice %arg7[%gather3A_600, %gather3A_601, %gather3A_602] : memref<2x128x128xf32, #tpu.memory_space<vmem>> -> memref<1x128x128xf32, #tpu.memory_space<vmem>>
      %gather3A_604 = tpu.memref_squeeze %gather3A_603 : memref<1x128x128xf32, #tpu.memory_space<vmem>> -> memref<128x128xf32, #tpu.memory_space<vmem>>
      %gather3A_605 = tpu.vector_load_idx %gather3A_604[%add3A_187, %and3A_524] : memref<128x128xf32, #tpu.memory_space<vmem>>[vector<16xi32>, vector<16xi32>], vector<16xf32>,
      %scatter3A_606 = arith.constant 1 : i32
      %scatter3A_607 = arith.constant 0 : i32
      %scatter3A_608 = arith.constant 0 : i32
      %scatter3A_609 = tpu.memref_slice %arg9[%scatter3A_606, %scatter3A_607, %scatter3A_608] : memref<2x128x128xf32, #tpu.memory_space<vmem>> -> memref<1x128x128xf32, #tpu.memory_space<vmem>>
      %scatter3A_610 = tpu.memref_squeeze %scatter3A_609 : memref<1x128x128xf32, #tpu.memory_space<vmem>> -> memref<128x128xf32, #tpu.memory_space<vmem>>
      tpu.vector_store_idx %scatter3A_610[%and3A_524, %add3A_187], %gather3A_605 : memref<128x128xf32, #tpu.memory_space<vmem>>[vector<16xi32>, vector<16xi32>], vector<16xf32>,
      %scan3A_611 = arith.constant 1 : i32
      %scan3A_612 = arith.addi %scan3A_520, %scan3A_611 : i32
      %add3A_613 = vector.broadcast %scan3A_612 : i32 to vector<16xi32>
      %add3A_614 = arith.addi %iota3A, %add3A_613 : vector<16xi32>
      %and3A_615 = arith.constant 127 : i32
      %and3A_616 = vector.broadcast %and3A_615 : i32 to vector<16xi32>
      %and3A_617 = arith.andi %add3A_614, %and3A_616 : vector<16xi32>
      %gather3A_618 = arith.constant 1 : i32
      %gather3A_619 = arith.constant 0 : i32
      %gather3A_620 = arith.constant 0 : i32
      %gather3A_621 = tpu.memref_slice %arg7[%gather3A_618, %gather3A_619, %gather3A_620] : memref<2x128x128xf32, #tpu.memory_space<vmem>> -> memref<1x128x128xf32, #tpu.memory_space<vmem>>
      %gather3A_622 = tpu.memref_squeeze %gather3A_621 : memref<1x128x128xf32, #tpu.memory_space<vmem>> -> memref<128x128xf32, #tpu.memory_space<vmem>>
      %gather3A_623 = tpu.vector_load_idx %gather3A_622[%add3A_166, %and3A_617] : memref<128x128xf32, #tpu.memory_space<vmem>>[vector<16xi32>, vector<16xi32>], vector<16xf32>,
      %scatter3A_624 = arith.constant 1 : i32
      %scatter3A_625 = arith.constant 0 : i32
      %scatter3A_626 = arith.constant 0 : i32
      %scatter3A_627 = tpu.memref_slice %arg9[%scatter3A_624, %scatter3A_625, %scatter3A_626] : memref<2x128x128xf32, #tpu.memory_space<vmem>> -> memref<1x128x128xf32, #tpu.memory_space<vmem>>
      %scatter3A_628 = tpu.memref_squeeze %scatter3A_627 : memref<1x128x128xf32, #tpu.memory_space<vmem>> -> memref<128x128xf32, #tpu.memory_space<vmem>>
      tpu.vector_store_idx %scatter3A_628[%and3A_617, %add3A_166], %gather3A_623 : memref<128x128xf32, #tpu.memory_space<vmem>>[vector<16xi32>, vector<16xi32>], vector<16xf32>,
      %gather3A_629 = arith.constant 1 : i32
      %gather3A_630 = arith.constant 0 : i32
      %gather3A_631 = arith.constant 0 : i32
      %gather3A_632 = tpu.memref_slice %arg7[%gather3A_629, %gather3A_630, %gather3A_631] : memref<2x128x128xf32, #tpu.memory_space<vmem>> -> memref<1x128x128xf32, #tpu.memory_space<vmem>>
      %gather3A_633 = tpu.memref_squeeze %gather3A_632 : memref<1x128x128xf32, #tpu.memory_space<vmem>> -> memref<128x128xf32, #tpu.memory_space<vmem>>
      %gather3A_634 = tpu.vector_load_idx %gather3A_633[%add3A_169, %and3A_617] : memref<128x128xf32, #tpu.memory_space<vmem>>[vector<16xi32>, vector<16xi32>], vector<16xf32>,
      %scatter3A_635 = arith.constant 1 : i32
      %scatter3A_636 = arith.constant 0 : i32
      %scatter3A_637 = arith.constant 0 : i32
      %scatter3A_638 = tpu.memref_slice %arg9[%scatter3A_635, %scatter3A_636, %scatter3A_637] : memref<2x128x128xf32, #tpu.memory_space<vmem>> -> memref<1x128x128xf32, #tpu.memory_space<vmem>>
      %scatter3A_639 = tpu.memref_squeeze %scatter3A_638 : memref<1x128x128xf32, #tpu.memory_space<vmem>> -> memref<128x128xf32, #tpu.memory_space<vmem>>
      tpu.vector_store_idx %scatter3A_639[%and3A_617, %add3A_169], %gather3A_634 : memref<128x128xf32, #tpu.memory_space<vmem>>[vector<16xi32>, vector<16xi32>], vector<16xf32>,
      %gather3A_640 = arith.constant 1 : i32
      %gather3A_641 = arith.constant 0 : i32
      %gather3A_642 = arith.constant 0 : i32
      %gather3A_643 = tpu.memref_slice %arg7[%gather3A_640, %gather3A_641, %gather3A_642] : memref<2x128x128xf32, #tpu.memory_space<vmem>> -> memref<1x128x128xf32, #tpu.memory_space<vmem>>
      %gather3A_644 = tpu.memref_squeeze %gather3A_643 : memref<1x128x128xf32, #tpu.memory_space<vmem>> -> memref<128x128xf32, #tpu.memory_space<vmem>>
      %gather3A_645 = tpu.vector_load_idx %gather3A_644[%add3A_172, %and3A_617] : memref<128x128xf32, #tpu.memory_space<vmem>>[vector<16xi32>, vector<16xi32>], vector<16xf32>,
      %scatter3A_646 = arith.constant 1 : i32
      %scatter3A_647 = arith.constant 0 : i32
      %scatter3A_648 = arith.constant 0 : i32
      %scatter3A_649 = tpu.memref_slice %arg9[%scatter3A_646, %scatter3A_647, %scatter3A_648] : memref<2x128x128xf32, #tpu.memory_space<vmem>> -> memref<1x128x128xf32, #tpu.memory_space<vmem>>
      %scatter3A_650 = tpu.memref_squeeze %scatter3A_649 : memref<1x128x128xf32, #tpu.memory_space<vmem>> -> memref<128x128xf32, #tpu.memory_space<vmem>>
      tpu.vector_store_idx %scatter3A_650[%and3A_617, %add3A_172], %gather3A_645 : memref<128x128xf32, #tpu.memory_space<vmem>>[vector<16xi32>, vector<16xi32>], vector<16xf32>,
      %gather3A_651 = arith.constant 1 : i32
      %gather3A_652 = arith.constant 0 : i32
      %gather3A_653 = arith.constant 0 : i32
      %gather3A_654 = tpu.memref_slice %arg7[%gather3A_651, %gather3A_652, %gather3A_653] : memref<2x128x128xf32, #tpu.memory_space<vmem>> -> memref<1x128x128xf32, #tpu.memory_space<vmem>>
      %gather3A_655 = tpu.memref_squeeze %gather3A_654 : memref<1x128x128xf32, #tpu.memory_space<vmem>> -> memref<128x128xf32, #tpu.memory_space<vmem>>
      %gather3A_656 = tpu.vector_load_idx %gather3A_655[%add3A_175, %and3A_617] : memref<128x128xf32, #tpu.memory_space<vmem>>[vector<16xi32>, vector<16xi32>], vector<16xf32>,
      %scatter3A_657 = arith.constant 1 : i32
      %scatter3A_658 = arith.constant 0 : i32
      %scatter3A_659 = arith.constant 0 : i32
      %scatter3A_660 = tpu.memref_slice %arg9[%scatter3A_657, %scatter3A_658, %scatter3A_659] : memref<2x128x128xf32, #tpu.memory_space<vmem>> -> memref<1x128x128xf32, #tpu.memory_space<vmem>>
      %scatter3A_661 = tpu.memref_squeeze %scatter3A_660 : memref<1x128x128xf32, #tpu.memory_space<vmem>> -> memref<128x128xf32, #tpu.memory_space<vmem>>
      tpu.vector_store_idx %scatter3A_661[%and3A_617, %add3A_175], %gather3A_656 : memref<128x128xf32, #tpu.memory_space<vmem>>[vector<16xi32>, vector<16xi32>], vector<16xf32>,
      %gather3A_662 = arith.constant 1 : i32
      %gather3A_663 = arith.constant 0 : i32
      %gather3A_664 = arith.constant 0 : i32
      %gather3A_665 = tpu.memref_slice %arg7[%gather3A_662, %gather3A_663, %gather3A_664] : memref<2x128x128xf32, #tpu.memory_space<vmem>> -> memref<1x128x128xf32, #tpu.memory_space<vmem>>
      %gather3A_666 = tpu.memref_squeeze %gather3A_665 : memref<1x128x128xf32, #tpu.memory_space<vmem>> -> memref<128x128xf32, #tpu.memory_space<vmem>>
      %gather3A_667 = tpu.vector_load_idx %gather3A_666[%add3A_178, %and3A_617] : memref<128x128xf32, #tpu.memory_space<vmem>>[vector<16xi32>, vector<16xi32>], vector<16xf32>,
      %scatter3A_668 = arith.constant 1 : i32
      %scatter3A_669 = arith.constant 0 : i32
      %scatter3A_670 = arith.constant 0 : i32
      %scatter3A_671 = tpu.memref_slice %arg9[%scatter3A_668, %scatter3A_669, %scatter3A_670] : memref<2x128x128xf32, #tpu.memory_space<vmem>> -> memref<1x128x128xf32, #tpu.memory_space<vmem>>
      %scatter3A_672 = tpu.memref_squeeze %scatter3A_671 : memref<1x128x128xf32, #tpu.memory_space<vmem>> -> memref<128x128xf32, #tpu.memory_space<vmem>>
      tpu.vector_store_idx %scatter3A_672[%and3A_617, %add3A_178], %gather3A_667 : memref<128x128xf32, #tpu.memory_space<vmem>>[vector<16xi32>, vector<16xi32>], vector<16xf32>,
      %gather3A_673 = arith.constant 1 : i32
      %gather3A_674 = arith.constant 0 : i32
      %gather3A_675 = arith.constant 0 : i32
      %gather3A_676 = tpu.memref_slice %arg7[%gather3A_673, %gather3A_674, %gather3A_675] : memref<2x128x128xf32, #tpu.memory_space<vmem>> -> memref<1x128x128xf32, #tpu.memory_space<vmem>>
      %gather3A_677 = tpu.memref_squeeze %gather3A_676 : memref<1x128x128xf32, #tpu.memory_space<vmem>> -> memref<128x128xf32, #tpu.memory_space<vmem>>
      %gather3A_678 = tpu.vector_load_idx %gather3A_677[%add3A_181, %and3A_617] : memref<128x128xf32, #tpu.memory_space<vmem>>[vector<16xi32>, vector<16xi32>], vector<16xf32>,
      %scatter3A_679 = arith.constant 1 : i32
      %scatter3A_680 = arith.constant 0 : i32
      %scatter3A_681 = arith.constant 0 : i32
      %scatter3A_682 = tpu.memref_slice %arg9[%scatter3A_679, %scatter3A_680, %scatter3A_681] : memref<2x128x128xf32, #tpu.memory_space<vmem>> -> memref<1x128x128xf32, #tpu.memory_space<vmem>>
      %scatter3A_683 = tpu.memref_squeeze %scatter3A_682 : memref<1x128x128xf32, #tpu.memory_space<vmem>> -> memref<128x128xf32, #tpu.memory_space<vmem>>
      tpu.vector_store_idx %scatter3A_683[%and3A_617, %add3A_181], %gather3A_678 : memref<128x128xf32, #tpu.memory_space<vmem>>[vector<16xi32>, vector<16xi32>], vector<16xf32>,
      %gather3A_684 = arith.constant 1 : i32
      %gather3A_685 = arith.constant 0 : i32
      %gather3A_686 = arith.constant 0 : i32
      %gather3A_687 = tpu.memref_slice %arg7[%gather3A_684, %gather3A_685, %gather3A_686] : memref<2x128x128xf32, #tpu.memory_space<vmem>> -> memref<1x128x128xf32, #tpu.memory_space<vmem>>
      %gather3A_688 = tpu.memref_squeeze %gather3A_687 : memref<1x128x128xf32, #tpu.memory_space<vmem>> -> memref<128x128xf32, #tpu.memory_space<vmem>>
      %gather3A_689 = tpu.vector_load_idx %gather3A_688[%add3A_184, %and3A_617] : memref<128x128xf32, #tpu.memory_space<vmem>>[vector<16xi32>, vector<16xi32>], vector<16xf32>,
      %scatter3A_690 = arith.constant 1 : i32
      %scatter3A_691 = arith.constant 0 : i32
      %scatter3A_692 = arith.constant 0 : i32
      %scatter3A_693 = tpu.memref_slice %arg9[%scatter3A_690, %scatter3A_691, %scatter3A_692] : memref<2x128x128xf32, #tpu.memory_space<vmem>> -> memref<1x128x128xf32, #tpu.memory_space<vmem>>
      %scatter3A_694 = tpu.memref_squeeze %scatter3A_693 : memref<1x128x128xf32, #tpu.memory_space<vmem>> -> memref<128x128xf32, #tpu.memory_space<vmem>>
      tpu.vector_store_idx %scatter3A_694[%and3A_617, %add3A_184], %gather3A_689 : memref<128x128xf32, #tpu.memory_space<vmem>>[vector<16xi32>, vector<16xi32>], vector<16xf32>,
      %gather3A_695 = arith.constant 1 : i32
      %gather3A_696 = arith.constant 0 : i32
      %gather3A_697 = arith.constant 0 : i32
      %gather3A_698 = tpu.memref_slice %arg7[%gather3A_695, %gather3A_696, %gather3A_697] : memref<2x128x128xf32, #tpu.memory_space<vmem>> -> memref<1x128x128xf32, #tpu.memory_space<vmem>>
      %gather3A_699 = tpu.memref_squeeze %gather3A_698 : memref<1x128x128xf32, #tpu.memory_space<vmem>> -> memref<128x128xf32, #tpu.memory_space<vmem>>
      %gather3A_700 = tpu.vector_load_idx %gather3A_699[%add3A_187, %and3A_617] : memref<128x128xf32, #tpu.memory_space<vmem>>[vector<16xi32>, vector<16xi32>], vector<16xf32>,
      %scatter3A_701 = arith.constant 1 : i32
      %scatter3A_702 = arith.constant 0 : i32
      %scatter3A_703 = arith.constant 0 : i32
      %scatter3A_704 = tpu.memref_slice %arg9[%scatter3A_701, %scatter3A_702, %scatter3A_703] : memref<2x128x128xf32, #tpu.memory_space<vmem>> -> memref<1x128x128xf32, #tpu.memory_space<vmem>>
      %scatter3A_705 = tpu.memref_squeeze %scatter3A_704 : memref<1x128x128xf32, #tpu.memory_space<vmem>> -> memref<128x128xf32, #tpu.memory_space<vmem>>
      tpu.vector_store_idx %scatter3A_705[%and3A_617, %add3A_187], %gather3A_700 : memref<128x128xf32, #tpu.memory_space<vmem>>[vector<16xi32>, vector<16xi32>], vector<16xf32>,
    }
    %scan3A_193 = arith.constant 128 : i32
    %scan3A_194 = arith.constant 0 : i32
    %scan3A_195 = arith.constant 0 : i32
    %scan3A_196 = arith.constant 64 : i32
    %scan3A_197 = arith.addi %scan3A_195, %scan3A_196 : i32
    %scan3A_198 = arith.constant 2 : i32
    scf.for %scan3A_520 = %scan3A_195 to %scan3A_197 step %scan3A_198  : i32 {
      %add3A_521 = vector.broadcast %scan3A_520 : i32 to vector<16xi32>
      %add3A_522 = arith.addi %iota3A, %add3A_521 : vector<16xi32>
      %and3A = arith.constant 63 : i32
      %and3A_523 = vector.broadcast %and3A : i32 to vector<16xi32>
      %and3A_524 = arith.andi %add3A_522, %and3A_523 : vector<16xi32>
      %gather3A = arith.constant 1 : i32
      %gather3A_525 = arith.constant 0 : i32
      %gather3A_526 = arith.constant 0 : i32
      %gather3A_527 = tpu.memref_slice %arg8[%gather3A, %gather3A_525, %gather3A_526] : memref<2x128x128xf32, #tpu.memory_space<vmem>> -> memref<1x128x128xf32, #tpu.memory_space<vmem>>
      %gather3A_528 = tpu.memref_squeeze %gather3A_527 : memref<1x128x128xf32, #tpu.memory_space<vmem>> -> memref<128x128xf32, #tpu.memory_space<vmem>>
      %gather3A_529 = tpu.vector_load_idx %gather3A_528[%add3A_166, %and3A_524] : memref<128x128xf32, #tpu.memory_space<vmem>>[vector<16xi32>, vector<16xi32>], vector<16xf32>,
      %scatter3A = arith.constant 1 : i32
      %scatter3A_530 = arith.constant 0 : i32
      %scatter3A_531 = arith.constant 0 : i32
      %scatter3A_532 = tpu.memref_slice %arg10[%scatter3A, %scatter3A_530, %scatter3A_531] : memref<2x64x128xf32, #tpu.memory_space<vmem>> -> memref<1x64x128xf32, #tpu.memory_space<vmem>>
      %scatter3A_533 = tpu.memref_squeeze %scatter3A_532 : memref<1x64x128xf32, #tpu.memory_space<vmem>> -> memref<64x128xf32, #tpu.memory_space<vmem>>
      tpu.vector_store_idx %scatter3A_533[%and3A_524, %add3A_166], %gather3A_529 : memref<64x128xf32, #tpu.memory_space<vmem>>[vector<16xi32>, vector<16xi32>], vector<16xf32>,
      %gather3A_534 = arith.constant 1 : i32
      %gather3A_535 = arith.constant 0 : i32
      %gather3A_536 = arith.constant 0 : i32
      %gather3A_537 = tpu.memref_slice %arg8[%gather3A_534, %gather3A_535, %gather3A_536] : memref<2x128x128xf32, #tpu.memory_space<vmem>> -> memref<1x128x128xf32, #tpu.memory_space<vmem>>
      %gather3A_538 = tpu.memref_squeeze %gather3A_537 : memref<1x128x128xf32, #tpu.memory_space<vmem>> -> memref<128x128xf32, #tpu.memory_space<vmem>>
      %gather3A_539 = tpu.vector_load_idx %gather3A_538[%add3A_169, %and3A_524] : memref<128x128xf32, #tpu.memory_space<vmem>>[vector<16xi32>, vector<16xi32>], vector<16xf32>,
      %scatter3A_540 = arith.constant 1 : i32
      %scatter3A_541 = arith.constant 0 : i32
      %scatter3A_542 = arith.constant 0 : i32
      %scatter3A_543 = tpu.memref_slice %arg10[%scatter3A_540, %scatter3A_541, %scatter3A_542] : memref<2x64x128xf32, #tpu.memory_space<vmem>> -> memref<1x64x128xf32, #tpu.memory_space<vmem>>
      %scatter3A_544 = tpu.memref_squeeze %scatter3A_543 : memref<1x64x128xf32, #tpu.memory_space<vmem>> -> memref<64x128xf32, #tpu.memory_space<vmem>>
      tpu.vector_store_idx %scatter3A_544[%and3A_524, %add3A_169], %gather3A_539 : memref<64x128xf32, #tpu.memory_space<vmem>>[vector<16xi32>, vector<16xi32>], vector<16xf32>,
      %gather3A_545 = arith.constant 1 : i32
      %gather3A_546 = arith.constant 0 : i32
      %gather3A_547 = arith.constant 0 : i32
      %gather3A_548 = tpu.memref_slice %arg8[%gather3A_545, %gather3A_546, %gather3A_547] : memref<2x128x128xf32, #tpu.memory_space<vmem>> -> memref<1x128x128xf32, #tpu.memory_space<vmem>>
      %gather3A_549 = tpu.memref_squeeze %gather3A_548 : memref<1x128x128xf32, #tpu.memory_space<vmem>> -> memref<128x128xf32, #tpu.memory_space<vmem>>
      %gather3A_550 = tpu.vector_load_idx %gather3A_549[%add3A_172, %and3A_524] : memref<128x128xf32, #tpu.memory_space<vmem>>[vector<16xi32>, vector<16xi32>], vector<16xf32>,
      %scatter3A_551 = arith.constant 1 : i32
      %scatter3A_552 = arith.constant 0 : i32
      %scatter3A_553 = arith.constant 0 : i32
      %scatter3A_554 = tpu.memref_slice %arg10[%scatter3A_551, %scatter3A_552, %scatter3A_553] : memref<2x64x128xf32, #tpu.memory_space<vmem>> -> memref<1x64x128xf32, #tpu.memory_space<vmem>>
      %scatter3A_555 = tpu.memref_squeeze %scatter3A_554 : memref<1x64x128xf32, #tpu.memory_space<vmem>> -> memref<64x128xf32, #tpu.memory_space<vmem>>
      tpu.vector_store_idx %scatter3A_555[%and3A_524, %add3A_172], %gather3A_550 : memref<64x128xf32, #tpu.memory_space<vmem>>[vector<16xi32>, vector<16xi32>], vector<16xf32>,
      %gather3A_556 = arith.constant 1 : i32
      %gather3A_557 = arith.constant 0 : i32
      %gather3A_558 = arith.constant 0 : i32
      %gather3A_559 = tpu.memref_slice %arg8[%gather3A_556, %gather3A_557, %gather3A_558] : memref<2x128x128xf32, #tpu.memory_space<vmem>> -> memref<1x128x128xf32, #tpu.memory_space<vmem>>
      %gather3A_560 = tpu.memref_squeeze %gather3A_559 : memref<1x128x128xf32, #tpu.memory_space<vmem>> -> memref<128x128xf32, #tpu.memory_space<vmem>>
      %gather3A_561 = tpu.vector_load_idx %gather3A_560[%add3A_175, %and3A_524] : memref<128x128xf32, #tpu.memory_space<vmem>>[vector<16xi32>, vector<16xi32>], vector<16xf32>,
      %scatter3A_562 = arith.constant 1 : i32
      %scatter3A_563 = arith.constant 0 : i32
      %scatter3A_564 = arith.constant 0 : i32
      %scatter3A_565 = tpu.memref_slice %arg10[%scatter3A_562, %scatter3A_563, %scatter3A_564] : memref<2x64x128xf32, #tpu.memory_space<vmem>> -> memref<1x64x128xf32, #tpu.memory_space<vmem>>
      %scatter3A_566 = tpu.memref_squeeze %scatter3A_565 : memref<1x64x128xf32, #tpu.memory_space<vmem>> -> memref<64x128xf32, #tpu.memory_space<vmem>>
      tpu.vector_store_idx %scatter3A_566[%and3A_524, %add3A_175], %gather3A_561 : memref<64x128xf32, #tpu.memory_space<vmem>>[vector<16xi32>, vector<16xi32>], vector<16xf32>,
      %gather3A_567 = arith.constant 1 : i32
      %gather3A_568 = arith.constant 0 : i32
      %gather3A_569 = arith.constant 0 : i32
      %gather3A_570 = tpu.memref_slice %arg8[%gather3A_567, %gather3A_568, %gather3A_569] : memref<2x128x128xf32, #tpu.memory_space<vmem>> -> memref<1x128x128xf32, #tpu.memory_space<vmem>>
      %gather3A_571 = tpu.memref_squeeze %gather3A_570 : memref<1x128x128xf32, #tpu.memory_space<vmem>> -> memref<128x128xf32, #tpu.memory_space<vmem>>
      %gather3A_572 = tpu.vector_load_idx %gather3A_571[%add3A_178, %and3A_524] : memref<128x128xf32, #tpu.memory_space<vmem>>[vector<16xi32>, vector<16xi32>], vector<16xf32>,
      %scatter3A_573 = arith.constant 1 : i32
      %scatter3A_574 = arith.constant 0 : i32
      %scatter3A_575 = arith.constant 0 : i32
      %scatter3A_576 = tpu.memref_slice %arg10[%scatter3A_573, %scatter3A_574, %scatter3A_575] : memref<2x64x128xf32, #tpu.memory_space<vmem>> -> memref<1x64x128xf32, #tpu.memory_space<vmem>>
      %scatter3A_577 = tpu.memref_squeeze %scatter3A_576 : memref<1x64x128xf32, #tpu.memory_space<vmem>> -> memref<64x128xf32, #tpu.memory_space<vmem>>
      tpu.vector_store_idx %scatter3A_577[%and3A_524, %add3A_178], %gather3A_572 : memref<64x128xf32, #tpu.memory_space<vmem>>[vector<16xi32>, vector<16xi32>], vector<16xf32>,
      %gather3A_578 = arith.constant 1 : i32
      %gather3A_579 = arith.constant 0 : i32
      %gather3A_580 = arith.constant 0 : i32
      %gather3A_581 = tpu.memref_slice %arg8[%gather3A_578, %gather3A_579, %gather3A_580] : memref<2x128x128xf32, #tpu.memory_space<vmem>> -> memref<1x128x128xf32, #tpu.memory_space<vmem>>
      %gather3A_582 = tpu.memref_squeeze %gather3A_581 : memref<1x128x128xf32, #tpu.memory_space<vmem>> -> memref<128x128xf32, #tpu.memory_space<vmem>>
      %gather3A_583 = tpu.vector_load_idx %gather3A_582[%add3A_181, %and3A_524] : memref<128x128xf32, #tpu.memory_space<vmem>>[vector<16xi32>, vector<16xi32>], vector<16xf32>,
      %scatter3A_584 = arith.constant 1 : i32
      %scatter3A_585 = arith.constant 0 : i32
      %scatter3A_586 = arith.constant 0 : i32
      %scatter3A_587 = tpu.memref_slice %arg10[%scatter3A_584, %scatter3A_585, %scatter3A_586] : memref<2x64x128xf32, #tpu.memory_space<vmem>> -> memref<1x64x128xf32, #tpu.memory_space<vmem>>
      %scatter3A_588 = tpu.memref_squeeze %scatter3A_587 : memref<1x64x128xf32, #tpu.memory_space<vmem>> -> memref<64x128xf32, #tpu.memory_space<vmem>>
      tpu.vector_store_idx %scatter3A_588[%and3A_524, %add3A_181], %gather3A_583 : memref<64x128xf32, #tpu.memory_space<vmem>>[vector<16xi32>, vector<16xi32>], vector<16xf32>,
      %gather3A_589 = arith.constant 1 : i32
      %gather3A_590 = arith.constant 0 : i32
      %gather3A_591 = arith.constant 0 : i32
      %gather3A_592 = tpu.memref_slice %arg8[%gather3A_589, %gather3A_590, %gather3A_591] : memref<2x128x128xf32, #tpu.memory_space<vmem>> -> memref<1x128x128xf32, #tpu.memory_space<vmem>>
      %gather3A_593 = tpu.memref_squeeze %gather3A_592 : memref<1x128x128xf32, #tpu.memory_space<vmem>> -> memref<128x128xf32, #tpu.memory_space<vmem>>
      %gather3A_594 = tpu.vector_load_idx %gather3A_593[%add3A_184, %and3A_524] : memref<128x128xf32, #tpu.memory_space<vmem>>[vector<16xi32>, vector<16xi32>], vector<16xf32>,
      %scatter3A_595 = arith.constant 1 : i32
      %scatter3A_596 = arith.constant 0 : i32
      %scatter3A_597 = arith.constant 0 : i32
      %scatter3A_598 = tpu.memref_slice %arg10[%scatter3A_595, %scatter3A_596, %scatter3A_597] : memref<2x64x128xf32, #tpu.memory_space<vmem>> -> memref<1x64x128xf32, #tpu.memory_space<vmem>>
      %scatter3A_599 = tpu.memref_squeeze %scatter3A_598 : memref<1x64x128xf32, #tpu.memory_space<vmem>> -> memref<64x128xf32, #tpu.memory_space<vmem>>
      tpu.vector_store_idx %scatter3A_599[%and3A_524, %add3A_184], %gather3A_594 : memref<64x128xf32, #tpu.memory_space<vmem>>[vector<16xi32>, vector<16xi32>], vector<16xf32>,
      %gather3A_600 = arith.constant 1 : i32
      %gather3A_601 = arith.constant 0 : i32
      %gather3A_602 = arith.constant 0 : i32
      %gather3A_603 = tpu.memref_slice %arg8[%gather3A_600, %gather3A_601, %gather3A_602] : memref<2x128x128xf32, #tpu.memory_space<vmem>> -> memref<1x128x128xf32, #tpu.memory_space<vmem>>
      %gather3A_604 = tpu.memref_squeeze %gather3A_603 : memref<1x128x128xf32, #tpu.memory_space<vmem>> -> memref<128x128xf32, #tpu.memory_space<vmem>>
      %gather3A_605 = tpu.vector_load_idx %gather3A_604[%add3A_187, %and3A_524] : memref<128x128xf32, #tpu.memory_space<vmem>>[vector<16xi32>, vector<16xi32>], vector<16xf32>,
      %scatter3A_606 = arith.constant 1 : i32
      %scatter3A_607 = arith.constant 0 : i32
      %scatter3A_608 = arith.constant 0 : i32
      %scatter3A_609 = tpu.memref_slice %arg10[%scatter3A_606, %scatter3A_607, %scatter3A_608] : memref<2x64x128xf32, #tpu.memory_space<vmem>> -> memref<1x64x128xf32, #tpu.memory_space<vmem>>
      %scatter3A_610 = tpu.memref_squeeze %scatter3A_609 : memref<1x64x128xf32, #tpu.memory_space<vmem>> -> memref<64x128xf32, #tpu.memory_space<vmem>>
      tpu.vector_store_idx %scatter3A_610[%and3A_524, %add3A_187], %gather3A_605 : memref<64x128xf32, #tpu.memory_space<vmem>>[vector<16xi32>, vector<16xi32>], vector<16xf32>,
      %scan3A_611 = arith.constant 1 : i32
      %scan3A_612 = arith.addi %scan3A_520, %scan3A_611 : i32
      %add3A_613 = vector.broadcast %scan3A_612 : i32 to vector<16xi32>
      %add3A_614 = arith.addi %iota3A, %add3A_613 : vector<16xi32>
      %and3A_615 = arith.constant 63 : i32
      %and3A_616 = vector.broadcast %and3A_615 : i32 to vector<16xi32>
      %and3A_617 = arith.andi %add3A_614, %and3A_616 : vector<16xi32>
      %gather3A_618 = arith.constant 1 : i32
      %gather3A_619 = arith.constant 0 : i32
      %gather3A_620 = arith.constant 0 : i32
      %gather3A_621 = tpu.memref_slice %arg8[%gather3A_618, %gather3A_619, %gather3A_620] : memref<2x128x128xf32, #tpu.memory_space<vmem>> -> memref<1x128x128xf32, #tpu.memory_space<vmem>>
      %gather3A_622 = tpu.memref_squeeze %gather3A_621 : memref<1x128x128xf32, #tpu.memory_space<vmem>> -> memref<128x128xf32, #tpu.memory_space<vmem>>
      %gather3A_623 = tpu.vector_load_idx %gather3A_622[%add3A_166, %and3A_617] : memref<128x128xf32, #tpu.memory_space<vmem>>[vector<16xi32>, vector<16xi32>], vector<16xf32>,
      %scatter3A_624 = arith.constant 1 : i32
      %scatter3A_625 = arith.constant 0 : i32
      %scatter3A_626 = arith.constant 0 : i32
      %scatter3A_627 = tpu.memref_slice %arg10[%scatter3A_624, %scatter3A_625, %scatter3A_626] : memref<2x64x128xf32, #tpu.memory_space<vmem>> -> memref<1x64x128xf32, #tpu.memory_space<vmem>>
      %scatter3A_628 = tpu.memref_squeeze %scatter3A_627 : memref<1x64x128xf32, #tpu.memory_space<vmem>> -> memref<64x128xf32, #tpu.memory_space<vmem>>
      tpu.vector_store_idx %scatter3A_628[%and3A_617, %add3A_166], %gather3A_623 : memref<64x128xf32, #tpu.memory_space<vmem>>[vector<16xi32>, vector<16xi32>], vector<16xf32>,
      %gather3A_629 = arith.constant 1 : i32
      %gather3A_630 = arith.constant 0 : i32
      %gather3A_631 = arith.constant 0 : i32
      %gather3A_632 = tpu.memref_slice %arg8[%gather3A_629, %gather3A_630, %gather3A_631] : memref<2x128x128xf32, #tpu.memory_space<vmem>> -> memref<1x128x128xf32, #tpu.memory_space<vmem>>
      %gather3A_633 = tpu.memref_squeeze %gather3A_632 : memref<1x128x128xf32, #tpu.memory_space<vmem>> -> memref<128x128xf32, #tpu.memory_space<vmem>>
      %gather3A_634 = tpu.vector_load_idx %gather3A_633[%add3A_169, %and3A_617] : memref<128x128xf32, #tpu.memory_space<vmem>>[vector<16xi32>, vector<16xi32>], vector<16xf32>,
      %scatter3A_635 = arith.constant 1 : i32
      %scatter3A_636 = arith.constant 0 : i32
      %scatter3A_637 = arith.constant 0 : i32
      %scatter3A_638 = tpu.memref_slice %arg10[%scatter3A_635, %scatter3A_636, %scatter3A_637] : memref<2x64x128xf32, #tpu.memory_space<vmem>> -> memref<1x64x128xf32, #tpu.memory_space<vmem>>
      %scatter3A_639 = tpu.memref_squeeze %scatter3A_638 : memref<1x64x128xf32, #tpu.memory_space<vmem>> -> memref<64x128xf32, #tpu.memory_space<vmem>>
      tpu.vector_store_idx %scatter3A_639[%and3A_617, %add3A_169], %gather3A_634 : memref<64x128xf32, #tpu.memory_space<vmem>>[vector<16xi32>, vector<16xi32>], vector<16xf32>,
      %gather3A_640 = arith.constant 1 : i32
      %gather3A_641 = arith.constant 0 : i32
      %gather3A_642 = arith.constant 0 : i32
      %gather3A_643 = tpu.memref_slice %arg8[%gather3A_640, %gather3A_641, %gather3A_642] : memref<2x128x128xf32, #tpu.memory_space<vmem>> -> memref<1x128x128xf32, #tpu.memory_space<vmem>>
      %gather3A_644 = tpu.memref_squeeze %gather3A_643 : memref<1x128x128xf32, #tpu.memory_space<vmem>> -> memref<128x128xf32, #tpu.memory_space<vmem>>
      %gather3A_645 = tpu.vector_load_idx %gather3A_644[%add3A_172, %and3A_617] : memref<128x128xf32, #tpu.memory_space<vmem>>[vector<16xi32>, vector<16xi32>], vector<16xf32>,
      %scatter3A_646 = arith.constant 1 : i32
      %scatter3A_647 = arith.constant 0 : i32
      %scatter3A_648 = arith.constant 0 : i32
      %scatter3A_649 = tpu.memref_slice %arg10[%scatter3A_646, %scatter3A_647, %scatter3A_648] : memref<2x64x128xf32, #tpu.memory_space<vmem>> -> memref<1x64x128xf32, #tpu.memory_space<vmem>>
      %scatter3A_650 = tpu.memref_squeeze %scatter3A_649 : memref<1x64x128xf32, #tpu.memory_space<vmem>> -> memref<64x128xf32, #tpu.memory_space<vmem>>
      tpu.vector_store_idx %scatter3A_650[%and3A_617, %add3A_172], %gather3A_645 : memref<64x128xf32, #tpu.memory_space<vmem>>[vector<16xi32>, vector<16xi32>], vector<16xf32>,
      %gather3A_651 = arith.constant 1 : i32
      %gather3A_652 = arith.constant 0 : i32
      %gather3A_653 = arith.constant 0 : i32
      %gather3A_654 = tpu.memref_slice %arg8[%gather3A_651, %gather3A_652, %gather3A_653] : memref<2x128x128xf32, #tpu.memory_space<vmem>> -> memref<1x128x128xf32, #tpu.memory_space<vmem>>
      %gather3A_655 = tpu.memref_squeeze %gather3A_654 : memref<1x128x128xf32, #tpu.memory_space<vmem>> -> memref<128x128xf32, #tpu.memory_space<vmem>>
      %gather3A_656 = tpu.vector_load_idx %gather3A_655[%add3A_175, %and3A_617] : memref<128x128xf32, #tpu.memory_space<vmem>>[vector<16xi32>, vector<16xi32>], vector<16xf32>,
      %scatter3A_657 = arith.constant 1 : i32
      %scatter3A_658 = arith.constant 0 : i32
      %scatter3A_659 = arith.constant 0 : i32
      %scatter3A_660 = tpu.memref_slice %arg10[%scatter3A_657, %scatter3A_658, %scatter3A_659] : memref<2x64x128xf32, #tpu.memory_space<vmem>> -> memref<1x64x128xf32, #tpu.memory_space<vmem>>
      %scatter3A_661 = tpu.memref_squeeze %scatter3A_660 : memref<1x64x128xf32, #tpu.memory_space<vmem>> -> memref<64x128xf32, #tpu.memory_space<vmem>>
      tpu.vector_store_idx %scatter3A_661[%and3A_617, %add3A_175], %gather3A_656 : memref<64x128xf32, #tpu.memory_space<vmem>>[vector<16xi32>, vector<16xi32>], vector<16xf32>,
      %gather3A_662 = arith.constant 1 : i32
      %gather3A_663 = arith.constant 0 : i32
      %gather3A_664 = arith.constant 0 : i32
      %gather3A_665 = tpu.memref_slice %arg8[%gather3A_662, %gather3A_663, %gather3A_664] : memref<2x128x128xf32, #tpu.memory_space<vmem>> -> memref<1x128x128xf32, #tpu.memory_space<vmem>>
      %gather3A_666 = tpu.memref_squeeze %gather3A_665 : memref<1x128x128xf32, #tpu.memory_space<vmem>> -> memref<128x128xf32, #tpu.memory_space<vmem>>
      %gather3A_667 = tpu.vector_load_idx %gather3A_666[%add3A_178, %and3A_617] : memref<128x128xf32, #tpu.memory_space<vmem>>[vector<16xi32>, vector<16xi32>], vector<16xf32>,
      %scatter3A_668 = arith.constant 1 : i32
      %scatter3A_669 = arith.constant 0 : i32
      %scatter3A_670 = arith.constant 0 : i32
      %scatter3A_671 = tpu.memref_slice %arg10[%scatter3A_668, %scatter3A_669, %scatter3A_670] : memref<2x64x128xf32, #tpu.memory_space<vmem>> -> memref<1x64x128xf32, #tpu.memory_space<vmem>>
      %scatter3A_672 = tpu.memref_squeeze %scatter3A_671 : memref<1x64x128xf32, #tpu.memory_space<vmem>> -> memref<64x128xf32, #tpu.memory_space<vmem>>
      tpu.vector_store_idx %scatter3A_672[%and3A_617, %add3A_178], %gather3A_667 : memref<64x128xf32, #tpu.memory_space<vmem>>[vector<16xi32>, vector<16xi32>], vector<16xf32>,
      %gather3A_673 = arith.constant 1 : i32
      %gather3A_674 = arith.constant 0 : i32
      %gather3A_675 = arith.constant 0 : i32
      %gather3A_676 = tpu.memref_slice %arg8[%gather3A_673, %gather3A_674, %gather3A_675] : memref<2x128x128xf32, #tpu.memory_space<vmem>> -> memref<1x128x128xf32, #tpu.memory_space<vmem>>
      %gather3A_677 = tpu.memref_squeeze %gather3A_676 : memref<1x128x128xf32, #tpu.memory_space<vmem>> -> memref<128x128xf32, #tpu.memory_space<vmem>>
      %gather3A_678 = tpu.vector_load_idx %gather3A_677[%add3A_181, %and3A_617] : memref<128x128xf32, #tpu.memory_space<vmem>>[vector<16xi32>, vector<16xi32>], vector<16xf32>,
      %scatter3A_679 = arith.constant 1 : i32
      %scatter3A_680 = arith.constant 0 : i32
      %scatter3A_681 = arith.constant 0 : i32
      %scatter3A_682 = tpu.memref_slice %arg10[%scatter3A_679, %scatter3A_680, %scatter3A_681] : memref<2x64x128xf32, #tpu.memory_space<vmem>> -> memref<1x64x128xf32, #tpu.memory_space<vmem>>
      %scatter3A_683 = tpu.memref_squeeze %scatter3A_682 : memref<1x64x128xf32, #tpu.memory_space<vmem>> -> memref<64x128xf32, #tpu.memory_space<vmem>>
      tpu.vector_store_idx %scatter3A_683[%and3A_617, %add3A_181], %gather3A_678 : memref<64x128xf32, #tpu.memory_space<vmem>>[vector<16xi32>, vector<16xi32>], vector<16xf32>,
      %gather3A_684 = arith.constant 1 : i32
      %gather3A_685 = arith.constant 0 : i32
      %gather3A_686 = arith.constant 0 : i32
      %gather3A_687 = tpu.memref_slice %arg8[%gather3A_684, %gather3A_685, %gather3A_686] : memref<2x128x128xf32, #tpu.memory_space<vmem>> -> memref<1x128x128xf32, #tpu.memory_space<vmem>>
      %gather3A_688 = tpu.memref_squeeze %gather3A_687 : memref<1x128x128xf32, #tpu.memory_space<vmem>> -> memref<128x128xf32, #tpu.memory_space<vmem>>
      %gather3A_689 = tpu.vector_load_idx %gather3A_688[%add3A_184, %and3A_617] : memref<128x128xf32, #tpu.memory_space<vmem>>[vector<16xi32>, vector<16xi32>], vector<16xf32>,
      %scatter3A_690 = arith.constant 1 : i32
      %scatter3A_691 = arith.constant 0 : i32
      %scatter3A_692 = arith.constant 0 : i32
      %scatter3A_693 = tpu.memref_slice %arg10[%scatter3A_690, %scatter3A_691, %scatter3A_692] : memref<2x64x128xf32, #tpu.memory_space<vmem>> -> memref<1x64x128xf32, #tpu.memory_space<vmem>>
      %scatter3A_694 = tpu.memref_squeeze %scatter3A_693 : memref<1x64x128xf32, #tpu.memory_space<vmem>> -> memref<64x128xf32, #tpu.memory_space<vmem>>
      tpu.vector_store_idx %scatter3A_694[%and3A_617, %add3A_184], %gather3A_689 : memref<64x128xf32, #tpu.memory_space<vmem>>[vector<16xi32>, vector<16xi32>], vector<16xf32>,
      %gather3A_695 = arith.constant 1 : i32
      %gather3A_696 = arith.constant 0 : i32
      %gather3A_697 = arith.constant 0 : i32
      %gather3A_698 = tpu.memref_slice %arg8[%gather3A_695, %gather3A_696, %gather3A_697] : memref<2x128x128xf32, #tpu.memory_space<vmem>> -> memref<1x128x128xf32, #tpu.memory_space<vmem>>
      %gather3A_699 = tpu.memref_squeeze %gather3A_698 : memref<1x128x128xf32, #tpu.memory_space<vmem>> -> memref<128x128xf32, #tpu.memory_space<vmem>>
      %gather3A_700 = tpu.vector_load_idx %gather3A_699[%add3A_187, %and3A_617] : memref<128x128xf32, #tpu.memory_space<vmem>>[vector<16xi32>, vector<16xi32>], vector<16xf32>,
      %scatter3A_701 = arith.constant 1 : i32
      %scatter3A_702 = arith.constant 0 : i32
      %scatter3A_703 = arith.constant 0 : i32
      %scatter3A_704 = tpu.memref_slice %arg10[%scatter3A_701, %scatter3A_702, %scatter3A_703] : memref<2x64x128xf32, #tpu.memory_space<vmem>> -> memref<1x64x128xf32, #tpu.memory_space<vmem>>
      %scatter3A_705 = tpu.memref_squeeze %scatter3A_704 : memref<1x64x128xf32, #tpu.memory_space<vmem>> -> memref<64x128xf32, #tpu.memory_space<vmem>>
      tpu.vector_store_idx %scatter3A_705[%and3A_617, %add3A_187], %gather3A_700 : memref<64x128xf32, #tpu.memory_space<vmem>>[vector<16xi32>, vector<16xi32>], vector<16xf32>,
    }
    %scan3A_199 = arith.constant 64 : i32
    %add3A_200 = arith.constant 128 : i32
    %add3A_201 = arith.addi %mul3A_2, %add3A_200 : i32
    %dma_start3A_202 = arith.constant 1 : i32
    %dma_start3A_203 = arith.constant 0 : i32
    %dma_start3A_204 = arith.constant 0 : i32
    %dma_start3A_205 = tpu.memref_slice %arg9[%dma_start3A_202, %dma_start3A_203, %dma_start3A_204] : memref<2x128x128xf32, #tpu.memory_space<vmem>> -> memref<1x128x128xf32, #tpu.memory_space<vmem>>
    %dma_start3A_206 = tpu.memref_squeeze %dma_start3A_205 : memref<1x128x128xf32, #tpu.memory_space<vmem>> -> memref<128x128xf32, #tpu.memory_space<vmem>>
    %dma_start3A_207 = arith.constant 0 : i32
    %dma_start3A_208 = tpu.memref_slice %arg5[%dma_start3A_207, %add3A_201] : memref<192x16384xf32, #tpu.memory_space<hbm>> -> memref<128x128xf32, #tpu.memory_space<hbm>>
    %dma_start3A_209 = arith.constant 0 : i32
    %dma_start3A_210 = tpu.memref_slice %arg5[%dma_start3A_209, %add3A_201] : memref<192x16384xf32, #tpu.memory_space<hbm>> -> memref<128x128xf32, #tpu.memory_space<hbm>>
    %dma_start3A_211 = arith.constant 0 : i32
    %dma_start3A_212 = arith.constant 0 : i32
    %dma_start3A_213 = tpu.memref_slice %arg9[%dma_start3A_202, %dma_start3A_211, %dma_start3A_212] : memref<2x128x128xf32, #tpu.memory_space<vmem>> -> memref<1x128x128xf32, #tpu.memory_space<vmem>>
    %dma_start3A_214 = tpu.memref_squeeze %dma_start3A_213 : memref<1x128x128xf32, #tpu.memory_space<vmem>> -> memref<128x128xf32, #tpu.memory_space<vmem>>
    tpu.enqueue_dma source(%dma_start3A_214 : memref<128x128xf32, #tpu.memory_space<vmem>>) target(%dma_start3A_210 : memref<128x128xf32, #tpu.memory_space<hbm>>) target_semaphore(%arg13 : memref<!tpu.dma_semaphore, #tpu.memory_space<semaphore_mem>>)
    %dma_start3A_215 = arith.constant 1 : i32
    %dma_start3A_216 = arith.constant 0 : i32
    %dma_start3A_217 = arith.constant 0 : i32
    %dma_start3A_218 = tpu.memref_slice %arg10[%dma_start3A_215, %dma_start3A_216, %dma_start3A_217] : memref<2x64x128xf32, #tpu.memory_space<vmem>> -> memref<1x64x128xf32, #tpu.memory_space<vmem>>
    %dma_start3A_219 = tpu.memref_squeeze %dma_start3A_218 : memref<1x64x128xf32, #tpu.memory_space<vmem>> -> memref<64x128xf32, #tpu.memory_space<vmem>>
    %dma_start3A_220 = arith.constant 128 : i32
    %dma_start3A_221 = tpu.memref_slice %arg5[%dma_start3A_220, %add3A_201] : memref<192x16384xf32, #tpu.memory_space<hbm>> -> memref<64x128xf32, #tpu.memory_space<hbm>>
    %dma_start3A_222 = arith.constant 128 : i32
    %dma_start3A_223 = tpu.memref_slice %arg5[%dma_start3A_222, %add3A_201] : memref<192x16384xf32, #tpu.memory_space<hbm>> -> memref<64x128xf32, #tpu.memory_space<hbm>>
    %dma_start3A_224 = arith.constant 0 : i32
    %dma_start3A_225 = arith.constant 0 : i32
    %dma_start3A_226 = tpu.memref_slice %arg10[%dma_start3A_215, %dma_start3A_224, %dma_start3A_225] : memref<2x64x128xf32, #tpu.memory_space<vmem>> -> memref<1x64x128xf32, #tpu.memory_space<vmem>>
    %dma_start3A_227 = tpu.memref_squeeze %dma_start3A_226 : memref<1x64x128xf32, #tpu.memory_space<vmem>> -> memref<64x128xf32, #tpu.memory_space<vmem>>
    tpu.enqueue_dma source(%dma_start3A_227 : memref<64x128xf32, #tpu.memory_space<vmem>>) target(%dma_start3A_223 : memref<64x128xf32, #tpu.memory_space<hbm>>) target_semaphore(%arg13 : memref<!tpu.dma_semaphore, #tpu.memory_space<semaphore_mem>>)
    %dma_wait3A_228 = arith.constant 0 : i32
    %dma_wait3A_229 = arith.constant 0 : i32
    %dma_wait3A_230 = arith.constant 0 : i32
    %dma_wait3A_231 = tpu.memref_slice %arg7[%dma_wait3A_228, %dma_wait3A_229, %dma_wait3A_230] : memref<2x128x128xf32, #tpu.memory_space<vmem>> -> memref<1x128x128xf32, #tpu.memory_space<vmem>>
    %dma_wait3A_232 = tpu.memref_squeeze %dma_wait3A_231 : memref<1x128x128xf32, #tpu.memory_space<vmem>> -> memref<128x128xf32, #tpu.memory_space<vmem>>
    %dma_wait3A_233 = arith.constant 256 : i32
    %dma_wait3A_234 = tpu.memref_slice %arg6[%dma_wait3A_233] : memref<512xi32, #tpu.memory_space<vmem>> -> memref<128xi32, #tpu.memory_space<vmem>>
    %dma_wait3A_235 = arith.constant 0 : i32
    %dma_wait3A_236 = arith.constant 0 : i32
    %dma_wait3A_237 = tpu.memref_slice %arg3[%dma_wait3A_235, %dma_wait3A_236] : memref<100000x128xf32, #tpu.memory_space<hbm>> -> memref<100000x128xf32, #tpu.memory_space<hbm>>
    tpu.wait_indirect_dma semaphore(%arg11 : memref<!tpu.dma_semaphore, #tpu.memory_space<semaphore_mem>>) src(%dma_wait3A_237 : memref<100000x128xf32, #tpu.memory_space<hbm>>) dst(%dma_wait3A_232 : memref<128x128xf32, #tpu.memory_space<vmem>>)
    %dma_wait3A_238 = arith.constant 0 : i32
    %dma_wait3A_239 = arith.constant 0 : i32
    %dma_wait3A_240 = arith.constant 0 : i32
    %dma_wait3A_241 = tpu.memref_slice %arg8[%dma_wait3A_238, %dma_wait3A_239, %dma_wait3A_240] : memref<2x128x128xf32, #tpu.memory_space<vmem>> -> memref<1x128x128xf32, #tpu.memory_space<vmem>>
    %dma_wait3A_242 = tpu.memref_squeeze %dma_wait3A_241 : memref<1x128x128xf32, #tpu.memory_space<vmem>> -> memref<128x128xf32, #tpu.memory_space<vmem>>
    %dma_wait3A_243 = arith.constant 256 : i32
    %dma_wait3A_244 = tpu.memref_slice %arg6[%dma_wait3A_243] : memref<512xi32, #tpu.memory_space<vmem>> -> memref<128xi32, #tpu.memory_space<vmem>>
    %dma_wait3A_245 = arith.constant 0 : i32
    %dma_wait3A_246 = arith.constant 0 : i32
    %dma_wait3A_247 = tpu.memref_slice %arg4[%dma_wait3A_245, %dma_wait3A_246] : memref<100000x128xf32, #tpu.memory_space<hbm>> -> memref<100000x128xf32, #tpu.memory_space<hbm>>
    tpu.wait_indirect_dma semaphore(%arg11 : memref<!tpu.dma_semaphore, #tpu.memory_space<semaphore_mem>>) src(%dma_wait3A_247 : memref<100000x128xf32, #tpu.memory_space<hbm>>) dst(%dma_wait3A_242 : memref<128x128xf32, #tpu.memory_space<vmem>>)
    %dma_start3A_248 = arith.constant 1 : i32
    %dma_start3A_249 = arith.constant 0 : i32
    %dma_start3A_250 = arith.constant 0 : i32
    %dma_start3A_251 = tpu.memref_slice %arg7[%dma_start3A_248, %dma_start3A_249, %dma_start3A_250] : memref<2x128x128xf32, #tpu.memory_space<vmem>> -> memref<1x128x128xf32, #tpu.memory_space<vmem>>
    %dma_start3A_252 = tpu.memref_squeeze %dma_start3A_251 : memref<1x128x128xf32, #tpu.memory_space<vmem>> -> memref<128x128xf32, #tpu.memory_space<vmem>>
    %dma_start3A_253 = arith.constant 384 : i32
    %dma_start3A_254 = tpu.memref_slice %arg6[%dma_start3A_253] : memref<512xi32, #tpu.memory_space<vmem>> -> memref<128xi32, #tpu.memory_space<vmem>>
    %dma_start3A_255 = arith.constant 0 : i32
    %dma_start3A_256 = arith.constant 0 : i32
    %dma_start3A_257 = tpu.memref_slice %arg3[%dma_start3A_255, %dma_start3A_256] : memref<100000x128xf32, #tpu.memory_space<hbm>> -> memref<100000x128xf32, #tpu.memory_space<hbm>>
    tpu.enqueue_indirect_dma source(%dma_start3A_257 : memref<100000x128xf32, #tpu.memory_space<hbm>>) target(%dma_start3A_252 : memref<128x128xf32, #tpu.memory_space<vmem>>) offsets(%dma_start3A_254 : memref<128xi32, #tpu.memory_space<vmem>>) semaphore(%arg12 : memref<!tpu.dma_semaphore, #tpu.memory_space<semaphore_mem>>)
    %dma_start3A_258 = arith.constant 1 : i32
    %dma_start3A_259 = arith.constant 0 : i32
    %dma_start3A_260 = arith.constant 0 : i32
    %dma_start3A_261 = tpu.memref_slice %arg8[%dma_start3A_258, %dma_start3A_259, %dma_start3A_260] : memref<2x128x128xf32, #tpu.memory_space<vmem>> -> memref<1x128x128xf32, #tpu.memory_space<vmem>>
    %dma_start3A_262 = tpu.memref_squeeze %dma_start3A_261 : memref<1x128x128xf32, #tpu.memory_space<vmem>> -> memref<128x128xf32, #tpu.memory_space<vmem>>
    %dma_start3A_263 = arith.constant 384 : i32
    %dma_start3A_264 = tpu.memref_slice %arg6[%dma_start3A_263] : memref<512xi32, #tpu.memory_space<vmem>> -> memref<128xi32, #tpu.memory_space<vmem>>
    %dma_start3A_265 = arith.constant 0 : i32
    %dma_start3A_266 = arith.constant 0 : i32
    %dma_start3A_267 = tpu.memref_slice %arg4[%dma_start3A_265, %dma_start3A_266] : memref<100000x128xf32, #tpu.memory_space<hbm>> -> memref<100000x128xf32, #tpu.memory_space<hbm>>
    tpu.enqueue_indirect_dma source(%dma_start3A_267 : memref<100000x128xf32, #tpu.memory_space<hbm>>) target(%dma_start3A_262 : memref<128x128xf32, #tpu.memory_space<vmem>>) offsets(%dma_start3A_264 : memref<128xi32, #tpu.memory_space<vmem>>) semaphore(%arg12 : memref<!tpu.dma_semaphore, #tpu.memory_space<semaphore_mem>>)
    %add3A_268 = arith.constant 0 : i32
    %add3A_269 = vector.broadcast %add3A_268 : i32 to vector<16xi32>
    %add3A_270 = arith.addi %iota3A, %add3A_269 : vector<16xi32>
    %add3A_271 = arith.constant 16 : i32
    %add3A_272 = vector.broadcast %add3A_271 : i32 to vector<16xi32>
    %add3A_273 = arith.addi %iota3A, %add3A_272 : vector<16xi32>
    %add3A_274 = arith.constant 32 : i32
    %add3A_275 = vector.broadcast %add3A_274 : i32 to vector<16xi32>
    %add3A_276 = arith.addi %iota3A, %add3A_275 : vector<16xi32>
    %add3A_277 = arith.constant 48 : i32
    %add3A_278 = vector.broadcast %add3A_277 : i32 to vector<16xi32>
    %add3A_279 = arith.addi %iota3A, %add3A_278 : vector<16xi32>
    %add3A_280 = arith.constant 64 : i32
    %add3A_281 = vector.broadcast %add3A_280 : i32 to vector<16xi32>
    %add3A_282 = arith.addi %iota3A, %add3A_281 : vector<16xi32>
    %add3A_283 = arith.constant 80 : i32
    %add3A_284 = vector.broadcast %add3A_283 : i32 to vector<16xi32>
    %add3A_285 = arith.addi %iota3A, %add3A_284 : vector<16xi32>
    %add3A_286 = arith.constant 96 : i32
    %add3A_287 = vector.broadcast %add3A_286 : i32 to vector<16xi32>
    %add3A_288 = arith.addi %iota3A, %add3A_287 : vector<16xi32>
    %add3A_289 = arith.constant 112 : i32
    %add3A_290 = vector.broadcast %add3A_289 : i32 to vector<16xi32>
    %add3A_291 = arith.addi %iota3A, %add3A_290 : vector<16xi32>
    %scan3A_292 = arith.constant 0 : i32
    %scan3A_293 = arith.constant 0 : i32
    %scan3A_294 = arith.constant 128 : i32
    %scan3A_295 = arith.addi %scan3A_293, %scan3A_294 : i32
    %scan3A_296 = arith.constant 2 : i32
    scf.for %scan3A_520 = %scan3A_293 to %scan3A_295 step %scan3A_296  : i32 {
      %add3A_521 = vector.broadcast %scan3A_520 : i32 to vector<16xi32>
      %add3A_522 = arith.addi %iota3A, %add3A_521 : vector<16xi32>
      %and3A = arith.constant 127 : i32
      %and3A_523 = vector.broadcast %and3A : i32 to vector<16xi32>
      %and3A_524 = arith.andi %add3A_522, %and3A_523 : vector<16xi32>
      %gather3A = arith.constant 0 : i32
      %gather3A_525 = arith.constant 0 : i32
      %gather3A_526 = arith.constant 0 : i32
      %gather3A_527 = tpu.memref_slice %arg7[%gather3A, %gather3A_525, %gather3A_526] : memref<2x128x128xf32, #tpu.memory_space<vmem>> -> memref<1x128x128xf32, #tpu.memory_space<vmem>>
      %gather3A_528 = tpu.memref_squeeze %gather3A_527 : memref<1x128x128xf32, #tpu.memory_space<vmem>> -> memref<128x128xf32, #tpu.memory_space<vmem>>
      %gather3A_529 = tpu.vector_load_idx %gather3A_528[%add3A_270, %and3A_524] : memref<128x128xf32, #tpu.memory_space<vmem>>[vector<16xi32>, vector<16xi32>], vector<16xf32>,
      %scatter3A = arith.constant 0 : i32
      %scatter3A_530 = arith.constant 0 : i32
      %scatter3A_531 = arith.constant 0 : i32
      %scatter3A_532 = tpu.memref_slice %arg9[%scatter3A, %scatter3A_530, %scatter3A_531] : memref<2x128x128xf32, #tpu.memory_space<vmem>> -> memref<1x128x128xf32, #tpu.memory_space<vmem>>
      %scatter3A_533 = tpu.memref_squeeze %scatter3A_532 : memref<1x128x128xf32, #tpu.memory_space<vmem>> -> memref<128x128xf32, #tpu.memory_space<vmem>>
      tpu.vector_store_idx %scatter3A_533[%and3A_524, %add3A_270], %gather3A_529 : memref<128x128xf32, #tpu.memory_space<vmem>>[vector<16xi32>, vector<16xi32>], vector<16xf32>,
      %gather3A_534 = arith.constant 0 : i32
      %gather3A_535 = arith.constant 0 : i32
      %gather3A_536 = arith.constant 0 : i32
      %gather3A_537 = tpu.memref_slice %arg7[%gather3A_534, %gather3A_535, %gather3A_536] : memref<2x128x128xf32, #tpu.memory_space<vmem>> -> memref<1x128x128xf32, #tpu.memory_space<vmem>>
      %gather3A_538 = tpu.memref_squeeze %gather3A_537 : memref<1x128x128xf32, #tpu.memory_space<vmem>> -> memref<128x128xf32, #tpu.memory_space<vmem>>
      %gather3A_539 = tpu.vector_load_idx %gather3A_538[%add3A_273, %and3A_524] : memref<128x128xf32, #tpu.memory_space<vmem>>[vector<16xi32>, vector<16xi32>], vector<16xf32>,
      %scatter3A_540 = arith.constant 0 : i32
      %scatter3A_541 = arith.constant 0 : i32
      %scatter3A_542 = arith.constant 0 : i32
      %scatter3A_543 = tpu.memref_slice %arg9[%scatter3A_540, %scatter3A_541, %scatter3A_542] : memref<2x128x128xf32, #tpu.memory_space<vmem>> -> memref<1x128x128xf32, #tpu.memory_space<vmem>>
      %scatter3A_544 = tpu.memref_squeeze %scatter3A_543 : memref<1x128x128xf32, #tpu.memory_space<vmem>> -> memref<128x128xf32, #tpu.memory_space<vmem>>
      tpu.vector_store_idx %scatter3A_544[%and3A_524, %add3A_273], %gather3A_539 : memref<128x128xf32, #tpu.memory_space<vmem>>[vector<16xi32>, vector<16xi32>], vector<16xf32>,
      %gather3A_545 = arith.constant 0 : i32
      %gather3A_546 = arith.constant 0 : i32
      %gather3A_547 = arith.constant 0 : i32
      %gather3A_548 = tpu.memref_slice %arg7[%gather3A_545, %gather3A_546, %gather3A_547] : memref<2x128x128xf32, #tpu.memory_space<vmem>> -> memref<1x128x128xf32, #tpu.memory_space<vmem>>
      %gather3A_549 = tpu.memref_squeeze %gather3A_548 : memref<1x128x128xf32, #tpu.memory_space<vmem>> -> memref<128x128xf32, #tpu.memory_space<vmem>>
      %gather3A_550 = tpu.vector_load_idx %gather3A_549[%add3A_276, %and3A_524] : memref<128x128xf32, #tpu.memory_space<vmem>>[vector<16xi32>, vector<16xi32>], vector<16xf32>,
      %scatter3A_551 = arith.constant 0 : i32
      %scatter3A_552 = arith.constant 0 : i32
      %scatter3A_553 = arith.constant 0 : i32
      %scatter3A_554 = tpu.memref_slice %arg9[%scatter3A_551, %scatter3A_552, %scatter3A_553] : memref<2x128x128xf32, #tpu.memory_space<vmem>> -> memref<1x128x128xf32, #tpu.memory_space<vmem>>
      %scatter3A_555 = tpu.memref_squeeze %scatter3A_554 : memref<1x128x128xf32, #tpu.memory_space<vmem>> -> memref<128x128xf32, #tpu.memory_space<vmem>>
      tpu.vector_store_idx %scatter3A_555[%and3A_524, %add3A_276], %gather3A_550 : memref<128x128xf32, #tpu.memory_space<vmem>>[vector<16xi32>, vector<16xi32>], vector<16xf32>,
      %gather3A_556 = arith.constant 0 : i32
      %gather3A_557 = arith.constant 0 : i32
      %gather3A_558 = arith.constant 0 : i32
      %gather3A_559 = tpu.memref_slice %arg7[%gather3A_556, %gather3A_557, %gather3A_558] : memref<2x128x128xf32, #tpu.memory_space<vmem>> -> memref<1x128x128xf32, #tpu.memory_space<vmem>>
      %gather3A_560 = tpu.memref_squeeze %gather3A_559 : memref<1x128x128xf32, #tpu.memory_space<vmem>> -> memref<128x128xf32, #tpu.memory_space<vmem>>
      %gather3A_561 = tpu.vector_load_idx %gather3A_560[%add3A_279, %and3A_524] : memref<128x128xf32, #tpu.memory_space<vmem>>[vector<16xi32>, vector<16xi32>], vector<16xf32>,
      %scatter3A_562 = arith.constant 0 : i32
      %scatter3A_563 = arith.constant 0 : i32
      %scatter3A_564 = arith.constant 0 : i32
      %scatter3A_565 = tpu.memref_slice %arg9[%scatter3A_562, %scatter3A_563, %scatter3A_564] : memref<2x128x128xf32, #tpu.memory_space<vmem>> -> memref<1x128x128xf32, #tpu.memory_space<vmem>>
      %scatter3A_566 = tpu.memref_squeeze %scatter3A_565 : memref<1x128x128xf32, #tpu.memory_space<vmem>> -> memref<128x128xf32, #tpu.memory_space<vmem>>
      tpu.vector_store_idx %scatter3A_566[%and3A_524, %add3A_279], %gather3A_561 : memref<128x128xf32, #tpu.memory_space<vmem>>[vector<16xi32>, vector<16xi32>], vector<16xf32>,
      %gather3A_567 = arith.constant 0 : i32
      %gather3A_568 = arith.constant 0 : i32
      %gather3A_569 = arith.constant 0 : i32
      %gather3A_570 = tpu.memref_slice %arg7[%gather3A_567, %gather3A_568, %gather3A_569] : memref<2x128x128xf32, #tpu.memory_space<vmem>> -> memref<1x128x128xf32, #tpu.memory_space<vmem>>
      %gather3A_571 = tpu.memref_squeeze %gather3A_570 : memref<1x128x128xf32, #tpu.memory_space<vmem>> -> memref<128x128xf32, #tpu.memory_space<vmem>>
      %gather3A_572 = tpu.vector_load_idx %gather3A_571[%add3A_282, %and3A_524] : memref<128x128xf32, #tpu.memory_space<vmem>>[vector<16xi32>, vector<16xi32>], vector<16xf32>,
      %scatter3A_573 = arith.constant 0 : i32
      %scatter3A_574 = arith.constant 0 : i32
      %scatter3A_575 = arith.constant 0 : i32
      %scatter3A_576 = tpu.memref_slice %arg9[%scatter3A_573, %scatter3A_574, %scatter3A_575] : memref<2x128x128xf32, #tpu.memory_space<vmem>> -> memref<1x128x128xf32, #tpu.memory_space<vmem>>
      %scatter3A_577 = tpu.memref_squeeze %scatter3A_576 : memref<1x128x128xf32, #tpu.memory_space<vmem>> -> memref<128x128xf32, #tpu.memory_space<vmem>>
      tpu.vector_store_idx %scatter3A_577[%and3A_524, %add3A_282], %gather3A_572 : memref<128x128xf32, #tpu.memory_space<vmem>>[vector<16xi32>, vector<16xi32>], vector<16xf32>,
      %gather3A_578 = arith.constant 0 : i32
      %gather3A_579 = arith.constant 0 : i32
      %gather3A_580 = arith.constant 0 : i32
      %gather3A_581 = tpu.memref_slice %arg7[%gather3A_578, %gather3A_579, %gather3A_580] : memref<2x128x128xf32, #tpu.memory_space<vmem>> -> memref<1x128x128xf32, #tpu.memory_space<vmem>>
      %gather3A_582 = tpu.memref_squeeze %gather3A_581 : memref<1x128x128xf32, #tpu.memory_space<vmem>> -> memref<128x128xf32, #tpu.memory_space<vmem>>
      %gather3A_583 = tpu.vector_load_idx %gather3A_582[%add3A_285, %and3A_524] : memref<128x128xf32, #tpu.memory_space<vmem>>[vector<16xi32>, vector<16xi32>], vector<16xf32>,
      %scatter3A_584 = arith.constant 0 : i32
      %scatter3A_585 = arith.constant 0 : i32
      %scatter3A_586 = arith.constant 0 : i32
      %scatter3A_587 = tpu.memref_slice %arg9[%scatter3A_584, %scatter3A_585, %scatter3A_586] : memref<2x128x128xf32, #tpu.memory_space<vmem>> -> memref<1x128x128xf32, #tpu.memory_space<vmem>>
      %scatter3A_588 = tpu.memref_squeeze %scatter3A_587 : memref<1x128x128xf32, #tpu.memory_space<vmem>> -> memref<128x128xf32, #tpu.memory_space<vmem>>
      tpu.vector_store_idx %scatter3A_588[%and3A_524, %add3A_285], %gather3A_583 : memref<128x128xf32, #tpu.memory_space<vmem>>[vector<16xi32>, vector<16xi32>], vector<16xf32>,
      %gather3A_589 = arith.constant 0 : i32
      %gather3A_590 = arith.constant 0 : i32
      %gather3A_591 = arith.constant 0 : i32
      %gather3A_592 = tpu.memref_slice %arg7[%gather3A_589, %gather3A_590, %gather3A_591] : memref<2x128x128xf32, #tpu.memory_space<vmem>> -> memref<1x128x128xf32, #tpu.memory_space<vmem>>
      %gather3A_593 = tpu.memref_squeeze %gather3A_592 : memref<1x128x128xf32, #tpu.memory_space<vmem>> -> memref<128x128xf32, #tpu.memory_space<vmem>>
      %gather3A_594 = tpu.vector_load_idx %gather3A_593[%add3A_288, %and3A_524] : memref<128x128xf32, #tpu.memory_space<vmem>>[vector<16xi32>, vector<16xi32>], vector<16xf32>,
      %scatter3A_595 = arith.constant 0 : i32
      %scatter3A_596 = arith.constant 0 : i32
      %scatter3A_597 = arith.constant 0 : i32
      %scatter3A_598 = tpu.memref_slice %arg9[%scatter3A_595, %scatter3A_596, %scatter3A_597] : memref<2x128x128xf32, #tpu.memory_space<vmem>> -> memref<1x128x128xf32, #tpu.memory_space<vmem>>
      %scatter3A_599 = tpu.memref_squeeze %scatter3A_598 : memref<1x128x128xf32, #tpu.memory_space<vmem>> -> memref<128x128xf32, #tpu.memory_space<vmem>>
      tpu.vector_store_idx %scatter3A_599[%and3A_524, %add3A_288], %gather3A_594 : memref<128x128xf32, #tpu.memory_space<vmem>>[vector<16xi32>, vector<16xi32>], vector<16xf32>,
      %gather3A_600 = arith.constant 0 : i32
      %gather3A_601 = arith.constant 0 : i32
      %gather3A_602 = arith.constant 0 : i32
      %gather3A_603 = tpu.memref_slice %arg7[%gather3A_600, %gather3A_601, %gather3A_602] : memref<2x128x128xf32, #tpu.memory_space<vmem>> -> memref<1x128x128xf32, #tpu.memory_space<vmem>>
      %gather3A_604 = tpu.memref_squeeze %gather3A_603 : memref<1x128x128xf32, #tpu.memory_space<vmem>> -> memref<128x128xf32, #tpu.memory_space<vmem>>
      %gather3A_605 = tpu.vector_load_idx %gather3A_604[%add3A_291, %and3A_524] : memref<128x128xf32, #tpu.memory_space<vmem>>[vector<16xi32>, vector<16xi32>], vector<16xf32>,
      %scatter3A_606 = arith.constant 0 : i32
      %scatter3A_607 = arith.constant 0 : i32
      %scatter3A_608 = arith.constant 0 : i32
      %scatter3A_609 = tpu.memref_slice %arg9[%scatter3A_606, %scatter3A_607, %scatter3A_608] : memref<2x128x128xf32, #tpu.memory_space<vmem>> -> memref<1x128x128xf32, #tpu.memory_space<vmem>>
      %scatter3A_610 = tpu.memref_squeeze %scatter3A_609 : memref<1x128x128xf32, #tpu.memory_space<vmem>> -> memref<128x128xf32, #tpu.memory_space<vmem>>
      tpu.vector_store_idx %scatter3A_610[%and3A_524, %add3A_291], %gather3A_605 : memref<128x128xf32, #tpu.memory_space<vmem>>[vector<16xi32>, vector<16xi32>], vector<16xf32>,
      %scan3A_611 = arith.constant 1 : i32
      %scan3A_612 = arith.addi %scan3A_520, %scan3A_611 : i32
      %add3A_613 = vector.broadcast %scan3A_612 : i32 to vector<16xi32>
      %add3A_614 = arith.addi %iota3A, %add3A_613 : vector<16xi32>
      %and3A_615 = arith.constant 127 : i32
      %and3A_616 = vector.broadcast %and3A_615 : i32 to vector<16xi32>
      %and3A_617 = arith.andi %add3A_614, %and3A_616 : vector<16xi32>
      %gather3A_618 = arith.constant 0 : i32
      %gather3A_619 = arith.constant 0 : i32
      %gather3A_620 = arith.constant 0 : i32
      %gather3A_621 = tpu.memref_slice %arg7[%gather3A_618, %gather3A_619, %gather3A_620] : memref<2x128x128xf32, #tpu.memory_space<vmem>> -> memref<1x128x128xf32, #tpu.memory_space<vmem>>
      %gather3A_622 = tpu.memref_squeeze %gather3A_621 : memref<1x128x128xf32, #tpu.memory_space<vmem>> -> memref<128x128xf32, #tpu.memory_space<vmem>>
      %gather3A_623 = tpu.vector_load_idx %gather3A_622[%add3A_270, %and3A_617] : memref<128x128xf32, #tpu.memory_space<vmem>>[vector<16xi32>, vector<16xi32>], vector<16xf32>,
      %scatter3A_624 = arith.constant 0 : i32
      %scatter3A_625 = arith.constant 0 : i32
      %scatter3A_626 = arith.constant 0 : i32
      %scatter3A_627 = tpu.memref_slice %arg9[%scatter3A_624, %scatter3A_625, %scatter3A_626] : memref<2x128x128xf32, #tpu.memory_space<vmem>> -> memref<1x128x128xf32, #tpu.memory_space<vmem>>
      %scatter3A_628 = tpu.memref_squeeze %scatter3A_627 : memref<1x128x128xf32, #tpu.memory_space<vmem>> -> memref<128x128xf32, #tpu.memory_space<vmem>>
      tpu.vector_store_idx %scatter3A_628[%and3A_617, %add3A_270], %gather3A_623 : memref<128x128xf32, #tpu.memory_space<vmem>>[vector<16xi32>, vector<16xi32>], vector<16xf32>,
      %gather3A_629 = arith.constant 0 : i32
      %gather3A_630 = arith.constant 0 : i32
      %gather3A_631 = arith.constant 0 : i32
      %gather3A_632 = tpu.memref_slice %arg7[%gather3A_629, %gather3A_630, %gather3A_631] : memref<2x128x128xf32, #tpu.memory_space<vmem>> -> memref<1x128x128xf32, #tpu.memory_space<vmem>>
      %gather3A_633 = tpu.memref_squeeze %gather3A_632 : memref<1x128x128xf32, #tpu.memory_space<vmem>> -> memref<128x128xf32, #tpu.memory_space<vmem>>
      %gather3A_634 = tpu.vector_load_idx %gather3A_633[%add3A_273, %and3A_617] : memref<128x128xf32, #tpu.memory_space<vmem>>[vector<16xi32>, vector<16xi32>], vector<16xf32>,
      %scatter3A_635 = arith.constant 0 : i32
      %scatter3A_636 = arith.constant 0 : i32
      %scatter3A_637 = arith.constant 0 : i32
      %scatter3A_638 = tpu.memref_slice %arg9[%scatter3A_635, %scatter3A_636, %scatter3A_637] : memref<2x128x128xf32, #tpu.memory_space<vmem>> -> memref<1x128x128xf32, #tpu.memory_space<vmem>>
      %scatter3A_639 = tpu.memref_squeeze %scatter3A_638 : memref<1x128x128xf32, #tpu.memory_space<vmem>> -> memref<128x128xf32, #tpu.memory_space<vmem>>
      tpu.vector_store_idx %scatter3A_639[%and3A_617, %add3A_273], %gather3A_634 : memref<128x128xf32, #tpu.memory_space<vmem>>[vector<16xi32>, vector<16xi32>], vector<16xf32>,
      %gather3A_640 = arith.constant 0 : i32
      %gather3A_641 = arith.constant 0 : i32
      %gather3A_642 = arith.constant 0 : i32
      %gather3A_643 = tpu.memref_slice %arg7[%gather3A_640, %gather3A_641, %gather3A_642] : memref<2x128x128xf32, #tpu.memory_space<vmem>> -> memref<1x128x128xf32, #tpu.memory_space<vmem>>
      %gather3A_644 = tpu.memref_squeeze %gather3A_643 : memref<1x128x128xf32, #tpu.memory_space<vmem>> -> memref<128x128xf32, #tpu.memory_space<vmem>>
      %gather3A_645 = tpu.vector_load_idx %gather3A_644[%add3A_276, %and3A_617] : memref<128x128xf32, #tpu.memory_space<vmem>>[vector<16xi32>, vector<16xi32>], vector<16xf32>,
      %scatter3A_646 = arith.constant 0 : i32
      %scatter3A_647 = arith.constant 0 : i32
      %scatter3A_648 = arith.constant 0 : i32
      %scatter3A_649 = tpu.memref_slice %arg9[%scatter3A_646, %scatter3A_647, %scatter3A_648] : memref<2x128x128xf32, #tpu.memory_space<vmem>> -> memref<1x128x128xf32, #tpu.memory_space<vmem>>
      %scatter3A_650 = tpu.memref_squeeze %scatter3A_649 : memref<1x128x128xf32, #tpu.memory_space<vmem>> -> memref<128x128xf32, #tpu.memory_space<vmem>>
      tpu.vector_store_idx %scatter3A_650[%and3A_617, %add3A_276], %gather3A_645 : memref<128x128xf32, #tpu.memory_space<vmem>>[vector<16xi32>, vector<16xi32>], vector<16xf32>,
      %gather3A_651 = arith.constant 0 : i32
      %gather3A_652 = arith.constant 0 : i32
      %gather3A_653 = arith.constant 0 : i32
      %gather3A_654 = tpu.memref_slice %arg7[%gather3A_651, %gather3A_652, %gather3A_653] : memref<2x128x128xf32, #tpu.memory_space<vmem>> -> memref<1x128x128xf32, #tpu.memory_space<vmem>>
      %gather3A_655 = tpu.memref_squeeze %gather3A_654 : memref<1x128x128xf32, #tpu.memory_space<vmem>> -> memref<128x128xf32, #tpu.memory_space<vmem>>
      %gather3A_656 = tpu.vector_load_idx %gather3A_655[%add3A_279, %and3A_617] : memref<128x128xf32, #tpu.memory_space<vmem>>[vector<16xi32>, vector<16xi32>], vector<16xf32>,
      %scatter3A_657 = arith.constant 0 : i32
      %scatter3A_658 = arith.constant 0 : i32
      %scatter3A_659 = arith.constant 0 : i32
      %scatter3A_660 = tpu.memref_slice %arg9[%scatter3A_657, %scatter3A_658, %scatter3A_659] : memref<2x128x128xf32, #tpu.memory_space<vmem>> -> memref<1x128x128xf32, #tpu.memory_space<vmem>>
      %scatter3A_661 = tpu.memref_squeeze %scatter3A_660 : memref<1x128x128xf32, #tpu.memory_space<vmem>> -> memref<128x128xf32, #tpu.memory_space<vmem>>
      tpu.vector_store_idx %scatter3A_661[%and3A_617, %add3A_279], %gather3A_656 : memref<128x128xf32, #tpu.memory_space<vmem>>[vector<16xi32>, vector<16xi32>], vector<16xf32>,
      %gather3A_662 = arith.constant 0 : i32
      %gather3A_663 = arith.constant 0 : i32
      %gather3A_664 = arith.constant 0 : i32
      %gather3A_665 = tpu.memref_slice %arg7[%gather3A_662, %gather3A_663, %gather3A_664] : memref<2x128x128xf32, #tpu.memory_space<vmem>> -> memref<1x128x128xf32, #tpu.memory_space<vmem>>
      %gather3A_666 = tpu.memref_squeeze %gather3A_665 : memref<1x128x128xf32, #tpu.memory_space<vmem>> -> memref<128x128xf32, #tpu.memory_space<vmem>>
      %gather3A_667 = tpu.vector_load_idx %gather3A_666[%add3A_282, %and3A_617] : memref<128x128xf32, #tpu.memory_space<vmem>>[vector<16xi32>, vector<16xi32>], vector<16xf32>,
      %scatter3A_668 = arith.constant 0 : i32
      %scatter3A_669 = arith.constant 0 : i32
      %scatter3A_670 = arith.constant 0 : i32
      %scatter3A_671 = tpu.memref_slice %arg9[%scatter3A_668, %scatter3A_669, %scatter3A_670] : memref<2x128x128xf32, #tpu.memory_space<vmem>> -> memref<1x128x128xf32, #tpu.memory_space<vmem>>
      %scatter3A_672 = tpu.memref_squeeze %scatter3A_671 : memref<1x128x128xf32, #tpu.memory_space<vmem>> -> memref<128x128xf32, #tpu.memory_space<vmem>>
      tpu.vector_store_idx %scatter3A_672[%and3A_617, %add3A_282], %gather3A_667 : memref<128x128xf32, #tpu.memory_space<vmem>>[vector<16xi32>, vector<16xi32>], vector<16xf32>,
      %gather3A_673 = arith.constant 0 : i32
      %gather3A_674 = arith.constant 0 : i32
      %gather3A_675 = arith.constant 0 : i32
      %gather3A_676 = tpu.memref_slice %arg7[%gather3A_673, %gather3A_674, %gather3A_675] : memref<2x128x128xf32, #tpu.memory_space<vmem>> -> memref<1x128x128xf32, #tpu.memory_space<vmem>>
      %gather3A_677 = tpu.memref_squeeze %gather3A_676 : memref<1x128x128xf32, #tpu.memory_space<vmem>> -> memref<128x128xf32, #tpu.memory_space<vmem>>
      %gather3A_678 = tpu.vector_load_idx %gather3A_677[%add3A_285, %and3A_617] : memref<128x128xf32, #tpu.memory_space<vmem>>[vector<16xi32>, vector<16xi32>], vector<16xf32>,
      %scatter3A_679 = arith.constant 0 : i32
      %scatter3A_680 = arith.constant 0 : i32
      %scatter3A_681 = arith.constant 0 : i32
      %scatter3A_682 = tpu.memref_slice %arg9[%scatter3A_679, %scatter3A_680, %scatter3A_681] : memref<2x128x128xf32, #tpu.memory_space<vmem>> -> memref<1x128x128xf32, #tpu.memory_space<vmem>>
      %scatter3A_683 = tpu.memref_squeeze %scatter3A_682 : memref<1x128x128xf32, #tpu.memory_space<vmem>> -> memref<128x128xf32, #tpu.memory_space<vmem>>
      tpu.vector_store_idx %scatter3A_683[%and3A_617, %add3A_285], %gather3A_678 : memref<128x128xf32, #tpu.memory_space<vmem>>[vector<16xi32>, vector<16xi32>], vector<16xf32>,
      %gather3A_684 = arith.constant 0 : i32
      %gather3A_685 = arith.constant 0 : i32
      %gather3A_686 = arith.constant 0 : i32
      %gather3A_687 = tpu.memref_slice %arg7[%gather3A_684, %gather3A_685, %gather3A_686] : memref<2x128x128xf32, #tpu.memory_space<vmem>> -> memref<1x128x128xf32, #tpu.memory_space<vmem>>
      %gather3A_688 = tpu.memref_squeeze %gather3A_687 : memref<1x128x128xf32, #tpu.memory_space<vmem>> -> memref<128x128xf32, #tpu.memory_space<vmem>>
      %gather3A_689 = tpu.vector_load_idx %gather3A_688[%add3A_288, %and3A_617] : memref<128x128xf32, #tpu.memory_space<vmem>>[vector<16xi32>, vector<16xi32>], vector<16xf32>,
      %scatter3A_690 = arith.constant 0 : i32
      %scatter3A_691 = arith.constant 0 : i32
      %scatter3A_692 = arith.constant 0 : i32
      %scatter3A_693 = tpu.memref_slice %arg9[%scatter3A_690, %scatter3A_691, %scatter3A_692] : memref<2x128x128xf32, #tpu.memory_space<vmem>> -> memref<1x128x128xf32, #tpu.memory_space<vmem>>
      %scatter3A_694 = tpu.memref_squeeze %scatter3A_693 : memref<1x128x128xf32, #tpu.memory_space<vmem>> -> memref<128x128xf32, #tpu.memory_space<vmem>>
      tpu.vector_store_idx %scatter3A_694[%and3A_617, %add3A_288], %gather3A_689 : memref<128x128xf32, #tpu.memory_space<vmem>>[vector<16xi32>, vector<16xi32>], vector<16xf32>,
      %gather3A_695 = arith.constant 0 : i32
      %gather3A_696 = arith.constant 0 : i32
      %gather3A_697 = arith.constant 0 : i32
      %gather3A_698 = tpu.memref_slice %arg7[%gather3A_695, %gather3A_696, %gather3A_697] : memref<2x128x128xf32, #tpu.memory_space<vmem>> -> memref<1x128x128xf32, #tpu.memory_space<vmem>>
      %gather3A_699 = tpu.memref_squeeze %gather3A_698 : memref<1x128x128xf32, #tpu.memory_space<vmem>> -> memref<128x128xf32, #tpu.memory_space<vmem>>
      %gather3A_700 = tpu.vector_load_idx %gather3A_699[%add3A_291, %and3A_617] : memref<128x128xf32, #tpu.memory_space<vmem>>[vector<16xi32>, vector<16xi32>], vector<16xf32>,
      %scatter3A_701 = arith.constant 0 : i32
      %scatter3A_702 = arith.constant 0 : i32
      %scatter3A_703 = arith.constant 0 : i32
      %scatter3A_704 = tpu.memref_slice %arg9[%scatter3A_701, %scatter3A_702, %scatter3A_703] : memref<2x128x128xf32, #tpu.memory_space<vmem>> -> memref<1x128x128xf32, #tpu.memory_space<vmem>>
      %scatter3A_705 = tpu.memref_squeeze %scatter3A_704 : memref<1x128x128xf32, #tpu.memory_space<vmem>> -> memref<128x128xf32, #tpu.memory_space<vmem>>
      tpu.vector_store_idx %scatter3A_705[%and3A_617, %add3A_291], %gather3A_700 : memref<128x128xf32, #tpu.memory_space<vmem>>[vector<16xi32>, vector<16xi32>], vector<16xf32>,
    }
    %scan3A_297 = arith.constant 128 : i32
    %scan3A_298 = arith.constant 0 : i32
    %scan3A_299 = arith.constant 0 : i32
    %scan3A_300 = arith.constant 64 : i32
    %scan3A_301 = arith.addi %scan3A_299, %scan3A_300 : i32
    %scan3A_302 = arith.constant 2 : i32
    scf.for %scan3A_520 = %scan3A_299 to %scan3A_301 step %scan3A_302  : i32 {
      %add3A_521 = vector.broadcast %scan3A_520 : i32 to vector<16xi32>
      %add3A_522 = arith.addi %iota3A, %add3A_521 : vector<16xi32>
      %and3A = arith.constant 63 : i32
      %and3A_523 = vector.broadcast %and3A : i32 to vector<16xi32>
      %and3A_524 = arith.andi %add3A_522, %and3A_523 : vector<16xi32>
      %gather3A = arith.constant 0 : i32
      %gather3A_525 = arith.constant 0 : i32
      %gather3A_526 = arith.constant 0 : i32
      %gather3A_527 = tpu.memref_slice %arg8[%gather3A, %gather3A_525, %gather3A_526] : memref<2x128x128xf32, #tpu.memory_space<vmem>> -> memref<1x128x128xf32, #tpu.memory_space<vmem>>
      %gather3A_528 = tpu.memref_squeeze %gather3A_527 : memref<1x128x128xf32, #tpu.memory_space<vmem>> -> memref<128x128xf32, #tpu.memory_space<vmem>>
      %gather3A_529 = tpu.vector_load_idx %gather3A_528[%add3A_270, %and3A_524] : memref<128x128xf32, #tpu.memory_space<vmem>>[vector<16xi32>, vector<16xi32>], vector<16xf32>,
      %scatter3A = arith.constant 0 : i32
      %scatter3A_530 = arith.constant 0 : i32
      %scatter3A_531 = arith.constant 0 : i32
      %scatter3A_532 = tpu.memref_slice %arg10[%scatter3A, %scatter3A_530, %scatter3A_531] : memref<2x64x128xf32, #tpu.memory_space<vmem>> -> memref<1x64x128xf32, #tpu.memory_space<vmem>>
      %scatter3A_533 = tpu.memref_squeeze %scatter3A_532 : memref<1x64x128xf32, #tpu.memory_space<vmem>> -> memref<64x128xf32, #tpu.memory_space<vmem>>
      tpu.vector_store_idx %scatter3A_533[%and3A_524, %add3A_270], %gather3A_529 : memref<64x128xf32, #tpu.memory_space<vmem>>[vector<16xi32>, vector<16xi32>], vector<16xf32>,
      %gather3A_534 = arith.constant 0 : i32
      %gather3A_535 = arith.constant 0 : i32
      %gather3A_536 = arith.constant 0 : i32
      %gather3A_537 = tpu.memref_slice %arg8[%gather3A_534, %gather3A_535, %gather3A_536] : memref<2x128x128xf32, #tpu.memory_space<vmem>> -> memref<1x128x128xf32, #tpu.memory_space<vmem>>
      %gather3A_538 = tpu.memref_squeeze %gather3A_537 : memref<1x128x128xf32, #tpu.memory_space<vmem>> -> memref<128x128xf32, #tpu.memory_space<vmem>>
      %gather3A_539 = tpu.vector_load_idx %gather3A_538[%add3A_273, %and3A_524] : memref<128x128xf32, #tpu.memory_space<vmem>>[vector<16xi32>, vector<16xi32>], vector<16xf32>,
      %scatter3A_540 = arith.constant 0 : i32
      %scatter3A_541 = arith.constant 0 : i32
      %scatter3A_542 = arith.constant 0 : i32
      %scatter3A_543 = tpu.memref_slice %arg10[%scatter3A_540, %scatter3A_541, %scatter3A_542] : memref<2x64x128xf32, #tpu.memory_space<vmem>> -> memref<1x64x128xf32, #tpu.memory_space<vmem>>
      %scatter3A_544 = tpu.memref_squeeze %scatter3A_543 : memref<1x64x128xf32, #tpu.memory_space<vmem>> -> memref<64x128xf32, #tpu.memory_space<vmem>>
      tpu.vector_store_idx %scatter3A_544[%and3A_524, %add3A_273], %gather3A_539 : memref<64x128xf32, #tpu.memory_space<vmem>>[vector<16xi32>, vector<16xi32>], vector<16xf32>,
      %gather3A_545 = arith.constant 0 : i32
      %gather3A_546 = arith.constant 0 : i32
      %gather3A_547 = arith.constant 0 : i32
      %gather3A_548 = tpu.memref_slice %arg8[%gather3A_545, %gather3A_546, %gather3A_547] : memref<2x128x128xf32, #tpu.memory_space<vmem>> -> memref<1x128x128xf32, #tpu.memory_space<vmem>>
      %gather3A_549 = tpu.memref_squeeze %gather3A_548 : memref<1x128x128xf32, #tpu.memory_space<vmem>> -> memref<128x128xf32, #tpu.memory_space<vmem>>
      %gather3A_550 = tpu.vector_load_idx %gather3A_549[%add3A_276, %and3A_524] : memref<128x128xf32, #tpu.memory_space<vmem>>[vector<16xi32>, vector<16xi32>], vector<16xf32>,
      %scatter3A_551 = arith.constant 0 : i32
      %scatter3A_552 = arith.constant 0 : i32
      %scatter3A_553 = arith.constant 0 : i32
      %scatter3A_554 = tpu.memref_slice %arg10[%scatter3A_551, %scatter3A_552, %scatter3A_553] : memref<2x64x128xf32, #tpu.memory_space<vmem>> -> memref<1x64x128xf32, #tpu.memory_space<vmem>>
      %scatter3A_555 = tpu.memref_squeeze %scatter3A_554 : memref<1x64x128xf32, #tpu.memory_space<vmem>> -> memref<64x128xf32, #tpu.memory_space<vmem>>
      tpu.vector_store_idx %scatter3A_555[%and3A_524, %add3A_276], %gather3A_550 : memref<64x128xf32, #tpu.memory_space<vmem>>[vector<16xi32>, vector<16xi32>], vector<16xf32>,
      %gather3A_556 = arith.constant 0 : i32
      %gather3A_557 = arith.constant 0 : i32
      %gather3A_558 = arith.constant 0 : i32
      %gather3A_559 = tpu.memref_slice %arg8[%gather3A_556, %gather3A_557, %gather3A_558] : memref<2x128x128xf32, #tpu.memory_space<vmem>> -> memref<1x128x128xf32, #tpu.memory_space<vmem>>
      %gather3A_560 = tpu.memref_squeeze %gather3A_559 : memref<1x128x128xf32, #tpu.memory_space<vmem>> -> memref<128x128xf32, #tpu.memory_space<vmem>>
      %gather3A_561 = tpu.vector_load_idx %gather3A_560[%add3A_279, %and3A_524] : memref<128x128xf32, #tpu.memory_space<vmem>>[vector<16xi32>, vector<16xi32>], vector<16xf32>,
      %scatter3A_562 = arith.constant 0 : i32
      %scatter3A_563 = arith.constant 0 : i32
      %scatter3A_564 = arith.constant 0 : i32
      %scatter3A_565 = tpu.memref_slice %arg10[%scatter3A_562, %scatter3A_563, %scatter3A_564] : memref<2x64x128xf32, #tpu.memory_space<vmem>> -> memref<1x64x128xf32, #tpu.memory_space<vmem>>
      %scatter3A_566 = tpu.memref_squeeze %scatter3A_565 : memref<1x64x128xf32, #tpu.memory_space<vmem>> -> memref<64x128xf32, #tpu.memory_space<vmem>>
      tpu.vector_store_idx %scatter3A_566[%and3A_524, %add3A_279], %gather3A_561 : memref<64x128xf32, #tpu.memory_space<vmem>>[vector<16xi32>, vector<16xi32>], vector<16xf32>,
      %gather3A_567 = arith.constant 0 : i32
      %gather3A_568 = arith.constant 0 : i32
      %gather3A_569 = arith.constant 0 : i32
      %gather3A_570 = tpu.memref_slice %arg8[%gather3A_567, %gather3A_568, %gather3A_569] : memref<2x128x128xf32, #tpu.memory_space<vmem>> -> memref<1x128x128xf32, #tpu.memory_space<vmem>>
      %gather3A_571 = tpu.memref_squeeze %gather3A_570 : memref<1x128x128xf32, #tpu.memory_space<vmem>> -> memref<128x128xf32, #tpu.memory_space<vmem>>
      %gather3A_572 = tpu.vector_load_idx %gather3A_571[%add3A_282, %and3A_524] : memref<128x128xf32, #tpu.memory_space<vmem>>[vector<16xi32>, vector<16xi32>], vector<16xf32>,
      %scatter3A_573 = arith.constant 0 : i32
      %scatter3A_574 = arith.constant 0 : i32
      %scatter3A_575 = arith.constant 0 : i32
      %scatter3A_576 = tpu.memref_slice %arg10[%scatter3A_573, %scatter3A_574, %scatter3A_575] : memref<2x64x128xf32, #tpu.memory_space<vmem>> -> memref<1x64x128xf32, #tpu.memory_space<vmem>>
      %scatter3A_577 = tpu.memref_squeeze %scatter3A_576 : memref<1x64x128xf32, #tpu.memory_space<vmem>> -> memref<64x128xf32, #tpu.memory_space<vmem>>
      tpu.vector_store_idx %scatter3A_577[%and3A_524, %add3A_282], %gather3A_572 : memref<64x128xf32, #tpu.memory_space<vmem>>[vector<16xi32>, vector<16xi32>], vector<16xf32>,
      %gather3A_578 = arith.constant 0 : i32
      %gather3A_579 = arith.constant 0 : i32
      %gather3A_580 = arith.constant 0 : i32
      %gather3A_581 = tpu.memref_slice %arg8[%gather3A_578, %gather3A_579, %gather3A_580] : memref<2x128x128xf32, #tpu.memory_space<vmem>> -> memref<1x128x128xf32, #tpu.memory_space<vmem>>
      %gather3A_582 = tpu.memref_squeeze %gather3A_581 : memref<1x128x128xf32, #tpu.memory_space<vmem>> -> memref<128x128xf32, #tpu.memory_space<vmem>>
      %gather3A_583 = tpu.vector_load_idx %gather3A_582[%add3A_285, %and3A_524] : memref<128x128xf32, #tpu.memory_space<vmem>>[vector<16xi32>, vector<16xi32>], vector<16xf32>,
      %scatter3A_584 = arith.constant 0 : i32
      %scatter3A_585 = arith.constant 0 : i32
      %scatter3A_586 = arith.constant 0 : i32
      %scatter3A_587 = tpu.memref_slice %arg10[%scatter3A_584, %scatter3A_585, %scatter3A_586] : memref<2x64x128xf32, #tpu.memory_space<vmem>> -> memref<1x64x128xf32, #tpu.memory_space<vmem>>
      %scatter3A_588 = tpu.memref_squeeze %scatter3A_587 : memref<1x64x128xf32, #tpu.memory_space<vmem>> -> memref<64x128xf32, #tpu.memory_space<vmem>>
      tpu.vector_store_idx %scatter3A_588[%and3A_524, %add3A_285], %gather3A_583 : memref<64x128xf32, #tpu.memory_space<vmem>>[vector<16xi32>, vector<16xi32>], vector<16xf32>,
      %gather3A_589 = arith.constant 0 : i32
      %gather3A_590 = arith.constant 0 : i32
      %gather3A_591 = arith.constant 0 : i32
      %gather3A_592 = tpu.memref_slice %arg8[%gather3A_589, %gather3A_590, %gather3A_591] : memref<2x128x128xf32, #tpu.memory_space<vmem>> -> memref<1x128x128xf32, #tpu.memory_space<vmem>>
      %gather3A_593 = tpu.memref_squeeze %gather3A_592 : memref<1x128x128xf32, #tpu.memory_space<vmem>> -> memref<128x128xf32, #tpu.memory_space<vmem>>
      %gather3A_594 = tpu.vector_load_idx %gather3A_593[%add3A_288, %and3A_524] : memref<128x128xf32, #tpu.memory_space<vmem>>[vector<16xi32>, vector<16xi32>], vector<16xf32>,
      %scatter3A_595 = arith.constant 0 : i32
      %scatter3A_596 = arith.constant 0 : i32
      %scatter3A_597 = arith.constant 0 : i32
      %scatter3A_598 = tpu.memref_slice %arg10[%scatter3A_595, %scatter3A_596, %scatter3A_597] : memref<2x64x128xf32, #tpu.memory_space<vmem>> -> memref<1x64x128xf32, #tpu.memory_space<vmem>>
      %scatter3A_599 = tpu.memref_squeeze %scatter3A_598 : memref<1x64x128xf32, #tpu.memory_space<vmem>> -> memref<64x128xf32, #tpu.memory_space<vmem>>
      tpu.vector_store_idx %scatter3A_599[%and3A_524, %add3A_288], %gather3A_594 : memref<64x128xf32, #tpu.memory_space<vmem>>[vector<16xi32>, vector<16xi32>], vector<16xf32>,
      %gather3A_600 = arith.constant 0 : i32
      %gather3A_601 = arith.constant 0 : i32
      %gather3A_602 = arith.constant 0 : i32
      %gather3A_603 = tpu.memref_slice %arg8[%gather3A_600, %gather3A_601, %gather3A_602] : memref<2x128x128xf32, #tpu.memory_space<vmem>> -> memref<1x128x128xf32, #tpu.memory_space<vmem>>
      %gather3A_604 = tpu.memref_squeeze %gather3A_603 : memref<1x128x128xf32, #tpu.memory_space<vmem>> -> memref<128x128xf32, #tpu.memory_space<vmem>>
      %gather3A_605 = tpu.vector_load_idx %gather3A_604[%add3A_291, %and3A_524] : memref<128x128xf32, #tpu.memory_space<vmem>>[vector<16xi32>, vector<16xi32>], vector<16xf32>,
      %scatter3A_606 = arith.constant 0 : i32
      %scatter3A_607 = arith.constant 0 : i32
      %scatter3A_608 = arith.constant 0 : i32
      %scatter3A_609 = tpu.memref_slice %arg10[%scatter3A_606, %scatter3A_607, %scatter3A_608] : memref<2x64x128xf32, #tpu.memory_space<vmem>> -> memref<1x64x128xf32, #tpu.memory_space<vmem>>
      %scatter3A_610 = tpu.memref_squeeze %scatter3A_609 : memref<1x64x128xf32, #tpu.memory_space<vmem>> -> memref<64x128xf32, #tpu.memory_space<vmem>>
      tpu.vector_store_idx %scatter3A_610[%and3A_524, %add3A_291], %gather3A_605 : memref<64x128xf32, #tpu.memory_space<vmem>>[vector<16xi32>, vector<16xi32>], vector<16xf32>,
      %scan3A_611 = arith.constant 1 : i32
      %scan3A_612 = arith.addi %scan3A_520, %scan3A_611 : i32
      %add3A_613 = vector.broadcast %scan3A_612 : i32 to vector<16xi32>
      %add3A_614 = arith.addi %iota3A, %add3A_613 : vector<16xi32>
      %and3A_615 = arith.constant 63 : i32
      %and3A_616 = vector.broadcast %and3A_615 : i32 to vector<16xi32>
      %and3A_617 = arith.andi %add3A_614, %and3A_616 : vector<16xi32>
      %gather3A_618 = arith.constant 0 : i32
      %gather3A_619 = arith.constant 0 : i32
      %gather3A_620 = arith.constant 0 : i32
      %gather3A_621 = tpu.memref_slice %arg8[%gather3A_618, %gather3A_619, %gather3A_620] : memref<2x128x128xf32, #tpu.memory_space<vmem>> -> memref<1x128x128xf32, #tpu.memory_space<vmem>>
      %gather3A_622 = tpu.memref_squeeze %gather3A_621 : memref<1x128x128xf32, #tpu.memory_space<vmem>> -> memref<128x128xf32, #tpu.memory_space<vmem>>
      %gather3A_623 = tpu.vector_load_idx %gather3A_622[%add3A_270, %and3A_617] : memref<128x128xf32, #tpu.memory_space<vmem>>[vector<16xi32>, vector<16xi32>], vector<16xf32>,
      %scatter3A_624 = arith.constant 0 : i32
      %scatter3A_625 = arith.constant 0 : i32
      %scatter3A_626 = arith.constant 0 : i32
      %scatter3A_627 = tpu.memref_slice %arg10[%scatter3A_624, %scatter3A_625, %scatter3A_626] : memref<2x64x128xf32, #tpu.memory_space<vmem>> -> memref<1x64x128xf32, #tpu.memory_space<vmem>>
      %scatter3A_628 = tpu.memref_squeeze %scatter3A_627 : memref<1x64x128xf32, #tpu.memory_space<vmem>> -> memref<64x128xf32, #tpu.memory_space<vmem>>
      tpu.vector_store_idx %scatter3A_628[%and3A_617, %add3A_270], %gather3A_623 : memref<64x128xf32, #tpu.memory_space<vmem>>[vector<16xi32>, vector<16xi32>], vector<16xf32>,
      %gather3A_629 = arith.constant 0 : i32
      %gather3A_630 = arith.constant 0 : i32
      %gather3A_631 = arith.constant 0 : i32
      %gather3A_632 = tpu.memref_slice %arg8[%gather3A_629, %gather3A_630, %gather3A_631] : memref<2x128x128xf32, #tpu.memory_space<vmem>> -> memref<1x128x128xf32, #tpu.memory_space<vmem>>
      %gather3A_633 = tpu.memref_squeeze %gather3A_632 : memref<1x128x128xf32, #tpu.memory_space<vmem>> -> memref<128x128xf32, #tpu.memory_space<vmem>>
      %gather3A_634 = tpu.vector_load_idx %gather3A_633[%add3A_273, %and3A_617] : memref<128x128xf32, #tpu.memory_space<vmem>>[vector<16xi32>, vector<16xi32>], vector<16xf32>,
      %scatter3A_635 = arith.constant 0 : i32
      %scatter3A_636 = arith.constant 0 : i32
      %scatter3A_637 = arith.constant 0 : i32
      %scatter3A_638 = tpu.memref_slice %arg10[%scatter3A_635, %scatter3A_636, %scatter3A_637] : memref<2x64x128xf32, #tpu.memory_space<vmem>> -> memref<1x64x128xf32, #tpu.memory_space<vmem>>
      %scatter3A_639 = tpu.memref_squeeze %scatter3A_638 : memref<1x64x128xf32, #tpu.memory_space<vmem>> -> memref<64x128xf32, #tpu.memory_space<vmem>>
      tpu.vector_store_idx %scatter3A_639[%and3A_617, %add3A_273], %gather3A_634 : memref<64x128xf32, #tpu.memory_space<vmem>>[vector<16xi32>, vector<16xi32>], vector<16xf32>,
      %gather3A_640 = arith.constant 0 : i32
      %gather3A_641 = arith.constant 0 : i32
      %gather3A_642 = arith.constant 0 : i32
      %gather3A_643 = tpu.memref_slice %arg8[%gather3A_640, %gather3A_641, %gather3A_642] : memref<2x128x128xf32, #tpu.memory_space<vmem>> -> memref<1x128x128xf32, #tpu.memory_space<vmem>>
      %gather3A_644 = tpu.memref_squeeze %gather3A_643 : memref<1x128x128xf32, #tpu.memory_space<vmem>> -> memref<128x128xf32, #tpu.memory_space<vmem>>
      %gather3A_645 = tpu.vector_load_idx %gather3A_644[%add3A_276, %and3A_617] : memref<128x128xf32, #tpu.memory_space<vmem>>[vector<16xi32>, vector<16xi32>], vector<16xf32>,
      %scatter3A_646 = arith.constant 0 : i32
      %scatter3A_647 = arith.constant 0 : i32
      %scatter3A_648 = arith.constant 0 : i32
      %scatter3A_649 = tpu.memref_slice %arg10[%scatter3A_646, %scatter3A_647, %scatter3A_648] : memref<2x64x128xf32, #tpu.memory_space<vmem>> -> memref<1x64x128xf32, #tpu.memory_space<vmem>>
      %scatter3A_650 = tpu.memref_squeeze %scatter3A_649 : memref<1x64x128xf32, #tpu.memory_space<vmem>> -> memref<64x128xf32, #tpu.memory_space<vmem>>
      tpu.vector_store_idx %scatter3A_650[%and3A_617, %add3A_276], %gather3A_645 : memref<64x128xf32, #tpu.memory_space<vmem>>[vector<16xi32>, vector<16xi32>], vector<16xf32>,
      %gather3A_651 = arith.constant 0 : i32
      %gather3A_652 = arith.constant 0 : i32
      %gather3A_653 = arith.constant 0 : i32
      %gather3A_654 = tpu.memref_slice %arg8[%gather3A_651, %gather3A_652, %gather3A_653] : memref<2x128x128xf32, #tpu.memory_space<vmem>> -> memref<1x128x128xf32, #tpu.memory_space<vmem>>
      %gather3A_655 = tpu.memref_squeeze %gather3A_654 : memref<1x128x128xf32, #tpu.memory_space<vmem>> -> memref<128x128xf32, #tpu.memory_space<vmem>>
      %gather3A_656 = tpu.vector_load_idx %gather3A_655[%add3A_279, %and3A_617] : memref<128x128xf32, #tpu.memory_space<vmem>>[vector<16xi32>, vector<16xi32>], vector<16xf32>,
      %scatter3A_657 = arith.constant 0 : i32
      %scatter3A_658 = arith.constant 0 : i32
      %scatter3A_659 = arith.constant 0 : i32
      %scatter3A_660 = tpu.memref_slice %arg10[%scatter3A_657, %scatter3A_658, %scatter3A_659] : memref<2x64x128xf32, #tpu.memory_space<vmem>> -> memref<1x64x128xf32, #tpu.memory_space<vmem>>
      %scatter3A_661 = tpu.memref_squeeze %scatter3A_660 : memref<1x64x128xf32, #tpu.memory_space<vmem>> -> memref<64x128xf32, #tpu.memory_space<vmem>>
      tpu.vector_store_idx %scatter3A_661[%and3A_617, %add3A_279], %gather3A_656 : memref<64x128xf32, #tpu.memory_space<vmem>>[vector<16xi32>, vector<16xi32>], vector<16xf32>,
      %gather3A_662 = arith.constant 0 : i32
      %gather3A_663 = arith.constant 0 : i32
      %gather3A_664 = arith.constant 0 : i32
      %gather3A_665 = tpu.memref_slice %arg8[%gather3A_662, %gather3A_663, %gather3A_664] : memref<2x128x128xf32, #tpu.memory_space<vmem>> -> memref<1x128x128xf32, #tpu.memory_space<vmem>>
      %gather3A_666 = tpu.memref_squeeze %gather3A_665 : memref<1x128x128xf32, #tpu.memory_space<vmem>> -> memref<128x128xf32, #tpu.memory_space<vmem>>
      %gather3A_667 = tpu.vector_load_idx %gather3A_666[%add3A_282, %and3A_617] : memref<128x128xf32, #tpu.memory_space<vmem>>[vector<16xi32>, vector<16xi32>], vector<16xf32>,
      %scatter3A_668 = arith.constant 0 : i32
      %scatter3A_669 = arith.constant 0 : i32
      %scatter3A_670 = arith.constant 0 : i32
      %scatter3A_671 = tpu.memref_slice %arg10[%scatter3A_668, %scatter3A_669, %scatter3A_670] : memref<2x64x128xf32, #tpu.memory_space<vmem>> -> memref<1x64x128xf32, #tpu.memory_space<vmem>>
      %scatter3A_672 = tpu.memref_squeeze %scatter3A_671 : memref<1x64x128xf32, #tpu.memory_space<vmem>> -> memref<64x128xf32, #tpu.memory_space<vmem>>
      tpu.vector_store_idx %scatter3A_672[%and3A_617, %add3A_282], %gather3A_667 : memref<64x128xf32, #tpu.memory_space<vmem>>[vector<16xi32>, vector<16xi32>], vector<16xf32>,
      %gather3A_673 = arith.constant 0 : i32
      %gather3A_674 = arith.constant 0 : i32
      %gather3A_675 = arith.constant 0 : i32
      %gather3A_676 = tpu.memref_slice %arg8[%gather3A_673, %gather3A_674, %gather3A_675] : memref<2x128x128xf32, #tpu.memory_space<vmem>> -> memref<1x128x128xf32, #tpu.memory_space<vmem>>
      %gather3A_677 = tpu.memref_squeeze %gather3A_676 : memref<1x128x128xf32, #tpu.memory_space<vmem>> -> memref<128x128xf32, #tpu.memory_space<vmem>>
      %gather3A_678 = tpu.vector_load_idx %gather3A_677[%add3A_285, %and3A_617] : memref<128x128xf32, #tpu.memory_space<vmem>>[vector<16xi32>, vector<16xi32>], vector<16xf32>,
      %scatter3A_679 = arith.constant 0 : i32
      %scatter3A_680 = arith.constant 0 : i32
      %scatter3A_681 = arith.constant 0 : i32
      %scatter3A_682 = tpu.memref_slice %arg10[%scatter3A_679, %scatter3A_680, %scatter3A_681] : memref<2x64x128xf32, #tpu.memory_space<vmem>> -> memref<1x64x128xf32, #tpu.memory_space<vmem>>
      %scatter3A_683 = tpu.memref_squeeze %scatter3A_682 : memref<1x64x128xf32, #tpu.memory_space<vmem>> -> memref<64x128xf32, #tpu.memory_space<vmem>>
      tpu.vector_store_idx %scatter3A_683[%and3A_617, %add3A_285], %gather3A_678 : memref<64x128xf32, #tpu.memory_space<vmem>>[vector<16xi32>, vector<16xi32>], vector<16xf32>,
      %gather3A_684 = arith.constant 0 : i32
      %gather3A_685 = arith.constant 0 : i32
      %gather3A_686 = arith.constant 0 : i32
      %gather3A_687 = tpu.memref_slice %arg8[%gather3A_684, %gather3A_685, %gather3A_686] : memref<2x128x128xf32, #tpu.memory_space<vmem>> -> memref<1x128x128xf32, #tpu.memory_space<vmem>>
      %gather3A_688 = tpu.memref_squeeze %gather3A_687 : memref<1x128x128xf32, #tpu.memory_space<vmem>> -> memref<128x128xf32, #tpu.memory_space<vmem>>
      %gather3A_689 = tpu.vector_load_idx %gather3A_688[%add3A_288, %and3A_617] : memref<128x128xf32, #tpu.memory_space<vmem>>[vector<16xi32>, vector<16xi32>], vector<16xf32>,
      %scatter3A_690 = arith.constant 0 : i32
      %scatter3A_691 = arith.constant 0 : i32
      %scatter3A_692 = arith.constant 0 : i32
      %scatter3A_693 = tpu.memref_slice %arg10[%scatter3A_690, %scatter3A_691, %scatter3A_692] : memref<2x64x128xf32, #tpu.memory_space<vmem>> -> memref<1x64x128xf32, #tpu.memory_space<vmem>>
      %scatter3A_694 = tpu.memref_squeeze %scatter3A_693 : memref<1x64x128xf32, #tpu.memory_space<vmem>> -> memref<64x128xf32, #tpu.memory_space<vmem>>
      tpu.vector_store_idx %scatter3A_694[%and3A_617, %add3A_288], %gather3A_689 : memref<64x128xf32, #tpu.memory_space<vmem>>[vector<16xi32>, vector<16xi32>], vector<16xf32>,
      %gather3A_695 = arith.constant 0 : i32
      %gather3A_696 = arith.constant 0 : i32
      %gather3A_697 = arith.constant 0 : i32
      %gather3A_698 = tpu.memref_slice %arg8[%gather3A_695, %gather3A_696, %gather3A_697] : memref<2x128x128xf32, #tpu.memory_space<vmem>> -> memref<1x128x128xf32, #tpu.memory_space<vmem>>
      %gather3A_699 = tpu.memref_squeeze %gather3A_698 : memref<1x128x128xf32, #tpu.memory_space<vmem>> -> memref<128x128xf32, #tpu.memory_space<vmem>>
      %gather3A_700 = tpu.vector_load_idx %gather3A_699[%add3A_291, %and3A_617] : memref<128x128xf32, #tpu.memory_space<vmem>>[vector<16xi32>, vector<16xi32>], vector<16xf32>,
      %scatter3A_701 = arith.constant 0 : i32
      %scatter3A_702 = arith.constant 0 : i32
      %scatter3A_703 = arith.constant 0 : i32
      %scatter3A_704 = tpu.memref_slice %arg10[%scatter3A_701, %scatter3A_702, %scatter3A_703] : memref<2x64x128xf32, #tpu.memory_space<vmem>> -> memref<1x64x128xf32, #tpu.memory_space<vmem>>
      %scatter3A_705 = tpu.memref_squeeze %scatter3A_704 : memref<1x64x128xf32, #tpu.memory_space<vmem>> -> memref<64x128xf32, #tpu.memory_space<vmem>>
      tpu.vector_store_idx %scatter3A_705[%and3A_617, %add3A_291], %gather3A_700 : memref<64x128xf32, #tpu.memory_space<vmem>>[vector<16xi32>, vector<16xi32>], vector<16xf32>,
    }
    %scan3A_303 = arith.constant 64 : i32
    %dma_wait3A_304 = arith.constant 0 : i32
    %dma_wait3A_305 = arith.constant 0 : i32
    %dma_wait3A_306 = arith.constant 0 : i32
    %dma_wait3A_307 = tpu.memref_slice %arg9[%dma_wait3A_304, %dma_wait3A_305, %dma_wait3A_306] : memref<2x128x128xf32, #tpu.memory_space<vmem>> -> memref<1x128x128xf32, #tpu.memory_space<vmem>>
    %dma_wait3A_308 = tpu.memref_squeeze %dma_wait3A_307 : memref<1x128x128xf32, #tpu.memory_space<vmem>> -> memref<128x128xf32, #tpu.memory_space<vmem>>
    %dma_wait3A_309 = arith.constant 0 : i32
    %dma_wait3A_310 = tpu.memref_slice %arg5[%dma_wait3A_309, %add3A_97] : memref<192x16384xf32, #tpu.memory_space<hbm>> -> memref<128x128xf32, #tpu.memory_space<hbm>>
    %dma_wait3A_311 = arith.constant 0 : i32
    %dma_wait3A_312 = tpu.memref_slice %arg5[%dma_wait3A_311, %add3A_97] : memref<192x16384xf32, #tpu.memory_space<hbm>> -> memref<128x128xf32, #tpu.memory_space<hbm>>
    %dma_wait3A_313 = arith.constant 0 : i32
    %dma_wait3A_314 = arith.constant 0 : i32
    %dma_wait3A_315 = tpu.memref_slice %arg9[%dma_wait3A_304, %dma_wait3A_313, %dma_wait3A_314] : memref<2x128x128xf32, #tpu.memory_space<vmem>> -> memref<1x128x128xf32, #tpu.memory_space<vmem>>
    %dma_wait3A_316 = tpu.memref_squeeze %dma_wait3A_315 : memref<1x128x128xf32, #tpu.memory_space<vmem>> -> memref<128x128xf32, #tpu.memory_space<vmem>>
    tpu.wait_dma2 semaphore(%arg13 : memref<!tpu.dma_semaphore, #tpu.memory_space<semaphore_mem>>) src(%dma_wait3A_316 : memref<128x128xf32, #tpu.memory_space<vmem>>) dst(%dma_wait3A_312 : memref<128x128xf32, #tpu.memory_space<hbm>>)
    %dma_wait3A_317 = arith.constant 0 : i32
    %dma_wait3A_318 = arith.constant 0 : i32
    %dma_wait3A_319 = arith.constant 0 : i32
    %dma_wait3A_320 = tpu.memref_slice %arg10[%dma_wait3A_317, %dma_wait3A_318, %dma_wait3A_319] : memref<2x64x128xf32, #tpu.memory_space<vmem>> -> memref<1x64x128xf32, #tpu.memory_space<vmem>>
    %dma_wait3A_321 = tpu.memref_squeeze %dma_wait3A_320 : memref<1x64x128xf32, #tpu.memory_space<vmem>> -> memref<64x128xf32, #tpu.memory_space<vmem>>
    %dma_wait3A_322 = arith.constant 128 : i32
    %dma_wait3A_323 = tpu.memref_slice %arg5[%dma_wait3A_322, %add3A_97] : memref<192x16384xf32, #tpu.memory_space<hbm>> -> memref<64x128xf32, #tpu.memory_space<hbm>>
    %dma_wait3A_324 = arith.constant 128 : i32
    %dma_wait3A_325 = tpu.memref_slice %arg5[%dma_wait3A_324, %add3A_97] : memref<192x16384xf32, #tpu.memory_space<hbm>> -> memref<64x128xf32, #tpu.memory_space<hbm>>
    %dma_wait3A_326 = arith.constant 0 : i32
    %dma_wait3A_327 = arith.constant 0 : i32
    %dma_wait3A_328 = tpu.memref_slice %arg10[%dma_wait3A_317, %dma_wait3A_326, %dma_wait3A_327] : memref<2x64x128xf32, #tpu.memory_space<vmem>> -> memref<1x64x128xf32, #tpu.memory_space<vmem>>
    %dma_wait3A_329 = tpu.memref_squeeze %dma_wait3A_328 : memref<1x64x128xf32, #tpu.memory_space<vmem>> -> memref<64x128xf32, #tpu.memory_space<vmem>>
    tpu.wait_dma2 semaphore(%arg13 : memref<!tpu.dma_semaphore, #tpu.memory_space<semaphore_mem>>) src(%dma_wait3A_329 : memref<64x128xf32, #tpu.memory_space<vmem>>) dst(%dma_wait3A_325 : memref<64x128xf32, #tpu.memory_space<hbm>>)
    %add3A_330 = arith.constant 256 : i32
    %add3A_331 = arith.addi %mul3A_2, %add3A_330 : i32
    %dma_start3A_332 = arith.constant 0 : i32
    %dma_start3A_333 = arith.constant 0 : i32
    %dma_start3A_334 = arith.constant 0 : i32
    %dma_start3A_335 = tpu.memref_slice %arg9[%dma_start3A_332, %dma_start3A_333, %dma_start3A_334] : memref<2x128x128xf32, #tpu.memory_space<vmem>> -> memref<1x128x128xf32, #tpu.memory_space<vmem>>
    %dma_start3A_336 = tpu.memref_squeeze %dma_start3A_335 : memref<1x128x128xf32, #tpu.memory_space<vmem>> -> memref<128x128xf32, #tpu.memory_space<vmem>>
    %dma_start3A_337 = arith.constant 0 : i32
    %dma_start3A_338 = tpu.memref_slice %arg5[%dma_start3A_337, %add3A_331] : memref<192x16384xf32, #tpu.memory_space<hbm>> -> memref<128x128xf32, #tpu.memory_space<hbm>>
    %dma_start3A_339 = arith.constant 0 : i32
    %dma_start3A_340 = tpu.memref_slice %arg5[%dma_start3A_339, %add3A_331] : memref<192x16384xf32, #tpu.memory_space<hbm>> -> memref<128x128xf32, #tpu.memory_space<hbm>>
    %dma_start3A_341 = arith.constant 0 : i32
    %dma_start3A_342 = arith.constant 0 : i32
    %dma_start3A_343 = tpu.memref_slice %arg9[%dma_start3A_332, %dma_start3A_341, %dma_start3A_342] : memref<2x128x128xf32, #tpu.memory_space<vmem>> -> memref<1x128x128xf32, #tpu.memory_space<vmem>>
    %dma_start3A_344 = tpu.memref_squeeze %dma_start3A_343 : memref<1x128x128xf32, #tpu.memory_space<vmem>> -> memref<128x128xf32, #tpu.memory_space<vmem>>
    tpu.enqueue_dma source(%dma_start3A_344 : memref<128x128xf32, #tpu.memory_space<vmem>>) target(%dma_start3A_340 : memref<128x128xf32, #tpu.memory_space<hbm>>) target_semaphore(%arg13 : memref<!tpu.dma_semaphore, #tpu.memory_space<semaphore_mem>>)
    %dma_start3A_345 = arith.constant 0 : i32
    %dma_start3A_346 = arith.constant 0 : i32
    %dma_start3A_347 = arith.constant 0 : i32
    %dma_start3A_348 = tpu.memref_slice %arg10[%dma_start3A_345, %dma_start3A_346, %dma_start3A_347] : memref<2x64x128xf32, #tpu.memory_space<vmem>> -> memref<1x64x128xf32, #tpu.memory_space<vmem>>
    %dma_start3A_349 = tpu.memref_squeeze %dma_start3A_348 : memref<1x64x128xf32, #tpu.memory_space<vmem>> -> memref<64x128xf32, #tpu.memory_space<vmem>>
    %dma_start3A_350 = arith.constant 128 : i32
    %dma_start3A_351 = tpu.memref_slice %arg5[%dma_start3A_350, %add3A_331] : memref<192x16384xf32, #tpu.memory_space<hbm>> -> memref<64x128xf32, #tpu.memory_space<hbm>>
    %dma_start3A_352 = arith.constant 128 : i32
    %dma_start3A_353 = tpu.memref_slice %arg5[%dma_start3A_352, %add3A_331] : memref<192x16384xf32, #tpu.memory_space<hbm>> -> memref<64x128xf32, #tpu.memory_space<hbm>>
    %dma_start3A_354 = arith.constant 0 : i32
    %dma_start3A_355 = arith.constant 0 : i32
    %dma_start3A_356 = tpu.memref_slice %arg10[%dma_start3A_345, %dma_start3A_354, %dma_start3A_355] : memref<2x64x128xf32, #tpu.memory_space<vmem>> -> memref<1x64x128xf32, #tpu.memory_space<vmem>>
    %dma_start3A_357 = tpu.memref_squeeze %dma_start3A_356 : memref<1x64x128xf32, #tpu.memory_space<vmem>> -> memref<64x128xf32, #tpu.memory_space<vmem>>
    tpu.enqueue_dma source(%dma_start3A_357 : memref<64x128xf32, #tpu.memory_space<vmem>>) target(%dma_start3A_353 : memref<64x128xf32, #tpu.memory_space<hbm>>) target_semaphore(%arg13 : memref<!tpu.dma_semaphore, #tpu.memory_space<semaphore_mem>>)
    %dma_wait3A_358 = arith.constant 1 : i32
    %dma_wait3A_359 = arith.constant 0 : i32
    %dma_wait3A_360 = arith.constant 0 : i32
    %dma_wait3A_361 = tpu.memref_slice %arg7[%dma_wait3A_358, %dma_wait3A_359, %dma_wait3A_360] : memref<2x128x128xf32, #tpu.memory_space<vmem>> -> memref<1x128x128xf32, #tpu.memory_space<vmem>>
    %dma_wait3A_362 = tpu.memref_squeeze %dma_wait3A_361 : memref<1x128x128xf32, #tpu.memory_space<vmem>> -> memref<128x128xf32, #tpu.memory_space<vmem>>
    %dma_wait3A_363 = arith.constant 384 : i32
    %dma_wait3A_364 = tpu.memref_slice %arg6[%dma_wait3A_363] : memref<512xi32, #tpu.memory_space<vmem>> -> memref<128xi32, #tpu.memory_space<vmem>>
    %dma_wait3A_365 = arith.constant 0 : i32
    %dma_wait3A_366 = arith.constant 0 : i32
    %dma_wait3A_367 = tpu.memref_slice %arg3[%dma_wait3A_365, %dma_wait3A_366] : memref<100000x128xf32, #tpu.memory_space<hbm>> -> memref<100000x128xf32, #tpu.memory_space<hbm>>
    tpu.wait_indirect_dma semaphore(%arg12 : memref<!tpu.dma_semaphore, #tpu.memory_space<semaphore_mem>>) src(%dma_wait3A_367 : memref<100000x128xf32, #tpu.memory_space<hbm>>) dst(%dma_wait3A_362 : memref<128x128xf32, #tpu.memory_space<vmem>>)
    %dma_wait3A_368 = arith.constant 1 : i32
    %dma_wait3A_369 = arith.constant 0 : i32
    %dma_wait3A_370 = arith.constant 0 : i32
    %dma_wait3A_371 = tpu.memref_slice %arg8[%dma_wait3A_368, %dma_wait3A_369, %dma_wait3A_370] : memref<2x128x128xf32, #tpu.memory_space<vmem>> -> memref<1x128x128xf32, #tpu.memory_space<vmem>>
    %dma_wait3A_372 = tpu.memref_squeeze %dma_wait3A_371 : memref<1x128x128xf32, #tpu.memory_space<vmem>> -> memref<128x128xf32, #tpu.memory_space<vmem>>
    %dma_wait3A_373 = arith.constant 384 : i32
    %dma_wait3A_374 = tpu.memref_slice %arg6[%dma_wait3A_373] : memref<512xi32, #tpu.memory_space<vmem>> -> memref<128xi32, #tpu.memory_space<vmem>>
    %dma_wait3A_375 = arith.constant 0 : i32
    %dma_wait3A_376 = arith.constant 0 : i32
    %dma_wait3A_377 = tpu.memref_slice %arg4[%dma_wait3A_375, %dma_wait3A_376] : memref<100000x128xf32, #tpu.memory_space<hbm>> -> memref<100000x128xf32, #tpu.memory_space<hbm>>
    tpu.wait_indirect_dma semaphore(%arg12 : memref<!tpu.dma_semaphore, #tpu.memory_space<semaphore_mem>>) src(%dma_wait3A_377 : memref<100000x128xf32, #tpu.memory_space<hbm>>) dst(%dma_wait3A_372 : memref<128x128xf32, #tpu.memory_space<vmem>>)
    %add3A_378 = arith.constant 0 : i32
    %add3A_379 = vector.broadcast %add3A_378 : i32 to vector<16xi32>
    %add3A_380 = arith.addi %iota3A, %add3A_379 : vector<16xi32>
    %add3A_381 = arith.constant 16 : i32
    %add3A_382 = vector.broadcast %add3A_381 : i32 to vector<16xi32>
    %add3A_383 = arith.addi %iota3A, %add3A_382 : vector<16xi32>
    %add3A_384 = arith.constant 32 : i32
    %add3A_385 = vector.broadcast %add3A_384 : i32 to vector<16xi32>
    %add3A_386 = arith.addi %iota3A, %add3A_385 : vector<16xi32>
    %add3A_387 = arith.constant 48 : i32
    %add3A_388 = vector.broadcast %add3A_387 : i32 to vector<16xi32>
    %add3A_389 = arith.addi %iota3A, %add3A_388 : vector<16xi32>
    %add3A_390 = arith.constant 64 : i32
    %add3A_391 = vector.broadcast %add3A_390 : i32 to vector<16xi32>
    %add3A_392 = arith.addi %iota3A, %add3A_391 : vector<16xi32>
    %add3A_393 = arith.constant 80 : i32
    %add3A_394 = vector.broadcast %add3A_393 : i32 to vector<16xi32>
    %add3A_395 = arith.addi %iota3A, %add3A_394 : vector<16xi32>
    %add3A_396 = arith.constant 96 : i32
    %add3A_397 = vector.broadcast %add3A_396 : i32 to vector<16xi32>
    %add3A_398 = arith.addi %iota3A, %add3A_397 : vector<16xi32>
    %add3A_399 = arith.constant 112 : i32
    %add3A_400 = vector.broadcast %add3A_399 : i32 to vector<16xi32>
    %add3A_401 = arith.addi %iota3A, %add3A_400 : vector<16xi32>
    %scan3A_402 = arith.constant 0 : i32
    %scan3A_403 = arith.constant 0 : i32
    %scan3A_404 = arith.constant 128 : i32
    %scan3A_405 = arith.addi %scan3A_403, %scan3A_404 : i32
    %scan3A_406 = arith.constant 2 : i32
    scf.for %scan3A_520 = %scan3A_403 to %scan3A_405 step %scan3A_406  : i32 {
      %add3A_521 = vector.broadcast %scan3A_520 : i32 to vector<16xi32>
      %add3A_522 = arith.addi %iota3A, %add3A_521 : vector<16xi32>
      %and3A = arith.constant 127 : i32
      %and3A_523 = vector.broadcast %and3A : i32 to vector<16xi32>
      %and3A_524 = arith.andi %add3A_522, %and3A_523 : vector<16xi32>
      %gather3A = arith.constant 1 : i32
      %gather3A_525 = arith.constant 0 : i32
      %gather3A_526 = arith.constant 0 : i32
      %gather3A_527 = tpu.memref_slice %arg7[%gather3A, %gather3A_525, %gather3A_526] : memref<2x128x128xf32, #tpu.memory_space<vmem>> -> memref<1x128x128xf32, #tpu.memory_space<vmem>>
      %gather3A_528 = tpu.memref_squeeze %gather3A_527 : memref<1x128x128xf32, #tpu.memory_space<vmem>> -> memref<128x128xf32, #tpu.memory_space<vmem>>
      %gather3A_529 = tpu.vector_load_idx %gather3A_528[%add3A_380, %and3A_524] : memref<128x128xf32, #tpu.memory_space<vmem>>[vector<16xi32>, vector<16xi32>], vector<16xf32>,
      %scatter3A = arith.constant 1 : i32
      %scatter3A_530 = arith.constant 0 : i32
      %scatter3A_531 = arith.constant 0 : i32
      %scatter3A_532 = tpu.memref_slice %arg9[%scatter3A, %scatter3A_530, %scatter3A_531] : memref<2x128x128xf32, #tpu.memory_space<vmem>> -> memref<1x128x128xf32, #tpu.memory_space<vmem>>
      %scatter3A_533 = tpu.memref_squeeze %scatter3A_532 : memref<1x128x128xf32, #tpu.memory_space<vmem>> -> memref<128x128xf32, #tpu.memory_space<vmem>>
      tpu.vector_store_idx %scatter3A_533[%and3A_524, %add3A_380], %gather3A_529 : memref<128x128xf32, #tpu.memory_space<vmem>>[vector<16xi32>, vector<16xi32>], vector<16xf32>,
      %gather3A_534 = arith.constant 1 : i32
      %gather3A_535 = arith.constant 0 : i32
      %gather3A_536 = arith.constant 0 : i32
      %gather3A_537 = tpu.memref_slice %arg7[%gather3A_534, %gather3A_535, %gather3A_536] : memref<2x128x128xf32, #tpu.memory_space<vmem>> -> memref<1x128x128xf32, #tpu.memory_space<vmem>>
      %gather3A_538 = tpu.memref_squeeze %gather3A_537 : memref<1x128x128xf32, #tpu.memory_space<vmem>> -> memref<128x128xf32, #tpu.memory_space<vmem>>
      %gather3A_539 = tpu.vector_load_idx %gather3A_538[%add3A_383, %and3A_524] : memref<128x128xf32, #tpu.memory_space<vmem>>[vector<16xi32>, vector<16xi32>], vector<16xf32>,
      %scatter3A_540 = arith.constant 1 : i32
      %scatter3A_541 = arith.constant 0 : i32
      %scatter3A_542 = arith.constant 0 : i32
      %scatter3A_543 = tpu.memref_slice %arg9[%scatter3A_540, %scatter3A_541, %scatter3A_542] : memref<2x128x128xf32, #tpu.memory_space<vmem>> -> memref<1x128x128xf32, #tpu.memory_space<vmem>>
      %scatter3A_544 = tpu.memref_squeeze %scatter3A_543 : memref<1x128x128xf32, #tpu.memory_space<vmem>> -> memref<128x128xf32, #tpu.memory_space<vmem>>
      tpu.vector_store_idx %scatter3A_544[%and3A_524, %add3A_383], %gather3A_539 : memref<128x128xf32, #tpu.memory_space<vmem>>[vector<16xi32>, vector<16xi32>], vector<16xf32>,
      %gather3A_545 = arith.constant 1 : i32
      %gather3A_546 = arith.constant 0 : i32
      %gather3A_547 = arith.constant 0 : i32
      %gather3A_548 = tpu.memref_slice %arg7[%gather3A_545, %gather3A_546, %gather3A_547] : memref<2x128x128xf32, #tpu.memory_space<vmem>> -> memref<1x128x128xf32, #tpu.memory_space<vmem>>
      %gather3A_549 = tpu.memref_squeeze %gather3A_548 : memref<1x128x128xf32, #tpu.memory_space<vmem>> -> memref<128x128xf32, #tpu.memory_space<vmem>>
      %gather3A_550 = tpu.vector_load_idx %gather3A_549[%add3A_386, %and3A_524] : memref<128x128xf32, #tpu.memory_space<vmem>>[vector<16xi32>, vector<16xi32>], vector<16xf32>,
      %scatter3A_551 = arith.constant 1 : i32
      %scatter3A_552 = arith.constant 0 : i32
      %scatter3A_553 = arith.constant 0 : i32
      %scatter3A_554 = tpu.memref_slice %arg9[%scatter3A_551, %scatter3A_552, %scatter3A_553] : memref<2x128x128xf32, #tpu.memory_space<vmem>> -> memref<1x128x128xf32, #tpu.memory_space<vmem>>
      %scatter3A_555 = tpu.memref_squeeze %scatter3A_554 : memref<1x128x128xf32, #tpu.memory_space<vmem>> -> memref<128x128xf32, #tpu.memory_space<vmem>>
      tpu.vector_store_idx %scatter3A_555[%and3A_524, %add3A_386], %gather3A_550 : memref<128x128xf32, #tpu.memory_space<vmem>>[vector<16xi32>, vector<16xi32>], vector<16xf32>,
      %gather3A_556 = arith.constant 1 : i32
      %gather3A_557 = arith.constant 0 : i32
      %gather3A_558 = arith.constant 0 : i32
      %gather3A_559 = tpu.memref_slice %arg7[%gather3A_556, %gather3A_557, %gather3A_558] : memref<2x128x128xf32, #tpu.memory_space<vmem>> -> memref<1x128x128xf32, #tpu.memory_space<vmem>>
      %gather3A_560 = tpu.memref_squeeze %gather3A_559 : memref<1x128x128xf32, #tpu.memory_space<vmem>> -> memref<128x128xf32, #tpu.memory_space<vmem>>
      %gather3A_561 = tpu.vector_load_idx %gather3A_560[%add3A_389, %and3A_524] : memref<128x128xf32, #tpu.memory_space<vmem>>[vector<16xi32>, vector<16xi32>], vector<16xf32>,
      %scatter3A_562 = arith.constant 1 : i32
      %scatter3A_563 = arith.constant 0 : i32
      %scatter3A_564 = arith.constant 0 : i32
      %scatter3A_565 = tpu.memref_slice %arg9[%scatter3A_562, %scatter3A_563, %scatter3A_564] : memref<2x128x128xf32, #tpu.memory_space<vmem>> -> memref<1x128x128xf32, #tpu.memory_space<vmem>>
      %scatter3A_566 = tpu.memref_squeeze %scatter3A_565 : memref<1x128x128xf32, #tpu.memory_space<vmem>> -> memref<128x128xf32, #tpu.memory_space<vmem>>
      tpu.vector_store_idx %scatter3A_566[%and3A_524, %add3A_389], %gather3A_561 : memref<128x128xf32, #tpu.memory_space<vmem>>[vector<16xi32>, vector<16xi32>], vector<16xf32>,
      %gather3A_567 = arith.constant 1 : i32
      %gather3A_568 = arith.constant 0 : i32
      %gather3A_569 = arith.constant 0 : i32
      %gather3A_570 = tpu.memref_slice %arg7[%gather3A_567, %gather3A_568, %gather3A_569] : memref<2x128x128xf32, #tpu.memory_space<vmem>> -> memref<1x128x128xf32, #tpu.memory_space<vmem>>
      %gather3A_571 = tpu.memref_squeeze %gather3A_570 : memref<1x128x128xf32, #tpu.memory_space<vmem>> -> memref<128x128xf32, #tpu.memory_space<vmem>>
      %gather3A_572 = tpu.vector_load_idx %gather3A_571[%add3A_392, %and3A_524] : memref<128x128xf32, #tpu.memory_space<vmem>>[vector<16xi32>, vector<16xi32>], vector<16xf32>,
      %scatter3A_573 = arith.constant 1 : i32
      %scatter3A_574 = arith.constant 0 : i32
      %scatter3A_575 = arith.constant 0 : i32
      %scatter3A_576 = tpu.memref_slice %arg9[%scatter3A_573, %scatter3A_574, %scatter3A_575] : memref<2x128x128xf32, #tpu.memory_space<vmem>> -> memref<1x128x128xf32, #tpu.memory_space<vmem>>
      %scatter3A_577 = tpu.memref_squeeze %scatter3A_576 : memref<1x128x128xf32, #tpu.memory_space<vmem>> -> memref<128x128xf32, #tpu.memory_space<vmem>>
      tpu.vector_store_idx %scatter3A_577[%and3A_524, %add3A_392], %gather3A_572 : memref<128x128xf32, #tpu.memory_space<vmem>>[vector<16xi32>, vector<16xi32>], vector<16xf32>,
      %gather3A_578 = arith.constant 1 : i32
      %gather3A_579 = arith.constant 0 : i32
      %gather3A_580 = arith.constant 0 : i32
      %gather3A_581 = tpu.memref_slice %arg7[%gather3A_578, %gather3A_579, %gather3A_580] : memref<2x128x128xf32, #tpu.memory_space<vmem>> -> memref<1x128x128xf32, #tpu.memory_space<vmem>>
      %gather3A_582 = tpu.memref_squeeze %gather3A_581 : memref<1x128x128xf32, #tpu.memory_space<vmem>> -> memref<128x128xf32, #tpu.memory_space<vmem>>
      %gather3A_583 = tpu.vector_load_idx %gather3A_582[%add3A_395, %and3A_524] : memref<128x128xf32, #tpu.memory_space<vmem>>[vector<16xi32>, vector<16xi32>], vector<16xf32>,
      %scatter3A_584 = arith.constant 1 : i32
      %scatter3A_585 = arith.constant 0 : i32
      %scatter3A_586 = arith.constant 0 : i32
      %scatter3A_587 = tpu.memref_slice %arg9[%scatter3A_584, %scatter3A_585, %scatter3A_586] : memref<2x128x128xf32, #tpu.memory_space<vmem>> -> memref<1x128x128xf32, #tpu.memory_space<vmem>>
      %scatter3A_588 = tpu.memref_squeeze %scatter3A_587 : memref<1x128x128xf32, #tpu.memory_space<vmem>> -> memref<128x128xf32, #tpu.memory_space<vmem>>
      tpu.vector_store_idx %scatter3A_588[%and3A_524, %add3A_395], %gather3A_583 : memref<128x128xf32, #tpu.memory_space<vmem>>[vector<16xi32>, vector<16xi32>], vector<16xf32>,
      %gather3A_589 = arith.constant 1 : i32
      %gather3A_590 = arith.constant 0 : i32
      %gather3A_591 = arith.constant 0 : i32
      %gather3A_592 = tpu.memref_slice %arg7[%gather3A_589, %gather3A_590, %gather3A_591] : memref<2x128x128xf32, #tpu.memory_space<vmem>> -> memref<1x128x128xf32, #tpu.memory_space<vmem>>
      %gather3A_593 = tpu.memref_squeeze %gather3A_592 : memref<1x128x128xf32, #tpu.memory_space<vmem>> -> memref<128x128xf32, #tpu.memory_space<vmem>>
      %gather3A_594 = tpu.vector_load_idx %gather3A_593[%add3A_398, %and3A_524] : memref<128x128xf32, #tpu.memory_space<vmem>>[vector<16xi32>, vector<16xi32>], vector<16xf32>,
      %scatter3A_595 = arith.constant 1 : i32
      %scatter3A_596 = arith.constant 0 : i32
      %scatter3A_597 = arith.constant 0 : i32
      %scatter3A_598 = tpu.memref_slice %arg9[%scatter3A_595, %scatter3A_596, %scatter3A_597] : memref<2x128x128xf32, #tpu.memory_space<vmem>> -> memref<1x128x128xf32, #tpu.memory_space<vmem>>
      %scatter3A_599 = tpu.memref_squeeze %scatter3A_598 : memref<1x128x128xf32, #tpu.memory_space<vmem>> -> memref<128x128xf32, #tpu.memory_space<vmem>>
      tpu.vector_store_idx %scatter3A_599[%and3A_524, %add3A_398], %gather3A_594 : memref<128x128xf32, #tpu.memory_space<vmem>>[vector<16xi32>, vector<16xi32>], vector<16xf32>,
      %gather3A_600 = arith.constant 1 : i32
      %gather3A_601 = arith.constant 0 : i32
      %gather3A_602 = arith.constant 0 : i32
      %gather3A_603 = tpu.memref_slice %arg7[%gather3A_600, %gather3A_601, %gather3A_602] : memref<2x128x128xf32, #tpu.memory_space<vmem>> -> memref<1x128x128xf32, #tpu.memory_space<vmem>>
      %gather3A_604 = tpu.memref_squeeze %gather3A_603 : memref<1x128x128xf32, #tpu.memory_space<vmem>> -> memref<128x128xf32, #tpu.memory_space<vmem>>
      %gather3A_605 = tpu.vector_load_idx %gather3A_604[%add3A_401, %and3A_524] : memref<128x128xf32, #tpu.memory_space<vmem>>[vector<16xi32>, vector<16xi32>], vector<16xf32>,
      %scatter3A_606 = arith.constant 1 : i32
      %scatter3A_607 = arith.constant 0 : i32
      %scatter3A_608 = arith.constant 0 : i32
      %scatter3A_609 = tpu.memref_slice %arg9[%scatter3A_606, %scatter3A_607, %scatter3A_608] : memref<2x128x128xf32, #tpu.memory_space<vmem>> -> memref<1x128x128xf32, #tpu.memory_space<vmem>>
      %scatter3A_610 = tpu.memref_squeeze %scatter3A_609 : memref<1x128x128xf32, #tpu.memory_space<vmem>> -> memref<128x128xf32, #tpu.memory_space<vmem>>
      tpu.vector_store_idx %scatter3A_610[%and3A_524, %add3A_401], %gather3A_605 : memref<128x128xf32, #tpu.memory_space<vmem>>[vector<16xi32>, vector<16xi32>], vector<16xf32>,
      %scan3A_611 = arith.constant 1 : i32
      %scan3A_612 = arith.addi %scan3A_520, %scan3A_611 : i32
      %add3A_613 = vector.broadcast %scan3A_612 : i32 to vector<16xi32>
      %add3A_614 = arith.addi %iota3A, %add3A_613 : vector<16xi32>
      %and3A_615 = arith.constant 127 : i32
      %and3A_616 = vector.broadcast %and3A_615 : i32 to vector<16xi32>
      %and3A_617 = arith.andi %add3A_614, %and3A_616 : vector<16xi32>
      %gather3A_618 = arith.constant 1 : i32
      %gather3A_619 = arith.constant 0 : i32
      %gather3A_620 = arith.constant 0 : i32
      %gather3A_621 = tpu.memref_slice %arg7[%gather3A_618, %gather3A_619, %gather3A_620] : memref<2x128x128xf32, #tpu.memory_space<vmem>> -> memref<1x128x128xf32, #tpu.memory_space<vmem>>
      %gather3A_622 = tpu.memref_squeeze %gather3A_621 : memref<1x128x128xf32, #tpu.memory_space<vmem>> -> memref<128x128xf32, #tpu.memory_space<vmem>>
      %gather3A_623 = tpu.vector_load_idx %gather3A_622[%add3A_380, %and3A_617] : memref<128x128xf32, #tpu.memory_space<vmem>>[vector<16xi32>, vector<16xi32>], vector<16xf32>,
      %scatter3A_624 = arith.constant 1 : i32
      %scatter3A_625 = arith.constant 0 : i32
      %scatter3A_626 = arith.constant 0 : i32
      %scatter3A_627 = tpu.memref_slice %arg9[%scatter3A_624, %scatter3A_625, %scatter3A_626] : memref<2x128x128xf32, #tpu.memory_space<vmem>> -> memref<1x128x128xf32, #tpu.memory_space<vmem>>
      %scatter3A_628 = tpu.memref_squeeze %scatter3A_627 : memref<1x128x128xf32, #tpu.memory_space<vmem>> -> memref<128x128xf32, #tpu.memory_space<vmem>>
      tpu.vector_store_idx %scatter3A_628[%and3A_617, %add3A_380], %gather3A_623 : memref<128x128xf32, #tpu.memory_space<vmem>>[vector<16xi32>, vector<16xi32>], vector<16xf32>,
      %gather3A_629 = arith.constant 1 : i32
      %gather3A_630 = arith.constant 0 : i32
      %gather3A_631 = arith.constant 0 : i32
      %gather3A_632 = tpu.memref_slice %arg7[%gather3A_629, %gather3A_630, %gather3A_631] : memref<2x128x128xf32, #tpu.memory_space<vmem>> -> memref<1x128x128xf32, #tpu.memory_space<vmem>>
      %gather3A_633 = tpu.memref_squeeze %gather3A_632 : memref<1x128x128xf32, #tpu.memory_space<vmem>> -> memref<128x128xf32, #tpu.memory_space<vmem>>
      %gather3A_634 = tpu.vector_load_idx %gather3A_633[%add3A_383, %and3A_617] : memref<128x128xf32, #tpu.memory_space<vmem>>[vector<16xi32>, vector<16xi32>], vector<16xf32>,
      %scatter3A_635 = arith.constant 1 : i32
      %scatter3A_636 = arith.constant 0 : i32
      %scatter3A_637 = arith.constant 0 : i32
      %scatter3A_638 = tpu.memref_slice %arg9[%scatter3A_635, %scatter3A_636, %scatter3A_637] : memref<2x128x128xf32, #tpu.memory_space<vmem>> -> memref<1x128x128xf32, #tpu.memory_space<vmem>>
      %scatter3A_639 = tpu.memref_squeeze %scatter3A_638 : memref<1x128x128xf32, #tpu.memory_space<vmem>> -> memref<128x128xf32, #tpu.memory_space<vmem>>
      tpu.vector_store_idx %scatter3A_639[%and3A_617, %add3A_383], %gather3A_634 : memref<128x128xf32, #tpu.memory_space<vmem>>[vector<16xi32>, vector<16xi32>], vector<16xf32>,
      %gather3A_640 = arith.constant 1 : i32
      %gather3A_641 = arith.constant 0 : i32
      %gather3A_642 = arith.constant 0 : i32
      %gather3A_643 = tpu.memref_slice %arg7[%gather3A_640, %gather3A_641, %gather3A_642] : memref<2x128x128xf32, #tpu.memory_space<vmem>> -> memref<1x128x128xf32, #tpu.memory_space<vmem>>
      %gather3A_644 = tpu.memref_squeeze %gather3A_643 : memref<1x128x128xf32, #tpu.memory_space<vmem>> -> memref<128x128xf32, #tpu.memory_space<vmem>>
      %gather3A_645 = tpu.vector_load_idx %gather3A_644[%add3A_386, %and3A_617] : memref<128x128xf32, #tpu.memory_space<vmem>>[vector<16xi32>, vector<16xi32>], vector<16xf32>,
      %scatter3A_646 = arith.constant 1 : i32
      %scatter3A_647 = arith.constant 0 : i32
      %scatter3A_648 = arith.constant 0 : i32
      %scatter3A_649 = tpu.memref_slice %arg9[%scatter3A_646, %scatter3A_647, %scatter3A_648] : memref<2x128x128xf32, #tpu.memory_space<vmem>> -> memref<1x128x128xf32, #tpu.memory_space<vmem>>
      %scatter3A_650 = tpu.memref_squeeze %scatter3A_649 : memref<1x128x128xf32, #tpu.memory_space<vmem>> -> memref<128x128xf32, #tpu.memory_space<vmem>>
      tpu.vector_store_idx %scatter3A_650[%and3A_617, %add3A_386], %gather3A_645 : memref<128x128xf32, #tpu.memory_space<vmem>>[vector<16xi32>, vector<16xi32>], vector<16xf32>,
      %gather3A_651 = arith.constant 1 : i32
      %gather3A_652 = arith.constant 0 : i32
      %gather3A_653 = arith.constant 0 : i32
      %gather3A_654 = tpu.memref_slice %arg7[%gather3A_651, %gather3A_652, %gather3A_653] : memref<2x128x128xf32, #tpu.memory_space<vmem>> -> memref<1x128x128xf32, #tpu.memory_space<vmem>>
      %gather3A_655 = tpu.memref_squeeze %gather3A_654 : memref<1x128x128xf32, #tpu.memory_space<vmem>> -> memref<128x128xf32, #tpu.memory_space<vmem>>
      %gather3A_656 = tpu.vector_load_idx %gather3A_655[%add3A_389, %and3A_617] : memref<128x128xf32, #tpu.memory_space<vmem>>[vector<16xi32>, vector<16xi32>], vector<16xf32>,
      %scatter3A_657 = arith.constant 1 : i32
      %scatter3A_658 = arith.constant 0 : i32
      %scatter3A_659 = arith.constant 0 : i32
      %scatter3A_660 = tpu.memref_slice %arg9[%scatter3A_657, %scatter3A_658, %scatter3A_659] : memref<2x128x128xf32, #tpu.memory_space<vmem>> -> memref<1x128x128xf32, #tpu.memory_space<vmem>>
      %scatter3A_661 = tpu.memref_squeeze %scatter3A_660 : memref<1x128x128xf32, #tpu.memory_space<vmem>> -> memref<128x128xf32, #tpu.memory_space<vmem>>
      tpu.vector_store_idx %scatter3A_661[%and3A_617, %add3A_389], %gather3A_656 : memref<128x128xf32, #tpu.memory_space<vmem>>[vector<16xi32>, vector<16xi32>], vector<16xf32>,
      %gather3A_662 = arith.constant 1 : i32
      %gather3A_663 = arith.constant 0 : i32
      %gather3A_664 = arith.constant 0 : i32
      %gather3A_665 = tpu.memref_slice %arg7[%gather3A_662, %gather3A_663, %gather3A_664] : memref<2x128x128xf32, #tpu.memory_space<vmem>> -> memref<1x128x128xf32, #tpu.memory_space<vmem>>
      %gather3A_666 = tpu.memref_squeeze %gather3A_665 : memref<1x128x128xf32, #tpu.memory_space<vmem>> -> memref<128x128xf32, #tpu.memory_space<vmem>>
      %gather3A_667 = tpu.vector_load_idx %gather3A_666[%add3A_392, %and3A_617] : memref<128x128xf32, #tpu.memory_space<vmem>>[vector<16xi32>, vector<16xi32>], vector<16xf32>,
      %scatter3A_668 = arith.constant 1 : i32
      %scatter3A_669 = arith.constant 0 : i32
      %scatter3A_670 = arith.constant 0 : i32
      %scatter3A_671 = tpu.memref_slice %arg9[%scatter3A_668, %scatter3A_669, %scatter3A_670] : memref<2x128x128xf32, #tpu.memory_space<vmem>> -> memref<1x128x128xf32, #tpu.memory_space<vmem>>
      %scatter3A_672 = tpu.memref_squeeze %scatter3A_671 : memref<1x128x128xf32, #tpu.memory_space<vmem>> -> memref<128x128xf32, #tpu.memory_space<vmem>>
      tpu.vector_store_idx %scatter3A_672[%and3A_617, %add3A_392], %gather3A_667 : memref<128x128xf32, #tpu.memory_space<vmem>>[vector<16xi32>, vector<16xi32>], vector<16xf32>,
      %gather3A_673 = arith.constant 1 : i32
      %gather3A_674 = arith.constant 0 : i32
      %gather3A_675 = arith.constant 0 : i32
      %gather3A_676 = tpu.memref_slice %arg7[%gather3A_673, %gather3A_674, %gather3A_675] : memref<2x128x128xf32, #tpu.memory_space<vmem>> -> memref<1x128x128xf32, #tpu.memory_space<vmem>>
      %gather3A_677 = tpu.memref_squeeze %gather3A_676 : memref<1x128x128xf32, #tpu.memory_space<vmem>> -> memref<128x128xf32, #tpu.memory_space<vmem>>
      %gather3A_678 = tpu.vector_load_idx %gather3A_677[%add3A_395, %and3A_617] : memref<128x128xf32, #tpu.memory_space<vmem>>[vector<16xi32>, vector<16xi32>], vector<16xf32>,
      %scatter3A_679 = arith.constant 1 : i32
      %scatter3A_680 = arith.constant 0 : i32
      %scatter3A_681 = arith.constant 0 : i32
      %scatter3A_682 = tpu.memref_slice %arg9[%scatter3A_679, %scatter3A_680, %scatter3A_681] : memref<2x128x128xf32, #tpu.memory_space<vmem>> -> memref<1x128x128xf32, #tpu.memory_space<vmem>>
      %scatter3A_683 = tpu.memref_squeeze %scatter3A_682 : memref<1x128x128xf32, #tpu.memory_space<vmem>> -> memref<128x128xf32, #tpu.memory_space<vmem>>
      tpu.vector_store_idx %scatter3A_683[%and3A_617, %add3A_395], %gather3A_678 : memref<128x128xf32, #tpu.memory_space<vmem>>[vector<16xi32>, vector<16xi32>], vector<16xf32>,
      %gather3A_684 = arith.constant 1 : i32
      %gather3A_685 = arith.constant 0 : i32
      %gather3A_686 = arith.constant 0 : i32
      %gather3A_687 = tpu.memref_slice %arg7[%gather3A_684, %gather3A_685, %gather3A_686] : memref<2x128x128xf32, #tpu.memory_space<vmem>> -> memref<1x128x128xf32, #tpu.memory_space<vmem>>
      %gather3A_688 = tpu.memref_squeeze %gather3A_687 : memref<1x128x128xf32, #tpu.memory_space<vmem>> -> memref<128x128xf32, #tpu.memory_space<vmem>>
      %gather3A_689 = tpu.vector_load_idx %gather3A_688[%add3A_398, %and3A_617] : memref<128x128xf32, #tpu.memory_space<vmem>>[vector<16xi32>, vector<16xi32>], vector<16xf32>,
      %scatter3A_690 = arith.constant 1 : i32
      %scatter3A_691 = arith.constant 0 : i32
      %scatter3A_692 = arith.constant 0 : i32
      %scatter3A_693 = tpu.memref_slice %arg9[%scatter3A_690, %scatter3A_691, %scatter3A_692] : memref<2x128x128xf32, #tpu.memory_space<vmem>> -> memref<1x128x128xf32, #tpu.memory_space<vmem>>
      %scatter3A_694 = tpu.memref_squeeze %scatter3A_693 : memref<1x128x128xf32, #tpu.memory_space<vmem>> -> memref<128x128xf32, #tpu.memory_space<vmem>>
      tpu.vector_store_idx %scatter3A_694[%and3A_617, %add3A_398], %gather3A_689 : memref<128x128xf32, #tpu.memory_space<vmem>>[vector<16xi32>, vector<16xi32>], vector<16xf32>,
      %gather3A_695 = arith.constant 1 : i32
      %gather3A_696 = arith.constant 0 : i32
      %gather3A_697 = arith.constant 0 : i32
      %gather3A_698 = tpu.memref_slice %arg7[%gather3A_695, %gather3A_696, %gather3A_697] : memref<2x128x128xf32, #tpu.memory_space<vmem>> -> memref<1x128x128xf32, #tpu.memory_space<vmem>>
      %gather3A_699 = tpu.memref_squeeze %gather3A_698 : memref<1x128x128xf32, #tpu.memory_space<vmem>> -> memref<128x128xf32, #tpu.memory_space<vmem>>
      %gather3A_700 = tpu.vector_load_idx %gather3A_699[%add3A_401, %and3A_617] : memref<128x128xf32, #tpu.memory_space<vmem>>[vector<16xi32>, vector<16xi32>], vector<16xf32>,
      %scatter3A_701 = arith.constant 1 : i32
      %scatter3A_702 = arith.constant 0 : i32
      %scatter3A_703 = arith.constant 0 : i32
      %scatter3A_704 = tpu.memref_slice %arg9[%scatter3A_701, %scatter3A_702, %scatter3A_703] : memref<2x128x128xf32, #tpu.memory_space<vmem>> -> memref<1x128x128xf32, #tpu.memory_space<vmem>>
      %scatter3A_705 = tpu.memref_squeeze %scatter3A_704 : memref<1x128x128xf32, #tpu.memory_space<vmem>> -> memref<128x128xf32, #tpu.memory_space<vmem>>
      tpu.vector_store_idx %scatter3A_705[%and3A_617, %add3A_401], %gather3A_700 : memref<128x128xf32, #tpu.memory_space<vmem>>[vector<16xi32>, vector<16xi32>], vector<16xf32>,
    }
    %scan3A_407 = arith.constant 128 : i32
    %scan3A_408 = arith.constant 0 : i32
    %scan3A_409 = arith.constant 0 : i32
    %scan3A_410 = arith.constant 64 : i32
    %scan3A_411 = arith.addi %scan3A_409, %scan3A_410 : i32
    %scan3A_412 = arith.constant 2 : i32
    scf.for %scan3A_520 = %scan3A_409 to %scan3A_411 step %scan3A_412  : i32 {
      %add3A_521 = vector.broadcast %scan3A_520 : i32 to vector<16xi32>
      %add3A_522 = arith.addi %iota3A, %add3A_521 : vector<16xi32>
      %and3A = arith.constant 63 : i32
      %and3A_523 = vector.broadcast %and3A : i32 to vector<16xi32>
      %and3A_524 = arith.andi %add3A_522, %and3A_523 : vector<16xi32>
      %gather3A = arith.constant 1 : i32
      %gather3A_525 = arith.constant 0 : i32
      %gather3A_526 = arith.constant 0 : i32
      %gather3A_527 = tpu.memref_slice %arg8[%gather3A, %gather3A_525, %gather3A_526] : memref<2x128x128xf32, #tpu.memory_space<vmem>> -> memref<1x128x128xf32, #tpu.memory_space<vmem>>
      %gather3A_528 = tpu.memref_squeeze %gather3A_527 : memref<1x128x128xf32, #tpu.memory_space<vmem>> -> memref<128x128xf32, #tpu.memory_space<vmem>>
      %gather3A_529 = tpu.vector_load_idx %gather3A_528[%add3A_380, %and3A_524] : memref<128x128xf32, #tpu.memory_space<vmem>>[vector<16xi32>, vector<16xi32>], vector<16xf32>,
      %scatter3A = arith.constant 1 : i32
      %scatter3A_530 = arith.constant 0 : i32
      %scatter3A_531 = arith.constant 0 : i32
      %scatter3A_532 = tpu.memref_slice %arg10[%scatter3A, %scatter3A_530, %scatter3A_531] : memref<2x64x128xf32, #tpu.memory_space<vmem>> -> memref<1x64x128xf32, #tpu.memory_space<vmem>>
      %scatter3A_533 = tpu.memref_squeeze %scatter3A_532 : memref<1x64x128xf32, #tpu.memory_space<vmem>> -> memref<64x128xf32, #tpu.memory_space<vmem>>
      tpu.vector_store_idx %scatter3A_533[%and3A_524, %add3A_380], %gather3A_529 : memref<64x128xf32, #tpu.memory_space<vmem>>[vector<16xi32>, vector<16xi32>], vector<16xf32>,
      %gather3A_534 = arith.constant 1 : i32
      %gather3A_535 = arith.constant 0 : i32
      %gather3A_536 = arith.constant 0 : i32
      %gather3A_537 = tpu.memref_slice %arg8[%gather3A_534, %gather3A_535, %gather3A_536] : memref<2x128x128xf32, #tpu.memory_space<vmem>> -> memref<1x128x128xf32, #tpu.memory_space<vmem>>
      %gather3A_538 = tpu.memref_squeeze %gather3A_537 : memref<1x128x128xf32, #tpu.memory_space<vmem>> -> memref<128x128xf32, #tpu.memory_space<vmem>>
      %gather3A_539 = tpu.vector_load_idx %gather3A_538[%add3A_383, %and3A_524] : memref<128x128xf32, #tpu.memory_space<vmem>>[vector<16xi32>, vector<16xi32>], vector<16xf32>,
      %scatter3A_540 = arith.constant 1 : i32
      %scatter3A_541 = arith.constant 0 : i32
      %scatter3A_542 = arith.constant 0 : i32
      %scatter3A_543 = tpu.memref_slice %arg10[%scatter3A_540, %scatter3A_541, %scatter3A_542] : memref<2x64x128xf32, #tpu.memory_space<vmem>> -> memref<1x64x128xf32, #tpu.memory_space<vmem>>
      %scatter3A_544 = tpu.memref_squeeze %scatter3A_543 : memref<1x64x128xf32, #tpu.memory_space<vmem>> -> memref<64x128xf32, #tpu.memory_space<vmem>>
      tpu.vector_store_idx %scatter3A_544[%and3A_524, %add3A_383], %gather3A_539 : memref<64x128xf32, #tpu.memory_space<vmem>>[vector<16xi32>, vector<16xi32>], vector<16xf32>,
      %gather3A_545 = arith.constant 1 : i32
      %gather3A_546 = arith.constant 0 : i32
      %gather3A_547 = arith.constant 0 : i32
      %gather3A_548 = tpu.memref_slice %arg8[%gather3A_545, %gather3A_546, %gather3A_547] : memref<2x128x128xf32, #tpu.memory_space<vmem>> -> memref<1x128x128xf32, #tpu.memory_space<vmem>>
      %gather3A_549 = tpu.memref_squeeze %gather3A_548 : memref<1x128x128xf32, #tpu.memory_space<vmem>> -> memref<128x128xf32, #tpu.memory_space<vmem>>
      %gather3A_550 = tpu.vector_load_idx %gather3A_549[%add3A_386, %and3A_524] : memref<128x128xf32, #tpu.memory_space<vmem>>[vector<16xi32>, vector<16xi32>], vector<16xf32>,
      %scatter3A_551 = arith.constant 1 : i32
      %scatter3A_552 = arith.constant 0 : i32
      %scatter3A_553 = arith.constant 0 : i32
      %scatter3A_554 = tpu.memref_slice %arg10[%scatter3A_551, %scatter3A_552, %scatter3A_553] : memref<2x64x128xf32, #tpu.memory_space<vmem>> -> memref<1x64x128xf32, #tpu.memory_space<vmem>>
      %scatter3A_555 = tpu.memref_squeeze %scatter3A_554 : memref<1x64x128xf32, #tpu.memory_space<vmem>> -> memref<64x128xf32, #tpu.memory_space<vmem>>
      tpu.vector_store_idx %scatter3A_555[%and3A_524, %add3A_386], %gather3A_550 : memref<64x128xf32, #tpu.memory_space<vmem>>[vector<16xi32>, vector<16xi32>], vector<16xf32>,
      %gather3A_556 = arith.constant 1 : i32
      %gather3A_557 = arith.constant 0 : i32
      %gather3A_558 = arith.constant 0 : i32
      %gather3A_559 = tpu.memref_slice %arg8[%gather3A_556, %gather3A_557, %gather3A_558] : memref<2x128x128xf32, #tpu.memory_space<vmem>> -> memref<1x128x128xf32, #tpu.memory_space<vmem>>
      %gather3A_560 = tpu.memref_squeeze %gather3A_559 : memref<1x128x128xf32, #tpu.memory_space<vmem>> -> memref<128x128xf32, #tpu.memory_space<vmem>>
      %gather3A_561 = tpu.vector_load_idx %gather3A_560[%add3A_389, %and3A_524] : memref<128x128xf32, #tpu.memory_space<vmem>>[vector<16xi32>, vector<16xi32>], vector<16xf32>,
      %scatter3A_562 = arith.constant 1 : i32
      %scatter3A_563 = arith.constant 0 : i32
      %scatter3A_564 = arith.constant 0 : i32
      %scatter3A_565 = tpu.memref_slice %arg10[%scatter3A_562, %scatter3A_563, %scatter3A_564] : memref<2x64x128xf32, #tpu.memory_space<vmem>> -> memref<1x64x128xf32, #tpu.memory_space<vmem>>
      %scatter3A_566 = tpu.memref_squeeze %scatter3A_565 : memref<1x64x128xf32, #tpu.memory_space<vmem>> -> memref<64x128xf32, #tpu.memory_space<vmem>>
      tpu.vector_store_idx %scatter3A_566[%and3A_524, %add3A_389], %gather3A_561 : memref<64x128xf32, #tpu.memory_space<vmem>>[vector<16xi32>, vector<16xi32>], vector<16xf32>,
      %gather3A_567 = arith.constant 1 : i32
      %gather3A_568 = arith.constant 0 : i32
      %gather3A_569 = arith.constant 0 : i32
      %gather3A_570 = tpu.memref_slice %arg8[%gather3A_567, %gather3A_568, %gather3A_569] : memref<2x128x128xf32, #tpu.memory_space<vmem>> -> memref<1x128x128xf32, #tpu.memory_space<vmem>>
      %gather3A_571 = tpu.memref_squeeze %gather3A_570 : memref<1x128x128xf32, #tpu.memory_space<vmem>> -> memref<128x128xf32, #tpu.memory_space<vmem>>
      %gather3A_572 = tpu.vector_load_idx %gather3A_571[%add3A_392, %and3A_524] : memref<128x128xf32, #tpu.memory_space<vmem>>[vector<16xi32>, vector<16xi32>], vector<16xf32>,
      %scatter3A_573 = arith.constant 1 : i32
      %scatter3A_574 = arith.constant 0 : i32
      %scatter3A_575 = arith.constant 0 : i32
      %scatter3A_576 = tpu.memref_slice %arg10[%scatter3A_573, %scatter3A_574, %scatter3A_575] : memref<2x64x128xf32, #tpu.memory_space<vmem>> -> memref<1x64x128xf32, #tpu.memory_space<vmem>>
      %scatter3A_577 = tpu.memref_squeeze %scatter3A_576 : memref<1x64x128xf32, #tpu.memory_space<vmem>> -> memref<64x128xf32, #tpu.memory_space<vmem>>
      tpu.vector_store_idx %scatter3A_577[%and3A_524, %add3A_392], %gather3A_572 : memref<64x128xf32, #tpu.memory_space<vmem>>[vector<16xi32>, vector<16xi32>], vector<16xf32>,
      %gather3A_578 = arith.constant 1 : i32
      %gather3A_579 = arith.constant 0 : i32
      %gather3A_580 = arith.constant 0 : i32
      %gather3A_581 = tpu.memref_slice %arg8[%gather3A_578, %gather3A_579, %gather3A_580] : memref<2x128x128xf32, #tpu.memory_space<vmem>> -> memref<1x128x128xf32, #tpu.memory_space<vmem>>
      %gather3A_582 = tpu.memref_squeeze %gather3A_581 : memref<1x128x128xf32, #tpu.memory_space<vmem>> -> memref<128x128xf32, #tpu.memory_space<vmem>>
      %gather3A_583 = tpu.vector_load_idx %gather3A_582[%add3A_395, %and3A_524] : memref<128x128xf32, #tpu.memory_space<vmem>>[vector<16xi32>, vector<16xi32>], vector<16xf32>,
      %scatter3A_584 = arith.constant 1 : i32
      %scatter3A_585 = arith.constant 0 : i32
      %scatter3A_586 = arith.constant 0 : i32
      %scatter3A_587 = tpu.memref_slice %arg10[%scatter3A_584, %scatter3A_585, %scatter3A_586] : memref<2x64x128xf32, #tpu.memory_space<vmem>> -> memref<1x64x128xf32, #tpu.memory_space<vmem>>
      %scatter3A_588 = tpu.memref_squeeze %scatter3A_587 : memref<1x64x128xf32, #tpu.memory_space<vmem>> -> memref<64x128xf32, #tpu.memory_space<vmem>>
      tpu.vector_store_idx %scatter3A_588[%and3A_524, %add3A_395], %gather3A_583 : memref<64x128xf32, #tpu.memory_space<vmem>>[vector<16xi32>, vector<16xi32>], vector<16xf32>,
      %gather3A_589 = arith.constant 1 : i32
      %gather3A_590 = arith.constant 0 : i32
      %gather3A_591 = arith.constant 0 : i32
      %gather3A_592 = tpu.memref_slice %arg8[%gather3A_589, %gather3A_590, %gather3A_591] : memref<2x128x128xf32, #tpu.memory_space<vmem>> -> memref<1x128x128xf32, #tpu.memory_space<vmem>>
      %gather3A_593 = tpu.memref_squeeze %gather3A_592 : memref<1x128x128xf32, #tpu.memory_space<vmem>> -> memref<128x128xf32, #tpu.memory_space<vmem>>
      %gather3A_594 = tpu.vector_load_idx %gather3A_593[%add3A_398, %and3A_524] : memref<128x128xf32, #tpu.memory_space<vmem>>[vector<16xi32>, vector<16xi32>], vector<16xf32>,
      %scatter3A_595 = arith.constant 1 : i32
      %scatter3A_596 = arith.constant 0 : i32
      %scatter3A_597 = arith.constant 0 : i32
      %scatter3A_598 = tpu.memref_slice %arg10[%scatter3A_595, %scatter3A_596, %scatter3A_597] : memref<2x64x128xf32, #tpu.memory_space<vmem>> -> memref<1x64x128xf32, #tpu.memory_space<vmem>>
      %scatter3A_599 = tpu.memref_squeeze %scatter3A_598 : memref<1x64x128xf32, #tpu.memory_space<vmem>> -> memref<64x128xf32, #tpu.memory_space<vmem>>
      tpu.vector_store_idx %scatter3A_599[%and3A_524, %add3A_398], %gather3A_594 : memref<64x128xf32, #tpu.memory_space<vmem>>[vector<16xi32>, vector<16xi32>], vector<16xf32>,
      %gather3A_600 = arith.constant 1 : i32
      %gather3A_601 = arith.constant 0 : i32
      %gather3A_602 = arith.constant 0 : i32
      %gather3A_603 = tpu.memref_slice %arg8[%gather3A_600, %gather3A_601, %gather3A_602] : memref<2x128x128xf32, #tpu.memory_space<vmem>> -> memref<1x128x128xf32, #tpu.memory_space<vmem>>
      %gather3A_604 = tpu.memref_squeeze %gather3A_603 : memref<1x128x128xf32, #tpu.memory_space<vmem>> -> memref<128x128xf32, #tpu.memory_space<vmem>>
      %gather3A_605 = tpu.vector_load_idx %gather3A_604[%add3A_401, %and3A_524] : memref<128x128xf32, #tpu.memory_space<vmem>>[vector<16xi32>, vector<16xi32>], vector<16xf32>,
      %scatter3A_606 = arith.constant 1 : i32
      %scatter3A_607 = arith.constant 0 : i32
      %scatter3A_608 = arith.constant 0 : i32
      %scatter3A_609 = tpu.memref_slice %arg10[%scatter3A_606, %scatter3A_607, %scatter3A_608] : memref<2x64x128xf32, #tpu.memory_space<vmem>> -> memref<1x64x128xf32, #tpu.memory_space<vmem>>
      %scatter3A_610 = tpu.memref_squeeze %scatter3A_609 : memref<1x64x128xf32, #tpu.memory_space<vmem>> -> memref<64x128xf32, #tpu.memory_space<vmem>>
      tpu.vector_store_idx %scatter3A_610[%and3A_524, %add3A_401], %gather3A_605 : memref<64x128xf32, #tpu.memory_space<vmem>>[vector<16xi32>, vector<16xi32>], vector<16xf32>,
      %scan3A_611 = arith.constant 1 : i32
      %scan3A_612 = arith.addi %scan3A_520, %scan3A_611 : i32
      %add3A_613 = vector.broadcast %scan3A_612 : i32 to vector<16xi32>
      %add3A_614 = arith.addi %iota3A, %add3A_613 : vector<16xi32>
      %and3A_615 = arith.constant 63 : i32
      %and3A_616 = vector.broadcast %and3A_615 : i32 to vector<16xi32>
      %and3A_617 = arith.andi %add3A_614, %and3A_616 : vector<16xi32>
      %gather3A_618 = arith.constant 1 : i32
      %gather3A_619 = arith.constant 0 : i32
      %gather3A_620 = arith.constant 0 : i32
      %gather3A_621 = tpu.memref_slice %arg8[%gather3A_618, %gather3A_619, %gather3A_620] : memref<2x128x128xf32, #tpu.memory_space<vmem>> -> memref<1x128x128xf32, #tpu.memory_space<vmem>>
      %gather3A_622 = tpu.memref_squeeze %gather3A_621 : memref<1x128x128xf32, #tpu.memory_space<vmem>> -> memref<128x128xf32, #tpu.memory_space<vmem>>
      %gather3A_623 = tpu.vector_load_idx %gather3A_622[%add3A_380, %and3A_617] : memref<128x128xf32, #tpu.memory_space<vmem>>[vector<16xi32>, vector<16xi32>], vector<16xf32>,
      %scatter3A_624 = arith.constant 1 : i32
      %scatter3A_625 = arith.constant 0 : i32
      %scatter3A_626 = arith.constant 0 : i32
      %scatter3A_627 = tpu.memref_slice %arg10[%scatter3A_624, %scatter3A_625, %scatter3A_626] : memref<2x64x128xf32, #tpu.memory_space<vmem>> -> memref<1x64x128xf32, #tpu.memory_space<vmem>>
      %scatter3A_628 = tpu.memref_squeeze %scatter3A_627 : memref<1x64x128xf32, #tpu.memory_space<vmem>> -> memref<64x128xf32, #tpu.memory_space<vmem>>
      tpu.vector_store_idx %scatter3A_628[%and3A_617, %add3A_380], %gather3A_623 : memref<64x128xf32, #tpu.memory_space<vmem>>[vector<16xi32>, vector<16xi32>], vector<16xf32>,
      %gather3A_629 = arith.constant 1 : i32
      %gather3A_630 = arith.constant 0 : i32
      %gather3A_631 = arith.constant 0 : i32
      %gather3A_632 = tpu.memref_slice %arg8[%gather3A_629, %gather3A_630, %gather3A_631] : memref<2x128x128xf32, #tpu.memory_space<vmem>> -> memref<1x128x128xf32, #tpu.memory_space<vmem>>
      %gather3A_633 = tpu.memref_squeeze %gather3A_632 : memref<1x128x128xf32, #tpu.memory_space<vmem>> -> memref<128x128xf32, #tpu.memory_space<vmem>>
      %gather3A_634 = tpu.vector_load_idx %gather3A_633[%add3A_383, %and3A_617] : memref<128x128xf32, #tpu.memory_space<vmem>>[vector<16xi32>, vector<16xi32>], vector<16xf32>,
      %scatter3A_635 = arith.constant 1 : i32
      %scatter3A_636 = arith.constant 0 : i32
      %scatter3A_637 = arith.constant 0 : i32
      %scatter3A_638 = tpu.memref_slice %arg10[%scatter3A_635, %scatter3A_636, %scatter3A_637] : memref<2x64x128xf32, #tpu.memory_space<vmem>> -> memref<1x64x128xf32, #tpu.memory_space<vmem>>
      %scatter3A_639 = tpu.memref_squeeze %scatter3A_638 : memref<1x64x128xf32, #tpu.memory_space<vmem>> -> memref<64x128xf32, #tpu.memory_space<vmem>>
      tpu.vector_store_idx %scatter3A_639[%and3A_617, %add3A_383], %gather3A_634 : memref<64x128xf32, #tpu.memory_space<vmem>>[vector<16xi32>, vector<16xi32>], vector<16xf32>,
      %gather3A_640 = arith.constant 1 : i32
      %gather3A_641 = arith.constant 0 : i32
      %gather3A_642 = arith.constant 0 : i32
      %gather3A_643 = tpu.memref_slice %arg8[%gather3A_640, %gather3A_641, %gather3A_642] : memref<2x128x128xf32, #tpu.memory_space<vmem>> -> memref<1x128x128xf32, #tpu.memory_space<vmem>>
      %gather3A_644 = tpu.memref_squeeze %gather3A_643 : memref<1x128x128xf32, #tpu.memory_space<vmem>> -> memref<128x128xf32, #tpu.memory_space<vmem>>
      %gather3A_645 = tpu.vector_load_idx %gather3A_644[%add3A_386, %and3A_617] : memref<128x128xf32, #tpu.memory_space<vmem>>[vector<16xi32>, vector<16xi32>], vector<16xf32>,
      %scatter3A_646 = arith.constant 1 : i32
      %scatter3A_647 = arith.constant 0 : i32
      %scatter3A_648 = arith.constant 0 : i32
      %scatter3A_649 = tpu.memref_slice %arg10[%scatter3A_646, %scatter3A_647, %scatter3A_648] : memref<2x64x128xf32, #tpu.memory_space<vmem>> -> memref<1x64x128xf32, #tpu.memory_space<vmem>>
      %scatter3A_650 = tpu.memref_squeeze %scatter3A_649 : memref<1x64x128xf32, #tpu.memory_space<vmem>> -> memref<64x128xf32, #tpu.memory_space<vmem>>
      tpu.vector_store_idx %scatter3A_650[%and3A_617, %add3A_386], %gather3A_645 : memref<64x128xf32, #tpu.memory_space<vmem>>[vector<16xi32>, vector<16xi32>], vector<16xf32>,
      %gather3A_651 = arith.constant 1 : i32
      %gather3A_652 = arith.constant 0 : i32
      %gather3A_653 = arith.constant 0 : i32
      %gather3A_654 = tpu.memref_slice %arg8[%gather3A_651, %gather3A_652, %gather3A_653] : memref<2x128x128xf32, #tpu.memory_space<vmem>> -> memref<1x128x128xf32, #tpu.memory_space<vmem>>
      %gather3A_655 = tpu.memref_squeeze %gather3A_654 : memref<1x128x128xf32, #tpu.memory_space<vmem>> -> memref<128x128xf32, #tpu.memory_space<vmem>>
      %gather3A_656 = tpu.vector_load_idx %gather3A_655[%add3A_389, %and3A_617] : memref<128x128xf32, #tpu.memory_space<vmem>>[vector<16xi32>, vector<16xi32>], vector<16xf32>,
      %scatter3A_657 = arith.constant 1 : i32
      %scatter3A_658 = arith.constant 0 : i32
      %scatter3A_659 = arith.constant 0 : i32
      %scatter3A_660 = tpu.memref_slice %arg10[%scatter3A_657, %scatter3A_658, %scatter3A_659] : memref<2x64x128xf32, #tpu.memory_space<vmem>> -> memref<1x64x128xf32, #tpu.memory_space<vmem>>
      %scatter3A_661 = tpu.memref_squeeze %scatter3A_660 : memref<1x64x128xf32, #tpu.memory_space<vmem>> -> memref<64x128xf32, #tpu.memory_space<vmem>>
      tpu.vector_store_idx %scatter3A_661[%and3A_617, %add3A_389], %gather3A_656 : memref<64x128xf32, #tpu.memory_space<vmem>>[vector<16xi32>, vector<16xi32>], vector<16xf32>,
      %gather3A_662 = arith.constant 1 : i32
      %gather3A_663 = arith.constant 0 : i32
      %gather3A_664 = arith.constant 0 : i32
      %gather3A_665 = tpu.memref_slice %arg8[%gather3A_662, %gather3A_663, %gather3A_664] : memref<2x128x128xf32, #tpu.memory_space<vmem>> -> memref<1x128x128xf32, #tpu.memory_space<vmem>>
      %gather3A_666 = tpu.memref_squeeze %gather3A_665 : memref<1x128x128xf32, #tpu.memory_space<vmem>> -> memref<128x128xf32, #tpu.memory_space<vmem>>
      %gather3A_667 = tpu.vector_load_idx %gather3A_666[%add3A_392, %and3A_617] : memref<128x128xf32, #tpu.memory_space<vmem>>[vector<16xi32>, vector<16xi32>], vector<16xf32>,
      %scatter3A_668 = arith.constant 1 : i32
      %scatter3A_669 = arith.constant 0 : i32
      %scatter3A_670 = arith.constant 0 : i32
      %scatter3A_671 = tpu.memref_slice %arg10[%scatter3A_668, %scatter3A_669, %scatter3A_670] : memref<2x64x128xf32, #tpu.memory_space<vmem>> -> memref<1x64x128xf32, #tpu.memory_space<vmem>>
      %scatter3A_672 = tpu.memref_squeeze %scatter3A_671 : memref<1x64x128xf32, #tpu.memory_space<vmem>> -> memref<64x128xf32, #tpu.memory_space<vmem>>
      tpu.vector_store_idx %scatter3A_672[%and3A_617, %add3A_392], %gather3A_667 : memref<64x128xf32, #tpu.memory_space<vmem>>[vector<16xi32>, vector<16xi32>], vector<16xf32>,
      %gather3A_673 = arith.constant 1 : i32
      %gather3A_674 = arith.constant 0 : i32
      %gather3A_675 = arith.constant 0 : i32
      %gather3A_676 = tpu.memref_slice %arg8[%gather3A_673, %gather3A_674, %gather3A_675] : memref<2x128x128xf32, #tpu.memory_space<vmem>> -> memref<1x128x128xf32, #tpu.memory_space<vmem>>
      %gather3A_677 = tpu.memref_squeeze %gather3A_676 : memref<1x128x128xf32, #tpu.memory_space<vmem>> -> memref<128x128xf32, #tpu.memory_space<vmem>>
      %gather3A_678 = tpu.vector_load_idx %gather3A_677[%add3A_395, %and3A_617] : memref<128x128xf32, #tpu.memory_space<vmem>>[vector<16xi32>, vector<16xi32>], vector<16xf32>,
      %scatter3A_679 = arith.constant 1 : i32
      %scatter3A_680 = arith.constant 0 : i32
      %scatter3A_681 = arith.constant 0 : i32
      %scatter3A_682 = tpu.memref_slice %arg10[%scatter3A_679, %scatter3A_680, %scatter3A_681] : memref<2x64x128xf32, #tpu.memory_space<vmem>> -> memref<1x64x128xf32, #tpu.memory_space<vmem>>
      %scatter3A_683 = tpu.memref_squeeze %scatter3A_682 : memref<1x64x128xf32, #tpu.memory_space<vmem>> -> memref<64x128xf32, #tpu.memory_space<vmem>>
      tpu.vector_store_idx %scatter3A_683[%and3A_617, %add3A_395], %gather3A_678 : memref<64x128xf32, #tpu.memory_space<vmem>>[vector<16xi32>, vector<16xi32>], vector<16xf32>,
      %gather3A_684 = arith.constant 1 : i32
      %gather3A_685 = arith.constant 0 : i32
      %gather3A_686 = arith.constant 0 : i32
      %gather3A_687 = tpu.memref_slice %arg8[%gather3A_684, %gather3A_685, %gather3A_686] : memref<2x128x128xf32, #tpu.memory_space<vmem>> -> memref<1x128x128xf32, #tpu.memory_space<vmem>>
      %gather3A_688 = tpu.memref_squeeze %gather3A_687 : memref<1x128x128xf32, #tpu.memory_space<vmem>> -> memref<128x128xf32, #tpu.memory_space<vmem>>
      %gather3A_689 = tpu.vector_load_idx %gather3A_688[%add3A_398, %and3A_617] : memref<128x128xf32, #tpu.memory_space<vmem>>[vector<16xi32>, vector<16xi32>], vector<16xf32>,
      %scatter3A_690 = arith.constant 1 : i32
      %scatter3A_691 = arith.constant 0 : i32
      %scatter3A_692 = arith.constant 0 : i32
      %scatter3A_693 = tpu.memref_slice %arg10[%scatter3A_690, %scatter3A_691, %scatter3A_692] : memref<2x64x128xf32, #tpu.memory_space<vmem>> -> memref<1x64x128xf32, #tpu.memory_space<vmem>>
      %scatter3A_694 = tpu.memref_squeeze %scatter3A_693 : memref<1x64x128xf32, #tpu.memory_space<vmem>> -> memref<64x128xf32, #tpu.memory_space<vmem>>
      tpu.vector_store_idx %scatter3A_694[%and3A_617, %add3A_398], %gather3A_689 : memref<64x128xf32, #tpu.memory_space<vmem>>[vector<16xi32>, vector<16xi32>], vector<16xf32>,
      %gather3A_695 = arith.constant 1 : i32
      %gather3A_696 = arith.constant 0 : i32
      %gather3A_697 = arith.constant 0 : i32
      %gather3A_698 = tpu.memref_slice %arg8[%gather3A_695, %gather3A_696, %gather3A_697] : memref<2x128x128xf32, #tpu.memory_space<vmem>> -> memref<1x128x128xf32, #tpu.memory_space<vmem>>
      %gather3A_699 = tpu.memref_squeeze %gather3A_698 : memref<1x128x128xf32, #tpu.memory_space<vmem>> -> memref<128x128xf32, #tpu.memory_space<vmem>>
      %gather3A_700 = tpu.vector_load_idx %gather3A_699[%add3A_401, %and3A_617] : memref<128x128xf32, #tpu.memory_space<vmem>>[vector<16xi32>, vector<16xi32>], vector<16xf32>,
      %scatter3A_701 = arith.constant 1 : i32
      %scatter3A_702 = arith.constant 0 : i32
      %scatter3A_703 = arith.constant 0 : i32
      %scatter3A_704 = tpu.memref_slice %arg10[%scatter3A_701, %scatter3A_702, %scatter3A_703] : memref<2x64x128xf32, #tpu.memory_space<vmem>> -> memref<1x64x128xf32, #tpu.memory_space<vmem>>
      %scatter3A_705 = tpu.memref_squeeze %scatter3A_704 : memref<1x64x128xf32, #tpu.memory_space<vmem>> -> memref<64x128xf32, #tpu.memory_space<vmem>>
      tpu.vector_store_idx %scatter3A_705[%and3A_617, %add3A_401], %gather3A_700 : memref<64x128xf32, #tpu.memory_space<vmem>>[vector<16xi32>, vector<16xi32>], vector<16xf32>,
    }
    %scan3A_413 = arith.constant 64 : i32
    %dma_wait3A_414 = arith.constant 1 : i32
    %dma_wait3A_415 = arith.constant 0 : i32
    %dma_wait3A_416 = arith.constant 0 : i32
    %dma_wait3A_417 = tpu.memref_slice %arg9[%dma_wait3A_414, %dma_wait3A_415, %dma_wait3A_416] : memref<2x128x128xf32, #tpu.memory_space<vmem>> -> memref<1x128x128xf32, #tpu.memory_space<vmem>>
    %dma_wait3A_418 = tpu.memref_squeeze %dma_wait3A_417 : memref<1x128x128xf32, #tpu.memory_space<vmem>> -> memref<128x128xf32, #tpu.memory_space<vmem>>
    %dma_wait3A_419 = arith.constant 0 : i32
    %dma_wait3A_420 = tpu.memref_slice %arg5[%dma_wait3A_419, %add3A_201] : memref<192x16384xf32, #tpu.memory_space<hbm>> -> memref<128x128xf32, #tpu.memory_space<hbm>>
    %dma_wait3A_421 = arith.constant 0 : i32
    %dma_wait3A_422 = tpu.memref_slice %arg5[%dma_wait3A_421, %add3A_201] : memref<192x16384xf32, #tpu.memory_space<hbm>> -> memref<128x128xf32, #tpu.memory_space<hbm>>
    %dma_wait3A_423 = arith.constant 0 : i32
    %dma_wait3A_424 = arith.constant 0 : i32
    %dma_wait3A_425 = tpu.memref_slice %arg9[%dma_wait3A_414, %dma_wait3A_423, %dma_wait3A_424] : memref<2x128x128xf32, #tpu.memory_space<vmem>> -> memref<1x128x128xf32, #tpu.memory_space<vmem>>
    %dma_wait3A_426 = tpu.memref_squeeze %dma_wait3A_425 : memref<1x128x128xf32, #tpu.memory_space<vmem>> -> memref<128x128xf32, #tpu.memory_space<vmem>>
    tpu.wait_dma2 semaphore(%arg13 : memref<!tpu.dma_semaphore, #tpu.memory_space<semaphore_mem>>) src(%dma_wait3A_426 : memref<128x128xf32, #tpu.memory_space<vmem>>) dst(%dma_wait3A_422 : memref<128x128xf32, #tpu.memory_space<hbm>>)
    %dma_wait3A_427 = arith.constant 1 : i32
    %dma_wait3A_428 = arith.constant 0 : i32
    %dma_wait3A_429 = arith.constant 0 : i32
    %dma_wait3A_430 = tpu.memref_slice %arg10[%dma_wait3A_427, %dma_wait3A_428, %dma_wait3A_429] : memref<2x64x128xf32, #tpu.memory_space<vmem>> -> memref<1x64x128xf32, #tpu.memory_space<vmem>>
    %dma_wait3A_431 = tpu.memref_squeeze %dma_wait3A_430 : memref<1x64x128xf32, #tpu.memory_space<vmem>> -> memref<64x128xf32, #tpu.memory_space<vmem>>
    %dma_wait3A_432 = arith.constant 128 : i32
    %dma_wait3A_433 = tpu.memref_slice %arg5[%dma_wait3A_432, %add3A_201] : memref<192x16384xf32, #tpu.memory_space<hbm>> -> memref<64x128xf32, #tpu.memory_space<hbm>>
    %dma_wait3A_434 = arith.constant 128 : i32
    %dma_wait3A_435 = tpu.memref_slice %arg5[%dma_wait3A_434, %add3A_201] : memref<192x16384xf32, #tpu.memory_space<hbm>> -> memref<64x128xf32, #tpu.memory_space<hbm>>
    %dma_wait3A_436 = arith.constant 0 : i32
    %dma_wait3A_437 = arith.constant 0 : i32
    %dma_wait3A_438 = tpu.memref_slice %arg10[%dma_wait3A_427, %dma_wait3A_436, %dma_wait3A_437] : memref<2x64x128xf32, #tpu.memory_space<vmem>> -> memref<1x64x128xf32, #tpu.memory_space<vmem>>
    %dma_wait3A_439 = tpu.memref_squeeze %dma_wait3A_438 : memref<1x64x128xf32, #tpu.memory_space<vmem>> -> memref<64x128xf32, #tpu.memory_space<vmem>>
    tpu.wait_dma2 semaphore(%arg13 : memref<!tpu.dma_semaphore, #tpu.memory_space<semaphore_mem>>) src(%dma_wait3A_439 : memref<64x128xf32, #tpu.memory_space<vmem>>) dst(%dma_wait3A_435 : memref<64x128xf32, #tpu.memory_space<hbm>>)
    %add3A_440 = arith.constant 384 : i32
    %add3A_441 = arith.addi %mul3A_2, %add3A_440 : i32
    %dma_start3A_442 = arith.constant 1 : i32
    %dma_start3A_443 = arith.constant 0 : i32
    %dma_start3A_444 = arith.constant 0 : i32
    %dma_start3A_445 = tpu.memref_slice %arg9[%dma_start3A_442, %dma_start3A_443, %dma_start3A_444] : memref<2x128x128xf32, #tpu.memory_space<vmem>> -> memref<1x128x128xf32, #tpu.memory_space<vmem>>
    %dma_start3A_446 = tpu.memref_squeeze %dma_start3A_445 : memref<1x128x128xf32, #tpu.memory_space<vmem>> -> memref<128x128xf32, #tpu.memory_space<vmem>>
    %dma_start3A_447 = arith.constant 0 : i32
    %dma_start3A_448 = tpu.memref_slice %arg5[%dma_start3A_447, %add3A_441] : memref<192x16384xf32, #tpu.memory_space<hbm>> -> memref<128x128xf32, #tpu.memory_space<hbm>>
    %dma_start3A_449 = arith.constant 0 : i32
    %dma_start3A_450 = tpu.memref_slice %arg5[%dma_start3A_449, %add3A_441] : memref<192x16384xf32, #tpu.memory_space<hbm>> -> memref<128x128xf32, #tpu.memory_space<hbm>>
    %dma_start3A_451 = arith.constant 0 : i32
    %dma_start3A_452 = arith.constant 0 : i32
    %dma_start3A_453 = tpu.memref_slice %arg9[%dma_start3A_442, %dma_start3A_451, %dma_start3A_452] : memref<2x128x128xf32, #tpu.memory_space<vmem>> -> memref<1x128x128xf32, #tpu.memory_space<vmem>>
    %dma_start3A_454 = tpu.memref_squeeze %dma_start3A_453 : memref<1x128x128xf32, #tpu.memory_space<vmem>> -> memref<128x128xf32, #tpu.memory_space<vmem>>
    tpu.enqueue_dma source(%dma_start3A_454 : memref<128x128xf32, #tpu.memory_space<vmem>>) target(%dma_start3A_450 : memref<128x128xf32, #tpu.memory_space<hbm>>) target_semaphore(%arg13 : memref<!tpu.dma_semaphore, #tpu.memory_space<semaphore_mem>>)
    %dma_start3A_455 = arith.constant 1 : i32
    %dma_start3A_456 = arith.constant 0 : i32
    %dma_start3A_457 = arith.constant 0 : i32
    %dma_start3A_458 = tpu.memref_slice %arg10[%dma_start3A_455, %dma_start3A_456, %dma_start3A_457] : memref<2x64x128xf32, #tpu.memory_space<vmem>> -> memref<1x64x128xf32, #tpu.memory_space<vmem>>
    %dma_start3A_459 = tpu.memref_squeeze %dma_start3A_458 : memref<1x64x128xf32, #tpu.memory_space<vmem>> -> memref<64x128xf32, #tpu.memory_space<vmem>>
    %dma_start3A_460 = arith.constant 128 : i32
    %dma_start3A_461 = tpu.memref_slice %arg5[%dma_start3A_460, %add3A_441] : memref<192x16384xf32, #tpu.memory_space<hbm>> -> memref<64x128xf32, #tpu.memory_space<hbm>>
    %dma_start3A_462 = arith.constant 128 : i32
    %dma_start3A_463 = tpu.memref_slice %arg5[%dma_start3A_462, %add3A_441] : memref<192x16384xf32, #tpu.memory_space<hbm>> -> memref<64x128xf32, #tpu.memory_space<hbm>>
    %dma_start3A_464 = arith.constant 0 : i32
    %dma_start3A_465 = arith.constant 0 : i32
    %dma_start3A_466 = tpu.memref_slice %arg10[%dma_start3A_455, %dma_start3A_464, %dma_start3A_465] : memref<2x64x128xf32, #tpu.memory_space<vmem>> -> memref<1x64x128xf32, #tpu.memory_space<vmem>>
    %dma_start3A_467 = tpu.memref_squeeze %dma_start3A_466 : memref<1x64x128xf32, #tpu.memory_space<vmem>> -> memref<64x128xf32, #tpu.memory_space<vmem>>
    tpu.enqueue_dma source(%dma_start3A_467 : memref<64x128xf32, #tpu.memory_space<vmem>>) target(%dma_start3A_463 : memref<64x128xf32, #tpu.memory_space<hbm>>) target_semaphore(%arg13 : memref<!tpu.dma_semaphore, #tpu.memory_space<semaphore_mem>>)
    %dma_wait3A_468 = arith.constant 0 : i32
    %dma_wait3A_469 = arith.constant 0 : i32
    %dma_wait3A_470 = arith.constant 0 : i32
    %dma_wait3A_471 = tpu.memref_slice %arg9[%dma_wait3A_468, %dma_wait3A_469, %dma_wait3A_470] : memref<2x128x128xf32, #tpu.memory_space<vmem>> -> memref<1x128x128xf32, #tpu.memory_space<vmem>>
    %dma_wait3A_472 = tpu.memref_squeeze %dma_wait3A_471 : memref<1x128x128xf32, #tpu.memory_space<vmem>> -> memref<128x128xf32, #tpu.memory_space<vmem>>
    %dma_wait3A_473 = arith.constant 0 : i32
    %dma_wait3A_474 = tpu.memref_slice %arg5[%dma_wait3A_473, %add3A_331] : memref<192x16384xf32, #tpu.memory_space<hbm>> -> memref<128x128xf32, #tpu.memory_space<hbm>>
    %dma_wait3A_475 = arith.constant 0 : i32
    %dma_wait3A_476 = tpu.memref_slice %arg5[%dma_wait3A_475, %add3A_331] : memref<192x16384xf32, #tpu.memory_space<hbm>> -> memref<128x128xf32, #tpu.memory_space<hbm>>
    %dma_wait3A_477 = arith.constant 0 : i32
    %dma_wait3A_478 = arith.constant 0 : i32
    %dma_wait3A_479 = tpu.memref_slice %arg9[%dma_wait3A_468, %dma_wait3A_477, %dma_wait3A_478] : memref<2x128x128xf32, #tpu.memory_space<vmem>> -> memref<1x128x128xf32, #tpu.memory_space<vmem>>
    %dma_wait3A_480 = tpu.memref_squeeze %dma_wait3A_479 : memref<1x128x128xf32, #tpu.memory_space<vmem>> -> memref<128x128xf32, #tpu.memory_space<vmem>>
    tpu.wait_dma2 semaphore(%arg13 : memref<!tpu.dma_semaphore, #tpu.memory_space<semaphore_mem>>) src(%dma_wait3A_480 : memref<128x128xf32, #tpu.memory_space<vmem>>) dst(%dma_wait3A_476 : memref<128x128xf32, #tpu.memory_space<hbm>>)
    %dma_wait3A_481 = arith.constant 0 : i32
    %dma_wait3A_482 = arith.constant 0 : i32
    %dma_wait3A_483 = arith.constant 0 : i32
    %dma_wait3A_484 = tpu.memref_slice %arg10[%dma_wait3A_481, %dma_wait3A_482, %dma_wait3A_483] : memref<2x64x128xf32, #tpu.memory_space<vmem>> -> memref<1x64x128xf32, #tpu.memory_space<vmem>>
    %dma_wait3A_485 = tpu.memref_squeeze %dma_wait3A_484 : memref<1x64x128xf32, #tpu.memory_space<vmem>> -> memref<64x128xf32, #tpu.memory_space<vmem>>
    %dma_wait3A_486 = arith.constant 128 : i32
    %dma_wait3A_487 = tpu.memref_slice %arg5[%dma_wait3A_486, %add3A_331] : memref<192x16384xf32, #tpu.memory_space<hbm>> -> memref<64x128xf32, #tpu.memory_space<hbm>>
    %dma_wait3A_488 = arith.constant 128 : i32
    %dma_wait3A_489 = tpu.memref_slice %arg5[%dma_wait3A_488, %add3A_331] : memref<192x16384xf32, #tpu.memory_space<hbm>> -> memref<64x128xf32, #tpu.memory_space<hbm>>
    %dma_wait3A_490 = arith.constant 0 : i32
    %dma_wait3A_491 = arith.constant 0 : i32
    %dma_wait3A_492 = tpu.memref_slice %arg10[%dma_wait3A_481, %dma_wait3A_490, %dma_wait3A_491] : memref<2x64x128xf32, #tpu.memory_space<vmem>> -> memref<1x64x128xf32, #tpu.memory_space<vmem>>
    %dma_wait3A_493 = tpu.memref_squeeze %dma_wait3A_492 : memref<1x64x128xf32, #tpu.memory_space<vmem>> -> memref<64x128xf32, #tpu.memory_space<vmem>>
    tpu.wait_dma2 semaphore(%arg13 : memref<!tpu.dma_semaphore, #tpu.memory_space<semaphore_mem>>) src(%dma_wait3A_493 : memref<64x128xf32, #tpu.memory_space<vmem>>) dst(%dma_wait3A_489 : memref<64x128xf32, #tpu.memory_space<hbm>>)
    %dma_wait3A_494 = arith.constant 1 : i32
    %dma_wait3A_495 = arith.constant 0 : i32
    %dma_wait3A_496 = arith.constant 0 : i32
    %dma_wait3A_497 = tpu.memref_slice %arg9[%dma_wait3A_494, %dma_wait3A_495, %dma_wait3A_496] : memref<2x128x128xf32, #tpu.memory_space<vmem>> -> memref<1x128x128xf32, #tpu.memory_space<vmem>>
    %dma_wait3A_498 = tpu.memref_squeeze %dma_wait3A_497 : memref<1x128x128xf32, #tpu.memory_space<vmem>> -> memref<128x128xf32, #tpu.memory_space<vmem>>
    %dma_wait3A_499 = arith.constant 0 : i32
    %dma_wait3A_500 = tpu.memref_slice %arg5[%dma_wait3A_499, %add3A_441] : memref<192x16384xf32, #tpu.memory_space<hbm>> -> memref<128x128xf32, #tpu.memory_space<hbm>>
    %dma_wait3A_501 = arith.constant 0 : i32
    %dma_wait3A_502 = tpu.memref_slice %arg5[%dma_wait3A_501, %add3A_441] : memref<192x16384xf32, #tpu.memory_space<hbm>> -> memref<128x128xf32, #tpu.memory_space<hbm>>
    %dma_wait3A_503 = arith.constant 0 : i32
    %dma_wait3A_504 = arith.constant 0 : i32
    %dma_wait3A_505 = tpu.memref_slice %arg9[%dma_wait3A_494, %dma_wait3A_503, %dma_wait3A_504] : memref<2x128x128xf32, #tpu.memory_space<vmem>> -> memref<1x128x128xf32, #tpu.memory_space<vmem>>
    %dma_wait3A_506 = tpu.memref_squeeze %dma_wait3A_505 : memref<1x128x128xf32, #tpu.memory_space<vmem>> -> memref<128x128xf32, #tpu.memory_space<vmem>>
    tpu.wait_dma2 semaphore(%arg13 : memref<!tpu.dma_semaphore, #tpu.memory_space<semaphore_mem>>) src(%dma_wait3A_506 : memref<128x128xf32, #tpu.memory_space<vmem>>) dst(%dma_wait3A_502 : memref<128x128xf32, #tpu.memory_space<hbm>>)
    %dma_wait3A_507 = arith.constant 1 : i32
    %dma_wait3A_508 = arith.constant 0 : i32
    %dma_wait3A_509 = arith.constant 0 : i32
    %dma_wait3A_510 = tpu.memref_slice %arg10[%dma_wait3A_507, %dma_wait3A_508, %dma_wait3A_509] : memref<2x64x128xf32, #tpu.memory_space<vmem>> -> memref<1x64x128xf32, #tpu.memory_space<vmem>>
    %dma_wait3A_511 = tpu.memref_squeeze %dma_wait3A_510 : memref<1x64x128xf32, #tpu.memory_space<vmem>> -> memref<64x128xf32, #tpu.memory_space<vmem>>
    %dma_wait3A_512 = arith.constant 128 : i32
    %dma_wait3A_513 = tpu.memref_slice %arg5[%dma_wait3A_512, %add3A_441] : memref<192x16384xf32, #tpu.memory_space<hbm>> -> memref<64x128xf32, #tpu.memory_space<hbm>>
    %dma_wait3A_514 = arith.constant 128 : i32
    %dma_wait3A_515 = tpu.memref_slice %arg5[%dma_wait3A_514, %add3A_441] : memref<192x16384xf32, #tpu.memory_space<hbm>> -> memref<64x128xf32, #tpu.memory_space<hbm>>
    %dma_wait3A_516 = arith.constant 0 : i32
    %dma_wait3A_517 = arith.constant 0 : i32
    %dma_wait3A_518 = tpu.memref_slice %arg10[%dma_wait3A_507, %dma_wait3A_516, %dma_wait3A_517] : memref<2x64x128xf32, #tpu.memory_space<vmem>> -> memref<1x64x128xf32, #tpu.memory_space<vmem>>
    %dma_wait3A_519 = tpu.memref_squeeze %dma_wait3A_518 : memref<1x64x128xf32, #tpu.memory_space<vmem>> -> memref<64x128xf32, #tpu.memory_space<vmem>>
    tpu.wait_dma2 semaphore(%arg13 : memref<!tpu.dma_semaphore, #tpu.memory_space<semaphore_mem>>) src(%dma_wait3A_519 : memref<64x128xf32, #tpu.memory_space<vmem>>) dst(%dma_wait3A_515 : memref<64x128xf32, #tpu.memory_space<hbm>>)
    return
  }
}

</mosaic_0001>

<sc_bundles>
// kernel: kernel.3.cloned.1.call-start
scs
__scs_entry_jumppad:
0x0: {  	(pc) =	sbr.rel $0x88, $3  }
0x1: {  	(tag) =	ssettag $0x0;
	lr =	simm.s32 $0x1  }
0x2: {  	[smem:$0x3F9E] =	sst lr;
	_ =	strace $0xD0000000  }
0x3: {  	_ = 	snop  }
0x4: {  	_ = 	snop  }
0x5: {  	_ = 	snop  }
0x6: {  	_ = 	snop  }
0x7: {  	_ = 	snop  }
__scs_overlays_trampoline_lowered:
0x8: {  	[smem:$0x3FAD] =	sst s0  }
0x9: {  	[smem:$0x3FAE] =	sst s1  }
0xa: {  	[smem:$0x3FAF] =	sst s2  }
0xb: {  	[smem:$0x3FB0] =	sst s3  }
0xc: {  	[smem:$0x3FB1] =	sst s4  }
0xd: {  	[smem:$0x3FB2] =	sst s5  }
0xe: {  	[smem:$0x3FB3] =	sst s6  }
0xf: {  	[smem:$0x3FB4] =	sst s7  }
0x10: {  	[smem:$0x3FB5] =	sst s8  }
0x11: {  	[smem:$0x3FB6] =	sst s9;
	s0 =	simm.s32 @!p0 $0x0  }
0x12: {  	s1 =	sld [smem:$0x3F9C];
	s0 =	simm.s32 @p0 $0x1  }
0x13: {  	[smem:$0x3FB7] =	sst s0;
	s0 =	simm.s32 @!p1 $0x0  }
0x14: {  	s2 =	sld [smem:$0x3F9B];
	s0 =	simm.s32 @p1 $0x1  }
0x15: {  	[smem:$0x3FB8] =	sst s0;
	s0 =	simm.s32 @!p2 $0x0  }
0x16: {  	s3 =	sld [smem:$0x3FDB];
	s0 =	simm.s32 @p2 $0x1  }
0x17: {  	s4 =	simm.s32 $0x1BF5;
	[smem:$0x3FBA] =	sst s0  }
0x18: {  	s0 =	sld [smem:$0x3F9D];
	_ =	swait.ge [sflag:s4], $0x0  }
0x19: {  	s7 =	sld [smem:$0x3F9E]  }
0x1a: {  	s8 =	sadd.s32 $0xFFFFE003, lr  }
0x1b: {  	s9 =	sadd.s32 $0xFFFFFEF7, lr;
	s5 =	simm.s32 $0xFFFFFFFF;
	p2 =	slt.u32 s8, $0xFFFFF086  }
0x1c: {  	p1 =	slt.u32 s9, $0xF7A;
	s5 =	simm.s32 @!p2 $0x0  }
0x1d: {  	s5 =	simm.s32 @p1 $0x1;
	p0 =	seq.s32 s7, s2  }
0x1e: {  	s7 =	smul.u32 @!p0 $0xF7A, s2;
	p2 =	seq.s32 @!p0 s5, $0x0  }
0x1f: {  	s9 =	smul.u32 $0xF7A, s1;
	s8 =	simm.s32 @!p0 $0x1BF5;
	p2 =	por !p2, p0  }
0x20: {  	[sflag:s8] =	ssyncset.s32 @!p0 $0xFFFFF086;
	s6 =	sadd.s32 @!p0 s3, s7;
	s7 =	simm.s32 @!p0 $0x108  }
0x21: {  	s3 =	sadd.s32 s3, s9;
	s6 =	sadd.s32 @!p0 $0x88, s6;
	s7 =	simm.s32 @p2 $0x1082  }
0x22: {  	[simem:s7], [sflag:s8] =	dma.local @!p0 [hbm:s6], $0xF7A  }
0x23: {  	s9 =	sor.u32 $0xD0000000, s2;
	s6 =	simm.s32 $0x108;
	_ =	swait.ge @!p0 [sflag:s8], $0x0  }
0x24: {  	s3 =	sadd.s32 $0x88, s3;
	s6 =	simm.s32 @!p1 $0x1082;
	[sflag:s4] =	ssyncset.s32 $0xFFFFF086  }
0x25: {  	[simem:s6], [sflag:s4] =	dma.local [hbm:s3], $0xF7A  }
0x26: {  	[smem:$0x3F9E] =	sst s1;
	(tag) =	ssettag s2;
	_ =	strace s9  }
0x27: {  	s1 =	sld [smem:$0x3FAE]  }
0x28: {  	s2 =	sld [smem:$0x3FAF]  }
0x29: {  	s4 =	sld [smem:$0x3FB1]  }
0x2a: {  	p0 =	seq.s32 s5, $0x0;
	s5 =	sld [smem:$0x3FB2]  }
0x2b: {  	s6 =	sld [smem:$0x3FB3]  }
0x2c: {  	s7 =	sld [smem:$0x3FB4]  }
0x2d: {  	s3 =	simm.s32 $0x108;
	s8 =	sld [smem:$0x3FB5]  }
0x2e: {  	s3 =	simm.s32 @!p0 $0x1082;
	s9 =	sld [smem:$0x3FB6]  }
0x2f: {  	lr =	sadd.s32 s0, s3;
	s0 =	sld [smem:$0x3FAD]  }
0x30: {  	s3 =	sld [smem:$0x3FB0]  }
0x31: {  	[smem:$0x3FB9] =	sst s10  }
0x32: {  	s10 =	sld [smem:$0x3FB7];
	_ =	sdelay $0x3  }
0x33: {  	p0 =	seq.s32 s10, $0x1;
	s10 =	sld [smem:$0x3FB9];
	_ =	sdelay $0x3  }
0x34: {  	[smem:$0x3FB9] =	sst s10  }
0x35: {  	s10 =	sld [smem:$0x3FB8];
	_ =	sdelay $0x3  }
0x36: {  	p1 =	seq.s32 s10, $0x1;
	s10 =	sld [smem:$0x3FB9];
	_ =	sdelay $0x3  }
0x37: {  	[smem:$0x3FB9] =	sst s10  }
0x38: {  	s10 =	sld [smem:$0x3FBA]  }
0x39: {  	_ = 	snop;
	(pc) =	sbr.ind lr, $3  }
0x3a: {  	_ = 	snop  }
0x3b: {  	_ = 	snop  }
0x3c: {  	p2 =	seq.s32 s10, $0x1;
	s10 =	sld [smem:$0x3FB9]  }
0x3d: {  	_ =	shalt  }
0x3e: {  	_ =	shalt  }
0x3f: {  	_ =	shalt  }
0x40: {  	_ =	shalt  }
0x41: {  	_ =	shalt  }
0x42: {  	_ =	shalt  }
0x43: {  	_ =	shalt  }
0x44: {  	_ =	shalt  }
0x45: {  	_ =	shalt  }
0x46: {  	_ =	shalt  }
0x47: {  	_ =	shalt  }
0x48: {  	_ =	shalt  }
0x49: {  	_ =	shalt  }
0x4a: {  	_ =	shalt  }
0x4b: {  	_ =	shalt  }
0x4c: {  	_ =	shalt  }
0x4d: {  	_ =	shalt  }
0x4e: {  	_ =	shalt  }
0x4f: {  	_ =	shalt  }
0x50: {  	_ =	shalt  }
0x51: {  	_ =	shalt  }
0x52: {  	_ =	shalt  }
0x53: {  	_ =	shalt  }
0x54: {  	_ =	shalt  }
0x55: {  	_ =	shalt  }
0x56: {  	_ =	shalt  }
0x57: {  	_ =	shalt  }
0x58: {  	_ =	shalt  }
0x59: {  	_ =	shalt  }
0x5a: {  	_ =	shalt  }
0x5b: {  	_ =	shalt  }
0x5c: {  	_ =	shalt  }
0x5d: {  	_ =	shalt  }
0x5e: {  	_ =	shalt  }
0x5f: {  	_ =	shalt  }
0x60: {  	_ =	shalt  }
0x61: {  	_ =	shalt  }
0x62: {  	_ =	shalt  }
0x63: {  	_ =	shalt  }
0x64: {  	_ =	shalt  }
0x65: {  	_ =	shalt  }
0x66: {  	_ =	shalt  }
0x67: {  	_ =	shalt  }
0x68: {  	_ =	shalt  }
0x69: {  	_ =	shalt  }
0x6a: {  	_ =	shalt  }
0x6b: {  	_ =	shalt  }
0x6c: {  	_ =	shalt  }
0x6d: {  	_ =	shalt  }
0x6e: {  	_ =	shalt  }
0x6f: {  	_ =	shalt  }
0x70: {  	_ =	shalt  }
0x71: {  	_ =	shalt  }
0x72: {  	_ =	shalt  }
0x73: {  	_ =	shalt  }
0x74: {  	_ =	shalt  }
0x75: {  	_ =	shalt  }
0x76: {  	_ =	shalt  }
0x77: {  	_ =	shalt  }
0x78: {  	_ =	shalt  }
0x79: {  	_ =	shalt  }
0x7a: {  	_ =	shalt  }
0x7b: {  	_ =	shalt  }
0x7c: {  	_ =	shalt  }
0x7d: {  	_ =	shalt  }
0x7e: {  	_ =	shalt  }
0x7f: {  	_ =	shalt  }
0x80: {  	_ =	shalt  }
0x81: {  	_ =	shalt  }
0x82: {  	_ =	shalt  }
0x83: {  	_ =	shalt  }
0x84: {  	_ =	shalt  }
0x85: {  	_ =	shalt  }
0x86: {  	_ =	shalt  }
0x87: {  	_ =	shalt  }
.Lfunc_end0:
.L_simem_size_0:
called_computation_lowered:
.L_overlay_start_0:
0x88: {  	s2 =	sld [smem:$0x3FD9]  }
0x89: {  	s3 =	sld [smem:$0x3FFE];
	_ =	sdelay $0x1  }
0x8a: {  	s1 =	srdreg.scid  }
0x8b: {  	s0 =	sand.u32 $0x1, s1  }
0x8c: {  	s17 =	sshll.u32 s0, $0xA;
	s2 =	sadd.s32 s3, s2  }
0x8d: {  	s2 =	sadd.s32 s2, s17  }
0x8e: {  	[smem:$0x3FC5] =	sst s2  }
0x8f: {  	_ = 	snop  }
0x90: {  	s2 =	sld [smem:$0x3FC9]  }
0x91: {  	s18 =	sld [smem:$0x3FC8]  }
0x92: {  	s4 =	sld [smem:$0x3FD0];
	(tm) =	ssettm $0x1  }
0x93: {  	s5 =	sld [smem:$0x3FFB];
	_ =	sdelay $0x3  }
0x94: {  	_ =	strace s5  }
0x95: {  	s5 =	sld [smem:$0x3FFC];
	_ =	sdelay $0x3  }
0x96: {  	_ =	strace s5  }
0x97: {  	s5 =	sld [smem:$0x3FFD];
	_ =	sdelay $0x3  }
0x98: {  	_ =	strace s5  }
0x99: {  	_ =	strace $0x8FFFFFFF  }
0x9a: {  	s19 =	sld [smem:$0x3FDB];
	_ =	sdelay $0x1  }
0x9b: {  	s6 =	simm.s32 $_scs_section_size  }
0x9c: {  	s7 =	simm.s32 $_size__tile_overlayer_lowered;
	s8 =	simm.s32 $_tile_overlayer_lowered  }
0x9d: {  	s22 =	simm.s32 $0x1BFF;
	s21 =	sshll.u32 s8, $0x1;
	s5 =	sadd.s32 s6, s19  }
0x9e: {  	s9 =	simm.s32 $0x0;
	s20 =	sshll.u32 s7, $0x1;
	s7 =	sadd.s32 s21, s5  }
0x9f: {  	[timem:s9], [sflag:s22] =	dma.local [hbm:s7], s20  }
0xa0: {  	_ =	swait.ge [sflag:s22], s20  }
0xa1: {  	s6 =	ssub.s32 $0x0, s20;
	[sflag:s22] =	ssyncset.done $0x0  }
0xa2: {  	[sflag:s22] =	ssyncadd.s32 s6;
	_ =	sdelay $0x1  }
0xa3: {  	s23 =	simm.s32 $0x1B8B  }
0xa4: {  	_ =	swait.ge [sflag:s23], $0x1  }
0xa5: {  	[sflag:s23] =	ssyncset.done $0x0  }
0xa6: {  	s25 =	simm.s32 $0x1B8E;
	s24 =	sld [smem:$0x3FFE];
	[sflag:s23] =	ssyncadd.s32 $0xFFFFFFFF  }
0xa7: {  	s26 =	simm.s32 $execute0_lowered;
	[smem:$0x3FD2] =	sst s25  }
0xa8: {  	s7 =	sshll.u32 s26, $0x1;
	_ =	strace $0x80000046;
	[dreg:$0x1] =	wrdreg $0xFFFFFFFF  }
0xa9: {  	s28 =	simm.s32 $_size_execute0_lowered;
	s5 =	sadd.s32 s5, s7;
	[dreg:$0x0] =	wrdreg $0x0  }
0xaa: {  	s7 =	sshll.u32 s28, $0x1;
	[dreg:$0x2] =	wrdreg s5  }
0xab: {  	[dreg:$0x3] =	wrdreg s7  }
0xac: {  	[dreg:$0x4] =	wrdreg $0xC0  }
0xad: {  	_ =	task [dreg:s9], $0x5FFFF  }
0xae: {  	[dreg:$0x1] =	wrdreg $0xFFFFFFFF  }
0xaf: {  	[dreg:$0x0] =	wrdreg $0x60  }
0xb0: {  	[dreg:$0x2] =	wrdreg s2  }
0xb1: {  	[dreg:$0x3] =	wrdreg s18  }
0xb2: {  	[dreg:$0x4] =	wrdreg s24  }
0xb3: {  	[dreg:$0x5] =	wrdreg s4  }
0xb4: {  	[dreg:$0x6] =	wrdreg $0x9  }
0xb5: {  	_ =	task.clear_ibuf [dreg:s9], $0x7FFFF;
	_ =	strace $0x90000046  }
0xb6: {  	s29 =	simm.s32 $0x9;
	_ =	strace $0x80000048  }
0xb7: {  	_ =	swait.ge [sflag:s29], $0x1  }
0xb8: {  	[sflag:s29] =	ssyncadd.s32 $0xFFFFFFFF  }
0xb9: {  	_ =	strace $0x90000048  }
0xba: {  	_ =	sfence  }
0xbb: {  	s30 =	sld [smem:$0x0];
	_ =	sdelay $0x2  }
0xbc: {  	s31 =	sshll.u32 s1, $0xD;
	s1 =	sshrl.u32 s1, $0x2  }
0xbd: {  	s3 =	sand.u32 $0x4000, s31;
	s1 =	sadd.s32 s1, s30  }
0xbe: {  	s0 =	sor.u32 s3, s0;
	s1 =	sshll.u32 s1, $0x11  }
0xbf: {  	s0 =	sor.u32 s1, s0  }
0xc0: {  	s0 =	sadd.s32 $0x8F2B, s0  }
0xc1: {  	[sflag:s0] =	ssyncadd.remote.s32 $0x1  }
0xc2: {  	_ =	sfence.sel $0xFFFF  }
0xc3: {  	[dreg:$0x0] =	wrdreg $0xFFFFFFFF;
	(pc) =	sbr.abs _section_cstart, $3  }
0xc4: {  	[dreg:$0x1] =	wrdreg $0xFFFFFFFF  }
0xc5: {  	_ =	task.clear_ibuf [dreg:s9], $0x2FFFF;
	_ =	strace $0x9FFFFFFF  }
0xc6: {  	(tm) =	ssettm $0x7FFFFFFF  }
0xc7: {  	_ =	shalt  }
tec
execute0_lowered:
.L_overlay_start_1:
0x0: {  	(tag) =	ssettag $0x1  }
0x1: {  	s0 =	rddreg [dreg:$0x0]  }
0x2: {  	s1 =	rddreg [dreg:$0x1]  }
0x3: {  	s2 =	rddreg [dreg:$0x2]  }
0x4: {  	s5 =	rddreg [dreg:$0x3]  }
0x5: {  	s3 =	simm.s32 $0x0;
	s4 =	srdreg.scid;
	s7 =	stileid.u32  }
0x6: {  	s15 =	simm.s32 $0x4;
	s16 =	simm.s32 $0x80;
	s17 =	simm.s32 $0x200  }
0x7: {  	s18 =	simm.s32 $0x8200;
	s19 =	simm.s32 $0x1;
	s20 =	simm.s32 $0x4200  }
0x8: {  	s21 =	simm.s32 $0xC200;
	s22 =	simm.s32 $0x10200;
	s23 =	simm.s32 $0x18200  }
0x9: {  	s24 =	simm.s32 $0x400;
	s25 =	simm.s32 $0x20000;
	s29 =	simm.s32 $0x14200  }
0xa: {  	s30 =	simm.s32 $0x1A200;
	[smem:$0x7FF] =	sst s3;
	s4 =	sand.u32 $0x1, s4  }
0xb: {  	s7 =	sshll.u32 s7, $0xA;
	s6 =	ssub.s32 $0x2, s4;
	s8 =	sshll.u32 s4, $0x9  }
0xc: {  	_ =	strace $0x80000047;
	s26 =	sshrl.u32 s6, $0x1;
	s7 =	sor.u32 s8, s7  }
0xd: {  	v0 =	vlaneseq.u32;
	s4 =	sadd.s32 $0x186E00, s2;
	s2 =	ssub.s32 s6, s26;
	s28 =	sshrl.u32 s7, $0x3  }
0xe: {  	v1 =	vmul.u32 $0x80, v0;
	v3 =	vor.u32 $0x10, v0;
	v5 =	vor.u32 $0x20, v0;
	s5 =	sadd.s32 s5, s7;
	s26 =	simm.s32 $0x2;
	s0 =	sadd.s32 s0, s28  }
0xf: {  	v7 =	vor.u32 $0x30, v0;
	v9 =	vor.u32 $0x40, v0;
	v11 =	vor.u32 $0x50, v0;
	s31 =	sadd.s32 $0x40000, s5;
	s8 =	sadd.s32 $0x80, s5;
	s9 =	sadd.s32 $0x40080, s5  }
0x10: {  	v13 =	vor.u32 $0x60, v0;
	v15 =	vor.u32 $0x70, v0;
	v2 =	vor.u32 $0x800, v1;
	s10 =	sadd.s32 $0x100, s5;
	s11 =	sadd.s32 $0x40100, s5;
	s12 =	sadd.s32 $0x180, s5  }
0x11: {  	v4 =	vor.u32 $0x1000, v1;
	v6 =	vor.u32 $0x1800, v1;
	v8 =	vor.u32 $0x2000, v1;
	s13 =	sadd.s32 $0x40180, s5;
	s14 =	smax.u32 s2, $0x1;
	[dreg:$0x5] =	wrdreg s0  }
0x12: {  	v10 =	vor.u32 $0x2800, v1;
	v12 =	vor.u32 $0x3000, v1;
	v14 =	vor.u32 $0x3800, v1;
	s2 =	simm.s32 $0x0;
	[dreg:$0x6] =	wrdreg s31;
	s0 =	simm.s32 $0x3  }
.LBB2_1:
0x13: {  	s6 =	rddreg [dreg:$0x5]  }
0x14: {  	[tilespmem:s3], [sflag:$0x4] =	stream.linear.gather [hbm4b:s6+s3], $0x200, $0x38;
	[tilespmem:$0x1C200] =	vst v63  }
0x15: {  	_ =	swait.ge [sflag:s15], $0x200  }
0x16: {  	[sflag:s15] =	ssyncset.done $0x0  }
0x17: {  	[sflag:s15] =	ssyncadd.s32 $0xFFFFFE00  }
0x18: {  	[tilespmem:s17], [sflag:$0x1] =	stream.indirect.gather [hbm4b:s1+s16], $0x80, s3, s16, $0xb8;
	[tilespmem:$0x1C200] =	vst v63  }
0x19: {  	_ = 	snop  }
0x1a: {  	[tilespmem:s18], [sflag:$0x1] =	stream.indirect.gather [hbm4b:s4+s16], $0x80, s3, s16, $0xb8;
	[tilespmem:$0x1C200] =	vst v63  }
0x1b: {  	_ =	swait.ge [sflag:s19], $0x4000  }
0x1c: {  	[sflag:s19] =	ssyncset.done $0x0  }
0x1d: {  	v16 =	vadd.s32 s3, v0;
	[sflag:s19] =	ssyncadd.s32 $0xFFFFC000  }
0x1e: {  	v16 =	vand.u32 $0x7F, v16;
	_ =	swait.ge [sflag:s19], $0x4000  }
0x1f: {  	v17 =	vor.u32 v1, v16;
	[sflag:s19] =	ssyncset.done $0x0  }
0x20: {  	[sflag:s19] =	ssyncadd.s32 $0xFFFFC000  }
0x21: {  	[tilespmem:s20], [sflag:$0x2] =	stream.indirect.gather [hbm4b:s1+s16], $0x80, s16, s16, $0xb8;
	[tilespmem:$0x1C200] =	vst v63  }
0x22: {  	_ = 	snop  }
0x23: {  	v18 =	vshll.u32 v16, $0x7;
	[tilespmem:s21], [sflag:$0x2] =	stream.indirect.gather [hbm4b:s4+s16], $0x80, s16, s16, $0xb8;
	[tilespmem:$0x1C200] =	vst v63  }
0x24: {  	v19 =	vor.u32 v0, v18;
	v17 =	vld.idx.msk [tilespmem:v17+s17+$0x0], $0xffff  }
0x25: {  	v20 =	vor.u32 v2, v16;
	_ =	sdelay $0x3  }
0x26: {  	[tilespmem:v19+s22+$0x0] =	vst.idx.msk $0xffff, v17  }
0x27: {  	v19 =	vor.u32 v3, v18;
	v17 =	vld.idx.msk [tilespmem:v20+s17+$0x0], $0xffff  }
0x28: {  	v20 =	vor.u32 v4, v16;
	_ =	sdelay $0x3  }
0x29: {  	[tilespmem:v19+s22+$0x0] =	vst.idx.msk $0xffff, v17  }
0x2a: {  	v19 =	vor.u32 v5, v18;
	v17 =	vld.idx.msk [tilespmem:v20+s17+$0x0], $0xffff  }
0x2b: {  	v20 =	vor.u32 v6, v16;
	_ =	sdelay $0x3  }
0x2c: {  	[tilespmem:v19+s22+$0x0] =	vst.idx.msk $0xffff, v17  }
0x2d: {  	v19 =	vor.u32 v7, v18;
	v17 =	vld.idx.msk [tilespmem:v20+s17+$0x0], $0xffff  }
0x2e: {  	v20 =	vor.u32 v8, v16;
	_ =	sdelay $0x3  }
0x2f: {  	[tilespmem:v19+s22+$0x0] =	vst.idx.msk $0xffff, v17  }
0x30: {  	v19 =	vor.u32 v9, v18;
	v17 =	vld.idx.msk [tilespmem:v20+s17+$0x0], $0xffff  }
0x31: {  	v20 =	vor.u32 v10, v16;
	_ =	sdelay $0x3  }
0x32: {  	[tilespmem:v19+s22+$0x0] =	vst.idx.msk $0xffff, v17  }
0x33: {  	v19 =	vor.u32 v11, v18;
	v17 =	vld.idx.msk [tilespmem:v20+s17+$0x0], $0xffff  }
0x34: {  	v20 =	vor.u32 v12, v16;
	_ =	sdelay $0x3  }
0x35: {  	[tilespmem:v19+s22+$0x0] =	vst.idx.msk $0xffff, v17  }
0x36: {  	v19 =	vor.u32 v13, v18;
	v17 =	vld.idx.msk [tilespmem:v20+s17+$0x0], $0xffff  }
0x37: {  	v16 =	vor.u32 v14, v16;
	_ =	sdelay $0x2  }
0x38: {  	s31 =	simm.s32 $0x1  }
0x39: {  	[tilespmem:v19+s22+$0x0] =	vst.idx.msk $0xffff, v17;
	v17 =	vadd.s32 s31, v0  }
0x3a: {  	v18 =	vor.u32 v15, v18;
	v16 =	vld.idx.msk [tilespmem:v16+s17+$0x0], $0xffff;
	v17 =	vand.u32 $0x7F, v17  }
0x3b: {  	v19 =	vor.u32 v1, v17;
	_ =	sdelay $0x3  }
0x3c: {  	[tilespmem:v18+s22+$0x0] =	vst.idx.msk $0xffff, v16;
	v16 =	vshll.u32 v17, $0x7  }
0x3d: {  	v18 =	vld.idx.msk [tilespmem:v19+s17+$0x0], $0xffff;
	v19 =	vor.u32 v0, v16  }
0x3e: {  	v20 =	vor.u32 v2, v17;
	_ =	sdelay $0x3  }
0x3f: {  	[tilespmem:v19+s22+$0x0] =	vst.idx.msk $0xffff, v18  }
0x40: {  	v19 =	vor.u32 v3, v16;
	v18 =	vld.idx.msk [tilespmem:v20+s17+$0x0], $0xffff  }
0x41: {  	v20 =	vor.u32 v4, v17;
	_ =	sdelay $0x3  }
0x42: {  	[tilespmem:v19+s22+$0x0] =	vst.idx.msk $0xffff, v18  }
0x43: {  	v19 =	vor.u32 v5, v16;
	v18 =	vld.idx.msk [tilespmem:v20+s17+$0x0], $0xffff  }
0x44: {  	v20 =	vor.u32 v6, v17;
	_ =	sdelay $0x3  }
0x45: {  	[tilespmem:v19+s22+$0x0] =	vst.idx.msk $0xffff, v18  }
0x46: {  	v19 =	vor.u32 v7, v16;
	v18 =	vld.idx.msk [tilespmem:v20+s17+$0x0], $0xffff  }
0x47: {  	v20 =	vor.u32 v8, v17;
	_ =	sdelay $0x3  }
0x48: {  	[tilespmem:v19+s22+$0x0] =	vst.idx.msk $0xffff, v18  }
0x49: {  	v19 =	vor.u32 v9, v16;
	v18 =	vld.idx.msk [tilespmem:v20+s17+$0x0], $0xffff  }
0x4a: {  	v20 =	vor.u32 v10, v17;
	_ =	sdelay $0x3  }
0x4b: {  	[tilespmem:v19+s22+$0x0] =	vst.idx.msk $0xffff, v18  }
0x4c: {  	v19 =	vor.u32 v11, v16;
	v18 =	vld.idx.msk [tilespmem:v20+s17+$0x0], $0xffff  }
0x4d: {  	v20 =	vor.u32 v12, v17;
	_ =	sdelay $0x3  }
0x4e: {  	[tilespmem:v19+s22+$0x0] =	vst.idx.msk $0xffff, v18  }
0x4f: {  	v19 =	vor.u32 v13, v16;
	v18 =	vld.idx.msk [tilespmem:v20+s17+$0x0], $0xffff  }
0x50: {  	v17 =	vor.u32 v14, v17;
	_ =	sdelay $0x3  }
0x51: {  	s28 =	simm.s32 $0x2;
	[tilespmem:v19+s22+$0x0] =	vst.idx.msk $0xffff, v18  }
0x52: {  	s6 =	simm.s32 $0x4;
	v18 =	vadd.s32 s28, v0;
	v17 =	vld.idx.msk [tilespmem:v17+s17+$0x0], $0xffff  }
.LBB2_2:
0x53: {  	p0 =	slt.u32 s6, $0x7E;
	v18 =	vand.u32 $0x7F, v18;
	v16 =	vor.u32 v15, v16  }
0x54: {  	v19 =	vor.u32 v1, v18;
	_ =	sdelay $0x3  }
0x55: {  	[tilespmem:v16+s22+$0x0] =	vst.idx.msk $0xffff, v17  }
0x56: {  	v17 =	vshll.u32 v18, $0x7;
	v16 =	vld.idx.msk [tilespmem:v19+s17+$0x0], $0xffff  }
0x57: {  	v19 =	vor.u32 v0, v17  }
0x58: {  	v20 =	vor.u32 v2, v18;
	_ =	sdelay $0x3  }
0x59: {  	[tilespmem:v19+s22+$0x0] =	vst.idx.msk $0xffff, v16  }
0x5a: {  	v16 =	vld.idx.msk [tilespmem:v20+s17+$0x0], $0xffff  }
0x5b: {  	v19 =	vor.u32 v3, v17  }
0x5c: {  	v20 =	vor.u32 v4, v18;
	_ =	sdelay $0x3  }
0x5d: {  	[tilespmem:v19+s22+$0x0] =	vst.idx.msk $0xffff, v16  }
0x5e: {  	v16 =	vld.idx.msk [tilespmem:v20+s17+$0x0], $0xffff  }
0x5f: {  	v19 =	vor.u32 v5, v17  }
0x60: {  	v20 =	vor.u32 v6, v18;
	_ =	sdelay $0x3  }
0x61: {  	[tilespmem:v19+s22+$0x0] =	vst.idx.msk $0xffff, v16  }
0x62: {  	v16 =	vld.idx.msk [tilespmem:v20+s17+$0x0], $0xffff  }
0x63: {  	v19 =	vor.u32 v7, v17  }
0x64: {  	v20 =	vor.u32 v8, v18;
	_ =	sdelay $0x3  }
0x65: {  	[tilespmem:v19+s22+$0x0] =	vst.idx.msk $0xffff, v16  }
0x66: {  	v16 =	vld.idx.msk [tilespmem:v20+s17+$0x0], $0xffff  }
0x67: {  	v19 =	vor.u32 v9, v17  }
0x68: {  	v20 =	vor.u32 v10, v18;
	_ =	sdelay $0x3  }
0x69: {  	[tilespmem:v19+s22+$0x0] =	vst.idx.msk $0xffff, v16  }
0x6a: {  	v16 =	vld.idx.msk [tilespmem:v20+s17+$0x0], $0xffff  }
0x6b: {  	v19 =	vor.u32 v11, v17  }
0x6c: {  	v20 =	vor.u32 v12, v18;
	_ =	sdelay $0x3  }
0x6d: {  	[tilespmem:v19+s22+$0x0] =	vst.idx.msk $0xffff, v16  }
0x6e: {  	v16 =	vld.idx.msk [tilespmem:v20+s17+$0x0], $0xffff  }
0x6f: {  	v19 =	vor.u32 v13, v17  }
0x70: {  	v18 =	vor.u32 v14, v18;
	_ =	sdelay $0x3  }
0x71: {  	s31 =	sadd.s32 $0x1, s28;
	s28 =	smov.u32 s6;
	[tilespmem:v19+s22+$0x0] =	vst.idx.msk $0xffff, v16  }
0x72: {  	v16 =	vld.idx.msk [tilespmem:v18+s17+$0x0], $0xffff;
	v18 =	vadd.s32 s31, v0  }
0x73: {  	v17 =	vor.u32 v15, v17;
	v18 =	vand.u32 $0x7F, v18  }
0x74: {  	v19 =	vor.u32 v1, v18;
	_ =	sdelay $0x3  }
0x75: {  	[tilespmem:v17+s22+$0x0] =	vst.idx.msk $0xffff, v16  }
0x76: {  	v16 =	vshll.u32 v18, $0x7;
	v17 =	vld.idx.msk [tilespmem:v19+s17+$0x0], $0xffff  }
0x77: {  	v19 =	vor.u32 v0, v16  }
0x78: {  	v20 =	vor.u32 v2, v18;
	_ =	sdelay $0x3  }
0x79: {  	[tilespmem:v19+s22+$0x0] =	vst.idx.msk $0xffff, v17  }
0x7a: {  	v17 =	vld.idx.msk [tilespmem:v20+s17+$0x0], $0xffff  }
0x7b: {  	v19 =	vor.u32 v3, v16  }
0x7c: {  	v20 =	vor.u32 v4, v18;
	_ =	sdelay $0x3  }
0x7d: {  	[tilespmem:v19+s22+$0x0] =	vst.idx.msk $0xffff, v17  }
0x7e: {  	v17 =	vld.idx.msk [tilespmem:v20+s17+$0x0], $0xffff  }
0x7f: {  	v19 =	vor.u32 v5, v16  }
0x80: {  	v20 =	vor.u32 v6, v18;
	_ =	sdelay $0x3  }
0x81: {  	[tilespmem:v19+s22+$0x0] =	vst.idx.msk $0xffff, v17  }
0x82: {  	v17 =	vld.idx.msk [tilespmem:v20+s17+$0x0], $0xffff  }
0x83: {  	v19 =	vor.u32 v7, v16  }
0x84: {  	v20 =	vor.u32 v8, v18;
	_ =	sdelay $0x3  }
0x85: {  	[tilespmem:v19+s22+$0x0] =	vst.idx.msk $0xffff, v17  }
0x86: {  	v17 =	vld.idx.msk [tilespmem:v20+s17+$0x0], $0xffff  }
0x87: {  	v19 =	vor.u32 v9, v16  }
0x88: {  	v20 =	vor.u32 v10, v18;
	_ =	sdelay $0x3  }
0x89: {  	[tilespmem:v19+s22+$0x0] =	vst.idx.msk $0xffff, v17  }
0x8a: {  	v17 =	vld.idx.msk [tilespmem:v20+s17+$0x0], $0xffff  }
0x8b: {  	v19 =	vor.u32 v11, v16  }
0x8c: {  	v20 =	vor.u32 v12, v18;
	_ =	sdelay $0x3  }
0x8d: {  	[tilespmem:v19+s22+$0x0] =	vst.idx.msk $0xffff, v17  }
0x8e: {  	v17 =	vld.idx.msk [tilespmem:v20+s17+$0x0], $0xffff  }
0x8f: {  	v19 =	vor.u32 v13, v16  }
0x90: {  	v20 =	vor.u32 v14, v18  }
.Ltmp0:
0x91: {  	(pc) =	sbr.rel @p0 .LBB2_2-.Ltmp0, $3  }
0x92: {  	_ =	sdelay $0x1  }
0x93: {  	[tilespmem:v19+s22+$0x0] =	vst.idx.msk $0xffff, v17  }
0x94: {  	s6 =	sadd.s32 $0x2, s6;
	v18 =	vadd.s32 s28, v0;
	v17 =	vld.idx.msk [tilespmem:v20+s17+$0x0], $0xffff  }
0x95: {  	v18 =	vand.u32 $0x7F, v18;
	v16 =	vor.u32 v15, v16  }
0x96: {  	v19 =	vor.u32 v1, v18;
	_ =	sdelay $0x3  }
0x97: {  	[tilespmem:v16+s22+$0x0] =	vst.idx.msk $0xffff, v17;
	v16 =	vshll.u32 v18, $0x7  }
0x98: {  	v17 =	vld.idx.msk [tilespmem:v19+s17+$0x0], $0xffff;
	v19 =	vor.u32 v0, v16  }
0x99: {  	v20 =	vor.u32 v2, v18;
	_ =	sdelay $0x3  }
0x9a: {  	[tilespmem:v19+s22+$0x0] =	vst.idx.msk $0xffff, v17  }
0x9b: {  	v19 =	vor.u32 v3, v16;
	v17 =	vld.idx.msk [tilespmem:v20+s17+$0x0], $0xffff  }
0x9c: {  	v20 =	vor.u32 v4, v18;
	_ =	sdelay $0x3  }
0x9d: {  	[tilespmem:v19+s22+$0x0] =	vst.idx.msk $0xffff, v17  }
0x9e: {  	v19 =	vor.u32 v5, v16;
	v17 =	vld.idx.msk [tilespmem:v20+s17+$0x0], $0xffff  }
0x9f: {  	v20 =	vor.u32 v6, v18;
	_ =	sdelay $0x3  }
0xa0: {  	[tilespmem:v19+s22+$0x0] =	vst.idx.msk $0xffff, v17  }
0xa1: {  	v19 =	vor.u32 v7, v16;
	v17 =	vld.idx.msk [tilespmem:v20+s17+$0x0], $0xffff  }
0xa2: {  	v20 =	vor.u32 v8, v18;
	_ =	sdelay $0x3  }
0xa3: {  	[tilespmem:v19+s22+$0x0] =	vst.idx.msk $0xffff, v17  }
0xa4: {  	v19 =	vor.u32 v9, v16;
	v17 =	vld.idx.msk [tilespmem:v20+s17+$0x0], $0xffff  }
0xa5: {  	v20 =	vor.u32 v10, v18;
	_ =	sdelay $0x3  }
0xa6: {  	[tilespmem:v19+s22+$0x0] =	vst.idx.msk $0xffff, v17  }
0xa7: {  	v19 =	vor.u32 v11, v16;
	v17 =	vld.idx.msk [tilespmem:v20+s17+$0x0], $0xffff  }
0xa8: {  	v20 =	vor.u32 v12, v18;
	_ =	sdelay $0x3  }
0xa9: {  	[tilespmem:v19+s22+$0x0] =	vst.idx.msk $0xffff, v17  }
0xaa: {  	v19 =	vor.u32 v13, v16;
	v17 =	vld.idx.msk [tilespmem:v20+s17+$0x0], $0xffff  }
0xab: {  	v18 =	vor.u32 v14, v18;
	_ =	sdelay $0x2  }
0xac: {  	s6 =	sadd.s32 $0x1, s28  }
0xad: {  	[tilespmem:v19+s22+$0x0] =	vst.idx.msk $0xffff, v17;
	v17 =	vadd.s32 s6, v0  }
0xae: {  	v16 =	vor.u32 v15, v16;
	v18 =	vld.idx.msk [tilespmem:v18+s17+$0x0], $0xffff;
	v17 =	vand.u32 $0x7F, v17  }
0xaf: {  	v19 =	vor.u32 v1, v17;
	_ =	sdelay $0x3  }
0xb0: {  	[tilespmem:v16+s22+$0x0] =	vst.idx.msk $0xffff, v18;
	v16 =	vshll.u32 v17, $0x7  }
0xb1: {  	v18 =	vld.idx.msk [tilespmem:v19+s17+$0x0], $0xffff;
	v19 =	vor.u32 v0, v16  }
0xb2: {  	v20 =	vor.u32 v2, v17;
	_ =	sdelay $0x3  }
0xb3: {  	[tilespmem:v19+s22+$0x0] =	vst.idx.msk $0xffff, v18  }
0xb4: {  	v19 =	vor.u32 v3, v16;
	v18 =	vld.idx.msk [tilespmem:v20+s17+$0x0], $0xffff  }
0xb5: {  	v20 =	vor.u32 v4, v17;
	_ =	sdelay $0x3  }
0xb6: {  	[tilespmem:v19+s22+$0x0] =	vst.idx.msk $0xffff, v18  }
0xb7: {  	v19 =	vor.u32 v5, v16;
	v18 =	vld.idx.msk [tilespmem:v20+s17+$0x0], $0xffff  }
0xb8: {  	v20 =	vor.u32 v6, v17;
	_ =	sdelay $0x3  }
0xb9: {  	[tilespmem:v19+s22+$0x0] =	vst.idx.msk $0xffff, v18  }
0xba: {  	v19 =	vor.u32 v7, v16;
	v18 =	vld.idx.msk [tilespmem:v20+s17+$0x0], $0xffff  }
0xbb: {  	v20 =	vor.u32 v8, v17;
	_ =	sdelay $0x3  }
0xbc: {  	[tilespmem:v19+s22+$0x0] =	vst.idx.msk $0xffff, v18  }
0xbd: {  	v19 =	vor.u32 v9, v16;
	v18 =	vld.idx.msk [tilespmem:v20+s17+$0x0], $0xffff  }
0xbe: {  	v20 =	vor.u32 v10, v17;
	_ =	sdelay $0x3  }
0xbf: {  	[tilespmem:v19+s22+$0x0] =	vst.idx.msk $0xffff, v18  }
0xc0: {  	v19 =	vor.u32 v11, v16;
	v18 =	vld.idx.msk [tilespmem:v20+s17+$0x0], $0xffff  }
0xc1: {  	v20 =	vor.u32 v12, v17;
	_ =	sdelay $0x3  }
0xc2: {  	[tilespmem:v19+s22+$0x0] =	vst.idx.msk $0xffff, v18  }
0xc3: {  	v19 =	vor.u32 v13, v16;
	v18 =	vld.idx.msk [tilespmem:v20+s17+$0x0], $0xffff  }
0xc4: {  	v17 =	vor.u32 v14, v17;
	_ =	sdelay $0x2  }
0xc5: {  	s7 =	simm.s32 $0x0  }
0xc6: {  	[tilespmem:v19+s22+$0x0] =	vst.idx.msk $0xffff, v18;
	v18 =	vadd.s32 s7, v0  }
0xc7: {  	v16 =	vor.u32 v15, v16;
	v17 =	vld.idx.msk [tilespmem:v17+s17+$0x0], $0xffff;
	v18 =	vand.u32 $0x3F, v18  }
0xc8: {  	v19 =	vor.u32 v1, v18;
	_ =	sdelay $0x3  }
0xc9: {  	[tilespmem:v16+s22+$0x0] =	vst.idx.msk $0xffff, v17;
	v16 =	vshll.u32 v18, $0x7  }
0xca: {  	v17 =	vld.idx.msk [tilespmem:v19+s18+$0x0], $0xffff;
	v19 =	vor.u32 v0, v16  }
0xcb: {  	v20 =	vor.u32 v2, v18;
	_ =	sdelay $0x3  }
0xcc: {  	[tilespmem:v19+s23+$0x0] =	vst.idx.msk $0xffff, v17  }
0xcd: {  	v19 =	vor.u32 v3, v16;
	v17 =	vld.idx.msk [tilespmem:v20+s18+$0x0], $0xffff  }
0xce: {  	v20 =	vor.u32 v4, v18;
	_ =	sdelay $0x3  }
0xcf: {  	[tilespmem:v19+s23+$0x0] =	vst.idx.msk $0xffff, v17  }
0xd0: {  	v19 =	vor.u32 v5, v16;
	v17 =	vld.idx.msk [tilespmem:v20+s18+$0x0], $0xffff  }
0xd1: {  	v20 =	vor.u32 v6, v18;
	_ =	sdelay $0x3  }
0xd2: {  	[tilespmem:v19+s23+$0x0] =	vst.idx.msk $0xffff, v17  }
0xd3: {  	v19 =	vor.u32 v7, v16;
	v17 =	vld.idx.msk [tilespmem:v20+s18+$0x0], $0xffff  }
0xd4: {  	v20 =	vor.u32 v8, v18;
	_ =	sdelay $0x3  }
0xd5: {  	[tilespmem:v19+s23+$0x0] =	vst.idx.msk $0xffff, v17  }
0xd6: {  	v19 =	vor.u32 v9, v16;
	v17 =	vld.idx.msk [tilespmem:v20+s18+$0x0], $0xffff  }
0xd7: {  	v20 =	vor.u32 v10, v18;
	_ =	sdelay $0x3  }
0xd8: {  	[tilespmem:v19+s23+$0x0] =	vst.idx.msk $0xffff, v17  }
0xd9: {  	v19 =	vor.u32 v11, v16;
	v17 =	vld.idx.msk [tilespmem:v20+s18+$0x0], $0xffff  }
0xda: {  	v20 =	vor.u32 v12, v18;
	_ =	sdelay $0x3  }
0xdb: {  	[tilespmem:v19+s23+$0x0] =	vst.idx.msk $0xffff, v17  }
0xdc: {  	v19 =	vor.u32 v13, v16;
	v17 =	vld.idx.msk [tilespmem:v20+s18+$0x0], $0xffff  }
0xdd: {  	v18 =	vor.u32 v14, v18;
	_ =	sdelay $0x2  }
0xde: {  	s31 =	simm.s32 $0x1  }
0xdf: {  	[tilespmem:v19+s23+$0x0] =	vst.idx.msk $0xffff, v17;
	v17 =	vadd.s32 s31, v0  }
0xe0: {  	v16 =	vor.u32 v15, v16;
	v18 =	vld.idx.msk [tilespmem:v18+s18+$0x0], $0xffff;
	v17 =	vand.u32 $0x3F, v17  }
0xe1: {  	v19 =	vor.u32 v1, v17;
	_ =	sdelay $0x3  }
0xe2: {  	[tilespmem:v16+s23+$0x0] =	vst.idx.msk $0xffff, v18;
	v16 =	vshll.u32 v17, $0x7  }
0xe3: {  	v18 =	vld.idx.msk [tilespmem:v19+s18+$0x0], $0xffff;
	v19 =	vor.u32 v0, v16  }
0xe4: {  	v20 =	vor.u32 v2, v17;
	_ =	sdelay $0x3  }
0xe5: {  	[tilespmem:v19+s23+$0x0] =	vst.idx.msk $0xffff, v18  }
0xe6: {  	v19 =	vor.u32 v3, v16;
	v18 =	vld.idx.msk [tilespmem:v20+s18+$0x0], $0xffff  }
0xe7: {  	v20 =	vor.u32 v4, v17;
	_ =	sdelay $0x3  }
0xe8: {  	[tilespmem:v19+s23+$0x0] =	vst.idx.msk $0xffff, v18  }
0xe9: {  	v19 =	vor.u32 v5, v16;
	v18 =	vld.idx.msk [tilespmem:v20+s18+$0x0], $0xffff  }
0xea: {  	v20 =	vor.u32 v6, v17;
	_ =	sdelay $0x3  }
0xeb: {  	[tilespmem:v19+s23+$0x0] =	vst.idx.msk $0xffff, v18  }
0xec: {  	v19 =	vor.u32 v7, v16;
	v18 =	vld.idx.msk [tilespmem:v20+s18+$0x0], $0xffff  }
0xed: {  	v20 =	vor.u32 v8, v17;
	_ =	sdelay $0x3  }
0xee: {  	[tilespmem:v19+s23+$0x0] =	vst.idx.msk $0xffff, v18  }
0xef: {  	v19 =	vor.u32 v9, v16;
	v18 =	vld.idx.msk [tilespmem:v20+s18+$0x0], $0xffff  }
0xf0: {  	v20 =	vor.u32 v10, v17;
	_ =	sdelay $0x3  }
0xf1: {  	[tilespmem:v19+s23+$0x0] =	vst.idx.msk $0xffff, v18  }
0xf2: {  	v19 =	vor.u32 v11, v16;
	v18 =	vld.idx.msk [tilespmem:v20+s18+$0x0], $0xffff  }
0xf3: {  	v20 =	vor.u32 v12, v17;
	_ =	sdelay $0x3  }
0xf4: {  	[tilespmem:v19+s23+$0x0] =	vst.idx.msk $0xffff, v18  }
0xf5: {  	v19 =	vor.u32 v13, v16;
	v18 =	vld.idx.msk [tilespmem:v20+s18+$0x0], $0xffff  }
0xf6: {  	v17 =	vor.u32 v14, v17;
	_ =	sdelay $0x3  }
0xf7: {  	s28 =	simm.s32 $0x2;
	[tilespmem:v19+s23+$0x0] =	vst.idx.msk $0xffff, v18  }
0xf8: {  	s6 =	simm.s32 $0x4;
	v18 =	vadd.s32 s28, v0;
	v17 =	vld.idx.msk [tilespmem:v17+s18+$0x0], $0xffff  }
.LBB2_4:
0xf9: {  	p0 =	slt.u32 s6, $0x3E;
	v18 =	vand.u32 $0x3F, v18;
	v16 =	vor.u32 v15, v16  }
0xfa: {  	v19 =	vor.u32 v1, v18;
	_ =	sdelay $0x3  }
0xfb: {  	[tilespmem:v16+s23+$0x0] =	vst.idx.msk $0xffff, v17  }
0xfc: {  	v17 =	vshll.u32 v18, $0x7;
	v16 =	vld.idx.msk [tilespmem:v19+s18+$0x0], $0xffff  }
0xfd: {  	v19 =	vor.u32 v0, v17  }
0xfe: {  	v20 =	vor.u32 v2, v18;
	_ =	sdelay $0x3  }
0xff: {  	[tilespmem:v19+s23+$0x0] =	vst.idx.msk $0xffff, v16  }
0x100: {  	v16 =	vld.idx.msk [tilespmem:v20+s18+$0x0], $0xffff  }
0x101: {  	v19 =	vor.u32 v3, v17  }
0x102: {  	v20 =	vor.u32 v4, v18;
	_ =	sdelay $0x3  }
0x103: {  	[tilespmem:v19+s23+$0x0] =	vst.idx.msk $0xffff, v16  }
0x104: {  	v16 =	vld.idx.msk [tilespmem:v20+s18+$0x0], $0xffff  }
0x105: {  	v19 =	vor.u32 v5, v17  }
0x106: {  	v20 =	vor.u32 v6, v18;
	_ =	sdelay $0x3  }
0x107: {  	[tilespmem:v19+s23+$0x0] =	vst.idx.msk $0xffff, v16  }
0x108: {  	v16 =	vld.idx.msk [tilespmem:v20+s18+$0x0], $0xffff  }
0x109: {  	v19 =	vor.u32 v7, v17  }
0x10a: {  	v20 =	vor.u32 v8, v18;
	_ =	sdelay $0x3  }
0x10b: {  	[tilespmem:v19+s23+$0x0] =	vst.idx.msk $0xffff, v16  }
0x10c: {  	v16 =	vld.idx.msk [tilespmem:v20+s18+$0x0], $0xffff  }
0x10d: {  	v19 =	vor.u32 v9, v17  }
0x10e: {  	v20 =	vor.u32 v10, v18;
	_ =	sdelay $0x3  }
0x10f: {  	[tilespmem:v19+s23+$0x0] =	vst.idx.msk $0xffff, v16  }
0x110: {  	v16 =	vld.idx.msk [tilespmem:v20+s18+$0x0], $0xffff  }
0x111: {  	v19 =	vor.u32 v11, v17  }
0x112: {  	v20 =	vor.u32 v12, v18;
	_ =	sdelay $0x3  }
0x113: {  	[tilespmem:v19+s23+$0x0] =	vst.idx.msk $0xffff, v16  }
0x114: {  	v16 =	vld.idx.msk [tilespmem:v20+s18+$0x0], $0xffff  }
0x115: {  	v19 =	vor.u32 v13, v17  }
0x116: {  	v18 =	vor.u32 v14, v18;
	_ =	sdelay $0x3  }
0x117: {  	s31 =	sadd.s32 $0x1, s28;
	s28 =	smov.u32 s6;
	[tilespmem:v19+s23+$0x0] =	vst.idx.msk $0xffff, v16  }
0x118: {  	v16 =	vld.idx.msk [tilespmem:v18+s18+$0x0], $0xffff;
	v18 =	vadd.s32 s31, v0  }
0x119: {  	v17 =	vor.u32 v15, v17;
	v18 =	vand.u32 $0x3F, v18  }
0x11a: {  	v19 =	vor.u32 v1, v18;
	_ =	sdelay $0x3  }
0x11b: {  	[tilespmem:v17+s23+$0x0] =	vst.idx.msk $0xffff, v16  }
0x11c: {  	v16 =	vshll.u32 v18, $0x7;
	v17 =	vld.idx.msk [tilespmem:v19+s18+$0x0], $0xffff  }
0x11d: {  	v19 =	vor.u32 v0, v16  }
0x11e: {  	v20 =	vor.u32 v2, v18;
	_ =	sdelay $0x3  }
0x11f: {  	[tilespmem:v19+s23+$0x0] =	vst.idx.msk $0xffff, v17  }
0x120: {  	v17 =	vld.idx.msk [tilespmem:v20+s18+$0x0], $0xffff  }
0x121: {  	v19 =	vor.u32 v3, v16  }
0x122: {  	v20 =	vor.u32 v4, v18;
	_ =	sdelay $0x3  }
0x123: {  	[tilespmem:v19+s23+$0x0] =	vst.idx.msk $0xffff, v17  }
0x124: {  	v17 =	vld.idx.msk [tilespmem:v20+s18+$0x0], $0xffff  }
0x125: {  	v19 =	vor.u32 v5, v16  }
0x126: {  	v20 =	vor.u32 v6, v18;
	_ =	sdelay $0x3  }
0x127: {  	[tilespmem:v19+s23+$0x0] =	vst.idx.msk $0xffff, v17  }
0x128: {  	v17 =	vld.idx.msk [tilespmem:v20+s18+$0x0], $0xffff  }
0x129: {  	v19 =	vor.u32 v7, v16  }
0x12a: {  	v20 =	vor.u32 v8, v18;
	_ =	sdelay $0x3  }
0x12b: {  	[tilespmem:v19+s23+$0x0] =	vst.idx.msk $0xffff, v17  }
0x12c: {  	v17 =	vld.idx.msk [tilespmem:v20+s18+$0x0], $0xffff  }
0x12d: {  	v19 =	vor.u32 v9, v16  }
0x12e: {  	v20 =	vor.u32 v10, v18;
	_ =	sdelay $0x3  }
0x12f: {  	[tilespmem:v19+s23+$0x0] =	vst.idx.msk $0xffff, v17  }
0x130: {  	v17 =	vld.idx.msk [tilespmem:v20+s18+$0x0], $0xffff  }
0x131: {  	v19 =	vor.u32 v11, v16  }
0x132: {  	v20 =	vor.u32 v12, v18;
	_ =	sdelay $0x3  }
0x133: {  	[tilespmem:v19+s23+$0x0] =	vst.idx.msk $0xffff, v17  }
0x134: {  	v17 =	vld.idx.msk [tilespmem:v20+s18+$0x0], $0xffff  }
0x135: {  	v19 =	vor.u32 v13, v16  }
0x136: {  	v20 =	vor.u32 v14, v18  }
.Ltmp1:
0x137: {  	(pc) =	sbr.rel @p0 .LBB2_4-.Ltmp1, $3  }
0x138: {  	_ =	sdelay $0x1  }
0x139: {  	[tilespmem:v19+s23+$0x0] =	vst.idx.msk $0xffff, v17  }
0x13a: {  	s6 =	sadd.s32 $0x2, s6;
	v18 =	vadd.s32 s28, v0;
	v17 =	vld.idx.msk [tilespmem:v20+s18+$0x0], $0xffff  }
0x13b: {  	v18 =	vand.u32 $0x3F, v18;
	v16 =	vor.u32 v15, v16  }
0x13c: {  	v19 =	vor.u32 v1, v18;
	_ =	sdelay $0x3  }
0x13d: {  	[tilespmem:v16+s23+$0x0] =	vst.idx.msk $0xffff, v17;
	v16 =	vshll.u32 v18, $0x7  }
0x13e: {  	v17 =	vld.idx.msk [tilespmem:v19+s18+$0x0], $0xffff;
	v19 =	vor.u32 v0, v16  }
0x13f: {  	v20 =	vor.u32 v2, v18;
	_ =	sdelay $0x3  }
0x140: {  	[tilespmem:v19+s23+$0x0] =	vst.idx.msk $0xffff, v17  }
0x141: {  	v19 =	vor.u32 v3, v16;
	v17 =	vld.idx.msk [tilespmem:v20+s18+$0x0], $0xffff  }
0x142: {  	v20 =	vor.u32 v4, v18;
	_ =	sdelay $0x3  }
0x143: {  	[tilespmem:v19+s23+$0x0] =	vst.idx.msk $0xffff, v17  }
0x144: {  	v19 =	vor.u32 v5, v16;
	v17 =	vld.idx.msk [tilespmem:v20+s18+$0x0], $0xffff  }
0x145: {  	v20 =	vor.u32 v6, v18;
	_ =	sdelay $0x3  }
0x146: {  	[tilespmem:v19+s23+$0x0] =	vst.idx.msk $0xffff, v17  }
0x147: {  	v19 =	vor.u32 v7, v16;
	v17 =	vld.idx.msk [tilespmem:v20+s18+$0x0], $0xffff  }
0x148: {  	v20 =	vor.u32 v8, v18;
	_ =	sdelay $0x3  }
0x149: {  	[tilespmem:v19+s23+$0x0] =	vst.idx.msk $0xffff, v17  }
0x14a: {  	v19 =	vor.u32 v9, v16;
	v17 =	vld.idx.msk [tilespmem:v20+s18+$0x0], $0xffff  }
0x14b: {  	v20 =	vor.u32 v10, v18;
	_ =	sdelay $0x3  }
0x14c: {  	[tilespmem:v19+s23+$0x0] =	vst.idx.msk $0xffff, v17  }
0x14d: {  	v19 =	vor.u32 v11, v16;
	v17 =	vld.idx.msk [tilespmem:v20+s18+$0x0], $0xffff  }
0x14e: {  	v20 =	vor.u32 v12, v18;
	_ =	sdelay $0x3  }
0x14f: {  	[tilespmem:v19+s23+$0x0] =	vst.idx.msk $0xffff, v17  }
0x150: {  	v19 =	vor.u32 v13, v16;
	v17 =	vld.idx.msk [tilespmem:v20+s18+$0x0], $0xffff  }
0x151: {  	v18 =	vor.u32 v14, v18;
	_ =	sdelay $0x2  }
0x152: {  	s6 =	sadd.s32 $0x1, s28  }
0x153: {  	[tilespmem:v19+s23+$0x0] =	vst.idx.msk $0xffff, v17;
	v17 =	vadd.s32 s6, v0  }
0x154: {  	v16 =	vor.u32 v15, v16;
	v18 =	vld.idx.msk [tilespmem:v18+s18+$0x0], $0xffff;
	v17 =	vand.u32 $0x3F, v17  }
0x155: {  	v19 =	vor.u32 v1, v17;
	_ =	sdelay $0x3  }
0x156: {  	[tilespmem:v16+s23+$0x0] =	vst.idx.msk $0xffff, v18;
	v16 =	vshll.u32 v17, $0x7  }
0x157: {  	v18 =	vld.idx.msk [tilespmem:v19+s18+$0x0], $0xffff;
	v19 =	vor.u32 v0, v16  }
0x158: {  	v20 =	vor.u32 v2, v17;
	_ =	sdelay $0x3  }
0x159: {  	[tilespmem:v19+s23+$0x0] =	vst.idx.msk $0xffff, v18  }
0x15a: {  	v19 =	vor.u32 v3, v16;
	v18 =	vld.idx.msk [tilespmem:v20+s18+$0x0], $0xffff  }
0x15b: {  	v20 =	vor.u32 v4, v17;
	_ =	sdelay $0x3  }
0x15c: {  	[tilespmem:v19+s23+$0x0] =	vst.idx.msk $0xffff, v18  }
0x15d: {  	v19 =	vor.u32 v5, v16;
	v18 =	vld.idx.msk [tilespmem:v20+s18+$0x0], $0xffff  }
0x15e: {  	v20 =	vor.u32 v6, v17;
	_ =	sdelay $0x3  }
0x15f: {  	[tilespmem:v19+s23+$0x0] =	vst.idx.msk $0xffff, v18  }
0x160: {  	v19 =	vor.u32 v7, v16;
	v18 =	vld.idx.msk [tilespmem:v20+s18+$0x0], $0xffff  }
0x161: {  	v20 =	vor.u32 v8, v17;
	_ =	sdelay $0x3  }
0x162: {  	[tilespmem:v19+s23+$0x0] =	vst.idx.msk $0xffff, v18  }
0x163: {  	v19 =	vor.u32 v9, v16;
	v18 =	vld.idx.msk [tilespmem:v20+s18+$0x0], $0xffff  }
0x164: {  	v20 =	vor.u32 v10, v17;
	_ =	sdelay $0x3  }
0x165: {  	[tilespmem:v19+s23+$0x0] =	vst.idx.msk $0xffff, v18  }
0x166: {  	v19 =	vor.u32 v11, v16;
	v18 =	vld.idx.msk [tilespmem:v20+s18+$0x0], $0xffff  }
0x167: {  	v20 =	vor.u32 v12, v17;
	_ =	sdelay $0x3  }
0x168: {  	[tilespmem:v19+s23+$0x0] =	vst.idx.msk $0xffff, v18  }
0x169: {  	v19 =	vor.u32 v13, v16;
	v18 =	vld.idx.msk [tilespmem:v20+s18+$0x0], $0xffff  }
0x16a: {  	v17 =	vor.u32 v14, v17;
	_ =	sdelay $0x3  }
0x16b: {  	[tilespmem:v19+s23+$0x0] =	vst.idx.msk $0xffff, v18  }
0x16c: {  	v16 =	vor.u32 v15, v16;
	v17 =	vld.idx.msk [tilespmem:v17+s18+$0x0], $0xffff;
	_ =	sdelay $0x4  }
0x16d: {  	[tilespmem:v16+s23+$0x0] =	vst.idx.msk $0xffff, v17  }
0x16e: {  	[hbm4b:s5+s24] =	stream.strided.scatter [tilespmem:s22], [sflag:$0x3], $0x4000, s25, s24, $0x38;
	[tilespmem:$0x1C200] =	vst v63  }
0x16f: {  	s7 =	rddreg [dreg:$0x6]  }
0x170: {  	[hbm4b:s7+s24] =	stream.strided.scatter [tilespmem:s23], [sflag:$0x3], $0x2000, s25, s24, $0x38;
	[tilespmem:$0x1C200] =	vst v63  }
0x171: {  	_ =	swait.ge [sflag:s26], $0x4000  }
0x172: {  	s7 =	simm.s32 $0x0;
	[sflag:s26] =	ssyncset.done $0x0  }
0x173: {  	v16 =	vadd.s32 s7, v0;
	[sflag:s26] =	ssyncadd.s32 $0xFFFFC000  }
0x174: {  	v17 =	vand.u32 $0x7F, v16;
	_ =	swait.ge [sflag:s26], $0x4000  }
0x175: {  	v18 =	vor.u32 v1, v17;
	[sflag:s26] =	ssyncset.done $0x0  }
0x176: {  	s7 =	simm.s32 $0x100;
	[sflag:s26] =	ssyncadd.s32 $0xFFFFC000  }
0x177: {  	[tilespmem:s17], [sflag:$0x1] =	stream.indirect.gather [hbm4b:s1+s16], $0x80, s7, s16, $0xb8;
	[tilespmem:$0x1C200] =	vst v63  }
0x178: {  	_ = 	snop  }
0x179: {  	v19 =	vshll.u32 v17, $0x7;
	[tilespmem:s18], [sflag:$0x1] =	stream.indirect.gather [hbm4b:s4+s16], $0x80, s7, s16, $0xb8;
	[tilespmem:$0x1C200] =	vst v63  }
0x17a: {  	v20 =	vor.u32 v0, v19;
	v18 =	vld.idx.msk [tilespmem:v18+s20+$0x0], $0xffff  }
0x17b: {  	v21 =	vor.u32 v2, v17;
	_ =	sdelay $0x3  }
0x17c: {  	[tilespmem:v20+s29+$0x0] =	vst.idx.msk $0xffff, v18  }
0x17d: {  	v20 =	vor.u32 v3, v19;
	v18 =	vld.idx.msk [tilespmem:v21+s20+$0x0], $0xffff  }
0x17e: {  	v21 =	vor.u32 v4, v17;
	_ =	sdelay $0x3  }
0x17f: {  	[tilespmem:v20+s29+$0x0] =	vst.idx.msk $0xffff, v18  }
0x180: {  	v20 =	vor.u32 v5, v19;
	v18 =	vld.idx.msk [tilespmem:v21+s20+$0x0], $0xffff  }
0x181: {  	v21 =	vor.u32 v6, v17;
	_ =	sdelay $0x3  }
0x182: {  	[tilespmem:v20+s29+$0x0] =	vst.idx.msk $0xffff, v18  }
0x183: {  	v20 =	vor.u32 v7, v19;
	v18 =	vld.idx.msk [tilespmem:v21+s20+$0x0], $0xffff  }
0x184: {  	v21 =	vor.u32 v8, v17;
	_ =	sdelay $0x3  }
0x185: {  	[tilespmem:v20+s29+$0x0] =	vst.idx.msk $0xffff, v18  }
0x186: {  	v20 =	vor.u32 v9, v19;
	v18 =	vld.idx.msk [tilespmem:v21+s20+$0x0], $0xffff  }
0x187: {  	v21 =	vor.u32 v10, v17;
	_ =	sdelay $0x3  }
0x188: {  	[tilespmem:v20+s29+$0x0] =	vst.idx.msk $0xffff, v18  }
0x189: {  	v20 =	vor.u32 v11, v19;
	v18 =	vld.idx.msk [tilespmem:v21+s20+$0x0], $0xffff  }
0x18a: {  	v21 =	vor.u32 v12, v17;
	_ =	sdelay $0x3  }
0x18b: {  	[tilespmem:v20+s29+$0x0] =	vst.idx.msk $0xffff, v18  }
0x18c: {  	v20 =	vor.u32 v13, v19;
	v18 =	vld.idx.msk [tilespmem:v21+s20+$0x0], $0xffff  }
0x18d: {  	v21 =	vor.u32 v14, v17;
	_ =	sdelay $0x2  }
0x18e: {  	s7 =	simm.s32 $0x1  }
0x18f: {  	v17 =	vadd.s32 s7, v0;
	[tilespmem:v20+s29+$0x0] =	vst.idx.msk $0xffff, v18  }
0x190: {  	v19 =	vor.u32 v15, v19;
	v20 =	vand.u32 $0x7F, v17;
	v18 =	vld.idx.msk [tilespmem:v21+s20+$0x0], $0xffff  }
0x191: {  	v21 =	vor.u32 v1, v20;
	_ =	sdelay $0x3  }
0x192: {  	[tilespmem:v19+s29+$0x0] =	vst.idx.msk $0xffff, v18;
	v18 =	vshll.u32 v20, $0x7  }
0x193: {  	v19 =	vld.idx.msk [tilespmem:v21+s20+$0x0], $0xffff;
	v21 =	vor.u32 v0, v18  }
0x194: {  	v22 =	vor.u32 v2, v20;
	_ =	sdelay $0x3  }
0x195: {  	[tilespmem:v21+s29+$0x0] =	vst.idx.msk $0xffff, v19  }
0x196: {  	v21 =	vor.u32 v3, v18;
	v19 =	vld.idx.msk [tilespmem:v22+s20+$0x0], $0xffff  }
0x197: {  	v22 =	vor.u32 v4, v20;
	_ =	sdelay $0x3  }
0x198: {  	[tilespmem:v21+s29+$0x0] =	vst.idx.msk $0xffff, v19  }
0x199: {  	v21 =	vor.u32 v5, v18;
	v19 =	vld.idx.msk [tilespmem:v22+s20+$0x0], $0xffff  }
0x19a: {  	v22 =	vor.u32 v6, v20;
	_ =	sdelay $0x3  }
0x19b: {  	[tilespmem:v21+s29+$0x0] =	vst.idx.msk $0xffff, v19  }
0x19c: {  	v21 =	vor.u32 v7, v18;
	v19 =	vld.idx.msk [tilespmem:v22+s20+$0x0], $0xffff  }
0x19d: {  	v22 =	vor.u32 v8, v20;
	_ =	sdelay $0x3  }
0x19e: {  	[tilespmem:v21+s29+$0x0] =	vst.idx.msk $0xffff, v19  }
0x19f: {  	v21 =	vor.u32 v9, v18;
	v19 =	vld.idx.msk [tilespmem:v22+s20+$0x0], $0xffff  }
0x1a0: {  	v22 =	vor.u32 v10, v20;
	_ =	sdelay $0x3  }
0x1a1: {  	[tilespmem:v21+s29+$0x0] =	vst.idx.msk $0xffff, v19  }
0x1a2: {  	v21 =	vor.u32 v11, v18;
	v19 =	vld.idx.msk [tilespmem:v22+s20+$0x0], $0xffff  }
0x1a3: {  	v22 =	vor.u32 v12, v20;
	_ =	sdelay $0x3  }
0x1a4: {  	[tilespmem:v21+s29+$0x0] =	vst.idx.msk $0xffff, v19  }
0x1a5: {  	v21 =	vor.u32 v13, v18;
	v19 =	vld.idx.msk [tilespmem:v22+s20+$0x0], $0xffff  }
0x1a6: {  	v22 =	vor.u32 v14, v20;
	_ =	sdelay $0x3  }
0x1a7: {  	s28 =	simm.s32 $0x2;
	[tilespmem:v21+s29+$0x0] =	vst.idx.msk $0xffff, v19  }
0x1a8: {  	s31 =	simm.s32 $0x2;
	s6 =	simm.s32 $0x4;
	v20 =	vadd.s32 s28, v0;
	v19 =	vld.idx.msk [tilespmem:v22+s20+$0x0], $0xffff  }
.LBB2_6:
0x1a9: {  	p0 =	slt.u32 s6, $0x7E;
	v20 =	vand.u32 $0x7F, v20;
	v18 =	vor.u32 v15, v18  }
0x1aa: {  	v21 =	vor.u32 v1, v20;
	_ =	sdelay $0x3  }
0x1ab: {  	[tilespmem:v18+s29+$0x0] =	vst.idx.msk $0xffff, v19  }
0x1ac: {  	v19 =	vshll.u32 v20, $0x7;
	v18 =	vld.idx.msk [tilespmem:v21+s20+$0x0], $0xffff  }
0x1ad: {  	v21 =	vor.u32 v0, v19  }
0x1ae: {  	v22 =	vor.u32 v2, v20;
	_ =	sdelay $0x3  }
0x1af: {  	[tilespmem:v21+s29+$0x0] =	vst.idx.msk $0xffff, v18  }
0x1b0: {  	v18 =	vld.idx.msk [tilespmem:v22+s20+$0x0], $0xffff  }
0x1b1: {  	v21 =	vor.u32 v3, v19  }
0x1b2: {  	v22 =	vor.u32 v4, v20;
	_ =	sdelay $0x3  }
0x1b3: {  	[tilespmem:v21+s29+$0x0] =	vst.idx.msk $0xffff, v18  }
0x1b4: {  	v18 =	vld.idx.msk [tilespmem:v22+s20+$0x0], $0xffff  }
0x1b5: {  	v21 =	vor.u32 v5, v19  }
0x1b6: {  	v22 =	vor.u32 v6, v20;
	_ =	sdelay $0x3  }
0x1b7: {  	[tilespmem:v21+s29+$0x0] =	vst.idx.msk $0xffff, v18  }
0x1b8: {  	v18 =	vld.idx.msk [tilespmem:v22+s20+$0x0], $0xffff  }
0x1b9: {  	v21 =	vor.u32 v7, v19  }
0x1ba: {  	v22 =	vor.u32 v8, v20;
	_ =	sdelay $0x3  }
0x1bb: {  	[tilespmem:v21+s29+$0x0] =	vst.idx.msk $0xffff, v18  }
0x1bc: {  	v18 =	vld.idx.msk [tilespmem:v22+s20+$0x0], $0xffff  }
0x1bd: {  	v21 =	vor.u32 v9, v19  }
0x1be: {  	v22 =	vor.u32 v10, v20;
	_ =	sdelay $0x3  }
0x1bf: {  	[tilespmem:v21+s29+$0x0] =	vst.idx.msk $0xffff, v18  }
0x1c0: {  	v18 =	vld.idx.msk [tilespmem:v22+s20+$0x0], $0xffff  }
0x1c1: {  	v21 =	vor.u32 v11, v19  }
0x1c2: {  	v22 =	vor.u32 v12, v20;
	_ =	sdelay $0x3  }
0x1c3: {  	[tilespmem:v21+s29+$0x0] =	vst.idx.msk $0xffff, v18  }
0x1c4: {  	v18 =	vld.idx.msk [tilespmem:v22+s20+$0x0], $0xffff  }
0x1c5: {  	v21 =	vor.u32 v13, v19  }
0x1c6: {  	v20 =	vor.u32 v14, v20;
	_ =	sdelay $0x3  }
0x1c7: {  	s7 =	sadd.s32 $0x1, s31;
	s31 =	smov.u32 s6;
	[tilespmem:v21+s29+$0x0] =	vst.idx.msk $0xffff, v18  }
0x1c8: {  	v18 =	vld.idx.msk [tilespmem:v20+s20+$0x0], $0xffff;
	v20 =	vadd.s32 s7, v0  }
0x1c9: {  	v19 =	vor.u32 v15, v19;
	v20 =	vand.u32 $0x7F, v20  }
0x1ca: {  	v21 =	vor.u32 v1, v20;
	_ =	sdelay $0x3  }
0x1cb: {  	[tilespmem:v19+s29+$0x0] =	vst.idx.msk $0xffff, v18  }
0x1cc: {  	v18 =	vshll.u32 v20, $0x7;
	v19 =	vld.idx.msk [tilespmem:v21+s20+$0x0], $0xffff  }
0x1cd: {  	v21 =	vor.u32 v0, v18  }
0x1ce: {  	v22 =	vor.u32 v2, v20;
	_ =	sdelay $0x3  }
0x1cf: {  	[tilespmem:v21+s29+$0x0] =	vst.idx.msk $0xffff, v19  }
0x1d0: {  	v19 =	vld.idx.msk [tilespmem:v22+s20+$0x0], $0xffff  }
0x1d1: {  	v21 =	vor.u32 v3, v18  }
0x1d2: {  	v22 =	vor.u32 v4, v20;
	_ =	sdelay $0x3  }
0x1d3: {  	[tilespmem:v21+s29+$0x0] =	vst.idx.msk $0xffff, v19  }
0x1d4: {  	v19 =	vld.idx.msk [tilespmem:v22+s20+$0x0], $0xffff  }
0x1d5: {  	v21 =	vor.u32 v5, v18  }
0x1d6: {  	v22 =	vor.u32 v6, v20;
	_ =	sdelay $0x3  }
0x1d7: {  	[tilespmem:v21+s29+$0x0] =	vst.idx.msk $0xffff, v19  }
0x1d8: {  	v19 =	vld.idx.msk [tilespmem:v22+s20+$0x0], $0xffff  }
0x1d9: {  	v21 =	vor.u32 v7, v18  }
0x1da: {  	v22 =	vor.u32 v8, v20;
	_ =	sdelay $0x3  }
0x1db: {  	[tilespmem:v21+s29+$0x0] =	vst.idx.msk $0xffff, v19  }
0x1dc: {  	v19 =	vld.idx.msk [tilespmem:v22+s20+$0x0], $0xffff  }
0x1dd: {  	v21 =	vor.u32 v9, v18  }
0x1de: {  	v22 =	vor.u32 v10, v20;
	_ =	sdelay $0x3  }
0x1df: {  	[tilespmem:v21+s29+$0x0] =	vst.idx.msk $0xffff, v19  }
0x1e0: {  	v19 =	vld.idx.msk [tilespmem:v22+s20+$0x0], $0xffff  }
0x1e1: {  	v21 =	vor.u32 v11, v18  }
0x1e2: {  	v22 =	vor.u32 v12, v20;
	_ =	sdelay $0x3  }
0x1e3: {  	[tilespmem:v21+s29+$0x0] =	vst.idx.msk $0xffff, v19  }
0x1e4: {  	v19 =	vld.idx.msk [tilespmem:v22+s20+$0x0], $0xffff  }
0x1e5: {  	v21 =	vor.u32 v13, v18  }
0x1e6: {  	v22 =	vor.u32 v14, v20  }
.Ltmp2:
0x1e7: {  	(pc) =	sbr.rel @p0 .LBB2_6-.Ltmp2, $3  }
0x1e8: {  	_ =	sdelay $0x1  }
0x1e9: {  	[tilespmem:v21+s29+$0x0] =	vst.idx.msk $0xffff, v19  }
0x1ea: {  	s6 =	sadd.s32 $0x2, s6;
	v20 =	vadd.s32 s31, v0;
	v19 =	vld.idx.msk [tilespmem:v22+s20+$0x0], $0xffff  }
0x1eb: {  	v20 =	vand.u32 $0x7F, v20;
	v18 =	vor.u32 v15, v18  }
0x1ec: {  	v21 =	vor.u32 v1, v20;
	_ =	sdelay $0x3  }
0x1ed: {  	[tilespmem:v18+s29+$0x0] =	vst.idx.msk $0xffff, v19;
	v18 =	vshll.u32 v20, $0x7  }
0x1ee: {  	v19 =	vld.idx.msk [tilespmem:v21+s20+$0x0], $0xffff;
	v32 =	vor.u32 v0, v18  }
0x1ef: {  	v22 =	vor.u32 v2, v20;
	_ =	sdelay $0x3  }
0x1f0: {  	[tilespmem:v32+s29+$0x0] =	vst.idx.msk $0xffff, v19  }
0x1f1: {  	v33 =	vor.u32 v3, v18;
	v19 =	vld.idx.msk [tilespmem:v22+s20+$0x0], $0xffff  }
0x1f2: {  	v34 =	vor.u32 v4, v20;
	_ =	sdelay $0x3  }
0x1f3: {  	[tilespmem:v33+s29+$0x0] =	vst.idx.msk $0xffff, v19  }
0x1f4: {  	v35 =	vor.u32 v5, v18;
	v19 =	vld.idx.msk [tilespmem:v34+s20+$0x0], $0xffff  }
0x1f5: {  	v36 =	vor.u32 v6, v20;
	_ =	sdelay $0x3  }
0x1f6: {  	[tilespmem:v35+s29+$0x0] =	vst.idx.msk $0xffff, v19  }
0x1f7: {  	v37 =	vor.u32 v7, v18;
	v19 =	vld.idx.msk [tilespmem:v36+s20+$0x0], $0xffff  }
0x1f8: {  	v38 =	vor.u32 v8, v20;
	_ =	sdelay $0x3  }
0x1f9: {  	[tilespmem:v37+s29+$0x0] =	vst.idx.msk $0xffff, v19  }
0x1fa: {  	v39 =	vor.u32 v9, v18;
	v19 =	vld.idx.msk [tilespmem:v38+s20+$0x0], $0xffff  }
0x1fb: {  	v40 =	vor.u32 v10, v20;
	_ =	sdelay $0x3  }
0x1fc: {  	[tilespmem:v39+s29+$0x0] =	vst.idx.msk $0xffff, v19  }
0x1fd: {  	v41 =	vor.u32 v11, v18;
	v19 =	vld.idx.msk [tilespmem:v40+s20+$0x0], $0xffff  }
0x1fe: {  	v42 =	vor.u32 v12, v20;
	_ =	sdelay $0x3  }
0x1ff: {  	[tilespmem:v41+s29+$0x0] =	vst.idx.msk $0xffff, v19  }
0x200: {  	v43 =	vor.u32 v13, v18;
	v19 =	vld.idx.msk [tilespmem:v42+s20+$0x0], $0xffff  }
0x201: {  	v20 =	vor.u32 v14, v20;
	_ =	sdelay $0x2  }
0x202: {  	s6 =	sadd.s32 $0x1, s31  }
0x203: {  	[tilespmem:v43+s29+$0x0] =	vst.idx.msk $0xffff, v19;
	v19 =	vadd.s32 s6, v0  }
0x204: {  	v18 =	vor.u32 v15, v18;
	v20 =	vld.idx.msk [tilespmem:v20+s20+$0x0], $0xffff;
	v19 =	vand.u32 $0x7F, v19  }
0x205: {  	v44 =	vor.u32 v1, v19;
	_ =	sdelay $0x3  }
0x206: {  	[tilespmem:v18+s29+$0x0] =	vst.idx.msk $0xffff, v20;
	v18 =	vshll.u32 v19, $0x7  }
0x207: {  	v20 =	vld.idx.msk [tilespmem:v44+s20+$0x0], $0xffff;
	v45 =	vor.u32 v0, v18  }
0x208: {  	v46 =	vor.u32 v2, v19;
	_ =	sdelay $0x3  }
0x209: {  	[tilespmem:v45+s29+$0x0] =	vst.idx.msk $0xffff, v20  }
0x20a: {  	v47 =	vor.u32 v3, v18;
	v20 =	vld.idx.msk [tilespmem:v46+s20+$0x0], $0xffff  }
0x20b: {  	v48 =	vor.u32 v4, v19;
	_ =	sdelay $0x3  }
0x20c: {  	[tilespmem:v47+s29+$0x0] =	vst.idx.msk $0xffff, v20  }
0x20d: {  	v49 =	vor.u32 v5, v18;
	v20 =	vld.idx.msk [tilespmem:v48+s20+$0x0], $0xffff  }
0x20e: {  	v50 =	vor.u32 v6, v19;
	_ =	sdelay $0x3  }
0x20f: {  	[tilespmem:v49+s29+$0x0] =	vst.idx.msk $0xffff, v20  }
0x210: {  	v51 =	vor.u32 v7, v18;
	v20 =	vld.idx.msk [tilespmem:v50+s20+$0x0], $0xffff  }
0x211: {  	v52 =	vor.u32 v8, v19;
	_ =	sdelay $0x3  }
0x212: {  	[tilespmem:v51+s29+$0x0] =	vst.idx.msk $0xffff, v20  }
0x213: {  	v53 =	vor.u32 v9, v18;
	v20 =	vld.idx.msk [tilespmem:v52+s20+$0x0], $0xffff  }
0x214: {  	v54 =	vor.u32 v10, v19;
	_ =	sdelay $0x3  }
0x215: {  	[tilespmem:v53+s29+$0x0] =	vst.idx.msk $0xffff, v20  }
0x216: {  	v55 =	vor.u32 v11, v18;
	v20 =	vld.idx.msk [tilespmem:v54+s20+$0x0], $0xffff  }
0x217: {  	v56 =	vor.u32 v12, v19;
	_ =	sdelay $0x3  }
0x218: {  	[tilespmem:v55+s29+$0x0] =	vst.idx.msk $0xffff, v20  }
0x219: {  	v57 =	vor.u32 v13, v18;
	v20 =	vld.idx.msk [tilespmem:v56+s20+$0x0], $0xffff  }
0x21a: {  	v19 =	vor.u32 v14, v19;
	_ =	sdelay $0x3  }
0x21b: {  	[tilespmem:v57+s29+$0x0] =	vst.idx.msk $0xffff, v20  }
0x21c: {  	v16 =	vand.u32 $0x3F, v16;
	v18 =	vor.u32 v15, v18;
	v19 =	vld.idx.msk [tilespmem:v19+s20+$0x0], $0xffff  }
0x21d: {  	v20 =	vor.u32 v1, v16;
	_ =	sdelay $0x3  }
0x21e: {  	[tilespmem:v18+s29+$0x0] =	vst.idx.msk $0xffff, v19;
	v18 =	vshll.u32 v16, $0x7  }
0x21f: {  	v19 =	vld.idx.msk [tilespmem:v20+s21+$0x0], $0xffff;
	v20 =	vor.u32 v0, v18  }
0x220: {  	v58 =	vor.u32 v2, v16;
	_ =	sdelay $0x3  }
0x221: {  	[tilespmem:v20+s30+$0x0] =	vst.idx.msk $0xffff, v19  }
0x222: {  	v20 =	vor.u32 v3, v18;
	v19 =	vld.idx.msk [tilespmem:v58+s21+$0x0], $0xffff  }
0x223: {  	v59 =	vor.u32 v4, v16;
	_ =	sdelay $0x3  }
0x224: {  	[tilespmem:v20+s30+$0x0] =	vst.idx.msk $0xffff, v19  }
0x225: {  	v20 =	vor.u32 v5, v18;
	v19 =	vld.idx.msk [tilespmem:v59+s21+$0x0], $0xffff  }
0x226: {  	v60 =	vor.u32 v6, v16;
	_ =	sdelay $0x3  }
0x227: {  	[tilespmem:v20+s30+$0x0] =	vst.idx.msk $0xffff, v19  }
0x228: {  	v20 =	vor.u32 v7, v18;
	v19 =	vld.idx.msk [tilespmem:v60+s21+$0x0], $0xffff  }
0x229: {  	v61 =	vor.u32 v8, v16;
	_ =	sdelay $0x3  }
0x22a: {  	[tilespmem:v20+s30+$0x0] =	vst.idx.msk $0xffff, v19  }
0x22b: {  	v20 =	vor.u32 v9, v18;
	v19 =	vld.idx.msk [tilespmem:v61+s21+$0x0], $0xffff  }
0x22c: {  	v62 =	vor.u32 v10, v16;
	_ =	sdelay $0x3  }
0x22d: {  	[tilespmem:v20+s30+$0x0] =	vst.idx.msk $0xffff, v19  }
0x22e: {  	v20 =	vor.u32 v11, v18;
	v19 =	vld.idx.msk [tilespmem:v62+s21+$0x0], $0xffff  }
0x22f: {  	v63 =	vor.u32 v12, v16;
	_ =	sdelay $0x3  }
0x230: {  	[tilespmem:v20+s30+$0x0] =	vst.idx.msk $0xffff, v19  }
0x231: {  	v20 =	vor.u32 v13, v18;
	v19 =	vld.idx.msk [tilespmem:v63+s21+$0x0], $0xffff  }
0x232: {  	v16 =	vor.u32 v14, v16;
	_ =	sdelay $0x3  }
0x233: {  	[tilespmem:v20+s30+$0x0] =	vst.idx.msk $0xffff, v19  }
0x234: {  	v17 =	vand.u32 $0x3F, v17;
	v18 =	vor.u32 v15, v18;
	v16 =	vld.idx.msk [tilespmem:v16+s21+$0x0], $0xffff  }
0x235: {  	v19 =	vor.u32 v1, v17;
	_ =	sdelay $0x3  }
0x236: {  	[tilespmem:v18+s30+$0x0] =	vst.idx.msk $0xffff, v16;
	v16 =	vshll.u32 v17, $0x7  }
0x237: {  	v18 =	vld.idx.msk [tilespmem:v19+s21+$0x0], $0xffff;
	v19 =	vor.u32 v0, v16  }
0x238: {  	v20 =	vor.u32 v2, v17;
	_ =	sdelay $0x3  }
0x239: {  	[tilespmem:v19+s30+$0x0] =	vst.idx.msk $0xffff, v18  }
0x23a: {  	v19 =	vor.u32 v3, v16;
	v18 =	vld.idx.msk [tilespmem:v20+s21+$0x0], $0xffff  }
0x23b: {  	v20 =	vor.u32 v4, v17;
	_ =	sdelay $0x3  }
0x23c: {  	[tilespmem:v19+s30+$0x0] =	vst.idx.msk $0xffff, v18  }
0x23d: {  	v19 =	vor.u32 v5, v16;
	v18 =	vld.idx.msk [tilespmem:v20+s21+$0x0], $0xffff  }
0x23e: {  	v20 =	vor.u32 v6, v17;
	_ =	sdelay $0x3  }
0x23f: {  	[tilespmem:v19+s30+$0x0] =	vst.idx.msk $0xffff, v18  }
0x240: {  	v19 =	vor.u32 v7, v16;
	v18 =	vld.idx.msk [tilespmem:v20+s21+$0x0], $0xffff  }
0x241: {  	v20 =	vor.u32 v8, v17;
	_ =	sdelay $0x3  }
0x242: {  	[tilespmem:v19+s30+$0x0] =	vst.idx.msk $0xffff, v18  }
0x243: {  	v19 =	vor.u32 v9, v16;
	v18 =	vld.idx.msk [tilespmem:v20+s21+$0x0], $0xffff  }
0x244: {  	v20 =	vor.u32 v10, v17;
	_ =	sdelay $0x3  }
0x245: {  	[tilespmem:v19+s30+$0x0] =	vst.idx.msk $0xffff, v18  }
0x246: {  	v19 =	vor.u32 v11, v16;
	v18 =	vld.idx.msk [tilespmem:v20+s21+$0x0], $0xffff  }
0x247: {  	v20 =	vor.u32 v12, v17;
	_ =	sdelay $0x3  }
0x248: {  	[tilespmem:v19+s30+$0x0] =	vst.idx.msk $0xffff, v18  }
0x249: {  	v19 =	vor.u32 v13, v16;
	v18 =	vld.idx.msk [tilespmem:v20+s21+$0x0], $0xffff  }
0x24a: {  	v17 =	vor.u32 v14, v17;
	_ =	sdelay $0x3  }
0x24b: {  	[tilespmem:v19+s30+$0x0] =	vst.idx.msk $0xffff, v18  }
0x24c: {  	s6 =	simm.s32 $0x4;
	v18 =	vadd.s32 s28, v0;
	v17 =	vld.idx.msk [tilespmem:v17+s21+$0x0], $0xffff  }
.LBB2_8:
0x24d: {  	p0 =	slt.u32 s6, $0x3E;
	v18 =	vand.u32 $0x3F, v18;
	v16 =	vor.u32 v15, v16  }
0x24e: {  	v19 =	vor.u32 v1, v18;
	_ =	sdelay $0x3  }
0x24f: {  	[tilespmem:v16+s30+$0x0] =	vst.idx.msk $0xffff, v17  }
0x250: {  	v17 =	vshll.u32 v18, $0x7;
	v16 =	vld.idx.msk [tilespmem:v19+s21+$0x0], $0xffff  }
0x251: {  	v19 =	vor.u32 v0, v17  }
0x252: {  	v20 =	vor.u32 v2, v18;
	_ =	sdelay $0x3  }
0x253: {  	[tilespmem:v19+s30+$0x0] =	vst.idx.msk $0xffff, v16  }
0x254: {  	v16 =	vld.idx.msk [tilespmem:v20+s21+$0x0], $0xffff  }
0x255: {  	v19 =	vor.u32 v3, v17  }
0x256: {  	v20 =	vor.u32 v4, v18;
	_ =	sdelay $0x3  }
0x257: {  	[tilespmem:v19+s30+$0x0] =	vst.idx.msk $0xffff, v16  }
0x258: {  	v16 =	vld.idx.msk [tilespmem:v20+s21+$0x0], $0xffff  }
0x259: {  	v19 =	vor.u32 v5, v17  }
0x25a: {  	v20 =	vor.u32 v6, v18;
	_ =	sdelay $0x3  }
0x25b: {  	[tilespmem:v19+s30+$0x0] =	vst.idx.msk $0xffff, v16  }
0x25c: {  	v16 =	vld.idx.msk [tilespmem:v20+s21+$0x0], $0xffff  }
0x25d: {  	v19 =	vor.u32 v7, v17  }
0x25e: {  	v20 =	vor.u32 v8, v18;
	_ =	sdelay $0x3  }
0x25f: {  	[tilespmem:v19+s30+$0x0] =	vst.idx.msk $0xffff, v16  }
0x260: {  	v16 =	vld.idx.msk [tilespmem:v20+s21+$0x0], $0xffff  }
0x261: {  	v19 =	vor.u32 v9, v17  }
0x262: {  	v20 =	vor.u32 v10, v18;
	_ =	sdelay $0x3  }
0x263: {  	[tilespmem:v19+s30+$0x0] =	vst.idx.msk $0xffff, v16  }
0x264: {  	v16 =	vld.idx.msk [tilespmem:v20+s21+$0x0], $0xffff  }
0x265: {  	v19 =	vor.u32 v11, v17  }
0x266: {  	v20 =	vor.u32 v12, v18;
	_ =	sdelay $0x3  }
0x267: {  	[tilespmem:v19+s30+$0x0] =	vst.idx.msk $0xffff, v16  }
0x268: {  	v16 =	vld.idx.msk [tilespmem:v20+s21+$0x0], $0xffff  }
0x269: {  	v19 =	vor.u32 v13, v17  }
0x26a: {  	v18 =	vor.u32 v14, v18;
	_ =	sdelay $0x3  }
0x26b: {  	s7 =	sadd.s32 $0x1, s28;
	s28 =	smov.u32 s6;
	[tilespmem:v19+s30+$0x0] =	vst.idx.msk $0xffff, v16  }
0x26c: {  	v16 =	vld.idx.msk [tilespmem:v18+s21+$0x0], $0xffff;
	v18 =	vadd.s32 s7, v0  }
0x26d: {  	v17 =	vor.u32 v15, v17;
	v18 =	vand.u32 $0x3F, v18  }
0x26e: {  	v19 =	vor.u32 v1, v18;
	_ =	sdelay $0x3  }
0x26f: {  	[tilespmem:v17+s30+$0x0] =	vst.idx.msk $0xffff, v16  }
0x270: {  	v16 =	vshll.u32 v18, $0x7;
	v17 =	vld.idx.msk [tilespmem:v19+s21+$0x0], $0xffff  }
0x271: {  	v19 =	vor.u32 v0, v16  }
0x272: {  	v20 =	vor.u32 v2, v18;
	_ =	sdelay $0x3  }
0x273: {  	[tilespmem:v19+s30+$0x0] =	vst.idx.msk $0xffff, v17  }
0x274: {  	v17 =	vld.idx.msk [tilespmem:v20+s21+$0x0], $0xffff  }
0x275: {  	v19 =	vor.u32 v3, v16  }
0x276: {  	v20 =	vor.u32 v4, v18;
	_ =	sdelay $0x3  }
0x277: {  	[tilespmem:v19+s30+$0x0] =	vst.idx.msk $0xffff, v17  }
0x278: {  	v17 =	vld.idx.msk [tilespmem:v20+s21+$0x0], $0xffff  }
0x279: {  	v19 =	vor.u32 v5, v16  }
0x27a: {  	v20 =	vor.u32 v6, v18;
	_ =	sdelay $0x3  }
0x27b: {  	[tilespmem:v19+s30+$0x0] =	vst.idx.msk $0xffff, v17  }
0x27c: {  	v17 =	vld.idx.msk [tilespmem:v20+s21+$0x0], $0xffff  }
0x27d: {  	v19 =	vor.u32 v7, v16  }
0x27e: {  	v20 =	vor.u32 v8, v18;
	_ =	sdelay $0x3  }
0x27f: {  	[tilespmem:v19+s30+$0x0] =	vst.idx.msk $0xffff, v17  }
0x280: {  	v17 =	vld.idx.msk [tilespmem:v20+s21+$0x0], $0xffff  }
0x281: {  	v19 =	vor.u32 v9, v16  }
0x282: {  	v20 =	vor.u32 v10, v18;
	_ =	sdelay $0x3  }
0x283: {  	[tilespmem:v19+s30+$0x0] =	vst.idx.msk $0xffff, v17  }
0x284: {  	v17 =	vld.idx.msk [tilespmem:v20+s21+$0x0], $0xffff  }
0x285: {  	v19 =	vor.u32 v11, v16  }
0x286: {  	v20 =	vor.u32 v12, v18;
	_ =	sdelay $0x3  }
0x287: {  	[tilespmem:v19+s30+$0x0] =	vst.idx.msk $0xffff, v17  }
0x288: {  	v17 =	vld.idx.msk [tilespmem:v20+s21+$0x0], $0xffff  }
0x289: {  	v19 =	vor.u32 v13, v16  }
0x28a: {  	v20 =	vor.u32 v14, v18  }
.Ltmp3:
0x28b: {  	(pc) =	sbr.rel @p0 .LBB2_8-.Ltmp3, $3  }
0x28c: {  	_ =	sdelay $0x1  }
0x28d: {  	[tilespmem:v19+s30+$0x0] =	vst.idx.msk $0xffff, v17  }
0x28e: {  	s6 =	sadd.s32 $0x2, s6;
	v18 =	vadd.s32 s28, v0;
	v17 =	vld.idx.msk [tilespmem:v20+s21+$0x0], $0xffff  }
0x28f: {  	v18 =	vand.u32 $0x3F, v18;
	v16 =	vor.u32 v15, v16  }
0x290: {  	v19 =	vor.u32 v1, v18;
	_ =	sdelay $0x3  }
0x291: {  	[tilespmem:v16+s30+$0x0] =	vst.idx.msk $0xffff, v17;
	v16 =	vshll.u32 v18, $0x7  }
0x292: {  	v17 =	vld.idx.msk [tilespmem:v19+s21+$0x0], $0xffff;
	v19 =	vor.u32 v0, v16  }
0x293: {  	v20 =	vor.u32 v2, v18;
	_ =	sdelay $0x3  }
0x294: {  	[tilespmem:v19+s30+$0x0] =	vst.idx.msk $0xffff, v17  }
0x295: {  	v19 =	vor.u32 v3, v16;
	v17 =	vld.idx.msk [tilespmem:v20+s21+$0x0], $0xffff  }
0x296: {  	v20 =	vor.u32 v4, v18;
	_ =	sdelay $0x3  }
0x297: {  	[tilespmem:v19+s30+$0x0] =	vst.idx.msk $0xffff, v17  }
0x298: {  	v19 =	vor.u32 v5, v16;
	v17 =	vld.idx.msk [tilespmem:v20+s21+$0x0], $0xffff  }
0x299: {  	v20 =	vor.u32 v6, v18;
	_ =	sdelay $0x3  }
0x29a: {  	[tilespmem:v19+s30+$0x0] =	vst.idx.msk $0xffff, v17  }
0x29b: {  	v19 =	vor.u32 v7, v16;
	v17 =	vld.idx.msk [tilespmem:v20+s21+$0x0], $0xffff  }
0x29c: {  	v20 =	vor.u32 v8, v18;
	_ =	sdelay $0x3  }
0x29d: {  	[tilespmem:v19+s30+$0x0] =	vst.idx.msk $0xffff, v17  }
0x29e: {  	v19 =	vor.u32 v9, v16;
	v17 =	vld.idx.msk [tilespmem:v20+s21+$0x0], $0xffff  }
0x29f: {  	v20 =	vor.u32 v10, v18;
	_ =	sdelay $0x3  }
0x2a0: {  	[tilespmem:v19+s30+$0x0] =	vst.idx.msk $0xffff, v17  }
0x2a1: {  	v19 =	vor.u32 v11, v16;
	v17 =	vld.idx.msk [tilespmem:v20+s21+$0x0], $0xffff  }
0x2a2: {  	v20 =	vor.u32 v12, v18;
	_ =	sdelay $0x3  }
0x2a3: {  	[tilespmem:v19+s30+$0x0] =	vst.idx.msk $0xffff, v17  }
0x2a4: {  	v19 =	vor.u32 v13, v16;
	v17 =	vld.idx.msk [tilespmem:v20+s21+$0x0], $0xffff  }
0x2a5: {  	v18 =	vor.u32 v14, v18;
	_ =	sdelay $0x2  }
0x2a6: {  	s6 =	sadd.s32 $0x1, s28  }
0x2a7: {  	[tilespmem:v19+s30+$0x0] =	vst.idx.msk $0xffff, v17;
	v17 =	vadd.s32 s6, v0  }
0x2a8: {  	v16 =	vor.u32 v15, v16;
	v18 =	vld.idx.msk [tilespmem:v18+s21+$0x0], $0xffff;
	v17 =	vand.u32 $0x3F, v17  }
0x2a9: {  	v19 =	vor.u32 v1, v17;
	_ =	sdelay $0x3  }
0x2aa: {  	[tilespmem:v16+s30+$0x0] =	vst.idx.msk $0xffff, v18;
	v16 =	vshll.u32 v17, $0x7  }
0x2ab: {  	v18 =	vld.idx.msk [tilespmem:v19+s21+$0x0], $0xffff;
	v19 =	vor.u32 v0, v16  }
0x2ac: {  	v20 =	vor.u32 v2, v17;
	_ =	sdelay $0x3  }
0x2ad: {  	[tilespmem:v19+s30+$0x0] =	vst.idx.msk $0xffff, v18  }
0x2ae: {  	v19 =	vor.u32 v3, v16;
	v18 =	vld.idx.msk [tilespmem:v20+s21+$0x0], $0xffff  }
0x2af: {  	v20 =	vor.u32 v4, v17;
	_ =	sdelay $0x3  }
0x2b0: {  	[tilespmem:v19+s30+$0x0] =	vst.idx.msk $0xffff, v18  }
0x2b1: {  	v19 =	vor.u32 v5, v16;
	v18 =	vld.idx.msk [tilespmem:v20+s21+$0x0], $0xffff  }
0x2b2: {  	v20 =	vor.u32 v6, v17;
	_ =	sdelay $0x3  }
0x2b3: {  	[tilespmem:v19+s30+$0x0] =	vst.idx.msk $0xffff, v18  }
0x2b4: {  	v19 =	vor.u32 v7, v16;
	v18 =	vld.idx.msk [tilespmem:v20+s21+$0x0], $0xffff  }
0x2b5: {  	v20 =	vor.u32 v8, v17;
	_ =	sdelay $0x3  }
0x2b6: {  	[tilespmem:v19+s30+$0x0] =	vst.idx.msk $0xffff, v18  }
0x2b7: {  	v19 =	vor.u32 v9, v16;
	v18 =	vld.idx.msk [tilespmem:v20+s21+$0x0], $0xffff  }
0x2b8: {  	v20 =	vor.u32 v10, v17;
	_ =	sdelay $0x3  }
0x2b9: {  	[tilespmem:v19+s30+$0x0] =	vst.idx.msk $0xffff, v18  }
0x2ba: {  	v19 =	vor.u32 v11, v16;
	v18 =	vld.idx.msk [tilespmem:v20+s21+$0x0], $0xffff  }
0x2bb: {  	v20 =	vor.u32 v12, v17;
	_ =	sdelay $0x3  }
0x2bc: {  	[tilespmem:v19+s30+$0x0] =	vst.idx.msk $0xffff, v18  }
0x2bd: {  	v19 =	vor.u32 v13, v16;
	v18 =	vld.idx.msk [tilespmem:v20+s21+$0x0], $0xffff  }
0x2be: {  	v17 =	vor.u32 v14, v17;
	_ =	sdelay $0x3  }
0x2bf: {  	[tilespmem:v19+s30+$0x0] =	vst.idx.msk $0xffff, v18  }
0x2c0: {  	v16 =	vor.u32 v15, v16;
	v17 =	vld.idx.msk [tilespmem:v17+s21+$0x0], $0xffff;
	_ =	sdelay $0x4  }
0x2c1: {  	[tilespmem:v16+s30+$0x0] =	vst.idx.msk $0xffff, v17  }
0x2c2: {  	[hbm4b:s8+s24] =	stream.strided.scatter [tilespmem:s29], [sflag:$0x3], $0x4000, s25, s24, $0x38;
	[tilespmem:$0x1C200] =	vst v63  }
0x2c3: {  	_ = 	snop  }
0x2c4: {  	[hbm4b:s9+s24] =	stream.strided.scatter [tilespmem:s30], [sflag:$0x3], $0x2000, s25, s24, $0x38;
	[tilespmem:$0x1C200] =	vst v63  }
0x2c5: {  	_ =	swait.ge [sflag:s19], $0x4000  }
0x2c6: {  	s7 =	simm.s32 $0x0;
	[sflag:s19] =	ssyncset.done $0x0  }
0x2c7: {  	v16 =	vadd.s32 s7, v0;
	[sflag:s19] =	ssyncadd.s32 $0xFFFFC000  }
0x2c8: {  	v17 =	vand.u32 $0x7F, v16;
	_ =	swait.ge [sflag:s19], $0x4000  }
0x2c9: {  	v18 =	vor.u32 v1, v17;
	[sflag:s19] =	ssyncset.done $0x0  }
0x2ca: {  	s7 =	simm.s32 $0x180;
	[sflag:s19] =	ssyncadd.s32 $0xFFFFC000  }
0x2cb: {  	[tilespmem:s20], [sflag:$0x2] =	stream.indirect.gather [hbm4b:s1+s16], $0x80, s7, s16, $0xb8;
	[tilespmem:$0x1C200] =	vst v63  }
0x2cc: {  	_ = 	snop  }
0x2cd: {  	v19 =	vshll.u32 v17, $0x7;
	[tilespmem:s21], [sflag:$0x2] =	stream.indirect.gather [hbm4b:s4+s16], $0x80, s7, s16, $0xb8;
	[tilespmem:$0x1C200] =	vst v63  }
0x2ce: {  	v20 =	vor.u32 v0, v19;
	v18 =	vld.idx.msk [tilespmem:v18+s17+$0x0], $0xffff  }
0x2cf: {  	v21 =	vor.u32 v2, v17;
	_ =	sdelay $0x3  }
0x2d0: {  	[tilespmem:v20+s22+$0x0] =	vst.idx.msk $0xffff, v18  }
0x2d1: {  	v20 =	vor.u32 v3, v19;
	v18 =	vld.idx.msk [tilespmem:v21+s17+$0x0], $0xffff  }
0x2d2: {  	v21 =	vor.u32 v4, v17;
	_ =	sdelay $0x3  }
0x2d3: {  	[tilespmem:v20+s22+$0x0] =	vst.idx.msk $0xffff, v18  }
0x2d4: {  	v20 =	vor.u32 v5, v19;
	v18 =	vld.idx.msk [tilespmem:v21+s17+$0x0], $0xffff  }
0x2d5: {  	v21 =	vor.u32 v6, v17;
	_ =	sdelay $0x3  }
0x2d6: {  	[tilespmem:v20+s22+$0x0] =	vst.idx.msk $0xffff, v18  }
0x2d7: {  	v20 =	vor.u32 v7, v19;
	v18 =	vld.idx.msk [tilespmem:v21+s17+$0x0], $0xffff  }
0x2d8: {  	v21 =	vor.u32 v8, v17;
	_ =	sdelay $0x3  }
0x2d9: {  	[tilespmem:v20+s22+$0x0] =	vst.idx.msk $0xffff, v18  }
0x2da: {  	v20 =	vor.u32 v9, v19;
	v18 =	vld.idx.msk [tilespmem:v21+s17+$0x0], $0xffff  }
0x2db: {  	v21 =	vor.u32 v10, v17;
	_ =	sdelay $0x3  }
0x2dc: {  	[tilespmem:v20+s22+$0x0] =	vst.idx.msk $0xffff, v18  }
0x2dd: {  	v20 =	vor.u32 v11, v19;
	v18 =	vld.idx.msk [tilespmem:v21+s17+$0x0], $0xffff  }
0x2de: {  	v21 =	vor.u32 v12, v17;
	_ =	sdelay $0x3  }
0x2df: {  	[tilespmem:v20+s22+$0x0] =	vst.idx.msk $0xffff, v18  }
0x2e0: {  	v20 =	vor.u32 v13, v19;
	v18 =	vld.idx.msk [tilespmem:v21+s17+$0x0], $0xffff  }
0x2e1: {  	v21 =	vor.u32 v14, v17;
	_ =	sdelay $0x2  }
0x2e2: {  	s7 =	simm.s32 $0x1  }
0x2e3: {  	v17 =	vadd.s32 s7, v0;
	[tilespmem:v20+s22+$0x0] =	vst.idx.msk $0xffff, v18  }
0x2e4: {  	v19 =	vor.u32 v15, v19;
	v20 =	vand.u32 $0x7F, v17;
	v18 =	vld.idx.msk [tilespmem:v21+s17+$0x0], $0xffff  }
0x2e5: {  	v21 =	vor.u32 v1, v20;
	_ =	sdelay $0x3  }
0x2e6: {  	[tilespmem:v19+s22+$0x0] =	vst.idx.msk $0xffff, v18;
	v18 =	vshll.u32 v20, $0x7  }
0x2e7: {  	v19 =	vld.idx.msk [tilespmem:v21+s17+$0x0], $0xffff;
	v21 =	vor.u32 v0, v18  }
0x2e8: {  	v22 =	vor.u32 v2, v20;
	_ =	sdelay $0x3  }
0x2e9: {  	[tilespmem:v21+s22+$0x0] =	vst.idx.msk $0xffff, v19  }
0x2ea: {  	v21 =	vor.u32 v3, v18;
	v19 =	vld.idx.msk [tilespmem:v22+s17+$0x0], $0xffff  }
0x2eb: {  	v22 =	vor.u32 v4, v20;
	_ =	sdelay $0x3  }
0x2ec: {  	[tilespmem:v21+s22+$0x0] =	vst.idx.msk $0xffff, v19  }
0x2ed: {  	v21 =	vor.u32 v5, v18;
	v19 =	vld.idx.msk [tilespmem:v22+s17+$0x0], $0xffff  }
0x2ee: {  	v22 =	vor.u32 v6, v20;
	_ =	sdelay $0x3  }
0x2ef: {  	[tilespmem:v21+s22+$0x0] =	vst.idx.msk $0xffff, v19  }
0x2f0: {  	v21 =	vor.u32 v7, v18;
	v19 =	vld.idx.msk [tilespmem:v22+s17+$0x0], $0xffff  }
0x2f1: {  	v22 =	vor.u32 v8, v20;
	_ =	sdelay $0x3  }
0x2f2: {  	[tilespmem:v21+s22+$0x0] =	vst.idx.msk $0xffff, v19  }
0x2f3: {  	v21 =	vor.u32 v9, v18;
	v19 =	vld.idx.msk [tilespmem:v22+s17+$0x0], $0xffff  }
0x2f4: {  	v22 =	vor.u32 v10, v20;
	_ =	sdelay $0x3  }
0x2f5: {  	[tilespmem:v21+s22+$0x0] =	vst.idx.msk $0xffff, v19  }
0x2f6: {  	v21 =	vor.u32 v11, v18;
	v19 =	vld.idx.msk [tilespmem:v22+s17+$0x0], $0xffff  }
0x2f7: {  	v22 =	vor.u32 v12, v20;
	_ =	sdelay $0x3  }
0x2f8: {  	[tilespmem:v21+s22+$0x0] =	vst.idx.msk $0xffff, v19  }
0x2f9: {  	v21 =	vor.u32 v13, v18;
	v19 =	vld.idx.msk [tilespmem:v22+s17+$0x0], $0xffff  }
0x2fa: {  	v22 =	vor.u32 v14, v20;
	_ =	sdelay $0x3  }
0x2fb: {  	s28 =	simm.s32 $0x2;
	[tilespmem:v21+s22+$0x0] =	vst.idx.msk $0xffff, v19  }
0x2fc: {  	s31 =	simm.s32 $0x2;
	s6 =	simm.s32 $0x4;
	v20 =	vadd.s32 s28, v0;
	v19 =	vld.idx.msk [tilespmem:v22+s17+$0x0], $0xffff  }
.LBB2_10:
0x2fd: {  	p0 =	slt.u32 s6, $0x7E;
	v20 =	vand.u32 $0x7F, v20;
	v18 =	vor.u32 v15, v18  }
0x2fe: {  	v21 =	vor.u32 v1, v20;
	_ =	sdelay $0x3  }
0x2ff: {  	[tilespmem:v18+s22+$0x0] =	vst.idx.msk $0xffff, v19  }
0x300: {  	v19 =	vshll.u32 v20, $0x7;
	v18 =	vld.idx.msk [tilespmem:v21+s17+$0x0], $0xffff  }
0x301: {  	v21 =	vor.u32 v0, v19  }
0x302: {  	v22 =	vor.u32 v2, v20;
	_ =	sdelay $0x3  }
0x303: {  	[tilespmem:v21+s22+$0x0] =	vst.idx.msk $0xffff, v18  }
0x304: {  	v18 =	vld.idx.msk [tilespmem:v22+s17+$0x0], $0xffff  }
0x305: {  	v21 =	vor.u32 v3, v19  }
0x306: {  	v22 =	vor.u32 v4, v20;
	_ =	sdelay $0x3  }
0x307: {  	[tilespmem:v21+s22+$0x0] =	vst.idx.msk $0xffff, v18  }
0x308: {  	v18 =	vld.idx.msk [tilespmem:v22+s17+$0x0], $0xffff  }
0x309: {  	v21 =	vor.u32 v5, v19  }
0x30a: {  	v22 =	vor.u32 v6, v20;
	_ =	sdelay $0x3  }
0x30b: {  	[tilespmem:v21+s22+$0x0] =	vst.idx.msk $0xffff, v18  }
0x30c: {  	v18 =	vld.idx.msk [tilespmem:v22+s17+$0x0], $0xffff  }
0x30d: {  	v21 =	vor.u32 v7, v19  }
0x30e: {  	v22 =	vor.u32 v8, v20;
	_ =	sdelay $0x3  }
0x30f: {  	[tilespmem:v21+s22+$0x0] =	vst.idx.msk $0xffff, v18  }
0x310: {  	v18 =	vld.idx.msk [tilespmem:v22+s17+$0x0], $0xffff  }
0x311: {  	v21 =	vor.u32 v9, v19  }
0x312: {  	v22 =	vor.u32 v10, v20;
	_ =	sdelay $0x3  }
0x313: {  	[tilespmem:v21+s22+$0x0] =	vst.idx.msk $0xffff, v18  }
0x314: {  	v18 =	vld.idx.msk [tilespmem:v22+s17+$0x0], $0xffff  }
0x315: {  	v21 =	vor.u32 v11, v19  }
0x316: {  	v22 =	vor.u32 v12, v20;
	_ =	sdelay $0x3  }
0x317: {  	[tilespmem:v21+s22+$0x0] =	vst.idx.msk $0xffff, v18  }
0x318: {  	v18 =	vld.idx.msk [tilespmem:v22+s17+$0x0], $0xffff  }
0x319: {  	v21 =	vor.u32 v13, v19  }
0x31a: {  	v20 =	vor.u32 v14, v20;
	_ =	sdelay $0x3  }
0x31b: {  	s7 =	sadd.s32 $0x1, s31;
	s31 =	smov.u32 s6;
	[tilespmem:v21+s22+$0x0] =	vst.idx.msk $0xffff, v18  }
0x31c: {  	v18 =	vld.idx.msk [tilespmem:v20+s17+$0x0], $0xffff;
	v20 =	vadd.s32 s7, v0  }
0x31d: {  	v19 =	vor.u32 v15, v19;
	v20 =	vand.u32 $0x7F, v20  }
0x31e: {  	v21 =	vor.u32 v1, v20;
	_ =	sdelay $0x3  }
0x31f: {  	[tilespmem:v19+s22+$0x0] =	vst.idx.msk $0xffff, v18  }
0x320: {  	v18 =	vshll.u32 v20, $0x7;
	v19 =	vld.idx.msk [tilespmem:v21+s17+$0x0], $0xffff  }
0x321: {  	v21 =	vor.u32 v0, v18  }
0x322: {  	v22 =	vor.u32 v2, v20;
	_ =	sdelay $0x3  }
0x323: {  	[tilespmem:v21+s22+$0x0] =	vst.idx.msk $0xffff, v19  }
0x324: {  	v19 =	vld.idx.msk [tilespmem:v22+s17+$0x0], $0xffff  }
0x325: {  	v21 =	vor.u32 v3, v18  }
0x326: {  	v22 =	vor.u32 v4, v20;
	_ =	sdelay $0x3  }
0x327: {  	[tilespmem:v21+s22+$0x0] =	vst.idx.msk $0xffff, v19  }
0x328: {  	v19 =	vld.idx.msk [tilespmem:v22+s17+$0x0], $0xffff  }
0x329: {  	v21 =	vor.u32 v5, v18  }
0x32a: {  	v22 =	vor.u32 v6, v20;
	_ =	sdelay $0x3  }
0x32b: {  	[tilespmem:v21+s22+$0x0] =	vst.idx.msk $0xffff, v19  }
0x32c: {  	v19 =	vld.idx.msk [tilespmem:v22+s17+$0x0], $0xffff  }
0x32d: {  	v21 =	vor.u32 v7, v18  }
0x32e: {  	v22 =	vor.u32 v8, v20;
	_ =	sdelay $0x3  }
0x32f: {  	[tilespmem:v21+s22+$0x0] =	vst.idx.msk $0xffff, v19  }
0x330: {  	v19 =	vld.idx.msk [tilespmem:v22+s17+$0x0], $0xffff  }
0x331: {  	v21 =	vor.u32 v9, v18  }
0x332: {  	v22 =	vor.u32 v10, v20;
	_ =	sdelay $0x3  }
0x333: {  	[tilespmem:v21+s22+$0x0] =	vst.idx.msk $0xffff, v19  }
0x334: {  	v19 =	vld.idx.msk [tilespmem:v22+s17+$0x0], $0xffff  }
0x335: {  	v21 =	vor.u32 v11, v18  }
0x336: {  	v22 =	vor.u32 v12, v20;
	_ =	sdelay $0x3  }
0x337: {  	[tilespmem:v21+s22+$0x0] =	vst.idx.msk $0xffff, v19  }
0x338: {  	v19 =	vld.idx.msk [tilespmem:v22+s17+$0x0], $0xffff  }
0x339: {  	v21 =	vor.u32 v13, v18  }
0x33a: {  	v22 =	vor.u32 v14, v20  }
.Ltmp4:
0x33b: {  	(pc) =	sbr.rel @p0 .LBB2_10-.Ltmp4, $3  }
0x33c: {  	_ =	sdelay $0x1  }
0x33d: {  	[tilespmem:v21+s22+$0x0] =	vst.idx.msk $0xffff, v19  }
0x33e: {  	s6 =	sadd.s32 $0x2, s6;
	v20 =	vadd.s32 s31, v0;
	v19 =	vld.idx.msk [tilespmem:v22+s17+$0x0], $0xffff  }
0x33f: {  	v20 =	vand.u32 $0x7F, v20;
	v18 =	vor.u32 v15, v18  }
0x340: {  	v21 =	vor.u32 v1, v20;
	_ =	sdelay $0x3  }
0x341: {  	[tilespmem:v18+s22+$0x0] =	vst.idx.msk $0xffff, v19;
	v18 =	vshll.u32 v20, $0x7  }
0x342: {  	v19 =	vld.idx.msk [tilespmem:v21+s17+$0x0], $0xffff;
	v32 =	vor.u32 v0, v18  }
0x343: {  	v22 =	vor.u32 v2, v20;
	_ =	sdelay $0x3  }
0x344: {  	[tilespmem:v32+s22+$0x0] =	vst.idx.msk $0xffff, v19  }
0x345: {  	v33 =	vor.u32 v3, v18;
	v19 =	vld.idx.msk [tilespmem:v22+s17+$0x0], $0xffff  }
0x346: {  	v34 =	vor.u32 v4, v20;
	_ =	sdelay $0x3  }
0x347: {  	[tilespmem:v33+s22+$0x0] =	vst.idx.msk $0xffff, v19  }
0x348: {  	v35 =	vor.u32 v5, v18;
	v19 =	vld.idx.msk [tilespmem:v34+s17+$0x0], $0xffff  }
0x349: {  	v36 =	vor.u32 v6, v20;
	_ =	sdelay $0x3  }
0x34a: {  	[tilespmem:v35+s22+$0x0] =	vst.idx.msk $0xffff, v19  }
0x34b: {  	v37 =	vor.u32 v7, v18;
	v19 =	vld.idx.msk [tilespmem:v36+s17+$0x0], $0xffff  }
0x34c: {  	v38 =	vor.u32 v8, v20;
	_ =	sdelay $0x3  }
0x34d: {  	[tilespmem:v37+s22+$0x0] =	vst.idx.msk $0xffff, v19  }
0x34e: {  	v39 =	vor.u32 v9, v18;
	v19 =	vld.idx.msk [tilespmem:v38+s17+$0x0], $0xffff  }
0x34f: {  	v40 =	vor.u32 v10, v20;
	_ =	sdelay $0x3  }
0x350: {  	[tilespmem:v39+s22+$0x0] =	vst.idx.msk $0xffff, v19  }
0x351: {  	v41 =	vor.u32 v11, v18;
	v19 =	vld.idx.msk [tilespmem:v40+s17+$0x0], $0xffff  }
0x352: {  	v42 =	vor.u32 v12, v20;
	_ =	sdelay $0x3  }
0x353: {  	[tilespmem:v41+s22+$0x0] =	vst.idx.msk $0xffff, v19  }
0x354: {  	v43 =	vor.u32 v13, v18;
	v19 =	vld.idx.msk [tilespmem:v42+s17+$0x0], $0xffff  }
0x355: {  	v20 =	vor.u32 v14, v20;
	_ =	sdelay $0x2  }
0x356: {  	s6 =	sadd.s32 $0x1, s31  }
0x357: {  	[tilespmem:v43+s22+$0x0] =	vst.idx.msk $0xffff, v19;
	v19 =	vadd.s32 s6, v0  }
0x358: {  	v18 =	vor.u32 v15, v18;
	v20 =	vld.idx.msk [tilespmem:v20+s17+$0x0], $0xffff;
	v19 =	vand.u32 $0x7F, v19  }
0x359: {  	v44 =	vor.u32 v1, v19;
	_ =	sdelay $0x3  }
0x35a: {  	[tilespmem:v18+s22+$0x0] =	vst.idx.msk $0xffff, v20;
	v18 =	vshll.u32 v19, $0x7  }
0x35b: {  	v20 =	vld.idx.msk [tilespmem:v44+s17+$0x0], $0xffff;
	v45 =	vor.u32 v0, v18  }
0x35c: {  	v46 =	vor.u32 v2, v19;
	_ =	sdelay $0x3  }
0x35d: {  	[tilespmem:v45+s22+$0x0] =	vst.idx.msk $0xffff, v20  }
0x35e: {  	v47 =	vor.u32 v3, v18;
	v20 =	vld.idx.msk [tilespmem:v46+s17+$0x0], $0xffff  }
0x35f: {  	v48 =	vor.u32 v4, v19;
	_ =	sdelay $0x3  }
0x360: {  	[tilespmem:v47+s22+$0x0] =	vst.idx.msk $0xffff, v20  }
0x361: {  	v49 =	vor.u32 v5, v18;
	v20 =	vld.idx.msk [tilespmem:v48+s17+$0x0], $0xffff  }
0x362: {  	v50 =	vor.u32 v6, v19;
	_ =	sdelay $0x3  }
0x363: {  	[tilespmem:v49+s22+$0x0] =	vst.idx.msk $0xffff, v20  }
0x364: {  	v51 =	vor.u32 v7, v18;
	v20 =	vld.idx.msk [tilespmem:v50+s17+$0x0], $0xffff  }
0x365: {  	v52 =	vor.u32 v8, v19;
	_ =	sdelay $0x3  }
0x366: {  	[tilespmem:v51+s22+$0x0] =	vst.idx.msk $0xffff, v20  }
0x367: {  	v53 =	vor.u32 v9, v18;
	v20 =	vld.idx.msk [tilespmem:v52+s17+$0x0], $0xffff  }
0x368: {  	v54 =	vor.u32 v10, v19;
	_ =	sdelay $0x3  }
0x369: {  	[tilespmem:v53+s22+$0x0] =	vst.idx.msk $0xffff, v20  }
0x36a: {  	v55 =	vor.u32 v11, v18;
	v20 =	vld.idx.msk [tilespmem:v54+s17+$0x0], $0xffff  }
0x36b: {  	v56 =	vor.u32 v12, v19;
	_ =	sdelay $0x3  }
0x36c: {  	[tilespmem:v55+s22+$0x0] =	vst.idx.msk $0xffff, v20  }
0x36d: {  	v57 =	vor.u32 v13, v18;
	v20 =	vld.idx.msk [tilespmem:v56+s17+$0x0], $0xffff  }
0x36e: {  	v19 =	vor.u32 v14, v19;
	_ =	sdelay $0x3  }
0x36f: {  	[tilespmem:v57+s22+$0x0] =	vst.idx.msk $0xffff, v20  }
0x370: {  	v16 =	vand.u32 $0x3F, v16;
	v18 =	vor.u32 v15, v18;
	v19 =	vld.idx.msk [tilespmem:v19+s17+$0x0], $0xffff  }
0x371: {  	v20 =	vor.u32 v1, v16;
	_ =	sdelay $0x3  }
0x372: {  	[tilespmem:v18+s22+$0x0] =	vst.idx.msk $0xffff, v19;
	v18 =	vshll.u32 v16, $0x7  }
0x373: {  	v19 =	vld.idx.msk [tilespmem:v20+s18+$0x0], $0xffff;
	v20 =	vor.u32 v0, v18  }
0x374: {  	v58 =	vor.u32 v2, v16;
	_ =	sdelay $0x3  }
0x375: {  	[tilespmem:v20+s23+$0x0] =	vst.idx.msk $0xffff, v19  }
0x376: {  	v20 =	vor.u32 v3, v18;
	v19 =	vld.idx.msk [tilespmem:v58+s18+$0x0], $0xffff  }
0x377: {  	v59 =	vor.u32 v4, v16;
	_ =	sdelay $0x3  }
0x378: {  	[tilespmem:v20+s23+$0x0] =	vst.idx.msk $0xffff, v19  }
0x379: {  	v20 =	vor.u32 v5, v18;
	v19 =	vld.idx.msk [tilespmem:v59+s18+$0x0], $0xffff  }
0x37a: {  	v60 =	vor.u32 v6, v16;
	_ =	sdelay $0x3  }
0x37b: {  	[tilespmem:v20+s23+$0x0] =	vst.idx.msk $0xffff, v19  }
0x37c: {  	v20 =	vor.u32 v7, v18;
	v19 =	vld.idx.msk [tilespmem:v60+s18+$0x0], $0xffff  }
0x37d: {  	v61 =	vor.u32 v8, v16;
	_ =	sdelay $0x3  }
0x37e: {  	[tilespmem:v20+s23+$0x0] =	vst.idx.msk $0xffff, v19  }
0x37f: {  	v20 =	vor.u32 v9, v18;
	v19 =	vld.idx.msk [tilespmem:v61+s18+$0x0], $0xffff  }
0x380: {  	v62 =	vor.u32 v10, v16;
	_ =	sdelay $0x3  }
0x381: {  	[tilespmem:v20+s23+$0x0] =	vst.idx.msk $0xffff, v19  }
0x382: {  	v20 =	vor.u32 v11, v18;
	v19 =	vld.idx.msk [tilespmem:v62+s18+$0x0], $0xffff  }
0x383: {  	v63 =	vor.u32 v12, v16;
	_ =	sdelay $0x3  }
0x384: {  	[tilespmem:v20+s23+$0x0] =	vst.idx.msk $0xffff, v19  }
0x385: {  	v20 =	vor.u32 v13, v18;
	v19 =	vld.idx.msk [tilespmem:v63+s18+$0x0], $0xffff  }
0x386: {  	v16 =	vor.u32 v14, v16;
	_ =	sdelay $0x3  }
0x387: {  	[tilespmem:v20+s23+$0x0] =	vst.idx.msk $0xffff, v19  }
0x388: {  	v17 =	vand.u32 $0x3F, v17;
	v18 =	vor.u32 v15, v18;
	v16 =	vld.idx.msk [tilespmem:v16+s18+$0x0], $0xffff  }
0x389: {  	v19 =	vor.u32 v1, v17;
	_ =	sdelay $0x3  }
0x38a: {  	[tilespmem:v18+s23+$0x0] =	vst.idx.msk $0xffff, v16;
	v16 =	vshll.u32 v17, $0x7  }
0x38b: {  	v18 =	vld.idx.msk [tilespmem:v19+s18+$0x0], $0xffff;
	v19 =	vor.u32 v0, v16  }
0x38c: {  	v20 =	vor.u32 v2, v17;
	_ =	sdelay $0x3  }
0x38d: {  	[tilespmem:v19+s23+$0x0] =	vst.idx.msk $0xffff, v18  }
0x38e: {  	v19 =	vor.u32 v3, v16;
	v18 =	vld.idx.msk [tilespmem:v20+s18+$0x0], $0xffff  }
0x38f: {  	v20 =	vor.u32 v4, v17;
	_ =	sdelay $0x3  }
0x390: {  	[tilespmem:v19+s23+$0x0] =	vst.idx.msk $0xffff, v18  }
0x391: {  	v19 =	vor.u32 v5, v16;
	v18 =	vld.idx.msk [tilespmem:v20+s18+$0x0], $0xffff  }
0x392: {  	v20 =	vor.u32 v6, v17;
	_ =	sdelay $0x3  }
0x393: {  	[tilespmem:v19+s23+$0x0] =	vst.idx.msk $0xffff, v18  }
0x394: {  	v19 =	vor.u32 v7, v16;
	v18 =	vld.idx.msk [tilespmem:v20+s18+$0x0], $0xffff  }
0x395: {  	v20 =	vor.u32 v8, v17;
	_ =	sdelay $0x3  }
0x396: {  	[tilespmem:v19+s23+$0x0] =	vst.idx.msk $0xffff, v18  }
0x397: {  	v19 =	vor.u32 v9, v16;
	v18 =	vld.idx.msk [tilespmem:v20+s18+$0x0], $0xffff  }
0x398: {  	v20 =	vor.u32 v10, v17;
	_ =	sdelay $0x3  }
0x399: {  	[tilespmem:v19+s23+$0x0] =	vst.idx.msk $0xffff, v18  }
0x39a: {  	v19 =	vor.u32 v11, v16;
	v18 =	vld.idx.msk [tilespmem:v20+s18+$0x0], $0xffff  }
0x39b: {  	v20 =	vor.u32 v12, v17;
	_ =	sdelay $0x3  }
0x39c: {  	[tilespmem:v19+s23+$0x0] =	vst.idx.msk $0xffff, v18  }
0x39d: {  	v19 =	vor.u32 v13, v16;
	v18 =	vld.idx.msk [tilespmem:v20+s18+$0x0], $0xffff  }
0x39e: {  	v17 =	vor.u32 v14, v17;
	_ =	sdelay $0x3  }
0x39f: {  	[tilespmem:v19+s23+$0x0] =	vst.idx.msk $0xffff, v18  }
0x3a0: {  	s6 =	simm.s32 $0x4;
	v18 =	vadd.s32 s28, v0;
	v17 =	vld.idx.msk [tilespmem:v17+s18+$0x0], $0xffff  }
.LBB2_12:
0x3a1: {  	p0 =	slt.u32 s6, $0x3E;
	v18 =	vand.u32 $0x3F, v18;
	v16 =	vor.u32 v15, v16  }
0x3a2: {  	v19 =	vor.u32 v1, v18;
	_ =	sdelay $0x3  }
0x3a3: {  	[tilespmem:v16+s23+$0x0] =	vst.idx.msk $0xffff, v17  }
0x3a4: {  	v17 =	vshll.u32 v18, $0x7;
	v16 =	vld.idx.msk [tilespmem:v19+s18+$0x0], $0xffff  }
0x3a5: {  	v19 =	vor.u32 v0, v17  }
0x3a6: {  	v20 =	vor.u32 v2, v18;
	_ =	sdelay $0x3  }
0x3a7: {  	[tilespmem:v19+s23+$0x0] =	vst.idx.msk $0xffff, v16  }
0x3a8: {  	v16 =	vld.idx.msk [tilespmem:v20+s18+$0x0], $0xffff  }
0x3a9: {  	v19 =	vor.u32 v3, v17  }
0x3aa: {  	v20 =	vor.u32 v4, v18;
	_ =	sdelay $0x3  }
0x3ab: {  	[tilespmem:v19+s23+$0x0] =	vst.idx.msk $0xffff, v16  }
0x3ac: {  	v16 =	vld.idx.msk [tilespmem:v20+s18+$0x0], $0xffff  }
0x3ad: {  	v19 =	vor.u32 v5, v17  }
0x3ae: {  	v20 =	vor.u32 v6, v18;
	_ =	sdelay $0x3  }
0x3af: {  	[tilespmem:v19+s23+$0x0] =	vst.idx.msk $0xffff, v16  }
0x3b0: {  	v16 =	vld.idx.msk [tilespmem:v20+s18+$0x0], $0xffff  }
0x3b1: {  	v19 =	vor.u32 v7, v17  }
0x3b2: {  	v20 =	vor.u32 v8, v18;
	_ =	sdelay $0x3  }
0x3b3: {  	[tilespmem:v19+s23+$0x0] =	vst.idx.msk $0xffff, v16  }
0x3b4: {  	v16 =	vld.idx.msk [tilespmem:v20+s18+$0x0], $0xffff  }
0x3b5: {  	v19 =	vor.u32 v9, v17  }
0x3b6: {  	v20 =	vor.u32 v10, v18;
	_ =	sdelay $0x3  }
0x3b7: {  	[tilespmem:v19+s23+$0x0] =	vst.idx.msk $0xffff, v16  }
0x3b8: {  	v16 =	vld.idx.msk [tilespmem:v20+s18+$0x0], $0xffff  }
0x3b9: {  	v19 =	vor.u32 v11, v17  }
0x3ba: {  	v20 =	vor.u32 v12, v18;
	_ =	sdelay $0x3  }
0x3bb: {  	[tilespmem:v19+s23+$0x0] =	vst.idx.msk $0xffff, v16  }
0x3bc: {  	v16 =	vld.idx.msk [tilespmem:v20+s18+$0x0], $0xffff  }
0x3bd: {  	v19 =	vor.u32 v13, v17  }
0x3be: {  	v18 =	vor.u32 v14, v18;
	_ =	sdelay $0x3  }
0x3bf: {  	s7 =	sadd.s32 $0x1, s28;
	s28 =	smov.u32 s6;
	[tilespmem:v19+s23+$0x0] =	vst.idx.msk $0xffff, v16  }
0x3c0: {  	v16 =	vld.idx.msk [tilespmem:v18+s18+$0x0], $0xffff;
	v18 =	vadd.s32 s7, v0  }
0x3c1: {  	v17 =	vor.u32 v15, v17;
	v18 =	vand.u32 $0x3F, v18  }
0x3c2: {  	v19 =	vor.u32 v1, v18;
	_ =	sdelay $0x3  }
0x3c3: {  	[tilespmem:v17+s23+$0x0] =	vst.idx.msk $0xffff, v16  }
0x3c4: {  	v16 =	vshll.u32 v18, $0x7;
	v17 =	vld.idx.msk [tilespmem:v19+s18+$0x0], $0xffff  }
0x3c5: {  	v19 =	vor.u32 v0, v16  }
0x3c6: {  	v20 =	vor.u32 v2, v18;
	_ =	sdelay $0x3  }
0x3c7: {  	[tilespmem:v19+s23+$0x0] =	vst.idx.msk $0xffff, v17  }
0x3c8: {  	v17 =	vld.idx.msk [tilespmem:v20+s18+$0x0], $0xffff  }
0x3c9: {  	v19 =	vor.u32 v3, v16  }
0x3ca: {  	v20 =	vor.u32 v4, v18;
	_ =	sdelay $0x3  }
0x3cb: {  	[tilespmem:v19+s23+$0x0] =	vst.idx.msk $0xffff, v17  }
0x3cc: {  	v17 =	vld.idx.msk [tilespmem:v20+s18+$0x0], $0xffff  }
0x3cd: {  	v19 =	vor.u32 v5, v16  }
0x3ce: {  	v20 =	vor.u32 v6, v18;
	_ =	sdelay $0x3  }
0x3cf: {  	[tilespmem:v19+s23+$0x0] =	vst.idx.msk $0xffff, v17  }
0x3d0: {  	v17 =	vld.idx.msk [tilespmem:v20+s18+$0x0], $0xffff  }
0x3d1: {  	v19 =	vor.u32 v7, v16  }
0x3d2: {  	v20 =	vor.u32 v8, v18;
	_ =	sdelay $0x3  }
0x3d3: {  	[tilespmem:v19+s23+$0x0] =	vst.idx.msk $0xffff, v17  }
0x3d4: {  	v17 =	vld.idx.msk [tilespmem:v20+s18+$0x0], $0xffff  }
0x3d5: {  	v19 =	vor.u32 v9, v16  }
0x3d6: {  	v20 =	vor.u32 v10, v18;
	_ =	sdelay $0x3  }
0x3d7: {  	[tilespmem:v19+s23+$0x0] =	vst.idx.msk $0xffff, v17  }
0x3d8: {  	v17 =	vld.idx.msk [tilespmem:v20+s18+$0x0], $0xffff  }
0x3d9: {  	v19 =	vor.u32 v11, v16  }
0x3da: {  	v20 =	vor.u32 v12, v18;
	_ =	sdelay $0x3  }
0x3db: {  	[tilespmem:v19+s23+$0x0] =	vst.idx.msk $0xffff, v17  }
0x3dc: {  	v17 =	vld.idx.msk [tilespmem:v20+s18+$0x0], $0xffff  }
0x3dd: {  	v19 =	vor.u32 v13, v16  }
0x3de: {  	v20 =	vor.u32 v14, v18  }
.Ltmp5:
0x3df: {  	(pc) =	sbr.rel @p0 .LBB2_12-.Ltmp5, $3  }
0x3e0: {  	_ =	sdelay $0x1  }
0x3e1: {  	[tilespmem:v19+s23+$0x0] =	vst.idx.msk $0xffff, v17  }
0x3e2: {  	s6 =	sadd.s32 $0x2, s6;
	v18 =	vadd.s32 s28, v0;
	v17 =	vld.idx.msk [tilespmem:v20+s18+$0x0], $0xffff  }
0x3e3: {  	v18 =	vand.u32 $0x3F, v18;
	v16 =	vor.u32 v15, v16  }
0x3e4: {  	v19 =	vor.u32 v1, v18;
	_ =	sdelay $0x3  }
0x3e5: {  	[tilespmem:v16+s23+$0x0] =	vst.idx.msk $0xffff, v17;
	v16 =	vshll.u32 v18, $0x7  }
0x3e6: {  	v17 =	vld.idx.msk [tilespmem:v19+s18+$0x0], $0xffff;
	v19 =	vor.u32 v0, v16  }
0x3e7: {  	v20 =	vor.u32 v2, v18;
	_ =	sdelay $0x3  }
0x3e8: {  	[tilespmem:v19+s23+$0x0] =	vst.idx.msk $0xffff, v17  }
0x3e9: {  	v19 =	vor.u32 v3, v16;
	v17 =	vld.idx.msk [tilespmem:v20+s18+$0x0], $0xffff  }
0x3ea: {  	v20 =	vor.u32 v4, v18;
	_ =	sdelay $0x3  }
0x3eb: {  	[tilespmem:v19+s23+$0x0] =	vst.idx.msk $0xffff, v17  }
0x3ec: {  	v19 =	vor.u32 v5, v16;
	v17 =	vld.idx.msk [tilespmem:v20+s18+$0x0], $0xffff  }
0x3ed: {  	v20 =	vor.u32 v6, v18;
	_ =	sdelay $0x3  }
0x3ee: {  	[tilespmem:v19+s23+$0x0] =	vst.idx.msk $0xffff, v17  }
0x3ef: {  	v19 =	vor.u32 v7, v16;
	v17 =	vld.idx.msk [tilespmem:v20+s18+$0x0], $0xffff  }
0x3f0: {  	v20 =	vor.u32 v8, v18;
	_ =	sdelay $0x3  }
0x3f1: {  	[tilespmem:v19+s23+$0x0] =	vst.idx.msk $0xffff, v17  }
0x3f2: {  	v19 =	vor.u32 v9, v16;
	v17 =	vld.idx.msk [tilespmem:v20+s18+$0x0], $0xffff  }
0x3f3: {  	v20 =	vor.u32 v10, v18;
	_ =	sdelay $0x3  }
0x3f4: {  	[tilespmem:v19+s23+$0x0] =	vst.idx.msk $0xffff, v17  }
0x3f5: {  	v19 =	vor.u32 v11, v16;
	v17 =	vld.idx.msk [tilespmem:v20+s18+$0x0], $0xffff  }
0x3f6: {  	v20 =	vor.u32 v12, v18;
	_ =	sdelay $0x3  }
0x3f7: {  	[tilespmem:v19+s23+$0x0] =	vst.idx.msk $0xffff, v17  }
0x3f8: {  	v19 =	vor.u32 v13, v16;
	v17 =	vld.idx.msk [tilespmem:v20+s18+$0x0], $0xffff  }
0x3f9: {  	v18 =	vor.u32 v14, v18;
	_ =	sdelay $0x2  }
0x3fa: {  	s6 =	sadd.s32 $0x1, s28  }
0x3fb: {  	[tilespmem:v19+s23+$0x0] =	vst.idx.msk $0xffff, v17;
	v17 =	vadd.s32 s6, v0  }
0x3fc: {  	v16 =	vor.u32 v15, v16;
	v18 =	vld.idx.msk [tilespmem:v18+s18+$0x0], $0xffff;
	v17 =	vand.u32 $0x3F, v17  }
0x3fd: {  	v19 =	vor.u32 v1, v17;
	_ =	sdelay $0x3  }
0x3fe: {  	[tilespmem:v16+s23+$0x0] =	vst.idx.msk $0xffff, v18;
	v16 =	vshll.u32 v17, $0x7  }
0x3ff: {  	v18 =	vld.idx.msk [tilespmem:v19+s18+$0x0], $0xffff;
	v19 =	vor.u32 v0, v16  }
0x400: {  	v20 =	vor.u32 v2, v17;
	_ =	sdelay $0x3  }
0x401: {  	[tilespmem:v19+s23+$0x0] =	vst.idx.msk $0xffff, v18  }
0x402: {  	v19 =	vor.u32 v3, v16;
	v18 =	vld.idx.msk [tilespmem:v20+s18+$0x0], $0xffff  }
0x403: {  	v20 =	vor.u32 v4, v17;
	_ =	sdelay $0x3  }
0x404: {  	[tilespmem:v19+s23+$0x0] =	vst.idx.msk $0xffff, v18  }
0x405: {  	v19 =	vor.u32 v5, v16;
	v18 =	vld.idx.msk [tilespmem:v20+s18+$0x0], $0xffff  }
0x406: {  	v20 =	vor.u32 v6, v17;
	_ =	sdelay $0x3  }
0x407: {  	[tilespmem:v19+s23+$0x0] =	vst.idx.msk $0xffff, v18  }
0x408: {  	v19 =	vor.u32 v7, v16;
	v18 =	vld.idx.msk [tilespmem:v20+s18+$0x0], $0xffff  }
0x409: {  	v20 =	vor.u32 v8, v17;
	_ =	sdelay $0x3  }
0x40a: {  	[tilespmem:v19+s23+$0x0] =	vst.idx.msk $0xffff, v18  }
0x40b: {  	v19 =	vor.u32 v9, v16;
	v18 =	vld.idx.msk [tilespmem:v20+s18+$0x0], $0xffff  }
0x40c: {  	v20 =	vor.u32 v10, v17;
	_ =	sdelay $0x3  }
0x40d: {  	[tilespmem:v19+s23+$0x0] =	vst.idx.msk $0xffff, v18  }
0x40e: {  	v19 =	vor.u32 v11, v16;
	v18 =	vld.idx.msk [tilespmem:v20+s18+$0x0], $0xffff  }
0x40f: {  	v20 =	vor.u32 v12, v17;
	_ =	sdelay $0x3  }
0x410: {  	[tilespmem:v19+s23+$0x0] =	vst.idx.msk $0xffff, v18  }
0x411: {  	v19 =	vor.u32 v13, v16;
	v18 =	vld.idx.msk [tilespmem:v20+s18+$0x0], $0xffff  }
0x412: {  	v17 =	vor.u32 v14, v17;
	_ =	sdelay $0x3  }
0x413: {  	[tilespmem:v19+s23+$0x0] =	vst.idx.msk $0xffff, v18  }
0x414: {  	v16 =	vor.u32 v15, v16;
	v17 =	vld.idx.msk [tilespmem:v17+s18+$0x0], $0xffff;
	_ =	sdelay $0x4  }
0x415: {  	[tilespmem:v16+s23+$0x0] =	vst.idx.msk $0xffff, v17  }
0x416: {  	_ =	swait.ge [sflag:s0], $0x4000  }
0x417: {  	[sflag:s0] =	ssyncset.done $0x0  }
0x418: {  	[sflag:s0] =	ssyncadd.s32 $0xFFFFC000  }
0x419: {  	_ =	swait.ge [sflag:s0], $0x2000  }
0x41a: {  	[sflag:s0] =	ssyncset.done $0x0  }
0x41b: {  	[sflag:s0] =	ssyncadd.s32 $0xFFFFE000  }
0x41c: {  	[hbm4b:s10+s24] =	stream.strided.scatter [tilespmem:s22], [sflag:$0x3], $0x4000, s25, s24, $0x38;
	[tilespmem:$0x1C200] =	vst v63  }
0x41d: {  	s7 =	simm.s32 $0x0  }
0x41e: {  	v16 =	vadd.s32 s7, v0;
	[hbm4b:s11+s24] =	stream.strided.scatter [tilespmem:s23], [sflag:$0x3], $0x2000, s25, s24, $0x38;
	[tilespmem:$0x1C200] =	vst v63  }
0x41f: {  	v17 =	vand.u32 $0x7F, v16;
	_ =	swait.ge [sflag:s26], $0x4000  }
0x420: {  	v18 =	vor.u32 v1, v17;
	[sflag:s26] =	ssyncset.done $0x0  }
0x421: {  	[sflag:s26] =	ssyncadd.s32 $0xFFFFC000  }
0x422: {  	_ =	swait.ge [sflag:s26], $0x4000  }
0x423: {  	[sflag:s26] =	ssyncset.done $0x0  }
0x424: {  	v19 =	vshll.u32 v17, $0x7;
	[sflag:s26] =	ssyncadd.s32 $0xFFFFC000  }
0x425: {  	v20 =	vor.u32 v0, v19;
	v18 =	vld.idx.msk [tilespmem:v18+s20+$0x0], $0xffff  }
0x426: {  	v21 =	vor.u32 v2, v17;
	_ =	sdelay $0x3  }
0x427: {  	[tilespmem:v20+s29+$0x0] =	vst.idx.msk $0xffff, v18  }
0x428: {  	v20 =	vor.u32 v3, v19;
	v18 =	vld.idx.msk [tilespmem:v21+s20+$0x0], $0xffff  }
0x429: {  	v21 =	vor.u32 v4, v17;
	_ =	sdelay $0x3  }
0x42a: {  	[tilespmem:v20+s29+$0x0] =	vst.idx.msk $0xffff, v18  }
0x42b: {  	v20 =	vor.u32 v5, v19;
	v18 =	vld.idx.msk [tilespmem:v21+s20+$0x0], $0xffff  }
0x42c: {  	v21 =	vor.u32 v6, v17;
	_ =	sdelay $0x3  }
0x42d: {  	[tilespmem:v20+s29+$0x0] =	vst.idx.msk $0xffff, v18  }
0x42e: {  	v20 =	vor.u32 v7, v19;
	v18 =	vld.idx.msk [tilespmem:v21+s20+$0x0], $0xffff  }
0x42f: {  	v21 =	vor.u32 v8, v17;
	_ =	sdelay $0x3  }
0x430: {  	[tilespmem:v20+s29+$0x0] =	vst.idx.msk $0xffff, v18  }
0x431: {  	v20 =	vor.u32 v9, v19;
	v18 =	vld.idx.msk [tilespmem:v21+s20+$0x0], $0xffff  }
0x432: {  	v21 =	vor.u32 v10, v17;
	_ =	sdelay $0x3  }
0x433: {  	[tilespmem:v20+s29+$0x0] =	vst.idx.msk $0xffff, v18  }
0x434: {  	v20 =	vor.u32 v11, v19;
	v18 =	vld.idx.msk [tilespmem:v21+s20+$0x0], $0xffff  }
0x435: {  	v21 =	vor.u32 v12, v17;
	_ =	sdelay $0x3  }
0x436: {  	[tilespmem:v20+s29+$0x0] =	vst.idx.msk $0xffff, v18  }
0x437: {  	v20 =	vor.u32 v13, v19;
	v18 =	vld.idx.msk [tilespmem:v21+s20+$0x0], $0xffff  }
0x438: {  	v21 =	vor.u32 v14, v17;
	_ =	sdelay $0x2  }
0x439: {  	s7 =	simm.s32 $0x1  }
0x43a: {  	v17 =	vadd.s32 s7, v0;
	[tilespmem:v20+s29+$0x0] =	vst.idx.msk $0xffff, v18  }
0x43b: {  	v19 =	vor.u32 v15, v19;
	v20 =	vand.u32 $0x7F, v17;
	v18 =	vld.idx.msk [tilespmem:v21+s20+$0x0], $0xffff  }
0x43c: {  	v21 =	vor.u32 v1, v20;
	_ =	sdelay $0x3  }
0x43d: {  	[tilespmem:v19+s29+$0x0] =	vst.idx.msk $0xffff, v18;
	v18 =	vshll.u32 v20, $0x7  }
0x43e: {  	v19 =	vld.idx.msk [tilespmem:v21+s20+$0x0], $0xffff;
	v21 =	vor.u32 v0, v18  }
0x43f: {  	v22 =	vor.u32 v2, v20;
	_ =	sdelay $0x3  }
0x440: {  	[tilespmem:v21+s29+$0x0] =	vst.idx.msk $0xffff, v19  }
0x441: {  	v21 =	vor.u32 v3, v18;
	v19 =	vld.idx.msk [tilespmem:v22+s20+$0x0], $0xffff  }
0x442: {  	v22 =	vor.u32 v4, v20;
	_ =	sdelay $0x3  }
0x443: {  	[tilespmem:v21+s29+$0x0] =	vst.idx.msk $0xffff, v19  }
0x444: {  	v21 =	vor.u32 v5, v18;
	v19 =	vld.idx.msk [tilespmem:v22+s20+$0x0], $0xffff  }
0x445: {  	v22 =	vor.u32 v6, v20;
	_ =	sdelay $0x3  }
0x446: {  	[tilespmem:v21+s29+$0x0] =	vst.idx.msk $0xffff, v19  }
0x447: {  	v21 =	vor.u32 v7, v18;
	v19 =	vld.idx.msk [tilespmem:v22+s20+$0x0], $0xffff  }
0x448: {  	v22 =	vor.u32 v8, v20;
	_ =	sdelay $0x3  }
0x449: {  	[tilespmem:v21+s29+$0x0] =	vst.idx.msk $0xffff, v19  }
0x44a: {  	v21 =	vor.u32 v9, v18;
	v19 =	vld.idx.msk [tilespmem:v22+s20+$0x0], $0xffff  }
0x44b: {  	v22 =	vor.u32 v10, v20;
	_ =	sdelay $0x3  }
0x44c: {  	[tilespmem:v21+s29+$0x0] =	vst.idx.msk $0xffff, v19  }
0x44d: {  	v21 =	vor.u32 v11, v18;
	v19 =	vld.idx.msk [tilespmem:v22+s20+$0x0], $0xffff  }
0x44e: {  	v22 =	vor.u32 v12, v20;
	_ =	sdelay $0x3  }
0x44f: {  	[tilespmem:v21+s29+$0x0] =	vst.idx.msk $0xffff, v19  }
0x450: {  	v21 =	vor.u32 v13, v18;
	v19 =	vld.idx.msk [tilespmem:v22+s20+$0x0], $0xffff  }
0x451: {  	v22 =	vor.u32 v14, v20;
	_ =	sdelay $0x3  }
0x452: {  	s28 =	simm.s32 $0x2;
	[tilespmem:v21+s29+$0x0] =	vst.idx.msk $0xffff, v19  }
0x453: {  	s31 =	simm.s32 $0x2;
	s6 =	simm.s32 $0x4;
	v20 =	vadd.s32 s28, v0;
	v19 =	vld.idx.msk [tilespmem:v22+s20+$0x0], $0xffff  }
.LBB2_14:
0x454: {  	p0 =	slt.u32 s6, $0x7E;
	v20 =	vand.u32 $0x7F, v20;
	v18 =	vor.u32 v15, v18  }
0x455: {  	v21 =	vor.u32 v1, v20;
	_ =	sdelay $0x3  }
0x456: {  	[tilespmem:v18+s29+$0x0] =	vst.idx.msk $0xffff, v19  }
0x457: {  	v19 =	vshll.u32 v20, $0x7;
	v18 =	vld.idx.msk [tilespmem:v21+s20+$0x0], $0xffff  }
0x458: {  	v21 =	vor.u32 v0, v19  }
0x459: {  	v22 =	vor.u32 v2, v20;
	_ =	sdelay $0x3  }
0x45a: {  	[tilespmem:v21+s29+$0x0] =	vst.idx.msk $0xffff, v18  }
0x45b: {  	v18 =	vld.idx.msk [tilespmem:v22+s20+$0x0], $0xffff  }
0x45c: {  	v21 =	vor.u32 v3, v19  }
0x45d: {  	v22 =	vor.u32 v4, v20;
	_ =	sdelay $0x3  }
0x45e: {  	[tilespmem:v21+s29+$0x0] =	vst.idx.msk $0xffff, v18  }
0x45f: {  	v18 =	vld.idx.msk [tilespmem:v22+s20+$0x0], $0xffff  }
0x460: {  	v21 =	vor.u32 v5, v19  }
0x461: {  	v22 =	vor.u32 v6, v20;
	_ =	sdelay $0x3  }
0x462: {  	[tilespmem:v21+s29+$0x0] =	vst.idx.msk $0xffff, v18  }
0x463: {  	v18 =	vld.idx.msk [tilespmem:v22+s20+$0x0], $0xffff  }
0x464: {  	v21 =	vor.u32 v7, v19  }
0x465: {  	v22 =	vor.u32 v8, v20;
	_ =	sdelay $0x3  }
0x466: {  	[tilespmem:v21+s29+$0x0] =	vst.idx.msk $0xffff, v18  }
0x467: {  	v18 =	vld.idx.msk [tilespmem:v22+s20+$0x0], $0xffff  }
0x468: {  	v21 =	vor.u32 v9, v19  }
0x469: {  	v22 =	vor.u32 v10, v20;
	_ =	sdelay $0x3  }
0x46a: {  	[tilespmem:v21+s29+$0x0] =	vst.idx.msk $0xffff, v18  }
0x46b: {  	v18 =	vld.idx.msk [tilespmem:v22+s20+$0x0], $0xffff  }
0x46c: {  	v21 =	vor.u32 v11, v19  }
0x46d: {  	v22 =	vor.u32 v12, v20;
	_ =	sdelay $0x3  }
0x46e: {  	[tilespmem:v21+s29+$0x0] =	vst.idx.msk $0xffff, v18  }
0x46f: {  	v18 =	vld.idx.msk [tilespmem:v22+s20+$0x0], $0xffff  }
0x470: {  	v21 =	vor.u32 v13, v19  }
0x471: {  	v20 =	vor.u32 v14, v20;
	_ =	sdelay $0x3  }
0x472: {  	s7 =	sadd.s32 $0x1, s31;
	s31 =	smov.u32 s6;
	[tilespmem:v21+s29+$0x0] =	vst.idx.msk $0xffff, v18  }
0x473: {  	v18 =	vld.idx.msk [tilespmem:v20+s20+$0x0], $0xffff;
	v20 =	vadd.s32 s7, v0  }
0x474: {  	v19 =	vor.u32 v15, v19;
	v20 =	vand.u32 $0x7F, v20  }
0x475: {  	v21 =	vor.u32 v1, v20;
	_ =	sdelay $0x3  }
0x476: {  	[tilespmem:v19+s29+$0x0] =	vst.idx.msk $0xffff, v18  }
0x477: {  	v18 =	vshll.u32 v20, $0x7;
	v19 =	vld.idx.msk [tilespmem:v21+s20+$0x0], $0xffff  }
0x478: {  	v21 =	vor.u32 v0, v18  }
0x479: {  	v22 =	vor.u32 v2, v20;
	_ =	sdelay $0x3  }
0x47a: {  	[tilespmem:v21+s29+$0x0] =	vst.idx.msk $0xffff, v19  }
0x47b: {  	v19 =	vld.idx.msk [tilespmem:v22+s20+$0x0], $0xffff  }
0x47c: {  	v21 =	vor.u32 v3, v18  }
0x47d: {  	v22 =	vor.u32 v4, v20;
	_ =	sdelay $0x3  }
0x47e: {  	[tilespmem:v21+s29+$0x0] =	vst.idx.msk $0xffff, v19  }
0x47f: {  	v19 =	vld.idx.msk [tilespmem:v22+s20+$0x0], $0xffff  }
0x480: {  	v21 =	vor.u32 v5, v18  }
0x481: {  	v22 =	vor.u32 v6, v20;
	_ =	sdelay $0x3  }
0x482: {  	[tilespmem:v21+s29+$0x0] =	vst.idx.msk $0xffff, v19  }
0x483: {  	v19 =	vld.idx.msk [tilespmem:v22+s20+$0x0], $0xffff  }
0x484: {  	v21 =	vor.u32 v7, v18  }
0x485: {  	v22 =	vor.u32 v8, v20;
	_ =	sdelay $0x3  }
0x486: {  	[tilespmem:v21+s29+$0x0] =	vst.idx.msk $0xffff, v19  }
0x487: {  	v19 =	vld.idx.msk [tilespmem:v22+s20+$0x0], $0xffff  }
0x488: {  	v21 =	vor.u32 v9, v18  }
0x489: {  	v22 =	vor.u32 v10, v20;
	_ =	sdelay $0x3  }
0x48a: {  	[tilespmem:v21+s29+$0x0] =	vst.idx.msk $0xffff, v19  }
0x48b: {  	v19 =	vld.idx.msk [tilespmem:v22+s20+$0x0], $0xffff  }
0x48c: {  	v21 =	vor.u32 v11, v18  }
0x48d: {  	v22 =	vor.u32 v12, v20;
	_ =	sdelay $0x3  }
0x48e: {  	[tilespmem:v21+s29+$0x0] =	vst.idx.msk $0xffff, v19  }
0x48f: {  	v19 =	vld.idx.msk [tilespmem:v22+s20+$0x0], $0xffff  }
0x490: {  	v21 =	vor.u32 v13, v18  }
0x491: {  	v22 =	vor.u32 v14, v20  }
.Ltmp6:
0x492: {  	(pc) =	sbr.rel @p0 .LBB2_14-.Ltmp6, $3  }
0x493: {  	_ =	sdelay $0x1  }
0x494: {  	[tilespmem:v21+s29+$0x0] =	vst.idx.msk $0xffff, v19  }
0x495: {  	s6 =	sadd.s32 $0x2, s6;
	v20 =	vadd.s32 s31, v0;
	v19 =	vld.idx.msk [tilespmem:v22+s20+$0x0], $0xffff  }
0x496: {  	v20 =	vand.u32 $0x7F, v20;
	v18 =	vor.u32 v15, v18  }
0x497: {  	v21 =	vor.u32 v1, v20;
	_ =	sdelay $0x3  }
0x498: {  	[tilespmem:v18+s29+$0x0] =	vst.idx.msk $0xffff, v19;
	v18 =	vshll.u32 v20, $0x7  }
0x499: {  	v19 =	vld.idx.msk [tilespmem:v21+s20+$0x0], $0xffff;
	v32 =	vor.u32 v0, v18  }
0x49a: {  	v22 =	vor.u32 v2, v20;
	_ =	sdelay $0x3  }
0x49b: {  	[tilespmem:v32+s29+$0x0] =	vst.idx.msk $0xffff, v19  }
0x49c: {  	v33 =	vor.u32 v3, v18;
	v19 =	vld.idx.msk [tilespmem:v22+s20+$0x0], $0xffff  }
0x49d: {  	v34 =	vor.u32 v4, v20;
	_ =	sdelay $0x3  }
0x49e: {  	[tilespmem:v33+s29+$0x0] =	vst.idx.msk $0xffff, v19  }
0x49f: {  	v35 =	vor.u32 v5, v18;
	v19 =	vld.idx.msk [tilespmem:v34+s20+$0x0], $0xffff  }
0x4a0: {  	v36 =	vor.u32 v6, v20;
	_ =	sdelay $0x3  }
0x4a1: {  	[tilespmem:v35+s29+$0x0] =	vst.idx.msk $0xffff, v19  }
0x4a2: {  	v37 =	vor.u32 v7, v18;
	v19 =	vld.idx.msk [tilespmem:v36+s20+$0x0], $0xffff  }
0x4a3: {  	v38 =	vor.u32 v8, v20;
	_ =	sdelay $0x3  }
0x4a4: {  	[tilespmem:v37+s29+$0x0] =	vst.idx.msk $0xffff, v19  }
0x4a5: {  	v39 =	vor.u32 v9, v18;
	v19 =	vld.idx.msk [tilespmem:v38+s20+$0x0], $0xffff  }
0x4a6: {  	v40 =	vor.u32 v10, v20;
	_ =	sdelay $0x3  }
0x4a7: {  	[tilespmem:v39+s29+$0x0] =	vst.idx.msk $0xffff, v19  }
0x4a8: {  	v41 =	vor.u32 v11, v18;
	v19 =	vld.idx.msk [tilespmem:v40+s20+$0x0], $0xffff  }
0x4a9: {  	v42 =	vor.u32 v12, v20;
	_ =	sdelay $0x3  }
0x4aa: {  	[tilespmem:v41+s29+$0x0] =	vst.idx.msk $0xffff, v19  }
0x4ab: {  	v43 =	vor.u32 v13, v18;
	v19 =	vld.idx.msk [tilespmem:v42+s20+$0x0], $0xffff  }
0x4ac: {  	v20 =	vor.u32 v14, v20;
	_ =	sdelay $0x2  }
0x4ad: {  	s6 =	sadd.s32 $0x1, s31  }
0x4ae: {  	[tilespmem:v43+s29+$0x0] =	vst.idx.msk $0xffff, v19;
	v19 =	vadd.s32 s6, v0  }
0x4af: {  	v18 =	vor.u32 v15, v18;
	v20 =	vld.idx.msk [tilespmem:v20+s20+$0x0], $0xffff;
	v19 =	vand.u32 $0x7F, v19  }
0x4b0: {  	v44 =	vor.u32 v1, v19;
	_ =	sdelay $0x3  }
0x4b1: {  	[tilespmem:v18+s29+$0x0] =	vst.idx.msk $0xffff, v20;
	v18 =	vshll.u32 v19, $0x7  }
0x4b2: {  	v20 =	vld.idx.msk [tilespmem:v44+s20+$0x0], $0xffff;
	v45 =	vor.u32 v0, v18  }
0x4b3: {  	v46 =	vor.u32 v2, v19;
	_ =	sdelay $0x3  }
0x4b4: {  	[tilespmem:v45+s29+$0x0] =	vst.idx.msk $0xffff, v20  }
0x4b5: {  	v47 =	vor.u32 v3, v18;
	v20 =	vld.idx.msk [tilespmem:v46+s20+$0x0], $0xffff  }
0x4b6: {  	v48 =	vor.u32 v4, v19;
	_ =	sdelay $0x3  }
0x4b7: {  	[tilespmem:v47+s29+$0x0] =	vst.idx.msk $0xffff, v20  }
0x4b8: {  	v49 =	vor.u32 v5, v18;
	v20 =	vld.idx.msk [tilespmem:v48+s20+$0x0], $0xffff  }
0x4b9: {  	v50 =	vor.u32 v6, v19;
	_ =	sdelay $0x3  }
0x4ba: {  	[tilespmem:v49+s29+$0x0] =	vst.idx.msk $0xffff, v20  }
0x4bb: {  	v51 =	vor.u32 v7, v18;
	v20 =	vld.idx.msk [tilespmem:v50+s20+$0x0], $0xffff  }
0x4bc: {  	v52 =	vor.u32 v8, v19;
	_ =	sdelay $0x3  }
0x4bd: {  	[tilespmem:v51+s29+$0x0] =	vst.idx.msk $0xffff, v20  }
0x4be: {  	v53 =	vor.u32 v9, v18;
	v20 =	vld.idx.msk [tilespmem:v52+s20+$0x0], $0xffff  }
0x4bf: {  	v54 =	vor.u32 v10, v19;
	_ =	sdelay $0x3  }
0x4c0: {  	[tilespmem:v53+s29+$0x0] =	vst.idx.msk $0xffff, v20  }
0x4c1: {  	v55 =	vor.u32 v11, v18;
	v20 =	vld.idx.msk [tilespmem:v54+s20+$0x0], $0xffff  }
0x4c2: {  	v56 =	vor.u32 v12, v19;
	_ =	sdelay $0x3  }
0x4c3: {  	[tilespmem:v55+s29+$0x0] =	vst.idx.msk $0xffff, v20  }
0x4c4: {  	v57 =	vor.u32 v13, v18;
	v20 =	vld.idx.msk [tilespmem:v56+s20+$0x0], $0xffff  }
0x4c5: {  	v19 =	vor.u32 v14, v19;
	_ =	sdelay $0x3  }
0x4c6: {  	[tilespmem:v57+s29+$0x0] =	vst.idx.msk $0xffff, v20  }
0x4c7: {  	v16 =	vand.u32 $0x3F, v16;
	v18 =	vor.u32 v15, v18;
	v19 =	vld.idx.msk [tilespmem:v19+s20+$0x0], $0xffff  }
0x4c8: {  	v20 =	vor.u32 v1, v16;
	_ =	sdelay $0x3  }
0x4c9: {  	[tilespmem:v18+s29+$0x0] =	vst.idx.msk $0xffff, v19;
	v18 =	vshll.u32 v16, $0x7  }
0x4ca: {  	v19 =	vld.idx.msk [tilespmem:v20+s21+$0x0], $0xffff;
	v20 =	vor.u32 v0, v18  }
0x4cb: {  	v58 =	vor.u32 v2, v16;
	_ =	sdelay $0x3  }
0x4cc: {  	[tilespmem:v20+s30+$0x0] =	vst.idx.msk $0xffff, v19  }
0x4cd: {  	v20 =	vor.u32 v3, v18;
	v19 =	vld.idx.msk [tilespmem:v58+s21+$0x0], $0xffff  }
0x4ce: {  	v59 =	vor.u32 v4, v16;
	_ =	sdelay $0x3  }
0x4cf: {  	[tilespmem:v20+s30+$0x0] =	vst.idx.msk $0xffff, v19  }
0x4d0: {  	v20 =	vor.u32 v5, v18;
	v19 =	vld.idx.msk [tilespmem:v59+s21+$0x0], $0xffff  }
0x4d1: {  	v60 =	vor.u32 v6, v16;
	_ =	sdelay $0x3  }
0x4d2: {  	[tilespmem:v20+s30+$0x0] =	vst.idx.msk $0xffff, v19  }
0x4d3: {  	v20 =	vor.u32 v7, v18;
	v19 =	vld.idx.msk [tilespmem:v60+s21+$0x0], $0xffff  }
0x4d4: {  	v61 =	vor.u32 v8, v16;
	_ =	sdelay $0x3  }
0x4d5: {  	[tilespmem:v20+s30+$0x0] =	vst.idx.msk $0xffff, v19  }
0x4d6: {  	v20 =	vor.u32 v9, v18;
	v19 =	vld.idx.msk [tilespmem:v61+s21+$0x0], $0xffff  }
0x4d7: {  	v62 =	vor.u32 v10, v16;
	_ =	sdelay $0x3  }
0x4d8: {  	[tilespmem:v20+s30+$0x0] =	vst.idx.msk $0xffff, v19  }
0x4d9: {  	v20 =	vor.u32 v11, v18;
	v19 =	vld.idx.msk [tilespmem:v62+s21+$0x0], $0xffff  }
0x4da: {  	v63 =	vor.u32 v12, v16;
	_ =	sdelay $0x3  }
0x4db: {  	[tilespmem:v20+s30+$0x0] =	vst.idx.msk $0xffff, v19  }
0x4dc: {  	v20 =	vor.u32 v13, v18;
	v19 =	vld.idx.msk [tilespmem:v63+s21+$0x0], $0xffff  }
0x4dd: {  	v16 =	vor.u32 v14, v16;
	_ =	sdelay $0x3  }
0x4de: {  	[tilespmem:v20+s30+$0x0] =	vst.idx.msk $0xffff, v19  }
0x4df: {  	v17 =	vand.u32 $0x3F, v17;
	v18 =	vor.u32 v15, v18;
	v16 =	vld.idx.msk [tilespmem:v16+s21+$0x0], $0xffff  }
0x4e0: {  	v19 =	vor.u32 v1, v17;
	_ =	sdelay $0x3  }
0x4e1: {  	[tilespmem:v18+s30+$0x0] =	vst.idx.msk $0xffff, v16;
	v16 =	vshll.u32 v17, $0x7  }
0x4e2: {  	v18 =	vld.idx.msk [tilespmem:v19+s21+$0x0], $0xffff;
	v19 =	vor.u32 v0, v16  }
0x4e3: {  	v20 =	vor.u32 v2, v17;
	_ =	sdelay $0x3  }
0x4e4: {  	[tilespmem:v19+s30+$0x0] =	vst.idx.msk $0xffff, v18  }
0x4e5: {  	v19 =	vor.u32 v3, v16;
	v18 =	vld.idx.msk [tilespmem:v20+s21+$0x0], $0xffff  }
0x4e6: {  	v20 =	vor.u32 v4, v17;
	_ =	sdelay $0x3  }
0x4e7: {  	[tilespmem:v19+s30+$0x0] =	vst.idx.msk $0xffff, v18  }
0x4e8: {  	v19 =	vor.u32 v5, v16;
	v18 =	vld.idx.msk [tilespmem:v20+s21+$0x0], $0xffff  }
0x4e9: {  	v20 =	vor.u32 v6, v17;
	_ =	sdelay $0x3  }
0x4ea: {  	[tilespmem:v19+s30+$0x0] =	vst.idx.msk $0xffff, v18  }
0x4eb: {  	v19 =	vor.u32 v7, v16;
	v18 =	vld.idx.msk [tilespmem:v20+s21+$0x0], $0xffff  }
0x4ec: {  	v20 =	vor.u32 v8, v17;
	_ =	sdelay $0x3  }
0x4ed: {  	[tilespmem:v19+s30+$0x0] =	vst.idx.msk $0xffff, v18  }
0x4ee: {  	v19 =	vor.u32 v9, v16;
	v18 =	vld.idx.msk [tilespmem:v20+s21+$0x0], $0xffff  }
0x4ef: {  	v20 =	vor.u32 v10, v17;
	_ =	sdelay $0x3  }
0x4f0: {  	[tilespmem:v19+s30+$0x0] =	vst.idx.msk $0xffff, v18  }
0x4f1: {  	v19 =	vor.u32 v11, v16;
	v18 =	vld.idx.msk [tilespmem:v20+s21+$0x0], $0xffff  }
0x4f2: {  	v20 =	vor.u32 v12, v17;
	_ =	sdelay $0x3  }
0x4f3: {  	[tilespmem:v19+s30+$0x0] =	vst.idx.msk $0xffff, v18  }
0x4f4: {  	v19 =	vor.u32 v13, v16;
	v18 =	vld.idx.msk [tilespmem:v20+s21+$0x0], $0xffff  }
0x4f5: {  	v17 =	vor.u32 v14, v17;
	_ =	sdelay $0x3  }
0x4f6: {  	[tilespmem:v19+s30+$0x0] =	vst.idx.msk $0xffff, v18  }
0x4f7: {  	s6 =	simm.s32 $0x4;
	v18 =	vadd.s32 s28, v0;
	v17 =	vld.idx.msk [tilespmem:v17+s21+$0x0], $0xffff  }
.LBB2_16:
0x4f8: {  	p0 =	slt.u32 s6, $0x3E;
	v18 =	vand.u32 $0x3F, v18;
	v16 =	vor.u32 v15, v16  }
0x4f9: {  	v19 =	vor.u32 v1, v18;
	_ =	sdelay $0x3  }
0x4fa: {  	[tilespmem:v16+s30+$0x0] =	vst.idx.msk $0xffff, v17  }
0x4fb: {  	v17 =	vshll.u32 v18, $0x7;
	v16 =	vld.idx.msk [tilespmem:v19+s21+$0x0], $0xffff  }
0x4fc: {  	v19 =	vor.u32 v0, v17  }
0x4fd: {  	v20 =	vor.u32 v2, v18;
	_ =	sdelay $0x3  }
0x4fe: {  	[tilespmem:v19+s30+$0x0] =	vst.idx.msk $0xffff, v16  }
0x4ff: {  	v16 =	vld.idx.msk [tilespmem:v20+s21+$0x0], $0xffff  }
0x500: {  	v19 =	vor.u32 v3, v17  }
0x501: {  	v20 =	vor.u32 v4, v18;
	_ =	sdelay $0x3  }
0x502: {  	[tilespmem:v19+s30+$0x0] =	vst.idx.msk $0xffff, v16  }
0x503: {  	v16 =	vld.idx.msk [tilespmem:v20+s21+$0x0], $0xffff  }
0x504: {  	v19 =	vor.u32 v5, v17  }
0x505: {  	v20 =	vor.u32 v6, v18;
	_ =	sdelay $0x3  }
0x506: {  	[tilespmem:v19+s30+$0x0] =	vst.idx.msk $0xffff, v16  }
0x507: {  	v16 =	vld.idx.msk [tilespmem:v20+s21+$0x0], $0xffff  }
0x508: {  	v19 =	vor.u32 v7, v17  }
0x509: {  	v20 =	vor.u32 v8, v18;
	_ =	sdelay $0x3  }
0x50a: {  	[tilespmem:v19+s30+$0x0] =	vst.idx.msk $0xffff, v16  }
0x50b: {  	v16 =	vld.idx.msk [tilespmem:v20+s21+$0x0], $0xffff  }
0x50c: {  	v19 =	vor.u32 v9, v17  }
0x50d: {  	v20 =	vor.u32 v10, v18;
	_ =	sdelay $0x3  }
0x50e: {  	[tilespmem:v19+s30+$0x0] =	vst.idx.msk $0xffff, v16  }
0x50f: {  	v16 =	vld.idx.msk [tilespmem:v20+s21+$0x0], $0xffff  }
0x510: {  	v19 =	vor.u32 v11, v17  }
0x511: {  	v20 =	vor.u32 v12, v18;
	_ =	sdelay $0x3  }
0x512: {  	[tilespmem:v19+s30+$0x0] =	vst.idx.msk $0xffff, v16  }
0x513: {  	v16 =	vld.idx.msk [tilespmem:v20+s21+$0x0], $0xffff  }
0x514: {  	v19 =	vor.u32 v13, v17  }
0x515: {  	v18 =	vor.u32 v14, v18;
	_ =	sdelay $0x3  }
0x516: {  	s7 =	sadd.s32 $0x1, s28;
	s28 =	smov.u32 s6;
	[tilespmem:v19+s30+$0x0] =	vst.idx.msk $0xffff, v16  }
0x517: {  	v16 =	vld.idx.msk [tilespmem:v18+s21+$0x0], $0xffff;
	v18 =	vadd.s32 s7, v0  }
0x518: {  	v17 =	vor.u32 v15, v17;
	v18 =	vand.u32 $0x3F, v18  }
0x519: {  	v19 =	vor.u32 v1, v18;
	_ =	sdelay $0x3  }
0x51a: {  	[tilespmem:v17+s30+$0x0] =	vst.idx.msk $0xffff, v16  }
0x51b: {  	v16 =	vshll.u32 v18, $0x7;
	v17 =	vld.idx.msk [tilespmem:v19+s21+$0x0], $0xffff  }
0x51c: {  	v19 =	vor.u32 v0, v16  }
0x51d: {  	v20 =	vor.u32 v2, v18;
	_ =	sdelay $0x3  }
0x51e: {  	[tilespmem:v19+s30+$0x0] =	vst.idx.msk $0xffff, v17  }
0x51f: {  	v17 =	vld.idx.msk [tilespmem:v20+s21+$0x0], $0xffff  }
0x520: {  	v19 =	vor.u32 v3, v16  }
0x521: {  	v20 =	vor.u32 v4, v18;
	_ =	sdelay $0x3  }
0x522: {  	[tilespmem:v19+s30+$0x0] =	vst.idx.msk $0xffff, v17  }
0x523: {  	v17 =	vld.idx.msk [tilespmem:v20+s21+$0x0], $0xffff  }
0x524: {  	v19 =	vor.u32 v5, v16  }
0x525: {  	v20 =	vor.u32 v6, v18;
	_ =	sdelay $0x3  }
0x526: {  	[tilespmem:v19+s30+$0x0] =	vst.idx.msk $0xffff, v17  }
0x527: {  	v17 =	vld.idx.msk [tilespmem:v20+s21+$0x0], $0xffff  }
0x528: {  	v19 =	vor.u32 v7, v16  }
0x529: {  	v20 =	vor.u32 v8, v18;
	_ =	sdelay $0x3  }
0x52a: {  	[tilespmem:v19+s30+$0x0] =	vst.idx.msk $0xffff, v17  }
0x52b: {  	v17 =	vld.idx.msk [tilespmem:v20+s21+$0x0], $0xffff  }
0x52c: {  	v19 =	vor.u32 v9, v16  }
0x52d: {  	v20 =	vor.u32 v10, v18;
	_ =	sdelay $0x3  }
0x52e: {  	[tilespmem:v19+s30+$0x0] =	vst.idx.msk $0xffff, v17  }
0x52f: {  	v17 =	vld.idx.msk [tilespmem:v20+s21+$0x0], $0xffff  }
0x530: {  	v19 =	vor.u32 v11, v16  }
0x531: {  	v20 =	vor.u32 v12, v18;
	_ =	sdelay $0x3  }
0x532: {  	[tilespmem:v19+s30+$0x0] =	vst.idx.msk $0xffff, v17  }
0x533: {  	v17 =	vld.idx.msk [tilespmem:v20+s21+$0x0], $0xffff  }
0x534: {  	v19 =	vor.u32 v13, v16  }
0x535: {  	v20 =	vor.u32 v14, v18  }
.Ltmp7:
0x536: {  	(pc) =	sbr.rel @p0 .LBB2_16-.Ltmp7, $3  }
0x537: {  	_ =	sdelay $0x1  }
0x538: {  	[tilespmem:v19+s30+$0x0] =	vst.idx.msk $0xffff, v17  }
0x539: {  	s6 =	sadd.s32 $0x2, s6;
	v18 =	vadd.s32 s28, v0;
	v17 =	vld.idx.msk [tilespmem:v20+s21+$0x0], $0xffff  }
0x53a: {  	v18 =	vand.u32 $0x3F, v18;
	v16 =	vor.u32 v15, v16  }
0x53b: {  	v19 =	vor.u32 v1, v18;
	_ =	sdelay $0x3  }
0x53c: {  	[tilespmem:v16+s30+$0x0] =	vst.idx.msk $0xffff, v17;
	v16 =	vshll.u32 v18, $0x7  }
0x53d: {  	v17 =	vld.idx.msk [tilespmem:v19+s21+$0x0], $0xffff;
	v38 =	vor.u32 v0, v16  }
0x53e: {  	v20 =	vor.u32 v2, v18;
	_ =	sdelay $0x3  }
0x53f: {  	[tilespmem:v38+s30+$0x0] =	vst.idx.msk $0xffff, v17  }
0x540: {  	v39 =	vor.u32 v3, v16;
	v17 =	vld.idx.msk [tilespmem:v20+s21+$0x0], $0xffff  }
0x541: {  	v40 =	vor.u32 v4, v18;
	_ =	sdelay $0x3  }
0x542: {  	[tilespmem:v39+s30+$0x0] =	vst.idx.msk $0xffff, v17  }
0x543: {  	v41 =	vor.u32 v5, v16;
	v17 =	vld.idx.msk [tilespmem:v40+s21+$0x0], $0xffff  }
0x544: {  	v42 =	vor.u32 v6, v18;
	_ =	sdelay $0x3  }
0x545: {  	[tilespmem:v41+s30+$0x0] =	vst.idx.msk $0xffff, v17  }
0x546: {  	v43 =	vor.u32 v7, v16;
	v17 =	vld.idx.msk [tilespmem:v42+s21+$0x0], $0xffff  }
0x547: {  	v44 =	vor.u32 v8, v18;
	_ =	sdelay $0x3  }
0x548: {  	[tilespmem:v43+s30+$0x0] =	vst.idx.msk $0xffff, v17  }
0x549: {  	v45 =	vor.u32 v9, v16;
	v17 =	vld.idx.msk [tilespmem:v44+s21+$0x0], $0xffff  }
0x54a: {  	v46 =	vor.u32 v10, v18;
	_ =	sdelay $0x3  }
0x54b: {  	[tilespmem:v45+s30+$0x0] =	vst.idx.msk $0xffff, v17  }
0x54c: {  	v47 =	vor.u32 v11, v16;
	v17 =	vld.idx.msk [tilespmem:v46+s21+$0x0], $0xffff  }
0x54d: {  	v48 =	vor.u32 v12, v18;
	_ =	sdelay $0x3  }
0x54e: {  	[tilespmem:v47+s30+$0x0] =	vst.idx.msk $0xffff, v17  }
0x54f: {  	v49 =	vor.u32 v13, v16;
	v17 =	vld.idx.msk [tilespmem:v48+s21+$0x0], $0xffff  }
0x550: {  	v18 =	vor.u32 v14, v18;
	_ =	sdelay $0x2  }
0x551: {  	s6 =	sadd.s32 $0x1, s28  }
0x552: {  	[tilespmem:v49+s30+$0x0] =	vst.idx.msk $0xffff, v17;
	v17 =	vadd.s32 s6, v0  }
0x553: {  	v16 =	vor.u32 v15, v16;
	v18 =	vld.idx.msk [tilespmem:v18+s21+$0x0], $0xffff;
	v17 =	vand.u32 $0x3F, v17  }
0x554: {  	v50 =	vor.u32 v1, v17;
	_ =	sdelay $0x3  }
0x555: {  	[tilespmem:v16+s30+$0x0] =	vst.idx.msk $0xffff, v18;
	v16 =	vshll.u32 v17, $0x7  }
0x556: {  	v18 =	vld.idx.msk [tilespmem:v50+s21+$0x0], $0xffff;
	v51 =	vor.u32 v0, v16  }
0x557: {  	v52 =	vor.u32 v2, v17;
	_ =	sdelay $0x3  }
0x558: {  	[tilespmem:v51+s30+$0x0] =	vst.idx.msk $0xffff, v18  }
0x559: {  	v53 =	vor.u32 v3, v16;
	v18 =	vld.idx.msk [tilespmem:v52+s21+$0x0], $0xffff  }
0x55a: {  	v54 =	vor.u32 v4, v17;
	_ =	sdelay $0x3  }
0x55b: {  	[tilespmem:v53+s30+$0x0] =	vst.idx.msk $0xffff, v18  }
0x55c: {  	v55 =	vor.u32 v5, v16;
	v18 =	vld.idx.msk [tilespmem:v54+s21+$0x0], $0xffff  }
0x55d: {  	v56 =	vor.u32 v6, v17;
	_ =	sdelay $0x3  }
0x55e: {  	[tilespmem:v55+s30+$0x0] =	vst.idx.msk $0xffff, v18  }
0x55f: {  	v57 =	vor.u32 v7, v16;
	v18 =	vld.idx.msk [tilespmem:v56+s21+$0x0], $0xffff  }
0x560: {  	v58 =	vor.u32 v8, v17;
	_ =	sdelay $0x3  }
0x561: {  	[tilespmem:v57+s30+$0x0] =	vst.idx.msk $0xffff, v18  }
0x562: {  	v59 =	vor.u32 v9, v16;
	v18 =	vld.idx.msk [tilespmem:v58+s21+$0x0], $0xffff  }
0x563: {  	v60 =	vor.u32 v10, v17;
	_ =	sdelay $0x3  }
0x564: {  	[tilespmem:v59+s30+$0x0] =	vst.idx.msk $0xffff, v18  }
0x565: {  	v61 =	vor.u32 v11, v16;
	v18 =	vld.idx.msk [tilespmem:v60+s21+$0x0], $0xffff  }
0x566: {  	v62 =	vor.u32 v12, v17;
	_ =	sdelay $0x3  }
0x567: {  	[tilespmem:v61+s30+$0x0] =	vst.idx.msk $0xffff, v18  }
0x568: {  	v63 =	vor.u32 v13, v16;
	v18 =	vld.idx.msk [tilespmem:v62+s21+$0x0], $0xffff  }
0x569: {  	v17 =	vor.u32 v14, v17;
	_ =	sdelay $0x3  }
0x56a: {  	[tilespmem:v63+s30+$0x0] =	vst.idx.msk $0xffff, v18  }
0x56b: {  	v16 =	vor.u32 v15, v16;
	v17 =	vld.idx.msk [tilespmem:v17+s21+$0x0], $0xffff;
	_ =	sdelay $0x4  }
0x56c: {  	[tilespmem:v16+s30+$0x0] =	vst.idx.msk $0xffff, v17  }
0x56d: {  	_ =	swait.ge [sflag:s0], $0x4000  }
0x56e: {  	[sflag:s0] =	ssyncset.done $0x0  }
0x56f: {  	[sflag:s0] =	ssyncadd.s32 $0xFFFFC000  }
0x570: {  	_ =	swait.ge [sflag:s0], $0x2000  }
0x571: {  	[sflag:s0] =	ssyncset.done $0x0  }
0x572: {  	[sflag:s0] =	ssyncadd.s32 $0xFFFFE000  }
0x573: {  	[hbm4b:s12+s24] =	stream.strided.scatter [tilespmem:s29], [sflag:$0x3], $0x4000, s25, s24, $0x38;
	[tilespmem:$0x1C200] =	vst v63  }
0x574: {  	_ = 	snop  }
0x575: {  	[hbm4b:s13+s24] =	stream.strided.scatter [tilespmem:s30], [sflag:$0x3], $0x2000, s25, s24, $0x38;
	[tilespmem:$0x1C200] =	vst v63  }
0x576: {  	_ =	swait.ge [sflag:s0], $0x4000  }
0x577: {  	[sflag:s0] =	ssyncset.done $0x0  }
0x578: {  	[sflag:s0] =	ssyncadd.s32 $0xFFFFC000  }
0x579: {  	_ =	swait.ge [sflag:s0], $0x2000  }
0x57a: {  	[sflag:s0] =	ssyncset.done $0x0  }
0x57b: {  	s2 =	sadd.s32 $0x1, s2;
	[sflag:s0] =	ssyncadd.s32 $0xFFFFE000  }
0x57c: {  	p0 =	sne.s32 s2, s14;
	_ =	swait.ge [sflag:s0], $0x4000  }
.Ltmp8:
0x57d: {  	[sflag:s0] =	ssyncset.done $0x0;
	(pc) =	sbr.rel @p0 .LBB2_1-.Ltmp8, $4  }
0x57e: {  	[sflag:s0] =	ssyncadd.s32 $0xFFFFC000  }
0x57f: {  	_ =	swait.ge [sflag:s0], $0x2000  }
0x580: {  	[sflag:s0] =	ssyncset.done $0x0  }
0x581: {  	[sflag:s0] =	ssyncadd.s32 $0xFFFFE000  }
0x582: {  	_ =	sfence.sel $0x180000  }
0x583: {  	[bflag:$0x0] =	sbarrier.arrive $0xFFFF  }
0x584: {  	_ =	strace $0x90000047  }
0x585: {  	s0 =	stileid.u32;
	[bflag:$0x2] =	sbarrier.arrive $0xFFFF  }
0x586: {  	p0 =	sne.s32 s0, $0x0;
	s0 =	rddreg [dreg:$0x4]  }
0x587: {  	s0 =	sadd.s32 @!p0 $0x100000, s0  }
0x588: {  	[sflag:s0] =	ssyncadd.tile.s32 @!p0 $0x1;
	_ =	shalt  }
.Lfunc_end2:
_tile_overlayer_lowered:
.L_overlay_start_2:
0x589: {  	(tag) =	ssettag $0x2  }
0x58a: {  	s0 =	rddreg [dreg:$0x0];
	s2 =	stileid.u32  }
0x58b: {  	s1 =	rddreg [dreg:$0x1];
	p0 =	sne.s32 s2, $0x0  }
0x58c: {  	s3 =	rddreg [dreg:$0x2];
	[bflag:$0x3] =	sbarrier.arrive $0xFFFF;
	s2 =	simm.s32 @!p0 $0x1C04  }
0x58d: {  	[timem:s3], [sflag:s2] =	dma.local @!p0 [hbm:s0], s1  }
0x58e: {  	s0 =	simm.s32 @!p0 $0x4  }
0x58f: {  	_ =	swait.ge @!p0 [sflag:s0], s1  }
0x590: {  	s1 =	ssub.s32 @!p0 $0x0, s1;
	[sflag:s0] =	ssyncset.done @!p0 $0x0  }
0x591: {  	[sflag:s0] =	ssyncadd.s32 @!p0 s1  }
0x592: {  	[bflag:$0x3] =	sbarrier.arrive $0xFFFF  }
0x593: {  	_ =	shalt  }

</sc_bundles>
